<compile_context>
chip_gen: v7x
topology: tpu7x:2x2x1
jax: 0.10.2.dev20260603
libtpu: 0.0.44.dev20260713+nightly
codegen_flags: <defaults>
</compile_context>

<pallas_src>
import functools

import jax
import jax.numpy as jnp
from jax import lax
from jax.experimental import pallas as pl
from jax.experimental.pallas import tpu as pltpu
from jax.experimental.pallas import tpu_sc as plsc

H = 128
L = 16
NC = 2
NS = 16
NW = NC * NS
CH_E = 96
CH_A = 40
DEG = 6


def _sc_mesh():
    return plsc.VectorSubcoreMesh(
        core_axis_name="c", subcore_axis_name="s", num_cores=NC, num_subcores=NS
    )



def _atom_proj_body(x_ref, w_ref, b_ref, u_ref, v_ref, bb_ref, cc_ref):
    y = jnp.dot(x_ref[...], w_ref[...], preferred_element_type=jnp.float32)
    y = y + b_ref[...]
    u_ref[...] = y[:, 0 * H:1 * H]
    v_ref[...] = y[:, 1 * H:2 * H]
    bb_ref[...] = y[:, 2 * H:3 * H]
    cc_ref[...] = y[:, 3 * H:4 * H]


def _bond_proj_body(x_ref, w_ref, b_ref, o_ref):
    o_ref[...] = (
        jnp.dot(x_ref[...], w_ref[...], preferred_element_type=jnp.float32)
        + b_ref[...]
    )



def _edge_body(E_total, atomB, atomC, bondA, src, dst,
               egsi, gates, stats,
               src_v, dst_v, rowsB, rowsC, ba_v, eg_v, gt_v, st_v, sem):
    c = lax.axis_index("c")
    s = lax.axis_index("s")
    wid = s * NC + c
    tch = E_total // CH_E
    n_t = (tch - 1 - wid) // NW + 1

    def chunk(t, accs):
        cid = wid + t * NW
        base = cid * CH_E
        pltpu.sync_copy(src.at[pl.ds(base, CH_E)], src_v)
        pltpu.sync_copy(dst.at[pl.ds(base, CH_E)], dst_v)
        cp1 = pltpu.async_copy(atomB.at[src_v], rowsB, sem)
        cp2 = pltpu.async_copy(atomC.at[dst_v], rowsC, sem)
        pltpu.sync_copy(bondA.at[pl.ds(base, CH_E)], ba_v)
        cp1.wait()
        cp2.wait()

        def row(r, acc):
            acc_s, acc_q = acc
            new_s, new_q = [], []
            for h in range(H // L):
                sl = pl.ds(h * L, L)
                x = rowsB[r, sl] + rowsC[r, sl] + ba_v[r, sl]
                g = 1.0 / (1.0 + jnp.exp(-x))
                eg_v[r, sl] = x
                gt_v[r, sl] = g
                new_s.append(acc_s[h] + x)
                new_q.append(acc_q[h] + x * x)
            return (tuple(new_s), tuple(new_q))

        accs = lax.fori_loop(0, CH_E, row, accs)
        pltpu.sync_copy(eg_v, egsi.at[pl.ds(base, CH_E)])
        pltpu.sync_copy(gt_v, gates.at[pl.ds(base, CH_E)])
        return accs

    zero = jnp.zeros((L,), jnp.float32)
    init = (tuple(zero for _ in range(H // L)), tuple(zero for _ in range(H // L)))
    acc_s, acc_q = lax.fori_loop(0, n_t, chunk, init)
    for h in range(H // L):
        st_v[0, pl.ds(h * L, L)] = acc_s[h]
        st_v[1, pl.ds(h * L, L)] = acc_q[h]
    pltpu.sync_copy(st_v, stats.at[wid])



def _atom_body(N_total, atomU, atomV, gates, aadjT, abndT,
               afsi, stats,
               ai_v, bi_v, vr_v, gr_v, u_v, st_v, sem):
    c = lax.axis_index("c")
    s = lax.axis_index("s")
    wid = s * NC + c
    tch = N_total // CH_A
    n_t = (tch - 1 - wid) // NW + 1

    def chunk(t, accs):
        cid = wid + t * NW
        base = cid * CH_A
        for k in range(DEG):
            pltpu.sync_copy(aadjT.at[pl.ds(k * N_total + base, CH_A)], ai_v.at[k])
            pltpu.sync_copy(abndT.at[pl.ds(k * N_total + base, CH_A)], bi_v.at[k])
        cps = []
        for k in range(DEG):
            cps.append(pltpu.async_copy(atomV.at[ai_v.at[k]], vr_v.at[k], sem))
            cps.append(pltpu.async_copy(gates.at[bi_v.at[k]], gr_v.at[k], sem))
        pltpu.sync_copy(atomU.at[pl.ds(base, CH_A)], u_v)
        for cp in cps:
            cp.wait()

        def row(r, acc):
            acc_s, acc_q = acc
            new_s, new_q = [], []
            for h in range(H // L):
                sl = pl.ds(h * L, L)
                x = u_v[r, sl]
                for k in range(DEG):
                    x = x + vr_v[k, r, sl] * gr_v[k, r, sl]
                u_v[r, sl] = x
                new_s.append(acc_s[h] + x)
                new_q.append(acc_q[h] + x * x)
            return (tuple(new_s), tuple(new_q))

        accs = lax.fori_loop(0, CH_A, row, accs)
        pltpu.sync_copy(u_v, afsi.at[pl.ds(base, CH_A)])
        return accs

    zero = jnp.zeros((L,), jnp.float32)
    init = (tuple(zero for _ in range(H // L)), tuple(zero for _ in range(H // L)))
    acc_s, acc_q = lax.fori_loop(0, n_t, chunk, init)
    for h in range(H // L):
        st_v[0, pl.ds(h * L, L)] = acc_s[h]
        st_v[1, pl.ds(h * L, L)] = acc_q[h]
    pltpu.sync_copy(st_v, stats.at[wid])



def _norm_stats(stats, count):
    tot = jnp.sum(stats[:, 0, :], axis=0)
    totq = jnp.sum(stats[:, 1, :], axis=0)
    mean = tot / count
    var = totq / count - mean * mean
    rstd = lax.rsqrt(var + 1e-5)
    return mean, rstd


def _bond_norm_body(count, x_ref, stats_ref, g_ref, b_ref, o_ref):
    mean, rstd = _norm_stats(stats_ref[...], count)
    scale = (rstd * g_ref[0])[None, :]
    shift = (b_ref[0] - mean * rstd * g_ref[0])[None, :]
    o_ref[...] = jnp.maximum(x_ref[...] * scale + shift, 0.0)


def _atom_norm_body(count, x_ref, res_ref, stats_ref, g_ref, b_ref, o_ref):
    mean, rstd = _norm_stats(stats_ref[...], count)
    scale = (rstd * g_ref[0])[None, :]
    shift = (b_ref[0] - mean * rstd * g_ref[0])[None, :]
    o_ref[...] = jnp.maximum(x_ref[...] * scale + shift, 0.0) + res_ref[...]



def kernel(atom_layer_input, bond_layer_input, atom_adjacency_graph,
           atom_bond_adjacency_graph, bond_atom_adjacency_graph,
           U_w, U_b, V_w, V_b, A_w, A_b, B_w, B_b, C_w, C_b,
           bn_bond_gamma, bn_bond_beta, bn_atom_gamma, bn_atom_beta):
    N = atom_layer_input.shape[0]
    E = bond_layer_input.shape[0]
    f32 = jnp.float32

    src = bond_atom_adjacency_graph[:, 0].astype(jnp.int32)
    dst = bond_atom_adjacency_graph[:, 1].astype(jnp.int32)
    aadjT = atom_adjacency_graph.astype(jnp.int32).T.reshape(-1)
    abndT = atom_bond_adjacency_graph.astype(jnp.int32).T.reshape(-1)

    w_cat = jnp.concatenate([U_w.T, V_w.T, B_w.T, C_w.T], axis=1)
    b_cat = jnp.concatenate(
        [U_b, V_b, jnp.zeros_like(B_b), jnp.zeros_like(C_b)])[None, :]

    bm_a = 1000
    atomU, atomV, atomB, atomC = pl.pallas_call(
        _atom_proj_body,
        grid=(N // bm_a,),
        in_specs=[
            pl.BlockSpec((bm_a, H), lambda i: (i, 0)),
            pl.BlockSpec((H, 4 * H), lambda i: (0, 0)),
            pl.BlockSpec((1, 4 * H), lambda i: (0, 0)),
        ],
        out_specs=[pl.BlockSpec((bm_a, H), lambda i: (i, 0))] * 4,
        out_shape=[jax.ShapeDtypeStruct((N, H), f32)] * 4,
    )(atom_layer_input, w_cat, b_cat)

    bm_b = 3000
    bondA = pl.pallas_call(
        _bond_proj_body,
        grid=(E // bm_b,),
        in_specs=[
            pl.BlockSpec((bm_b, H), lambda i: (i, 0)),
            pl.BlockSpec((H, H), lambda i: (0, 0)),
            pl.BlockSpec((1, H), lambda i: (0, 0)),
        ],
        out_specs=pl.BlockSpec((bm_b, H), lambda i: (i, 0)),
        out_shape=jax.ShapeDtypeStruct((E, H), f32),
    )(bond_layer_input, A_w.T, (A_b + B_b + C_b)[None, :])

    edge_call = pl.kernel(
        functools.partial(_edge_body, E),
        out_type=(
            jax.ShapeDtypeStruct((E, H), f32),
            jax.ShapeDtypeStruct((E, H), f32),
            jax.ShapeDtypeStruct((NW, 2, H), f32),
        ),
        mesh=_sc_mesh(),
        scratch_types=[
            pltpu.VMEM((CH_E,), jnp.int32),
            pltpu.VMEM((CH_E,), jnp.int32),
            pltpu.VMEM((CH_E, H), f32),
            pltpu.VMEM((CH_E, H), f32),
            pltpu.VMEM((CH_E, H), f32),
            pltpu.VMEM((CH_E, H), f32),
            pltpu.VMEM((CH_E, H), f32),
            pltpu.VMEM((2, H), f32),
            pltpu.SemaphoreType.DMA,
        ],
    )
    egsi, gates, stats_b = edge_call(atomB, atomC, bondA, src, dst)

    bond_layer_output = pl.pallas_call(
        functools.partial(_bond_norm_body, float(E)),
        grid=(E // bm_b,),
        in_specs=[
            pl.BlockSpec((bm_b, H), lambda i: (i, 0)),
            pl.BlockSpec((NW, 2, H), lambda i: (0, 0, 0)),
            pl.BlockSpec((1, H), lambda i: (0, 0)),
            pl.BlockSpec((1, H), lambda i: (0, 0)),
        ],
        out_specs=pl.BlockSpec((bm_b, H), lambda i: (i, 0)),
        out_shape=jax.ShapeDtypeStruct((E, H), f32),
    )(egsi, stats_b, bn_bond_gamma[None, :], bn_bond_beta[None, :])

    atom_call = pl.kernel(
        functools.partial(_atom_body, N),
        out_type=(
            jax.ShapeDtypeStruct((N, H), f32),
            jax.ShapeDtypeStruct((NW, 2, H), f32),
        ),
        mesh=_sc_mesh(),
        scratch_types=[
            pltpu.VMEM((DEG, CH_A), jnp.int32),
            pltpu.VMEM((DEG, CH_A), jnp.int32),
            pltpu.VMEM((DEG, CH_A, H), f32),
            pltpu.VMEM((DEG, CH_A, H), f32),
            pltpu.VMEM((CH_A, H), f32),
            pltpu.VMEM((2, H), f32),
            pltpu.SemaphoreType.DMA,
        ],
    )
    afsi, stats_a = atom_call(atomU, atomV, gates, aadjT, abndT)

    atom_layer_output = pl.pallas_call(
        functools.partial(_atom_norm_body, float(N)),
        grid=(N // bm_a,),
        in_specs=[
            pl.BlockSpec((bm_a, H), lambda i: (i, 0)),
            pl.BlockSpec((bm_a, H), lambda i: (i, 0)),
            pl.BlockSpec((NW, 2, H), lambda i: (0, 0, 0)),
            pl.BlockSpec((1, H), lambda i: (0, 0)),
            pl.BlockSpec((1, H), lambda i: (0, 0)),
        ],
        out_specs=pl.BlockSpec((bm_a, H), lambda i: (i, 0)),
        out_shape=jax.ShapeDtypeStruct((N, H), f32),
    )(afsi, atom_layer_input, stats_a, bn_atom_gamma[None, :],
      bn_atom_beta[None, :])

    return (atom_layer_output, bond_layer_output)

# --- scband reference (transcript-rebuilt; emitter-appended) ---
"""Pipeline reference for scband-conv-net-layer-30769145708767 (READ-ONLY COPY).

The authoritative reference and input builder live on the scoring server;
editing this copy changes nothing except your own understanding.
"""

import jax, jax.numpy as jnp
import numpy as np

N = 50000
E = 300000
H = 128


def batch_norm(x, gamma, beta):
    m = jnp.mean(x, axis=0)
    v = jnp.var(x, axis=0)
    return (x - m) / jnp.sqrt(v + 1e-5) * gamma + beta


def setup_inputs(seed: int = 0) -> dict:
    key = jax.random.key(seed)
    ks = jax.random.split(key, 16)
    inp = {}
    inp["atom_layer_input"] = jax.random.normal(ks[0], (N, H), dtype=jnp.float32)
    inp["bond_layer_input"] = jax.random.normal(ks[1], (E, H), dtype=jnp.float32)
    inp["atom_adjacency_graph"] = jax.random.randint(ks[2], (N, 6), 0, N, dtype=jnp.int32).astype(jnp.int64)
    inp["atom_bond_adjacency_graph"] = jax.random.randint(ks[3], (N, 6), 0, E, dtype=jnp.int32).astype(jnp.int64)
    inp["bond_atom_adjacency_graph"] = jax.random.randint(ks[4], (E, 2), 0, N, dtype=jnp.int32).astype(jnp.int64)
    s = 1.0 / np.sqrt(H)
    for i, nm in enumerate(["U", "V", "A", "B", "C"]):
        inp[nm + "_w"] = jax.random.uniform(ks[5 + i], (H, H), dtype=jnp.float32, minval=-s, maxval=s)
        inp[nm + "_b"] = jax.random.uniform(ks[10 + i], (H,), dtype=jnp.float32, minval=-s, maxval=s)
    inp["bn_bond_gamma"] = jnp.ones((H,), dtype=jnp.float32)
    inp["bn_bond_beta"] = jnp.zeros((H,), dtype=jnp.float32)
    inp["bn_atom_gamma"] = jnp.ones((H,), dtype=jnp.float32)
    inp["bn_atom_beta"] = jnp.zeros((H,), dtype=jnp.float32)
    return inp


def reference(atom_layer_input, bond_layer_input, atom_adjacency_graph, atom_bond_adjacency_graph, bond_atom_adjacency_graph, U_w, U_b, V_w, V_b, A_w, A_b, B_w, B_b, C_w, C_b, bn_bond_gamma, bn_bond_beta, bn_atom_gamma, bn_atom_beta):
    lin = lambda x, w, b: x @ w.T + b
    # gather endpoint atom features for each bond
    edge_gate_x = jnp.take(atom_layer_input, bond_atom_adjacency_graph[:, 0], axis=0)
    edge_gate_y = jnp.take(atom_layer_input, bond_atom_adjacency_graph[:, 1], axis=0)
    edge_gate_synaptic_input = lin(bond_layer_input, A_w, A_b) + lin(edge_gate_x, B_w, B_b) + lin(edge_gate_y, C_w, C_b)
    edge_gates = jax.nn.sigmoid(edge_gate_synaptic_input)
    edge_gate_synaptic_input = batch_norm(edge_gate_synaptic_input, bn_bond_gamma, bn_bond_beta)
    # NOTE: original torch code unconditionally overwrites bond_layer_output after
    # the if/else, so the bond residual is dropped (faithful reproduction).
    bond_layer_output = jax.nn.relu(edge_gate_synaptic_input)
    # index_select_ND equivalents: multi-dim gather along dim 0
    atom_neighbor_features_tensor = lin(jnp.take(atom_layer_input, atom_adjacency_graph, axis=0), V_w, V_b)
    atom_neighbor_edge_gates_tensor = jnp.take(edge_gates, atom_bond_adjacency_graph, axis=0)
    atom_neighbor_message_tensor = atom_neighbor_edge_gates_tensor * atom_neighbor_features_tensor
    atom_neighbor_message_sum = atom_neighbor_message_tensor.sum(axis=1)
    atom_features_synaptic_input = lin(atom_layer_input, U_w, U_b) + atom_neighbor_message_sum
    atom_features_synaptic_input = batch_norm(atom_features_synaptic_input, bn_atom_gamma, bn_atom_beta)
    # atom_feature_dim == 0 -> residual connection
    atom_layer_output = jax.nn.relu(atom_features_synaptic_input) + atom_layer_input
    return (atom_layer_output, bond_layer_output)

if __name__ == "__main__":
    import jax
    _d = setup_inputs()
    print(jax.jit(kernel)(*tuple(_d.values())))

</pallas_src>

<mosaic_0001>
#map = affine_map<(d0, d1) -> (0, 0)>
#map1 = affine_map<(d0, d1) -> (0)>
#map2 = affine_map<(d0, d1) -> (0, 0, 0)>
module attributes {stable_mosaic.version = 14 : i64} {
  func.func @_atom_body(%arg0: i32, %arg1: i32, %arg2: memref<50000x128xf32, #tpu.memory_space<hbm>>, %arg3: memref<50000x128xf32, #tpu.memory_space<hbm>>, %arg4: memref<300000x128xf32, #tpu.memory_space<hbm>>, %arg5: memref<300000xi32, #tpu.memory_space<hbm>>, %arg6: memref<300000xi32, #tpu.memory_space<hbm>>, %arg7: memref<50000x128xf32, #tpu.memory_space<hbm>>, %arg8: memref<32x2x128xf32, #tpu.memory_space<hbm>>, %arg9: memref<6x40xi32, #tpu.memory_space<vmem>>, %arg10: memref<6x40xi32, #tpu.memory_space<vmem>>, %arg11: memref<6x40x128xf32, #tpu.memory_space<vmem>>, %arg12: memref<6x40x128xf32, #tpu.memory_space<vmem>>, %arg13: memref<40x128xf32, #tpu.memory_space<vmem>>, %arg14: memref<2x128xf32, #tpu.memory_space<vmem>>, %arg15: memref<!tpu.dma_semaphore, #tpu.memory_space<semaphore_mem>>) attributes {dimension_semantics = [#tpu.dimension_semantics<core_parallel>, #tpu.dimension_semantics<subcore_parallel>], iteration_bounds = array<i64: 2, 16>, scalar_prefetch = 0 : i64, scratch_operands = 7 : i64, tpu.core_type = #tpu.core_type<sc_vector_subcore>, window_params = [{transform_indices = #map}, {transform_indices = #map}, {transform_indices = #map}, {transform_indices = #map1}, {transform_indices = #map1}, {transform_indices = #map}, {transform_indices = #map2}]} {
    %mul3A = arith.constant 2 : i32
    %mul3A_0 = arith.muli %arg1, %mul3A : i32
    %add3A = arith.addi %mul3A_0, %arg0 : i32
    %sub3A = arith.constant 1249 : i32
    %sub3A_1 = arith.subi %sub3A, %add3A : i32
    %jit3A = arith.constant 32 : i32
    %div3A = arith.divsi %sub3A_1, %jit3A : i32
    %sign3A = arith.constant 0 : i32
    %sign3A_2 = arith.cmpi sgt, %sub3A_1, %sign3A : i32
    %sign3A_3 = arith.extui %sign3A_2 : i1 to i32
    %sign3A_4 = arith.constant 0 : i32
    %sign3A_5 = arith.cmpi slt, %sub3A_1, %sign3A_4 : i32
    %sign3A_6 = arith.extui %sign3A_5 : i1 to i32
    %sign3A_7 = arith.subi %sign3A_3, %sign3A_6 : i32
    %sign3A_8 = arith.constant 0 : i32
    %sign3A_9 = arith.cmpi sgt, %jit3A, %sign3A_8 : i32
    %sign3A_10 = arith.extui %sign3A_9 : i1 to i32
    %sign3A_11 = arith.constant 0 : i32
    %sign3A_12 = arith.cmpi slt, %jit3A, %sign3A_11 : i32
    %sign3A_13 = arith.extui %sign3A_12 : i1 to i32
    %sign3A_14 = arith.subi %sign3A_10, %sign3A_13 : i32
    %ne3A = arith.cmpi ne, %sign3A_7, %sign3A_14 : i32
    %rem3A = arith.remsi %sub3A_1, %jit3A : i32
    %ne3A_15 = arith.constant 0 : i32
    %ne3A_16 = arith.cmpi ne, %rem3A, %ne3A_15 : i32
    %and3A = arith.andi %ne3A, %ne3A_16 : i1
    %sub3A_17 = arith.constant 1 : i32
    %sub3A_18 = arith.subi %div3A, %sub3A_17 : i32
    %select_n3A = arith.select %and3A, %sub3A_18, %div3A : i32
    %add3A_19 = arith.constant 1 : i32
    %add3A_20 = arith.addi %select_n3A, %add3A_19 : i32
    %broadcast_in_dim3A = arith.constant 0.000000e+00 : f32
    %broadcast_in_dim3A_21 = vector.broadcast %broadcast_in_dim3A : f32 to vector<16xf32>
    %while3A = arith.constant 0 : i32
    %while3A_22 = arith.subi %add3A_20, %while3A : i32
    %while3A_23 = arith.addi %while3A, %while3A_22 : i32
    %while3A_24 = arith.constant 1 : i32
    %while3A_25 = arith.divsi %while3A_22, %while3A_24 : i32
    %while3A_26 = arith.muli %while3A_25, %while3A_24 : i32
    %while3A_27 = arith.addi %while3A, %while3A_26 : i32
    %while3A_28 = arith.constant 1 : i32
    %while3A_29:16 = scf.for %while3A_127 = %while3A to %while3A_27 step %while3A_28 iter_args(%while3A_128 = %broadcast_in_dim3A_21, %while3A_129 = %broadcast_in_dim3A_21, %while3A_130 = %broadcast_in_dim3A_21, %while3A_131 = %broadcast_in_dim3A_21, %while3A_132 = %broadcast_in_dim3A_21, %while3A_133 = %broadcast_in_dim3A_21, %while3A_134 = %broadcast_in_dim3A_21, %while3A_135 = %broadcast_in_dim3A_21, %while3A_136 = %broadcast_in_dim3A_21, %while3A_137 = %broadcast_in_dim3A_21, %while3A_138 = %broadcast_in_dim3A_21, %while3A_139 = %broadcast_in_dim3A_21, %while3A_140 = %broadcast_in_dim3A_21, %while3A_141 = %broadcast_in_dim3A_21, %while3A_142 = %broadcast_in_dim3A_21, %while3A_143 = %broadcast_in_dim3A_21) -> (vector<16xf32>, vector<16xf32>, vector<16xf32>, vector<16xf32>, vector<16xf32>, vector<16xf32>, vector<16xf32>, vector<16xf32>, vector<16xf32>, vector<16xf32>, vector<16xf32>, vector<16xf32>, vector<16xf32>, vector<16xf32>, vector<16xf32>, vector<16xf32>)  : i32 {
      %mul3A_144 = arith.constant 32 : i32
      %mul3A_145 = arith.muli %while3A_127, %mul3A_144 : i32
      %add3A_146 = arith.addi %add3A, %mul3A_145 : i32
      %mul3A_147 = arith.constant 40 : i32
      %mul3A_148 = arith.muli %add3A_146, %mul3A_147 : i32
      %add3A_149 = arith.constant 0 : i32
      %add3A_150 = arith.addi %add3A_149, %mul3A_148 : i32
      %run_scoped3A = arith.constant 0 : i32
      "tpu.region"() ({
        %run_scoped3A_475 = tpu.sem_alloc : memref<!tpu.dma_semaphore, #tpu.memory_space<semaphore_mem>>
        %dma_start3A_476 = arith.constant 0 : i32
        %dma_start3A_477 = tpu.memref_slice %arg9[%run_scoped3A, %dma_start3A_476] : memref<6x40xi32, #tpu.memory_space<vmem>> -> memref<1x40xi32, #tpu.memory_space<vmem>>
        %dma_start3A_478 = tpu.memref_squeeze %dma_start3A_477 : memref<1x40xi32, #tpu.memory_space<vmem>> -> memref<40xi32, #tpu.memory_space<vmem>>
        %dma_start3A_479 = tpu.memref_slice %arg5[%add3A_150] : memref<300000xi32, #tpu.memory_space<hbm>> -> memref<40xi32, #tpu.memory_space<hbm>>
        %dma_start3A_480 = arith.constant 0 : i32
        %dma_start3A_481 = tpu.memref_slice %arg9[%run_scoped3A, %dma_start3A_480] : memref<6x40xi32, #tpu.memory_space<vmem>> -> memref<1x40xi32, #tpu.memory_space<vmem>>
        %dma_start3A_482 = tpu.memref_squeeze %dma_start3A_481 : memref<1x40xi32, #tpu.memory_space<vmem>> -> memref<40xi32, #tpu.memory_space<vmem>>
        %dma_start3A_483 = tpu.memref_slice %arg5[%add3A_150] : memref<300000xi32, #tpu.memory_space<hbm>> -> memref<40xi32, #tpu.memory_space<hbm>>
        tpu.enqueue_dma source(%dma_start3A_483 : memref<40xi32, #tpu.memory_space<hbm>>) target(%dma_start3A_482 : memref<40xi32, #tpu.memory_space<vmem>>) target_semaphore(%run_scoped3A_475 : memref<!tpu.dma_semaphore, #tpu.memory_space<semaphore_mem>>)
        %dma_wait3A_484 = arith.constant 0 : i32
        %dma_wait3A_485 = tpu.memref_slice %arg9[%run_scoped3A, %dma_wait3A_484] : memref<6x40xi32, #tpu.memory_space<vmem>> -> memref<1x40xi32, #tpu.memory_space<vmem>>
        %dma_wait3A_486 = tpu.memref_squeeze %dma_wait3A_485 : memref<1x40xi32, #tpu.memory_space<vmem>> -> memref<40xi32, #tpu.memory_space<vmem>>
        %dma_wait3A_487 = tpu.memref_slice %arg5[%add3A_150] : memref<300000xi32, #tpu.memory_space<hbm>> -> memref<40xi32, #tpu.memory_space<hbm>>
        %dma_wait3A_488 = arith.constant 0 : i32
        %dma_wait3A_489 = tpu.memref_slice %arg9[%run_scoped3A, %dma_wait3A_488] : memref<6x40xi32, #tpu.memory_space<vmem>> -> memref<1x40xi32, #tpu.memory_space<vmem>>
        %dma_wait3A_490 = tpu.memref_squeeze %dma_wait3A_489 : memref<1x40xi32, #tpu.memory_space<vmem>> -> memref<40xi32, #tpu.memory_space<vmem>>
        %dma_wait3A_491 = tpu.memref_slice %arg5[%add3A_150] : memref<300000xi32, #tpu.memory_space<hbm>> -> memref<40xi32, #tpu.memory_space<hbm>>
        tpu.wait_dma2 semaphore(%run_scoped3A_475 : memref<!tpu.dma_semaphore, #tpu.memory_space<semaphore_mem>>) src(%dma_wait3A_491 : memref<40xi32, #tpu.memory_space<hbm>>) dst(%dma_wait3A_490 : memref<40xi32, #tpu.memory_space<vmem>>)
        tpu.yield
      }) : () -> ()
      %add3A_151 = arith.constant 0 : i32
      %add3A_152 = arith.addi %add3A_151, %mul3A_148 : i32
      %run_scoped3A_153 = arith.constant 0 : i32
      "tpu.region"() ({
        %run_scoped3A_475 = tpu.sem_alloc : memref<!tpu.dma_semaphore, #tpu.memory_space<semaphore_mem>>
        %dma_start3A_476 = arith.constant 0 : i32
        %dma_start3A_477 = tpu.memref_slice %arg10[%run_scoped3A_153, %dma_start3A_476] : memref<6x40xi32, #tpu.memory_space<vmem>> -> memref<1x40xi32, #tpu.memory_space<vmem>>
        %dma_start3A_478 = tpu.memref_squeeze %dma_start3A_477 : memref<1x40xi32, #tpu.memory_space<vmem>> -> memref<40xi32, #tpu.memory_space<vmem>>
        %dma_start3A_479 = tpu.memref_slice %arg6[%add3A_152] : memref<300000xi32, #tpu.memory_space<hbm>> -> memref<40xi32, #tpu.memory_space<hbm>>
        %dma_start3A_480 = arith.constant 0 : i32
        %dma_start3A_481 = tpu.memref_slice %arg10[%run_scoped3A_153, %dma_start3A_480] : memref<6x40xi32, #tpu.memory_space<vmem>> -> memref<1x40xi32, #tpu.memory_space<vmem>>
        %dma_start3A_482 = tpu.memref_squeeze %dma_start3A_481 : memref<1x40xi32, #tpu.memory_space<vmem>> -> memref<40xi32, #tpu.memory_space<vmem>>
        %dma_start3A_483 = tpu.memref_slice %arg6[%add3A_152] : memref<300000xi32, #tpu.memory_space<hbm>> -> memref<40xi32, #tpu.memory_space<hbm>>
        tpu.enqueue_dma source(%dma_start3A_483 : memref<40xi32, #tpu.memory_space<hbm>>) target(%dma_start3A_482 : memref<40xi32, #tpu.memory_space<vmem>>) target_semaphore(%run_scoped3A_475 : memref<!tpu.dma_semaphore, #tpu.memory_space<semaphore_mem>>)
        %dma_wait3A_484 = arith.constant 0 : i32
        %dma_wait3A_485 = tpu.memref_slice %arg10[%run_scoped3A_153, %dma_wait3A_484] : memref<6x40xi32, #tpu.memory_space<vmem>> -> memref<1x40xi32, #tpu.memory_space<vmem>>
        %dma_wait3A_486 = tpu.memref_squeeze %dma_wait3A_485 : memref<1x40xi32, #tpu.memory_space<vmem>> -> memref<40xi32, #tpu.memory_space<vmem>>
        %dma_wait3A_487 = tpu.memref_slice %arg6[%add3A_152] : memref<300000xi32, #tpu.memory_space<hbm>> -> memref<40xi32, #tpu.memory_space<hbm>>
        %dma_wait3A_488 = arith.constant 0 : i32
        %dma_wait3A_489 = tpu.memref_slice %arg10[%run_scoped3A_153, %dma_wait3A_488] : memref<6x40xi32, #tpu.memory_space<vmem>> -> memref<1x40xi32, #tpu.memory_space<vmem>>
        %dma_wait3A_490 = tpu.memref_squeeze %dma_wait3A_489 : memref<1x40xi32, #tpu.memory_space<vmem>> -> memref<40xi32, #tpu.memory_space<vmem>>
        %dma_wait3A_491 = tpu.memref_slice %arg6[%add3A_152] : memref<300000xi32, #tpu.memory_space<hbm>> -> memref<40xi32, #tpu.memory_space<hbm>>
        tpu.wait_dma2 semaphore(%run_scoped3A_475 : memref<!tpu.dma_semaphore, #tpu.memory_space<semaphore_mem>>) src(%dma_wait3A_491 : memref<40xi32, #tpu.memory_space<hbm>>) dst(%dma_wait3A_490 : memref<40xi32, #tpu.memory_space<vmem>>)
        tpu.yield
      }) : () -> ()
      %add3A_154 = arith.constant 50000 : i32
      %add3A_155 = arith.addi %add3A_154, %mul3A_148 : i32
      %run_scoped3A_156 = arith.constant 1 : i32
      "tpu.region"() ({
        %run_scoped3A_475 = tpu.sem_alloc : memref<!tpu.dma_semaphore, #tpu.memory_space<semaphore_mem>>
        %dma_start3A_476 = arith.constant 0 : i32
        %dma_start3A_477 = tpu.memref_slice %arg9[%run_scoped3A_156, %dma_start3A_476] : memref<6x40xi32, #tpu.memory_space<vmem>> -> memref<1x40xi32, #tpu.memory_space<vmem>>
        %dma_start3A_478 = tpu.memref_squeeze %dma_start3A_477 : memref<1x40xi32, #tpu.memory_space<vmem>> -> memref<40xi32, #tpu.memory_space<vmem>>
        %dma_start3A_479 = tpu.memref_slice %arg5[%add3A_155] : memref<300000xi32, #tpu.memory_space<hbm>> -> memref<40xi32, #tpu.memory_space<hbm>>
        %dma_start3A_480 = arith.constant 0 : i32
        %dma_start3A_481 = tpu.memref_slice %arg9[%run_scoped3A_156, %dma_start3A_480] : memref<6x40xi32, #tpu.memory_space<vmem>> -> memref<1x40xi32, #tpu.memory_space<vmem>>
        %dma_start3A_482 = tpu.memref_squeeze %dma_start3A_481 : memref<1x40xi32, #tpu.memory_space<vmem>> -> memref<40xi32, #tpu.memory_space<vmem>>
        %dma_start3A_483 = tpu.memref_slice %arg5[%add3A_155] : memref<300000xi32, #tpu.memory_space<hbm>> -> memref<40xi32, #tpu.memory_space<hbm>>
        tpu.enqueue_dma source(%dma_start3A_483 : memref<40xi32, #tpu.memory_space<hbm>>) target(%dma_start3A_482 : memref<40xi32, #tpu.memory_space<vmem>>) target_semaphore(%run_scoped3A_475 : memref<!tpu.dma_semaphore, #tpu.memory_space<semaphore_mem>>)
        %dma_wait3A_484 = arith.constant 0 : i32
        %dma_wait3A_485 = tpu.memref_slice %arg9[%run_scoped3A_156, %dma_wait3A_484] : memref<6x40xi32, #tpu.memory_space<vmem>> -> memref<1x40xi32, #tpu.memory_space<vmem>>
        %dma_wait3A_486 = tpu.memref_squeeze %dma_wait3A_485 : memref<1x40xi32, #tpu.memory_space<vmem>> -> memref<40xi32, #tpu.memory_space<vmem>>
        %dma_wait3A_487 = tpu.memref_slice %arg5[%add3A_155] : memref<300000xi32, #tpu.memory_space<hbm>> -> memref<40xi32, #tpu.memory_space<hbm>>
        %dma_wait3A_488 = arith.constant 0 : i32
        %dma_wait3A_489 = tpu.memref_slice %arg9[%run_scoped3A_156, %dma_wait3A_488] : memref<6x40xi32, #tpu.memory_space<vmem>> -> memref<1x40xi32, #tpu.memory_space<vmem>>
        %dma_wait3A_490 = tpu.memref_squeeze %dma_wait3A_489 : memref<1x40xi32, #tpu.memory_space<vmem>> -> memref<40xi32, #tpu.memory_space<vmem>>
        %dma_wait3A_491 = tpu.memref_slice %arg5[%add3A_155] : memref<300000xi32, #tpu.memory_space<hbm>> -> memref<40xi32, #tpu.memory_space<hbm>>
        tpu.wait_dma2 semaphore(%run_scoped3A_475 : memref<!tpu.dma_semaphore, #tpu.memory_space<semaphore_mem>>) src(%dma_wait3A_491 : memref<40xi32, #tpu.memory_space<hbm>>) dst(%dma_wait3A_490 : memref<40xi32, #tpu.memory_space<vmem>>)
        tpu.yield
      }) : () -> ()
      %add3A_157 = arith.constant 50000 : i32
      %add3A_158 = arith.addi %add3A_157, %mul3A_148 : i32
      %run_scoped3A_159 = arith.constant 1 : i32
      "tpu.region"() ({
        %run_scoped3A_475 = tpu.sem_alloc : memref<!tpu.dma_semaphore, #tpu.memory_space<semaphore_mem>>
        %dma_start3A_476 = arith.constant 0 : i32
        %dma_start3A_477 = tpu.memref_slice %arg10[%run_scoped3A_159, %dma_start3A_476] : memref<6x40xi32, #tpu.memory_space<vmem>> -> memref<1x40xi32, #tpu.memory_space<vmem>>
        %dma_start3A_478 = tpu.memref_squeeze %dma_start3A_477 : memref<1x40xi32, #tpu.memory_space<vmem>> -> memref<40xi32, #tpu.memory_space<vmem>>
        %dma_start3A_479 = tpu.memref_slice %arg6[%add3A_158] : memref<300000xi32, #tpu.memory_space<hbm>> -> memref<40xi32, #tpu.memory_space<hbm>>
        %dma_start3A_480 = arith.constant 0 : i32
        %dma_start3A_481 = tpu.memref_slice %arg10[%run_scoped3A_159, %dma_start3A_480] : memref<6x40xi32, #tpu.memory_space<vmem>> -> memref<1x40xi32, #tpu.memory_space<vmem>>
        %dma_start3A_482 = tpu.memref_squeeze %dma_start3A_481 : memref<1x40xi32, #tpu.memory_space<vmem>> -> memref<40xi32, #tpu.memory_space<vmem>>
        %dma_start3A_483 = tpu.memref_slice %arg6[%add3A_158] : memref<300000xi32, #tpu.memory_space<hbm>> -> memref<40xi32, #tpu.memory_space<hbm>>
        tpu.enqueue_dma source(%dma_start3A_483 : memref<40xi32, #tpu.memory_space<hbm>>) target(%dma_start3A_482 : memref<40xi32, #tpu.memory_space<vmem>>) target_semaphore(%run_scoped3A_475 : memref<!tpu.dma_semaphore, #tpu.memory_space<semaphore_mem>>)
        %dma_wait3A_484 = arith.constant 0 : i32
        %dma_wait3A_485 = tpu.memref_slice %arg10[%run_scoped3A_159, %dma_wait3A_484] : memref<6x40xi32, #tpu.memory_space<vmem>> -> memref<1x40xi32, #tpu.memory_space<vmem>>
        %dma_wait3A_486 = tpu.memref_squeeze %dma_wait3A_485 : memref<1x40xi32, #tpu.memory_space<vmem>> -> memref<40xi32, #tpu.memory_space<vmem>>
        %dma_wait3A_487 = tpu.memref_slice %arg6[%add3A_158] : memref<300000xi32, #tpu.memory_space<hbm>> -> memref<40xi32, #tpu.memory_space<hbm>>
        %dma_wait3A_488 = arith.constant 0 : i32
        %dma_wait3A_489 = tpu.memref_slice %arg10[%run_scoped3A_159, %dma_wait3A_488] : memref<6x40xi32, #tpu.memory_space<vmem>> -> memref<1x40xi32, #tpu.memory_space<vmem>>
        %dma_wait3A_490 = tpu.memref_squeeze %dma_wait3A_489 : memref<1x40xi32, #tpu.memory_space<vmem>> -> memref<40xi32, #tpu.memory_space<vmem>>
        %dma_wait3A_491 = tpu.memref_slice %arg6[%add3A_158] : memref<300000xi32, #tpu.memory_space<hbm>> -> memref<40xi32, #tpu.memory_space<hbm>>
        tpu.wait_dma2 semaphore(%run_scoped3A_475 : memref<!tpu.dma_semaphore, #tpu.memory_space<semaphore_mem>>) src(%dma_wait3A_491 : memref<40xi32, #tpu.memory_space<hbm>>) dst(%dma_wait3A_490 : memref<40xi32, #tpu.memory_space<vmem>>)
        tpu.yield
      }) : () -> ()
      %add3A_160 = arith.constant 100000 : i32
      %add3A_161 = arith.addi %add3A_160, %mul3A_148 : i32
      %run_scoped3A_162 = arith.constant 2 : i32
      "tpu.region"() ({
        %run_scoped3A_475 = tpu.sem_alloc : memref<!tpu.dma_semaphore, #tpu.memory_space<semaphore_mem>>
        %dma_start3A_476 = arith.constant 0 : i32
        %dma_start3A_477 = tpu.memref_slice %arg9[%run_scoped3A_162, %dma_start3A_476] : memref<6x40xi32, #tpu.memory_space<vmem>> -> memref<1x40xi32, #tpu.memory_space<vmem>>
        %dma_start3A_478 = tpu.memref_squeeze %dma_start3A_477 : memref<1x40xi32, #tpu.memory_space<vmem>> -> memref<40xi32, #tpu.memory_space<vmem>>
        %dma_start3A_479 = tpu.memref_slice %arg5[%add3A_161] : memref<300000xi32, #tpu.memory_space<hbm>> -> memref<40xi32, #tpu.memory_space<hbm>>
        %dma_start3A_480 = arith.constant 0 : i32
        %dma_start3A_481 = tpu.memref_slice %arg9[%run_scoped3A_162, %dma_start3A_480] : memref<6x40xi32, #tpu.memory_space<vmem>> -> memref<1x40xi32, #tpu.memory_space<vmem>>
        %dma_start3A_482 = tpu.memref_squeeze %dma_start3A_481 : memref<1x40xi32, #tpu.memory_space<vmem>> -> memref<40xi32, #tpu.memory_space<vmem>>
        %dma_start3A_483 = tpu.memref_slice %arg5[%add3A_161] : memref<300000xi32, #tpu.memory_space<hbm>> -> memref<40xi32, #tpu.memory_space<hbm>>
        tpu.enqueue_dma source(%dma_start3A_483 : memref<40xi32, #tpu.memory_space<hbm>>) target(%dma_start3A_482 : memref<40xi32, #tpu.memory_space<vmem>>) target_semaphore(%run_scoped3A_475 : memref<!tpu.dma_semaphore, #tpu.memory_space<semaphore_mem>>)
        %dma_wait3A_484 = arith.constant 0 : i32
        %dma_wait3A_485 = tpu.memref_slice %arg9[%run_scoped3A_162, %dma_wait3A_484] : memref<6x40xi32, #tpu.memory_space<vmem>> -> memref<1x40xi32, #tpu.memory_space<vmem>>
        %dma_wait3A_486 = tpu.memref_squeeze %dma_wait3A_485 : memref<1x40xi32, #tpu.memory_space<vmem>> -> memref<40xi32, #tpu.memory_space<vmem>>
        %dma_wait3A_487 = tpu.memref_slice %arg5[%add3A_161] : memref<300000xi32, #tpu.memory_space<hbm>> -> memref<40xi32, #tpu.memory_space<hbm>>
        %dma_wait3A_488 = arith.constant 0 : i32
        %dma_wait3A_489 = tpu.memref_slice %arg9[%run_scoped3A_162, %dma_wait3A_488] : memref<6x40xi32, #tpu.memory_space<vmem>> -> memref<1x40xi32, #tpu.memory_space<vmem>>
        %dma_wait3A_490 = tpu.memref_squeeze %dma_wait3A_489 : memref<1x40xi32, #tpu.memory_space<vmem>> -> memref<40xi32, #tpu.memory_space<vmem>>
        %dma_wait3A_491 = tpu.memref_slice %arg5[%add3A_161] : memref<300000xi32, #tpu.memory_space<hbm>> -> memref<40xi32, #tpu.memory_space<hbm>>
        tpu.wait_dma2 semaphore(%run_scoped3A_475 : memref<!tpu.dma_semaphore, #tpu.memory_space<semaphore_mem>>) src(%dma_wait3A_491 : memref<40xi32, #tpu.memory_space<hbm>>) dst(%dma_wait3A_490 : memref<40xi32, #tpu.memory_space<vmem>>)
        tpu.yield
      }) : () -> ()
      %add3A_163 = arith.constant 100000 : i32
      %add3A_164 = arith.addi %add3A_163, %mul3A_148 : i32
      %run_scoped3A_165 = arith.constant 2 : i32
      "tpu.region"() ({
        %run_scoped3A_475 = tpu.sem_alloc : memref<!tpu.dma_semaphore, #tpu.memory_space<semaphore_mem>>
        %dma_start3A_476 = arith.constant 0 : i32
        %dma_start3A_477 = tpu.memref_slice %arg10[%run_scoped3A_165, %dma_start3A_476] : memref<6x40xi32, #tpu.memory_space<vmem>> -> memref<1x40xi32, #tpu.memory_space<vmem>>
        %dma_start3A_478 = tpu.memref_squeeze %dma_start3A_477 : memref<1x40xi32, #tpu.memory_space<vmem>> -> memref<40xi32, #tpu.memory_space<vmem>>
        %dma_start3A_479 = tpu.memref_slice %arg6[%add3A_164] : memref<300000xi32, #tpu.memory_space<hbm>> -> memref<40xi32, #tpu.memory_space<hbm>>
        %dma_start3A_480 = arith.constant 0 : i32
        %dma_start3A_481 = tpu.memref_slice %arg10[%run_scoped3A_165, %dma_start3A_480] : memref<6x40xi32, #tpu.memory_space<vmem>> -> memref<1x40xi32, #tpu.memory_space<vmem>>
        %dma_start3A_482 = tpu.memref_squeeze %dma_start3A_481 : memref<1x40xi32, #tpu.memory_space<vmem>> -> memref<40xi32, #tpu.memory_space<vmem>>
        %dma_start3A_483 = tpu.memref_slice %arg6[%add3A_164] : memref<300000xi32, #tpu.memory_space<hbm>> -> memref<40xi32, #tpu.memory_space<hbm>>
        tpu.enqueue_dma source(%dma_start3A_483 : memref<40xi32, #tpu.memory_space<hbm>>) target(%dma_start3A_482 : memref<40xi32, #tpu.memory_space<vmem>>) target_semaphore(%run_scoped3A_475 : memref<!tpu.dma_semaphore, #tpu.memory_space<semaphore_mem>>)
        %dma_wait3A_484 = arith.constant 0 : i32
        %dma_wait3A_485 = tpu.memref_slice %arg10[%run_scoped3A_165, %dma_wait3A_484] : memref<6x40xi32, #tpu.memory_space<vmem>> -> memref<1x40xi32, #tpu.memory_space<vmem>>
        %dma_wait3A_486 = tpu.memref_squeeze %dma_wait3A_485 : memref<1x40xi32, #tpu.memory_space<vmem>> -> memref<40xi32, #tpu.memory_space<vmem>>
        %dma_wait3A_487 = tpu.memref_slice %arg6[%add3A_164] : memref<300000xi32, #tpu.memory_space<hbm>> -> memref<40xi32, #tpu.memory_space<hbm>>
        %dma_wait3A_488 = arith.constant 0 : i32
        %dma_wait3A_489 = tpu.memref_slice %arg10[%run_scoped3A_165, %dma_wait3A_488] : memref<6x40xi32, #tpu.memory_space<vmem>> -> memref<1x40xi32, #tpu.memory_space<vmem>>
        %dma_wait3A_490 = tpu.memref_squeeze %dma_wait3A_489 : memref<1x40xi32, #tpu.memory_space<vmem>> -> memref<40xi32, #tpu.memory_space<vmem>>
        %dma_wait3A_491 = tpu.memref_slice %arg6[%add3A_164] : memref<300000xi32, #tpu.memory_space<hbm>> -> memref<40xi32, #tpu.memory_space<hbm>>
        tpu.wait_dma2 semaphore(%run_scoped3A_475 : memref<!tpu.dma_semaphore, #tpu.memory_space<semaphore_mem>>) src(%dma_wait3A_491 : memref<40xi32, #tpu.memory_space<hbm>>) dst(%dma_wait3A_490 : memref<40xi32, #tpu.memory_space<vmem>>)
        tpu.yield
      }) : () -> ()
      %add3A_166 = arith.constant 150000 : i32
      %add3A_167 = arith.addi %add3A_166, %mul3A_148 : i32
      %run_scoped3A_168 = arith.constant 3 : i32
      "tpu.region"() ({
        %run_scoped3A_475 = tpu.sem_alloc : memref<!tpu.dma_semaphore, #tpu.memory_space<semaphore_mem>>
        %dma_start3A_476 = arith.constant 0 : i32
        %dma_start3A_477 = tpu.memref_slice %arg9[%run_scoped3A_168, %dma_start3A_476] : memref<6x40xi32, #tpu.memory_space<vmem>> -> memref<1x40xi32, #tpu.memory_space<vmem>>
        %dma_start3A_478 = tpu.memref_squeeze %dma_start3A_477 : memref<1x40xi32, #tpu.memory_space<vmem>> -> memref<40xi32, #tpu.memory_space<vmem>>
        %dma_start3A_479 = tpu.memref_slice %arg5[%add3A_167] : memref<300000xi32, #tpu.memory_space<hbm>> -> memref<40xi32, #tpu.memory_space<hbm>>
        %dma_start3A_480 = arith.constant 0 : i32
        %dma_start3A_481 = tpu.memref_slice %arg9[%run_scoped3A_168, %dma_start3A_480] : memref<6x40xi32, #tpu.memory_space<vmem>> -> memref<1x40xi32, #tpu.memory_space<vmem>>
        %dma_start3A_482 = tpu.memref_squeeze %dma_start3A_481 : memref<1x40xi32, #tpu.memory_space<vmem>> -> memref<40xi32, #tpu.memory_space<vmem>>
        %dma_start3A_483 = tpu.memref_slice %arg5[%add3A_167] : memref<300000xi32, #tpu.memory_space<hbm>> -> memref<40xi32, #tpu.memory_space<hbm>>
        tpu.enqueue_dma source(%dma_start3A_483 : memref<40xi32, #tpu.memory_space<hbm>>) target(%dma_start3A_482 : memref<40xi32, #tpu.memory_space<vmem>>) target_semaphore(%run_scoped3A_475 : memref<!tpu.dma_semaphore, #tpu.memory_space<semaphore_mem>>)
        %dma_wait3A_484 = arith.constant 0 : i32
        %dma_wait3A_485 = tpu.memref_slice %arg9[%run_scoped3A_168, %dma_wait3A_484] : memref<6x40xi32, #tpu.memory_space<vmem>> -> memref<1x40xi32, #tpu.memory_space<vmem>>
        %dma_wait3A_486 = tpu.memref_squeeze %dma_wait3A_485 : memref<1x40xi32, #tpu.memory_space<vmem>> -> memref<40xi32, #tpu.memory_space<vmem>>
        %dma_wait3A_487 = tpu.memref_slice %arg5[%add3A_167] : memref<300000xi32, #tpu.memory_space<hbm>> -> memref<40xi32, #tpu.memory_space<hbm>>
        %dma_wait3A_488 = arith.constant 0 : i32
        %dma_wait3A_489 = tpu.memref_slice %arg9[%run_scoped3A_168, %dma_wait3A_488] : memref<6x40xi32, #tpu.memory_space<vmem>> -> memref<1x40xi32, #tpu.memory_space<vmem>>
        %dma_wait3A_490 = tpu.memref_squeeze %dma_wait3A_489 : memref<1x40xi32, #tpu.memory_space<vmem>> -> memref<40xi32, #tpu.memory_space<vmem>>
        %dma_wait3A_491 = tpu.memref_slice %arg5[%add3A_167] : memref<300000xi32, #tpu.memory_space<hbm>> -> memref<40xi32, #tpu.memory_space<hbm>>
        tpu.wait_dma2 semaphore(%run_scoped3A_475 : memref<!tpu.dma_semaphore, #tpu.memory_space<semaphore_mem>>) src(%dma_wait3A_491 : memref<40xi32, #tpu.memory_space<hbm>>) dst(%dma_wait3A_490 : memref<40xi32, #tpu.memory_space<vmem>>)
        tpu.yield
      }) : () -> ()
      %add3A_169 = arith.constant 150000 : i32
      %add3A_170 = arith.addi %add3A_169, %mul3A_148 : i32
      %run_scoped3A_171 = arith.constant 3 : i32
      "tpu.region"() ({
        %run_scoped3A_475 = tpu.sem_alloc : memref<!tpu.dma_semaphore, #tpu.memory_space<semaphore_mem>>
        %dma_start3A_476 = arith.constant 0 : i32
        %dma_start3A_477 = tpu.memref_slice %arg10[%run_scoped3A_171, %dma_start3A_476] : memref<6x40xi32, #tpu.memory_space<vmem>> -> memref<1x40xi32, #tpu.memory_space<vmem>>
        %dma_start3A_478 = tpu.memref_squeeze %dma_start3A_477 : memref<1x40xi32, #tpu.memory_space<vmem>> -> memref<40xi32, #tpu.memory_space<vmem>>
        %dma_start3A_479 = tpu.memref_slice %arg6[%add3A_170] : memref<300000xi32, #tpu.memory_space<hbm>> -> memref<40xi32, #tpu.memory_space<hbm>>
        %dma_start3A_480 = arith.constant 0 : i32
        %dma_start3A_481 = tpu.memref_slice %arg10[%run_scoped3A_171, %dma_start3A_480] : memref<6x40xi32, #tpu.memory_space<vmem>> -> memref<1x40xi32, #tpu.memory_space<vmem>>
        %dma_start3A_482 = tpu.memref_squeeze %dma_start3A_481 : memref<1x40xi32, #tpu.memory_space<vmem>> -> memref<40xi32, #tpu.memory_space<vmem>>
        %dma_start3A_483 = tpu.memref_slice %arg6[%add3A_170] : memref<300000xi32, #tpu.memory_space<hbm>> -> memref<40xi32, #tpu.memory_space<hbm>>
        tpu.enqueue_dma source(%dma_start3A_483 : memref<40xi32, #tpu.memory_space<hbm>>) target(%dma_start3A_482 : memref<40xi32, #tpu.memory_space<vmem>>) target_semaphore(%run_scoped3A_475 : memref<!tpu.dma_semaphore, #tpu.memory_space<semaphore_mem>>)
        %dma_wait3A_484 = arith.constant 0 : i32
        %dma_wait3A_485 = tpu.memref_slice %arg10[%run_scoped3A_171, %dma_wait3A_484] : memref<6x40xi32, #tpu.memory_space<vmem>> -> memref<1x40xi32, #tpu.memory_space<vmem>>
        %dma_wait3A_486 = tpu.memref_squeeze %dma_wait3A_485 : memref<1x40xi32, #tpu.memory_space<vmem>> -> memref<40xi32, #tpu.memory_space<vmem>>
        %dma_wait3A_487 = tpu.memref_slice %arg6[%add3A_170] : memref<300000xi32, #tpu.memory_space<hbm>> -> memref<40xi32, #tpu.memory_space<hbm>>
        %dma_wait3A_488 = arith.constant 0 : i32
        %dma_wait3A_489 = tpu.memref_slice %arg10[%run_scoped3A_171, %dma_wait3A_488] : memref<6x40xi32, #tpu.memory_space<vmem>> -> memref<1x40xi32, #tpu.memory_space<vmem>>
        %dma_wait3A_490 = tpu.memref_squeeze %dma_wait3A_489 : memref<1x40xi32, #tpu.memory_space<vmem>> -> memref<40xi32, #tpu.memory_space<vmem>>
        %dma_wait3A_491 = tpu.memref_slice %arg6[%add3A_170] : memref<300000xi32, #tpu.memory_space<hbm>> -> memref<40xi32, #tpu.memory_space<hbm>>
        tpu.wait_dma2 semaphore(%run_scoped3A_475 : memref<!tpu.dma_semaphore, #tpu.memory_space<semaphore_mem>>) src(%dma_wait3A_491 : memref<40xi32, #tpu.memory_space<hbm>>) dst(%dma_wait3A_490 : memref<40xi32, #tpu.memory_space<vmem>>)
        tpu.yield
      }) : () -> ()
      %add3A_172 = arith.constant 200000 : i32
      %add3A_173 = arith.addi %add3A_172, %mul3A_148 : i32
      %run_scoped3A_174 = arith.constant 4 : i32
      "tpu.region"() ({
        %run_scoped3A_475 = tpu.sem_alloc : memref<!tpu.dma_semaphore, #tpu.memory_space<semaphore_mem>>
        %dma_start3A_476 = arith.constant 0 : i32
        %dma_start3A_477 = tpu.memref_slice %arg9[%run_scoped3A_174, %dma_start3A_476] : memref<6x40xi32, #tpu.memory_space<vmem>> -> memref<1x40xi32, #tpu.memory_space<vmem>>
        %dma_start3A_478 = tpu.memref_squeeze %dma_start3A_477 : memref<1x40xi32, #tpu.memory_space<vmem>> -> memref<40xi32, #tpu.memory_space<vmem>>
        %dma_start3A_479 = tpu.memref_slice %arg5[%add3A_173] : memref<300000xi32, #tpu.memory_space<hbm>> -> memref<40xi32, #tpu.memory_space<hbm>>
        %dma_start3A_480 = arith.constant 0 : i32
        %dma_start3A_481 = tpu.memref_slice %arg9[%run_scoped3A_174, %dma_start3A_480] : memref<6x40xi32, #tpu.memory_space<vmem>> -> memref<1x40xi32, #tpu.memory_space<vmem>>
        %dma_start3A_482 = tpu.memref_squeeze %dma_start3A_481 : memref<1x40xi32, #tpu.memory_space<vmem>> -> memref<40xi32, #tpu.memory_space<vmem>>
        %dma_start3A_483 = tpu.memref_slice %arg5[%add3A_173] : memref<300000xi32, #tpu.memory_space<hbm>> -> memref<40xi32, #tpu.memory_space<hbm>>
        tpu.enqueue_dma source(%dma_start3A_483 : memref<40xi32, #tpu.memory_space<hbm>>) target(%dma_start3A_482 : memref<40xi32, #tpu.memory_space<vmem>>) target_semaphore(%run_scoped3A_475 : memref<!tpu.dma_semaphore, #tpu.memory_space<semaphore_mem>>)
        %dma_wait3A_484 = arith.constant 0 : i32
        %dma_wait3A_485 = tpu.memref_slice %arg9[%run_scoped3A_174, %dma_wait3A_484] : memref<6x40xi32, #tpu.memory_space<vmem>> -> memref<1x40xi32, #tpu.memory_space<vmem>>
        %dma_wait3A_486 = tpu.memref_squeeze %dma_wait3A_485 : memref<1x40xi32, #tpu.memory_space<vmem>> -> memref<40xi32, #tpu.memory_space<vmem>>
        %dma_wait3A_487 = tpu.memref_slice %arg5[%add3A_173] : memref<300000xi32, #tpu.memory_space<hbm>> -> memref<40xi32, #tpu.memory_space<hbm>>
        %dma_wait3A_488 = arith.constant 0 : i32
        %dma_wait3A_489 = tpu.memref_slice %arg9[%run_scoped3A_174, %dma_wait3A_488] : memref<6x40xi32, #tpu.memory_space<vmem>> -> memref<1x40xi32, #tpu.memory_space<vmem>>
        %dma_wait3A_490 = tpu.memref_squeeze %dma_wait3A_489 : memref<1x40xi32, #tpu.memory_space<vmem>> -> memref<40xi32, #tpu.memory_space<vmem>>
        %dma_wait3A_491 = tpu.memref_slice %arg5[%add3A_173] : memref<300000xi32, #tpu.memory_space<hbm>> -> memref<40xi32, #tpu.memory_space<hbm>>
        tpu.wait_dma2 semaphore(%run_scoped3A_475 : memref<!tpu.dma_semaphore, #tpu.memory_space<semaphore_mem>>) src(%dma_wait3A_491 : memref<40xi32, #tpu.memory_space<hbm>>) dst(%dma_wait3A_490 : memref<40xi32, #tpu.memory_space<vmem>>)
        tpu.yield
      }) : () -> ()
      %add3A_175 = arith.constant 200000 : i32
      %add3A_176 = arith.addi %add3A_175, %mul3A_148 : i32
      %run_scoped3A_177 = arith.constant 4 : i32
      "tpu.region"() ({
        %run_scoped3A_475 = tpu.sem_alloc : memref<!tpu.dma_semaphore, #tpu.memory_space<semaphore_mem>>
        %dma_start3A_476 = arith.constant 0 : i32
        %dma_start3A_477 = tpu.memref_slice %arg10[%run_scoped3A_177, %dma_start3A_476] : memref<6x40xi32, #tpu.memory_space<vmem>> -> memref<1x40xi32, #tpu.memory_space<vmem>>
        %dma_start3A_478 = tpu.memref_squeeze %dma_start3A_477 : memref<1x40xi32, #tpu.memory_space<vmem>> -> memref<40xi32, #tpu.memory_space<vmem>>
        %dma_start3A_479 = tpu.memref_slice %arg6[%add3A_176] : memref<300000xi32, #tpu.memory_space<hbm>> -> memref<40xi32, #tpu.memory_space<hbm>>
        %dma_start3A_480 = arith.constant 0 : i32
        %dma_start3A_481 = tpu.memref_slice %arg10[%run_scoped3A_177, %dma_start3A_480] : memref<6x40xi32, #tpu.memory_space<vmem>> -> memref<1x40xi32, #tpu.memory_space<vmem>>
        %dma_start3A_482 = tpu.memref_squeeze %dma_start3A_481 : memref<1x40xi32, #tpu.memory_space<vmem>> -> memref<40xi32, #tpu.memory_space<vmem>>
        %dma_start3A_483 = tpu.memref_slice %arg6[%add3A_176] : memref<300000xi32, #tpu.memory_space<hbm>> -> memref<40xi32, #tpu.memory_space<hbm>>
        tpu.enqueue_dma source(%dma_start3A_483 : memref<40xi32, #tpu.memory_space<hbm>>) target(%dma_start3A_482 : memref<40xi32, #tpu.memory_space<vmem>>) target_semaphore(%run_scoped3A_475 : memref<!tpu.dma_semaphore, #tpu.memory_space<semaphore_mem>>)
        %dma_wait3A_484 = arith.constant 0 : i32
        %dma_wait3A_485 = tpu.memref_slice %arg10[%run_scoped3A_177, %dma_wait3A_484] : memref<6x40xi32, #tpu.memory_space<vmem>> -> memref<1x40xi32, #tpu.memory_space<vmem>>
        %dma_wait3A_486 = tpu.memref_squeeze %dma_wait3A_485 : memref<1x40xi32, #tpu.memory_space<vmem>> -> memref<40xi32, #tpu.memory_space<vmem>>
        %dma_wait3A_487 = tpu.memref_slice %arg6[%add3A_176] : memref<300000xi32, #tpu.memory_space<hbm>> -> memref<40xi32, #tpu.memory_space<hbm>>
        %dma_wait3A_488 = arith.constant 0 : i32
        %dma_wait3A_489 = tpu.memref_slice %arg10[%run_scoped3A_177, %dma_wait3A_488] : memref<6x40xi32, #tpu.memory_space<vmem>> -> memref<1x40xi32, #tpu.memory_space<vmem>>
        %dma_wait3A_490 = tpu.memref_squeeze %dma_wait3A_489 : memref<1x40xi32, #tpu.memory_space<vmem>> -> memref<40xi32, #tpu.memory_space<vmem>>
        %dma_wait3A_491 = tpu.memref_slice %arg6[%add3A_176] : memref<300000xi32, #tpu.memory_space<hbm>> -> memref<40xi32, #tpu.memory_space<hbm>>
        tpu.wait_dma2 semaphore(%run_scoped3A_475 : memref<!tpu.dma_semaphore, #tpu.memory_space<semaphore_mem>>) src(%dma_wait3A_491 : memref<40xi32, #tpu.memory_space<hbm>>) dst(%dma_wait3A_490 : memref<40xi32, #tpu.memory_space<vmem>>)
        tpu.yield
      }) : () -> ()
      %add3A_178 = arith.constant 250000 : i32
      %add3A_179 = arith.addi %add3A_178, %mul3A_148 : i32
      %run_scoped3A_180 = arith.constant 5 : i32
      "tpu.region"() ({
        %run_scoped3A_475 = tpu.sem_alloc : memref<!tpu.dma_semaphore, #tpu.memory_space<semaphore_mem>>
        %dma_start3A_476 = arith.constant 0 : i32
        %dma_start3A_477 = tpu.memref_slice %arg9[%run_scoped3A_180, %dma_start3A_476] : memref<6x40xi32, #tpu.memory_space<vmem>> -> memref<1x40xi32, #tpu.memory_space<vmem>>
        %dma_start3A_478 = tpu.memref_squeeze %dma_start3A_477 : memref<1x40xi32, #tpu.memory_space<vmem>> -> memref<40xi32, #tpu.memory_space<vmem>>
        %dma_start3A_479 = tpu.memref_slice %arg5[%add3A_179] : memref<300000xi32, #tpu.memory_space<hbm>> -> memref<40xi32, #tpu.memory_space<hbm>>
        %dma_start3A_480 = arith.constant 0 : i32
        %dma_start3A_481 = tpu.memref_slice %arg9[%run_scoped3A_180, %dma_start3A_480] : memref<6x40xi32, #tpu.memory_space<vmem>> -> memref<1x40xi32, #tpu.memory_space<vmem>>
        %dma_start3A_482 = tpu.memref_squeeze %dma_start3A_481 : memref<1x40xi32, #tpu.memory_space<vmem>> -> memref<40xi32, #tpu.memory_space<vmem>>
        %dma_start3A_483 = tpu.memref_slice %arg5[%add3A_179] : memref<300000xi32, #tpu.memory_space<hbm>> -> memref<40xi32, #tpu.memory_space<hbm>>
        tpu.enqueue_dma source(%dma_start3A_483 : memref<40xi32, #tpu.memory_space<hbm>>) target(%dma_start3A_482 : memref<40xi32, #tpu.memory_space<vmem>>) target_semaphore(%run_scoped3A_475 : memref<!tpu.dma_semaphore, #tpu.memory_space<semaphore_mem>>)
        %dma_wait3A_484 = arith.constant 0 : i32
        %dma_wait3A_485 = tpu.memref_slice %arg9[%run_scoped3A_180, %dma_wait3A_484] : memref<6x40xi32, #tpu.memory_space<vmem>> -> memref<1x40xi32, #tpu.memory_space<vmem>>
        %dma_wait3A_486 = tpu.memref_squeeze %dma_wait3A_485 : memref<1x40xi32, #tpu.memory_space<vmem>> -> memref<40xi32, #tpu.memory_space<vmem>>
        %dma_wait3A_487 = tpu.memref_slice %arg5[%add3A_179] : memref<300000xi32, #tpu.memory_space<hbm>> -> memref<40xi32, #tpu.memory_space<hbm>>
        %dma_wait3A_488 = arith.constant 0 : i32
        %dma_wait3A_489 = tpu.memref_slice %arg9[%run_scoped3A_180, %dma_wait3A_488] : memref<6x40xi32, #tpu.memory_space<vmem>> -> memref<1x40xi32, #tpu.memory_space<vmem>>
        %dma_wait3A_490 = tpu.memref_squeeze %dma_wait3A_489 : memref<1x40xi32, #tpu.memory_space<vmem>> -> memref<40xi32, #tpu.memory_space<vmem>>
        %dma_wait3A_491 = tpu.memref_slice %arg5[%add3A_179] : memref<300000xi32, #tpu.memory_space<hbm>> -> memref<40xi32, #tpu.memory_space<hbm>>
        tpu.wait_dma2 semaphore(%run_scoped3A_475 : memref<!tpu.dma_semaphore, #tpu.memory_space<semaphore_mem>>) src(%dma_wait3A_491 : memref<40xi32, #tpu.memory_space<hbm>>) dst(%dma_wait3A_490 : memref<40xi32, #tpu.memory_space<vmem>>)
        tpu.yield
      }) : () -> ()
      %add3A_181 = arith.constant 250000 : i32
      %add3A_182 = arith.addi %add3A_181, %mul3A_148 : i32
      %run_scoped3A_183 = arith.constant 5 : i32
      "tpu.region"() ({
        %run_scoped3A_475 = tpu.sem_alloc : memref<!tpu.dma_semaphore, #tpu.memory_space<semaphore_mem>>
        %dma_start3A_476 = arith.constant 0 : i32
        %dma_start3A_477 = tpu.memref_slice %arg10[%run_scoped3A_183, %dma_start3A_476] : memref<6x40xi32, #tpu.memory_space<vmem>> -> memref<1x40xi32, #tpu.memory_space<vmem>>
        %dma_start3A_478 = tpu.memref_squeeze %dma_start3A_477 : memref<1x40xi32, #tpu.memory_space<vmem>> -> memref<40xi32, #tpu.memory_space<vmem>>
        %dma_start3A_479 = tpu.memref_slice %arg6[%add3A_182] : memref<300000xi32, #tpu.memory_space<hbm>> -> memref<40xi32, #tpu.memory_space<hbm>>
        %dma_start3A_480 = arith.constant 0 : i32
        %dma_start3A_481 = tpu.memref_slice %arg10[%run_scoped3A_183, %dma_start3A_480] : memref<6x40xi32, #tpu.memory_space<vmem>> -> memref<1x40xi32, #tpu.memory_space<vmem>>
        %dma_start3A_482 = tpu.memref_squeeze %dma_start3A_481 : memref<1x40xi32, #tpu.memory_space<vmem>> -> memref<40xi32, #tpu.memory_space<vmem>>
        %dma_start3A_483 = tpu.memref_slice %arg6[%add3A_182] : memref<300000xi32, #tpu.memory_space<hbm>> -> memref<40xi32, #tpu.memory_space<hbm>>
        tpu.enqueue_dma source(%dma_start3A_483 : memref<40xi32, #tpu.memory_space<hbm>>) target(%dma_start3A_482 : memref<40xi32, #tpu.memory_space<vmem>>) target_semaphore(%run_scoped3A_475 : memref<!tpu.dma_semaphore, #tpu.memory_space<semaphore_mem>>)
        %dma_wait3A_484 = arith.constant 0 : i32
        %dma_wait3A_485 = tpu.memref_slice %arg10[%run_scoped3A_183, %dma_wait3A_484] : memref<6x40xi32, #tpu.memory_space<vmem>> -> memref<1x40xi32, #tpu.memory_space<vmem>>
        %dma_wait3A_486 = tpu.memref_squeeze %dma_wait3A_485 : memref<1x40xi32, #tpu.memory_space<vmem>> -> memref<40xi32, #tpu.memory_space<vmem>>
        %dma_wait3A_487 = tpu.memref_slice %arg6[%add3A_182] : memref<300000xi32, #tpu.memory_space<hbm>> -> memref<40xi32, #tpu.memory_space<hbm>>
        %dma_wait3A_488 = arith.constant 0 : i32
        %dma_wait3A_489 = tpu.memref_slice %arg10[%run_scoped3A_183, %dma_wait3A_488] : memref<6x40xi32, #tpu.memory_space<vmem>> -> memref<1x40xi32, #tpu.memory_space<vmem>>
        %dma_wait3A_490 = tpu.memref_squeeze %dma_wait3A_489 : memref<1x40xi32, #tpu.memory_space<vmem>> -> memref<40xi32, #tpu.memory_space<vmem>>
        %dma_wait3A_491 = tpu.memref_slice %arg6[%add3A_182] : memref<300000xi32, #tpu.memory_space<hbm>> -> memref<40xi32, #tpu.memory_space<hbm>>
        tpu.wait_dma2 semaphore(%run_scoped3A_475 : memref<!tpu.dma_semaphore, #tpu.memory_space<semaphore_mem>>) src(%dma_wait3A_491 : memref<40xi32, #tpu.memory_space<hbm>>) dst(%dma_wait3A_490 : memref<40xi32, #tpu.memory_space<vmem>>)
        tpu.yield
      }) : () -> ()
      %dma_start3A = arith.constant 0 : i32
      %dma_start3A_184 = arith.constant 0 : i32
      %dma_start3A_185 = arith.constant 0 : i32
      %dma_start3A_186 = arith.constant 0 : i32
      %dma_start3A_187 = tpu.memref_slice %arg11[%dma_start3A_184, %dma_start3A_185, %dma_start3A_186] : memref<6x40x128xf32, #tpu.memory_space<vmem>> -> memref<1x40x128xf32, #tpu.memory_space<vmem>>
      %dma_start3A_188 = tpu.memref_squeeze %dma_start3A_187 : memref<1x40x128xf32, #tpu.memory_space<vmem>> -> memref<40x128xf32, #tpu.memory_space<vmem>>
      %dma_start3A_189 = arith.constant 0 : i32
      %dma_start3A_190 = tpu.memref_slice %arg9[%dma_start3A, %dma_start3A_189] : memref<6x40xi32, #tpu.memory_space<vmem>> -> memref<1x40xi32, #tpu.memory_space<vmem>>
      %dma_start3A_191 = tpu.memref_squeeze %dma_start3A_190 : memref<1x40xi32, #tpu.memory_space<vmem>> -> memref<40xi32, #tpu.memory_space<vmem>>
      %dma_start3A_192 = arith.constant 0 : i32
      %dma_start3A_193 = arith.constant 0 : i32
      %dma_start3A_194 = tpu.memref_slice %arg3[%dma_start3A_192, %dma_start3A_193] : memref<50000x128xf32, #tpu.memory_space<hbm>> -> memref<50000x128xf32, #tpu.memory_space<hbm>>
      tpu.enqueue_indirect_dma source(%dma_start3A_194 : memref<50000x128xf32, #tpu.memory_space<hbm>>) target(%dma_start3A_188 : memref<40x128xf32, #tpu.memory_space<vmem>>) offsets(%dma_start3A_191 : memref<40xi32, #tpu.memory_space<vmem>>) semaphore(%arg15 : memref<!tpu.dma_semaphore, #tpu.memory_space<semaphore_mem>>)
      %dma_start3A_195 = arith.constant 0 : i32
      %dma_start3A_196 = arith.constant 0 : i32
      %dma_start3A_197 = arith.constant 0 : i32
      %dma_start3A_198 = arith.constant 0 : i32
      %dma_start3A_199 = tpu.memref_slice %arg12[%dma_start3A_196, %dma_start3A_197, %dma_start3A_198] : memref<6x40x128xf32, #tpu.memory_space<vmem>> -> memref<1x40x128xf32, #tpu.memory_space<vmem>>
      %dma_start3A_200 = tpu.memref_squeeze %dma_start3A_199 : memref<1x40x128xf32, #tpu.memory_space<vmem>> -> memref<40x128xf32, #tpu.memory_space<vmem>>
      %dma_start3A_201 = arith.constant 0 : i32
      %dma_start3A_202 = tpu.memref_slice %arg10[%dma_start3A_195, %dma_start3A_201] : memref<6x40xi32, #tpu.memory_space<vmem>> -> memref<1x40xi32, #tpu.memory_space<vmem>>
      %dma_start3A_203 = tpu.memref_squeeze %dma_start3A_202 : memref<1x40xi32, #tpu.memory_space<vmem>> -> memref<40xi32, #tpu.memory_space<vmem>>
      %dma_start3A_204 = arith.constant 0 : i32
      %dma_start3A_205 = arith.constant 0 : i32
      %dma_start3A_206 = tpu.memref_slice %arg4[%dma_start3A_204, %dma_start3A_205] : memref<300000x128xf32, #tpu.memory_space<hbm>> -> memref<300000x128xf32, #tpu.memory_space<hbm>>
      tpu.enqueue_indirect_dma source(%dma_start3A_206 : memref<300000x128xf32, #tpu.memory_space<hbm>>) target(%dma_start3A_200 : memref<40x128xf32, #tpu.memory_space<vmem>>) offsets(%dma_start3A_203 : memref<40xi32, #tpu.memory_space<vmem>>) semaphore(%arg15 : memref<!tpu.dma_semaphore, #tpu.memory_space<semaphore_mem>>)
      %dma_start3A_207 = arith.constant 1 : i32
      %dma_start3A_208 = arith.constant 1 : i32
      %dma_start3A_209 = arith.constant 0 : i32
      %dma_start3A_210 = arith.constant 0 : i32
      %dma_start3A_211 = tpu.memref_slice %arg11[%dma_start3A_208, %dma_start3A_209, %dma_start3A_210] : memref<6x40x128xf32, #tpu.memory_space<vmem>> -> memref<1x40x128xf32, #tpu.memory_space<vmem>>
      %dma_start3A_212 = tpu.memref_squeeze %dma_start3A_211 : memref<1x40x128xf32, #tpu.memory_space<vmem>> -> memref<40x128xf32, #tpu.memory_space<vmem>>
      %dma_start3A_213 = arith.constant 0 : i32
      %dma_start3A_214 = tpu.memref_slice %arg9[%dma_start3A_207, %dma_start3A_213] : memref<6x40xi32, #tpu.memory_space<vmem>> -> memref<1x40xi32, #tpu.memory_space<vmem>>
      %dma_start3A_215 = tpu.memref_squeeze %dma_start3A_214 : memref<1x40xi32, #tpu.memory_space<vmem>> -> memref<40xi32, #tpu.memory_space<vmem>>
      %dma_start3A_216 = arith.constant 0 : i32
      %dma_start3A_217 = arith.constant 0 : i32
      %dma_start3A_218 = tpu.memref_slice %arg3[%dma_start3A_216, %dma_start3A_217] : memref<50000x128xf32, #tpu.memory_space<hbm>> -> memref<50000x128xf32, #tpu.memory_space<hbm>>
      tpu.enqueue_indirect_dma source(%dma_start3A_218 : memref<50000x128xf32, #tpu.memory_space<hbm>>) target(%dma_start3A_212 : memref<40x128xf32, #tpu.memory_space<vmem>>) offsets(%dma_start3A_215 : memref<40xi32, #tpu.memory_space<vmem>>) semaphore(%arg15 : memref<!tpu.dma_semaphore, #tpu.memory_space<semaphore_mem>>)
      %dma_start3A_219 = arith.constant 1 : i32
      %dma_start3A_220 = arith.constant 1 : i32
      %dma_start3A_221 = arith.constant 0 : i32
      %dma_start3A_222 = arith.constant 0 : i32
      %dma_start3A_223 = tpu.memref_slice %arg12[%dma_start3A_220, %dma_start3A_221, %dma_start3A_222] : memref<6x40x128xf32, #tpu.memory_space<vmem>> -> memref<1x40x128xf32, #tpu.memory_space<vmem>>
      %dma_start3A_224 = tpu.memref_squeeze %dma_start3A_223 : memref<1x40x128xf32, #tpu.memory_space<vmem>> -> memref<40x128xf32, #tpu.memory_space<vmem>>
      %dma_start3A_225 = arith.constant 0 : i32
      %dma_start3A_226 = tpu.memref_slice %arg10[%dma_start3A_219, %dma_start3A_225] : memref<6x40xi32, #tpu.memory_space<vmem>> -> memref<1x40xi32, #tpu.memory_space<vmem>>
      %dma_start3A_227 = tpu.memref_squeeze %dma_start3A_226 : memref<1x40xi32, #tpu.memory_space<vmem>> -> memref<40xi32, #tpu.memory_space<vmem>>
      %dma_start3A_228 = arith.constant 0 : i32
      %dma_start3A_229 = arith.constant 0 : i32
      %dma_start3A_230 = tpu.memref_slice %arg4[%dma_start3A_228, %dma_start3A_229] : memref<300000x128xf32, #tpu.memory_space<hbm>> -> memref<300000x128xf32, #tpu.memory_space<hbm>>
      tpu.enqueue_indirect_dma source(%dma_start3A_230 : memref<300000x128xf32, #tpu.memory_space<hbm>>) target(%dma_start3A_224 : memref<40x128xf32, #tpu.memory_space<vmem>>) offsets(%dma_start3A_227 : memref<40xi32, #tpu.memory_space<vmem>>) semaphore(%arg15 : memref<!tpu.dma_semaphore, #tpu.memory_space<semaphore_mem>>)
      %dma_start3A_231 = arith.constant 2 : i32
      %dma_start3A_232 = arith.constant 2 : i32
      %dma_start3A_233 = arith.constant 0 : i32
      %dma_start3A_234 = arith.constant 0 : i32
      %dma_start3A_235 = tpu.memref_slice %arg11[%dma_start3A_232, %dma_start3A_233, %dma_start3A_234] : memref<6x40x128xf32, #tpu.memory_space<vmem>> -> memref<1x40x128xf32, #tpu.memory_space<vmem>>
      %dma_start3A_236 = tpu.memref_squeeze %dma_start3A_235 : memref<1x40x128xf32, #tpu.memory_space<vmem>> -> memref<40x128xf32, #tpu.memory_space<vmem>>
      %dma_start3A_237 = arith.constant 0 : i32
      %dma_start3A_238 = tpu.memref_slice %arg9[%dma_start3A_231, %dma_start3A_237] : memref<6x40xi32, #tpu.memory_space<vmem>> -> memref<1x40xi32, #tpu.memory_space<vmem>>
      %dma_start3A_239 = tpu.memref_squeeze %dma_start3A_238 : memref<1x40xi32, #tpu.memory_space<vmem>> -> memref<40xi32, #tpu.memory_space<vmem>>
      %dma_start3A_240 = arith.constant 0 : i32
      %dma_start3A_241 = arith.constant 0 : i32
      %dma_start3A_242 = tpu.memref_slice %arg3[%dma_start3A_240, %dma_start3A_241] : memref<50000x128xf32, #tpu.memory_space<hbm>> -> memref<50000x128xf32, #tpu.memory_space<hbm>>
      tpu.enqueue_indirect_dma source(%dma_start3A_242 : memref<50000x128xf32, #tpu.memory_space<hbm>>) target(%dma_start3A_236 : memref<40x128xf32, #tpu.memory_space<vmem>>) offsets(%dma_start3A_239 : memref<40xi32, #tpu.memory_space<vmem>>) semaphore(%arg15 : memref<!tpu.dma_semaphore, #tpu.memory_space<semaphore_mem>>)
      %dma_start3A_243 = arith.constant 2 : i32
      %dma_start3A_244 = arith.constant 2 : i32
      %dma_start3A_245 = arith.constant 0 : i32
      %dma_start3A_246 = arith.constant 0 : i32
      %dma_start3A_247 = tpu.memref_slice %arg12[%dma_start3A_244, %dma_start3A_245, %dma_start3A_246] : memref<6x40x128xf32, #tpu.memory_space<vmem>> -> memref<1x40x128xf32, #tpu.memory_space<vmem>>
      %dma_start3A_248 = tpu.memref_squeeze %dma_start3A_247 : memref<1x40x128xf32, #tpu.memory_space<vmem>> -> memref<40x128xf32, #tpu.memory_space<vmem>>
      %dma_start3A_249 = arith.constant 0 : i32
      %dma_start3A_250 = tpu.memref_slice %arg10[%dma_start3A_243, %dma_start3A_249] : memref<6x40xi32, #tpu.memory_space<vmem>> -> memref<1x40xi32, #tpu.memory_space<vmem>>
      %dma_start3A_251 = tpu.memref_squeeze %dma_start3A_250 : memref<1x40xi32, #tpu.memory_space<vmem>> -> memref<40xi32, #tpu.memory_space<vmem>>
      %dma_start3A_252 = arith.constant 0 : i32
      %dma_start3A_253 = arith.constant 0 : i32
      %dma_start3A_254 = tpu.memref_slice %arg4[%dma_start3A_252, %dma_start3A_253] : memref<300000x128xf32, #tpu.memory_space<hbm>> -> memref<300000x128xf32, #tpu.memory_space<hbm>>
      tpu.enqueue_indirect_dma source(%dma_start3A_254 : memref<300000x128xf32, #tpu.memory_space<hbm>>) target(%dma_start3A_248 : memref<40x128xf32, #tpu.memory_space<vmem>>) offsets(%dma_start3A_251 : memref<40xi32, #tpu.memory_space<vmem>>) semaphore(%arg15 : memref<!tpu.dma_semaphore, #tpu.memory_space<semaphore_mem>>)
      %dma_start3A_255 = arith.constant 3 : i32
      %dma_start3A_256 = arith.constant 3 : i32
      %dma_start3A_257 = arith.constant 0 : i32
      %dma_start3A_258 = arith.constant 0 : i32
      %dma_start3A_259 = tpu.memref_slice %arg11[%dma_start3A_256, %dma_start3A_257, %dma_start3A_258] : memref<6x40x128xf32, #tpu.memory_space<vmem>> -> memref<1x40x128xf32, #tpu.memory_space<vmem>>
      %dma_start3A_260 = tpu.memref_squeeze %dma_start3A_259 : memref<1x40x128xf32, #tpu.memory_space<vmem>> -> memref<40x128xf32, #tpu.memory_space<vmem>>
      %dma_start3A_261 = arith.constant 0 : i32
      %dma_start3A_262 = tpu.memref_slice %arg9[%dma_start3A_255, %dma_start3A_261] : memref<6x40xi32, #tpu.memory_space<vmem>> -> memref<1x40xi32, #tpu.memory_space<vmem>>
      %dma_start3A_263 = tpu.memref_squeeze %dma_start3A_262 : memref<1x40xi32, #tpu.memory_space<vmem>> -> memref<40xi32, #tpu.memory_space<vmem>>
      %dma_start3A_264 = arith.constant 0 : i32
      %dma_start3A_265 = arith.constant 0 : i32
      %dma_start3A_266 = tpu.memref_slice %arg3[%dma_start3A_264, %dma_start3A_265] : memref<50000x128xf32, #tpu.memory_space<hbm>> -> memref<50000x128xf32, #tpu.memory_space<hbm>>
      tpu.enqueue_indirect_dma source(%dma_start3A_266 : memref<50000x128xf32, #tpu.memory_space<hbm>>) target(%dma_start3A_260 : memref<40x128xf32, #tpu.memory_space<vmem>>) offsets(%dma_start3A_263 : memref<40xi32, #tpu.memory_space<vmem>>) semaphore(%arg15 : memref<!tpu.dma_semaphore, #tpu.memory_space<semaphore_mem>>)
      %dma_start3A_267 = arith.constant 3 : i32
      %dma_start3A_268 = arith.constant 3 : i32
      %dma_start3A_269 = arith.constant 0 : i32
      %dma_start3A_270 = arith.constant 0 : i32
      %dma_start3A_271 = tpu.memref_slice %arg12[%dma_start3A_268, %dma_start3A_269, %dma_start3A_270] : memref<6x40x128xf32, #tpu.memory_space<vmem>> -> memref<1x40x128xf32, #tpu.memory_space<vmem>>
      %dma_start3A_272 = tpu.memref_squeeze %dma_start3A_271 : memref<1x40x128xf32, #tpu.memory_space<vmem>> -> memref<40x128xf32, #tpu.memory_space<vmem>>
      %dma_start3A_273 = arith.constant 0 : i32
      %dma_start3A_274 = tpu.memref_slice %arg10[%dma_start3A_267, %dma_start3A_273] : memref<6x40xi32, #tpu.memory_space<vmem>> -> memref<1x40xi32, #tpu.memory_space<vmem>>
      %dma_start3A_275 = tpu.memref_squeeze %dma_start3A_274 : memref<1x40xi32, #tpu.memory_space<vmem>> -> memref<40xi32, #tpu.memory_space<vmem>>
      %dma_start3A_276 = arith.constant 0 : i32
      %dma_start3A_277 = arith.constant 0 : i32
      %dma_start3A_278 = tpu.memref_slice %arg4[%dma_start3A_276, %dma_start3A_277] : memref<300000x128xf32, #tpu.memory_space<hbm>> -> memref<300000x128xf32, #tpu.memory_space<hbm>>
      tpu.enqueue_indirect_dma source(%dma_start3A_278 : memref<300000x128xf32, #tpu.memory_space<hbm>>) target(%dma_start3A_272 : memref<40x128xf32, #tpu.memory_space<vmem>>) offsets(%dma_start3A_275 : memref<40xi32, #tpu.memory_space<vmem>>) semaphore(%arg15 : memref<!tpu.dma_semaphore, #tpu.memory_space<semaphore_mem>>)
      %dma_start3A_279 = arith.constant 4 : i32
      %dma_start3A_280 = arith.constant 4 : i32
      %dma_start3A_281 = arith.constant 0 : i32
      %dma_start3A_282 = arith.constant 0 : i32
      %dma_start3A_283 = tpu.memref_slice %arg11[%dma_start3A_280, %dma_start3A_281, %dma_start3A_282] : memref<6x40x128xf32, #tpu.memory_space<vmem>> -> memref<1x40x128xf32, #tpu.memory_space<vmem>>
      %dma_start3A_284 = tpu.memref_squeeze %dma_start3A_283 : memref<1x40x128xf32, #tpu.memory_space<vmem>> -> memref<40x128xf32, #tpu.memory_space<vmem>>
      %dma_start3A_285 = arith.constant 0 : i32
      %dma_start3A_286 = tpu.memref_slice %arg9[%dma_start3A_279, %dma_start3A_285] : memref<6x40xi32, #tpu.memory_space<vmem>> -> memref<1x40xi32, #tpu.memory_space<vmem>>
      %dma_start3A_287 = tpu.memref_squeeze %dma_start3A_286 : memref<1x40xi32, #tpu.memory_space<vmem>> -> memref<40xi32, #tpu.memory_space<vmem>>
      %dma_start3A_288 = arith.constant 0 : i32
      %dma_start3A_289 = arith.constant 0 : i32
      %dma_start3A_290 = tpu.memref_slice %arg3[%dma_start3A_288, %dma_start3A_289] : memref<50000x128xf32, #tpu.memory_space<hbm>> -> memref<50000x128xf32, #tpu.memory_space<hbm>>
      tpu.enqueue_indirect_dma source(%dma_start3A_290 : memref<50000x128xf32, #tpu.memory_space<hbm>>) target(%dma_start3A_284 : memref<40x128xf32, #tpu.memory_space<vmem>>) offsets(%dma_start3A_287 : memref<40xi32, #tpu.memory_space<vmem>>) semaphore(%arg15 : memref<!tpu.dma_semaphore, #tpu.memory_space<semaphore_mem>>)
      %dma_start3A_291 = arith.constant 4 : i32
      %dma_start3A_292 = arith.constant 4 : i32
      %dma_start3A_293 = arith.constant 0 : i32
      %dma_start3A_294 = arith.constant 0 : i32
      %dma_start3A_295 = tpu.memref_slice %arg12[%dma_start3A_292, %dma_start3A_293, %dma_start3A_294] : memref<6x40x128xf32, #tpu.memory_space<vmem>> -> memref<1x40x128xf32, #tpu.memory_space<vmem>>
      %dma_start3A_296 = tpu.memref_squeeze %dma_start3A_295 : memref<1x40x128xf32, #tpu.memory_space<vmem>> -> memref<40x128xf32, #tpu.memory_space<vmem>>
      %dma_start3A_297 = arith.constant 0 : i32
      %dma_start3A_298 = tpu.memref_slice %arg10[%dma_start3A_291, %dma_start3A_297] : memref<6x40xi32, #tpu.memory_space<vmem>> -> memref<1x40xi32, #tpu.memory_space<vmem>>
      %dma_start3A_299 = tpu.memref_squeeze %dma_start3A_298 : memref<1x40xi32, #tpu.memory_space<vmem>> -> memref<40xi32, #tpu.memory_space<vmem>>
      %dma_start3A_300 = arith.constant 0 : i32
      %dma_start3A_301 = arith.constant 0 : i32
      %dma_start3A_302 = tpu.memref_slice %arg4[%dma_start3A_300, %dma_start3A_301] : memref<300000x128xf32, #tpu.memory_space<hbm>> -> memref<300000x128xf32, #tpu.memory_space<hbm>>
      tpu.enqueue_indirect_dma source(%dma_start3A_302 : memref<300000x128xf32, #tpu.memory_space<hbm>>) target(%dma_start3A_296 : memref<40x128xf32, #tpu.memory_space<vmem>>) offsets(%dma_start3A_299 : memref<40xi32, #tpu.memory_space<vmem>>) semaphore(%arg15 : memref<!tpu.dma_semaphore, #tpu.memory_space<semaphore_mem>>)
      %dma_start3A_303 = arith.constant 5 : i32
      %dma_start3A_304 = arith.constant 5 : i32
      %dma_start3A_305 = arith.constant 0 : i32
      %dma_start3A_306 = arith.constant 0 : i32
      %dma_start3A_307 = tpu.memref_slice %arg11[%dma_start3A_304, %dma_start3A_305, %dma_start3A_306] : memref<6x40x128xf32, #tpu.memory_space<vmem>> -> memref<1x40x128xf32, #tpu.memory_space<vmem>>
      %dma_start3A_308 = tpu.memref_squeeze %dma_start3A_307 : memref<1x40x128xf32, #tpu.memory_space<vmem>> -> memref<40x128xf32, #tpu.memory_space<vmem>>
      %dma_start3A_309 = arith.constant 0 : i32
      %dma_start3A_310 = tpu.memref_slice %arg9[%dma_start3A_303, %dma_start3A_309] : memref<6x40xi32, #tpu.memory_space<vmem>> -> memref<1x40xi32, #tpu.memory_space<vmem>>
      %dma_start3A_311 = tpu.memref_squeeze %dma_start3A_310 : memref<1x40xi32, #tpu.memory_space<vmem>> -> memref<40xi32, #tpu.memory_space<vmem>>
      %dma_start3A_312 = arith.constant 0 : i32
      %dma_start3A_313 = arith.constant 0 : i32
      %dma_start3A_314 = tpu.memref_slice %arg3[%dma_start3A_312, %dma_start3A_313] : memref<50000x128xf32, #tpu.memory_space<hbm>> -> memref<50000x128xf32, #tpu.memory_space<hbm>>
      tpu.enqueue_indirect_dma source(%dma_start3A_314 : memref<50000x128xf32, #tpu.memory_space<hbm>>) target(%dma_start3A_308 : memref<40x128xf32, #tpu.memory_space<vmem>>) offsets(%dma_start3A_311 : memref<40xi32, #tpu.memory_space<vmem>>) semaphore(%arg15 : memref<!tpu.dma_semaphore, #tpu.memory_space<semaphore_mem>>)
      %dma_start3A_315 = arith.constant 5 : i32
      %dma_start3A_316 = arith.constant 5 : i32
      %dma_start3A_317 = arith.constant 0 : i32
      %dma_start3A_318 = arith.constant 0 : i32
      %dma_start3A_319 = tpu.memref_slice %arg12[%dma_start3A_316, %dma_start3A_317, %dma_start3A_318] : memref<6x40x128xf32, #tpu.memory_space<vmem>> -> memref<1x40x128xf32, #tpu.memory_space<vmem>>
      %dma_start3A_320 = tpu.memref_squeeze %dma_start3A_319 : memref<1x40x128xf32, #tpu.memory_space<vmem>> -> memref<40x128xf32, #tpu.memory_space<vmem>>
      %dma_start3A_321 = arith.constant 0 : i32
      %dma_start3A_322 = tpu.memref_slice %arg10[%dma_start3A_315, %dma_start3A_321] : memref<6x40xi32, #tpu.memory_space<vmem>> -> memref<1x40xi32, #tpu.memory_space<vmem>>
      %dma_start3A_323 = tpu.memref_squeeze %dma_start3A_322 : memref<1x40xi32, #tpu.memory_space<vmem>> -> memref<40xi32, #tpu.memory_space<vmem>>
      %dma_start3A_324 = arith.constant 0 : i32
      %dma_start3A_325 = arith.constant 0 : i32
      %dma_start3A_326 = tpu.memref_slice %arg4[%dma_start3A_324, %dma_start3A_325] : memref<300000x128xf32, #tpu.memory_space<hbm>> -> memref<300000x128xf32, #tpu.memory_space<hbm>>
      tpu.enqueue_indirect_dma source(%dma_start3A_326 : memref<300000x128xf32, #tpu.memory_space<hbm>>) target(%dma_start3A_320 : memref<40x128xf32, #tpu.memory_space<vmem>>) offsets(%dma_start3A_323 : memref<40xi32, #tpu.memory_space<vmem>>) semaphore(%arg15 : memref<!tpu.dma_semaphore, #tpu.memory_space<semaphore_mem>>)
      "tpu.region"() ({
        %run_scoped3A_475 = tpu.sem_alloc : memref<!tpu.dma_semaphore, #tpu.memory_space<semaphore_mem>>
        %dma_start3A_476 = arith.constant 0 : i32
        %dma_start3A_477 = tpu.memref_slice %arg2[%mul3A_148, %dma_start3A_476] : memref<50000x128xf32, #tpu.memory_space<hbm>> -> memref<40x128xf32, #tpu.memory_space<hbm>>
        %dma_start3A_478 = arith.constant 0 : i32
        %dma_start3A_479 = tpu.memref_slice %arg2[%mul3A_148, %dma_start3A_478] : memref<50000x128xf32, #tpu.memory_space<hbm>> -> memref<40x128xf32, #tpu.memory_space<hbm>>
        tpu.enqueue_dma source(%dma_start3A_479 : memref<40x128xf32, #tpu.memory_space<hbm>>) target(%arg13 : memref<40x128xf32, #tpu.memory_space<vmem>>) target_semaphore(%run_scoped3A_475 : memref<!tpu.dma_semaphore, #tpu.memory_space<semaphore_mem>>)
        %dma_wait3A_480 = arith.constant 0 : i32
        %dma_wait3A_481 = tpu.memref_slice %arg2[%mul3A_148, %dma_wait3A_480] : memref<50000x128xf32, #tpu.memory_space<hbm>> -> memref<40x128xf32, #tpu.memory_space<hbm>>
        %dma_wait3A_482 = arith.constant 0 : i32
        %dma_wait3A_483 = tpu.memref_slice %arg2[%mul3A_148, %dma_wait3A_482] : memref<50000x128xf32, #tpu.memory_space<hbm>> -> memref<40x128xf32, #tpu.memory_space<hbm>>
        tpu.wait_dma2 semaphore(%run_scoped3A_475 : memref<!tpu.dma_semaphore, #tpu.memory_space<semaphore_mem>>) src(%dma_wait3A_483 : memref<40x128xf32, #tpu.memory_space<hbm>>) dst(%arg13 : memref<40x128xf32, #tpu.memory_space<vmem>>)
        tpu.yield
      }) : () -> ()
      %dma_wait3A = arith.constant 0 : i32
      %dma_wait3A_327 = arith.constant 0 : i32
      %dma_wait3A_328 = arith.constant 0 : i32
      %dma_wait3A_329 = arith.constant 0 : i32
      %dma_wait3A_330 = tpu.memref_slice %arg11[%dma_wait3A_327, %dma_wait3A_328, %dma_wait3A_329] : memref<6x40x128xf32, #tpu.memory_space<vmem>> -> memref<1x40x128xf32, #tpu.memory_space<vmem>>
      %dma_wait3A_331 = tpu.memref_squeeze %dma_wait3A_330 : memref<1x40x128xf32, #tpu.memory_space<vmem>> -> memref<40x128xf32, #tpu.memory_space<vmem>>
      %dma_wait3A_332 = arith.constant 0 : i32
      %dma_wait3A_333 = tpu.memref_slice %arg9[%dma_wait3A, %dma_wait3A_332] : memref<6x40xi32, #tpu.memory_space<vmem>> -> memref<1x40xi32, #tpu.memory_space<vmem>>
      %dma_wait3A_334 = tpu.memref_squeeze %dma_wait3A_333 : memref<1x40xi32, #tpu.memory_space<vmem>> -> memref<40xi32, #tpu.memory_space<vmem>>
      %dma_wait3A_335 = arith.constant 0 : i32
      %dma_wait3A_336 = arith.constant 0 : i32
      %dma_wait3A_337 = tpu.memref_slice %arg3[%dma_wait3A_335, %dma_wait3A_336] : memref<50000x128xf32, #tpu.memory_space<hbm>> -> memref<50000x128xf32, #tpu.memory_space<hbm>>
      tpu.wait_indirect_dma semaphore(%arg15 : memref<!tpu.dma_semaphore, #tpu.memory_space<semaphore_mem>>) src(%dma_wait3A_337 : memref<50000x128xf32, #tpu.memory_space<hbm>>) dst(%dma_wait3A_331 : memref<40x128xf32, #tpu.memory_space<vmem>>)
      %dma_wait3A_338 = arith.constant 0 : i32
      %dma_wait3A_339 = arith.constant 0 : i32
      %dma_wait3A_340 = arith.constant 0 : i32
      %dma_wait3A_341 = arith.constant 0 : i32
      %dma_wait3A_342 = tpu.memref_slice %arg12[%dma_wait3A_339, %dma_wait3A_340, %dma_wait3A_341] : memref<6x40x128xf32, #tpu.memory_space<vmem>> -> memref<1x40x128xf32, #tpu.memory_space<vmem>>
      %dma_wait3A_343 = tpu.memref_squeeze %dma_wait3A_342 : memref<1x40x128xf32, #tpu.memory_space<vmem>> -> memref<40x128xf32, #tpu.memory_space<vmem>>
      %dma_wait3A_344 = arith.constant 0 : i32
      %dma_wait3A_345 = tpu.memref_slice %arg10[%dma_wait3A_338, %dma_wait3A_344] : memref<6x40xi32, #tpu.memory_space<vmem>> -> memref<1x40xi32, #tpu.memory_space<vmem>>
      %dma_wait3A_346 = tpu.memref_squeeze %dma_wait3A_345 : memref<1x40xi32, #tpu.memory_space<vmem>> -> memref<40xi32, #tpu.memory_space<vmem>>
      %dma_wait3A_347 = arith.constant 0 : i32
      %dma_wait3A_348 = arith.constant 0 : i32
      %dma_wait3A_349 = tpu.memref_slice %arg4[%dma_wait3A_347, %dma_wait3A_348] : memref<300000x128xf32, #tpu.memory_space<hbm>> -> memref<300000x128xf32, #tpu.memory_space<hbm>>
      tpu.wait_indirect_dma semaphore(%arg15 : memref<!tpu.dma_semaphore, #tpu.memory_space<semaphore_mem>>) src(%dma_wait3A_349 : memref<300000x128xf32, #tpu.memory_space<hbm>>) dst(%dma_wait3A_343 : memref<40x128xf32, #tpu.memory_space<vmem>>)
      %dma_wait3A_350 = arith.constant 1 : i32
      %dma_wait3A_351 = arith.constant 1 : i32
      %dma_wait3A_352 = arith.constant 0 : i32
      %dma_wait3A_353 = arith.constant 0 : i32
      %dma_wait3A_354 = tpu.memref_slice %arg11[%dma_wait3A_351, %dma_wait3A_352, %dma_wait3A_353] : memref<6x40x128xf32, #tpu.memory_space<vmem>> -> memref<1x40x128xf32, #tpu.memory_space<vmem>>
      %dma_wait3A_355 = tpu.memref_squeeze %dma_wait3A_354 : memref<1x40x128xf32, #tpu.memory_space<vmem>> -> memref<40x128xf32, #tpu.memory_space<vmem>>
      %dma_wait3A_356 = arith.constant 0 : i32
      %dma_wait3A_357 = tpu.memref_slice %arg9[%dma_wait3A_350, %dma_wait3A_356] : memref<6x40xi32, #tpu.memory_space<vmem>> -> memref<1x40xi32, #tpu.memory_space<vmem>>
      %dma_wait3A_358 = tpu.memref_squeeze %dma_wait3A_357 : memref<1x40xi32, #tpu.memory_space<vmem>> -> memref<40xi32, #tpu.memory_space<vmem>>
      %dma_wait3A_359 = arith.constant 0 : i32
      %dma_wait3A_360 = arith.constant 0 : i32
      %dma_wait3A_361 = tpu.memref_slice %arg3[%dma_wait3A_359, %dma_wait3A_360] : memref<50000x128xf32, #tpu.memory_space<hbm>> -> memref<50000x128xf32, #tpu.memory_space<hbm>>
      tpu.wait_indirect_dma semaphore(%arg15 : memref<!tpu.dma_semaphore, #tpu.memory_space<semaphore_mem>>) src(%dma_wait3A_361 : memref<50000x128xf32, #tpu.memory_space<hbm>>) dst(%dma_wait3A_355 : memref<40x128xf32, #tpu.memory_space<vmem>>)
      %dma_wait3A_362 = arith.constant 1 : i32
      %dma_wait3A_363 = arith.constant 1 : i32
      %dma_wait3A_364 = arith.constant 0 : i32
      %dma_wait3A_365 = arith.constant 0 : i32
      %dma_wait3A_366 = tpu.memref_slice %arg12[%dma_wait3A_363, %dma_wait3A_364, %dma_wait3A_365] : memref<6x40x128xf32, #tpu.memory_space<vmem>> -> memref<1x40x128xf32, #tpu.memory_space<vmem>>
      %dma_wait3A_367 = tpu.memref_squeeze %dma_wait3A_366 : memref<1x40x128xf32, #tpu.memory_space<vmem>> -> memref<40x128xf32, #tpu.memory_space<vmem>>
      %dma_wait3A_368 = arith.constant 0 : i32
      %dma_wait3A_369 = tpu.memref_slice %arg10[%dma_wait3A_362, %dma_wait3A_368] : memref<6x40xi32, #tpu.memory_space<vmem>> -> memref<1x40xi32, #tpu.memory_space<vmem>>
      %dma_wait3A_370 = tpu.memref_squeeze %dma_wait3A_369 : memref<1x40xi32, #tpu.memory_space<vmem>> -> memref<40xi32, #tpu.memory_space<vmem>>
      %dma_wait3A_371 = arith.constant 0 : i32
      %dma_wait3A_372 = arith.constant 0 : i32
      %dma_wait3A_373 = tpu.memref_slice %arg4[%dma_wait3A_371, %dma_wait3A_372] : memref<300000x128xf32, #tpu.memory_space<hbm>> -> memref<300000x128xf32, #tpu.memory_space<hbm>>
      tpu.wait_indirect_dma semaphore(%arg15 : memref<!tpu.dma_semaphore, #tpu.memory_space<semaphore_mem>>) src(%dma_wait3A_373 : memref<300000x128xf32, #tpu.memory_space<hbm>>) dst(%dma_wait3A_367 : memref<40x128xf32, #tpu.memory_space<vmem>>)
      %dma_wait3A_374 = arith.constant 2 : i32
      %dma_wait3A_375 = arith.constant 2 : i32
      %dma_wait3A_376 = arith.constant 0 : i32
      %dma_wait3A_377 = arith.constant 0 : i32
      %dma_wait3A_378 = tpu.memref_slice %arg11[%dma_wait3A_375, %dma_wait3A_376, %dma_wait3A_377] : memref<6x40x128xf32, #tpu.memory_space<vmem>> -> memref<1x40x128xf32, #tpu.memory_space<vmem>>
      %dma_wait3A_379 = tpu.memref_squeeze %dma_wait3A_378 : memref<1x40x128xf32, #tpu.memory_space<vmem>> -> memref<40x128xf32, #tpu.memory_space<vmem>>
      %dma_wait3A_380 = arith.constant 0 : i32
      %dma_wait3A_381 = tpu.memref_slice %arg9[%dma_wait3A_374, %dma_wait3A_380] : memref<6x40xi32, #tpu.memory_space<vmem>> -> memref<1x40xi32, #tpu.memory_space<vmem>>
      %dma_wait3A_382 = tpu.memref_squeeze %dma_wait3A_381 : memref<1x40xi32, #tpu.memory_space<vmem>> -> memref<40xi32, #tpu.memory_space<vmem>>
      %dma_wait3A_383 = arith.constant 0 : i32
      %dma_wait3A_384 = arith.constant 0 : i32
      %dma_wait3A_385 = tpu.memref_slice %arg3[%dma_wait3A_383, %dma_wait3A_384] : memref<50000x128xf32, #tpu.memory_space<hbm>> -> memref<50000x128xf32, #tpu.memory_space<hbm>>
      tpu.wait_indirect_dma semaphore(%arg15 : memref<!tpu.dma_semaphore, #tpu.memory_space<semaphore_mem>>) src(%dma_wait3A_385 : memref<50000x128xf32, #tpu.memory_space<hbm>>) dst(%dma_wait3A_379 : memref<40x128xf32, #tpu.memory_space<vmem>>)
      %dma_wait3A_386 = arith.constant 2 : i32
      %dma_wait3A_387 = arith.constant 2 : i32
      %dma_wait3A_388 = arith.constant 0 : i32
      %dma_wait3A_389 = arith.constant 0 : i32
      %dma_wait3A_390 = tpu.memref_slice %arg12[%dma_wait3A_387, %dma_wait3A_388, %dma_wait3A_389] : memref<6x40x128xf32, #tpu.memory_space<vmem>> -> memref<1x40x128xf32, #tpu.memory_space<vmem>>
      %dma_wait3A_391 = tpu.memref_squeeze %dma_wait3A_390 : memref<1x40x128xf32, #tpu.memory_space<vmem>> -> memref<40x128xf32, #tpu.memory_space<vmem>>
      %dma_wait3A_392 = arith.constant 0 : i32
      %dma_wait3A_393 = tpu.memref_slice %arg10[%dma_wait3A_386, %dma_wait3A_392] : memref<6x40xi32, #tpu.memory_space<vmem>> -> memref<1x40xi32, #tpu.memory_space<vmem>>
      %dma_wait3A_394 = tpu.memref_squeeze %dma_wait3A_393 : memref<1x40xi32, #tpu.memory_space<vmem>> -> memref<40xi32, #tpu.memory_space<vmem>>
      %dma_wait3A_395 = arith.constant 0 : i32
      %dma_wait3A_396 = arith.constant 0 : i32
      %dma_wait3A_397 = tpu.memref_slice %arg4[%dma_wait3A_395, %dma_wait3A_396] : memref<300000x128xf32, #tpu.memory_space<hbm>> -> memref<300000x128xf32, #tpu.memory_space<hbm>>
      tpu.wait_indirect_dma semaphore(%arg15 : memref<!tpu.dma_semaphore, #tpu.memory_space<semaphore_mem>>) src(%dma_wait3A_397 : memref<300000x128xf32, #tpu.memory_space<hbm>>) dst(%dma_wait3A_391 : memref<40x128xf32, #tpu.memory_space<vmem>>)
      %dma_wait3A_398 = arith.constant 3 : i32
      %dma_wait3A_399 = arith.constant 3 : i32
      %dma_wait3A_400 = arith.constant 0 : i32
      %dma_wait3A_401 = arith.constant 0 : i32
      %dma_wait3A_402 = tpu.memref_slice %arg11[%dma_wait3A_399, %dma_wait3A_400, %dma_wait3A_401] : memref<6x40x128xf32, #tpu.memory_space<vmem>> -> memref<1x40x128xf32, #tpu.memory_space<vmem>>
      %dma_wait3A_403 = tpu.memref_squeeze %dma_wait3A_402 : memref<1x40x128xf32, #tpu.memory_space<vmem>> -> memref<40x128xf32, #tpu.memory_space<vmem>>
      %dma_wait3A_404 = arith.constant 0 : i32
      %dma_wait3A_405 = tpu.memref_slice %arg9[%dma_wait3A_398, %dma_wait3A_404] : memref<6x40xi32, #tpu.memory_space<vmem>> -> memref<1x40xi32, #tpu.memory_space<vmem>>
      %dma_wait3A_406 = tpu.memref_squeeze %dma_wait3A_405 : memref<1x40xi32, #tpu.memory_space<vmem>> -> memref<40xi32, #tpu.memory_space<vmem>>
      %dma_wait3A_407 = arith.constant 0 : i32
      %dma_wait3A_408 = arith.constant 0 : i32
      %dma_wait3A_409 = tpu.memref_slice %arg3[%dma_wait3A_407, %dma_wait3A_408] : memref<50000x128xf32, #tpu.memory_space<hbm>> -> memref<50000x128xf32, #tpu.memory_space<hbm>>
      tpu.wait_indirect_dma semaphore(%arg15 : memref<!tpu.dma_semaphore, #tpu.memory_space<semaphore_mem>>) src(%dma_wait3A_409 : memref<50000x128xf32, #tpu.memory_space<hbm>>) dst(%dma_wait3A_403 : memref<40x128xf32, #tpu.memory_space<vmem>>)
      %dma_wait3A_410 = arith.constant 3 : i32
      %dma_wait3A_411 = arith.constant 3 : i32
      %dma_wait3A_412 = arith.constant 0 : i32
      %dma_wait3A_413 = arith.constant 0 : i32
      %dma_wait3A_414 = tpu.memref_slice %arg12[%dma_wait3A_411, %dma_wait3A_412, %dma_wait3A_413] : memref<6x40x128xf32, #tpu.memory_space<vmem>> -> memref<1x40x128xf32, #tpu.memory_space<vmem>>
      %dma_wait3A_415 = tpu.memref_squeeze %dma_wait3A_414 : memref<1x40x128xf32, #tpu.memory_space<vmem>> -> memref<40x128xf32, #tpu.memory_space<vmem>>
      %dma_wait3A_416 = arith.constant 0 : i32
      %dma_wait3A_417 = tpu.memref_slice %arg10[%dma_wait3A_410, %dma_wait3A_416] : memref<6x40xi32, #tpu.memory_space<vmem>> -> memref<1x40xi32, #tpu.memory_space<vmem>>
      %dma_wait3A_418 = tpu.memref_squeeze %dma_wait3A_417 : memref<1x40xi32, #tpu.memory_space<vmem>> -> memref<40xi32, #tpu.memory_space<vmem>>
      %dma_wait3A_419 = arith.constant 0 : i32
      %dma_wait3A_420 = arith.constant 0 : i32
      %dma_wait3A_421 = tpu.memref_slice %arg4[%dma_wait3A_419, %dma_wait3A_420] : memref<300000x128xf32, #tpu.memory_space<hbm>> -> memref<300000x128xf32, #tpu.memory_space<hbm>>
      tpu.wait_indirect_dma semaphore(%arg15 : memref<!tpu.dma_semaphore, #tpu.memory_space<semaphore_mem>>) src(%dma_wait3A_421 : memref<300000x128xf32, #tpu.memory_space<hbm>>) dst(%dma_wait3A_415 : memref<40x128xf32, #tpu.memory_space<vmem>>)
      %dma_wait3A_422 = arith.constant 4 : i32
      %dma_wait3A_423 = arith.constant 4 : i32
      %dma_wait3A_424 = arith.constant 0 : i32
      %dma_wait3A_425 = arith.constant 0 : i32
      %dma_wait3A_426 = tpu.memref_slice %arg11[%dma_wait3A_423, %dma_wait3A_424, %dma_wait3A_425] : memref<6x40x128xf32, #tpu.memory_space<vmem>> -> memref<1x40x128xf32, #tpu.memory_space<vmem>>
      %dma_wait3A_427 = tpu.memref_squeeze %dma_wait3A_426 : memref<1x40x128xf32, #tpu.memory_space<vmem>> -> memref<40x128xf32, #tpu.memory_space<vmem>>
      %dma_wait3A_428 = arith.constant 0 : i32
      %dma_wait3A_429 = tpu.memref_slice %arg9[%dma_wait3A_422, %dma_wait3A_428] : memref<6x40xi32, #tpu.memory_space<vmem>> -> memref<1x40xi32, #tpu.memory_space<vmem>>
      %dma_wait3A_430 = tpu.memref_squeeze %dma_wait3A_429 : memref<1x40xi32, #tpu.memory_space<vmem>> -> memref<40xi32, #tpu.memory_space<vmem>>
      %dma_wait3A_431 = arith.constant 0 : i32
      %dma_wait3A_432 = arith.constant 0 : i32
      %dma_wait3A_433 = tpu.memref_slice %arg3[%dma_wait3A_431, %dma_wait3A_432] : memref<50000x128xf32, #tpu.memory_space<hbm>> -> memref<50000x128xf32, #tpu.memory_space<hbm>>
      tpu.wait_indirect_dma semaphore(%arg15 : memref<!tpu.dma_semaphore, #tpu.memory_space<semaphore_mem>>) src(%dma_wait3A_433 : memref<50000x128xf32, #tpu.memory_space<hbm>>) dst(%dma_wait3A_427 : memref<40x128xf32, #tpu.memory_space<vmem>>)
      %dma_wait3A_434 = arith.constant 4 : i32
      %dma_wait3A_435 = arith.constant 4 : i32
      %dma_wait3A_436 = arith.constant 0 : i32
      %dma_wait3A_437 = arith.constant 0 : i32
      %dma_wait3A_438 = tpu.memref_slice %arg12[%dma_wait3A_435, %dma_wait3A_436, %dma_wait3A_437] : memref<6x40x128xf32, #tpu.memory_space<vmem>> -> memref<1x40x128xf32, #tpu.memory_space<vmem>>
      %dma_wait3A_439 = tpu.memref_squeeze %dma_wait3A_438 : memref<1x40x128xf32, #tpu.memory_space<vmem>> -> memref<40x128xf32, #tpu.memory_space<vmem>>
      %dma_wait3A_440 = arith.constant 0 : i32
      %dma_wait3A_441 = tpu.memref_slice %arg10[%dma_wait3A_434, %dma_wait3A_440] : memref<6x40xi32, #tpu.memory_space<vmem>> -> memref<1x40xi32, #tpu.memory_space<vmem>>
      %dma_wait3A_442 = tpu.memref_squeeze %dma_wait3A_441 : memref<1x40xi32, #tpu.memory_space<vmem>> -> memref<40xi32, #tpu.memory_space<vmem>>
      %dma_wait3A_443 = arith.constant 0 : i32
      %dma_wait3A_444 = arith.constant 0 : i32
      %dma_wait3A_445 = tpu.memref_slice %arg4[%dma_wait3A_443, %dma_wait3A_444] : memref<300000x128xf32, #tpu.memory_space<hbm>> -> memref<300000x128xf32, #tpu.memory_space<hbm>>
      tpu.wait_indirect_dma semaphore(%arg15 : memref<!tpu.dma_semaphore, #tpu.memory_space<semaphore_mem>>) src(%dma_wait3A_445 : memref<300000x128xf32, #tpu.memory_space<hbm>>) dst(%dma_wait3A_439 : memref<40x128xf32, #tpu.memory_space<vmem>>)
      %dma_wait3A_446 = arith.constant 5 : i32
      %dma_wait3A_447 = arith.constant 5 : i32
      %dma_wait3A_448 = arith.constant 0 : i32
      %dma_wait3A_449 = arith.constant 0 : i32
      %dma_wait3A_450 = tpu.memref_slice %arg11[%dma_wait3A_447, %dma_wait3A_448, %dma_wait3A_449] : memref<6x40x128xf32, #tpu.memory_space<vmem>> -> memref<1x40x128xf32, #tpu.memory_space<vmem>>
      %dma_wait3A_451 = tpu.memref_squeeze %dma_wait3A_450 : memref<1x40x128xf32, #tpu.memory_space<vmem>> -> memref<40x128xf32, #tpu.memory_space<vmem>>
      %dma_wait3A_452 = arith.constant 0 : i32
      %dma_wait3A_453 = tpu.memref_slice %arg9[%dma_wait3A_446, %dma_wait3A_452] : memref<6x40xi32, #tpu.memory_space<vmem>> -> memref<1x40xi32, #tpu.memory_space<vmem>>
      %dma_wait3A_454 = tpu.memref_squeeze %dma_wait3A_453 : memref<1x40xi32, #tpu.memory_space<vmem>> -> memref<40xi32, #tpu.memory_space<vmem>>
      %dma_wait3A_455 = arith.constant 0 : i32
      %dma_wait3A_456 = arith.constant 0 : i32
      %dma_wait3A_457 = tpu.memref_slice %arg3[%dma_wait3A_455, %dma_wait3A_456] : memref<50000x128xf32, #tpu.memory_space<hbm>> -> memref<50000x128xf32, #tpu.memory_space<hbm>>
      tpu.wait_indirect_dma semaphore(%arg15 : memref<!tpu.dma_semaphore, #tpu.memory_space<semaphore_mem>>) src(%dma_wait3A_457 : memref<50000x128xf32, #tpu.memory_space<hbm>>) dst(%dma_wait3A_451 : memref<40x128xf32, #tpu.memory_space<vmem>>)
      %dma_wait3A_458 = arith.constant 5 : i32
      %dma_wait3A_459 = arith.constant 5 : i32
      %dma_wait3A_460 = arith.constant 0 : i32
      %dma_wait3A_461 = arith.constant 0 : i32
      %dma_wait3A_462 = tpu.memref_slice %arg12[%dma_wait3A_459, %dma_wait3A_460, %dma_wait3A_461] : memref<6x40x128xf32, #tpu.memory_space<vmem>> -> memref<1x40x128xf32, #tpu.memory_space<vmem>>
      %dma_wait3A_463 = tpu.memref_squeeze %dma_wait3A_462 : memref<1x40x128xf32, #tpu.memory_space<vmem>> -> memref<40x128xf32, #tpu.memory_space<vmem>>
      %dma_wait3A_464 = arith.constant 0 : i32
      %dma_wait3A_465 = tpu.memref_slice %arg10[%dma_wait3A_458, %dma_wait3A_464] : memref<6x40xi32, #tpu.memory_space<vmem>> -> memref<1x40xi32, #tpu.memory_space<vmem>>
      %dma_wait3A_466 = tpu.memref_squeeze %dma_wait3A_465 : memref<1x40xi32, #tpu.memory_space<vmem>> -> memref<40xi32, #tpu.memory_space<vmem>>
      %dma_wait3A_467 = arith.constant 0 : i32
      %dma_wait3A_468 = arith.constant 0 : i32
      %dma_wait3A_469 = tpu.memref_slice %arg4[%dma_wait3A_467, %dma_wait3A_468] : memref<300000x128xf32, #tpu.memory_space<hbm>> -> memref<300000x128xf32, #tpu.memory_space<hbm>>
      tpu.wait_indirect_dma semaphore(%arg15 : memref<!tpu.dma_semaphore, #tpu.memory_space<semaphore_mem>>) src(%dma_wait3A_469 : memref<300000x128xf32, #tpu.memory_space<hbm>>) dst(%dma_wait3A_463 : memref<40x128xf32, #tpu.memory_space<vmem>>)
      %scan3A = arith.constant 0 : i32
      %scan3A_470 = arith.constant 40 : i32
      %scan3A_471 = arith.addi %scan3A, %scan3A_470 : i32
      %scan3A_472 = arith.constant 1 : i32
      %scan3A_473:16 = scf.for %scan3A_475 = %scan3A to %scan3A_471 step %scan3A_472 iter_args(%scan3A_476 = %while3A_128, %scan3A_477 = %while3A_129, %scan3A_478 = %while3A_130, %scan3A_479 = %while3A_131, %scan3A_480 = %while3A_132, %scan3A_481 = %while3A_133, %scan3A_482 = %while3A_134, %scan3A_483 = %while3A_135, %scan3A_484 = %while3A_136, %scan3A_485 = %while3A_137, %scan3A_486 = %while3A_138, %scan3A_487 = %while3A_139, %scan3A_488 = %while3A_140, %scan3A_489 = %while3A_141, %scan3A_490 = %while3A_142, %scan3A_491 = %while3A_143) -> (vector<16xf32>, vector<16xf32>, vector<16xf32>, vector<16xf32>, vector<16xf32>, vector<16xf32>, vector<16xf32>, vector<16xf32>, vector<16xf32>, vector<16xf32>, vector<16xf32>, vector<16xf32>, vector<16xf32>, vector<16xf32>, vector<16xf32>, vector<16xf32>)  : i32 {
        %get3A = arith.index_cast %scan3A_475 : i32 to index
        %get3A_492 = arith.constant 0 : index
        %get3A_493 = tpu.vector_load %arg13[%get3A, %get3A_492] {strides = array<i32>} : memref<40x128xf32, #tpu.memory_space<vmem>>, vector<1x16xf32>,
        %get3A_494 = vector.shape_cast %get3A_493 : vector<1x16xf32> to vector<16xf32>
        %get3A_495 = arith.constant 0 : i32
        %get3A_496 = arith.index_cast %get3A_495 : i32 to index
        %get3A_497 = arith.index_cast %scan3A_475 : i32 to index
        %get3A_498 = arith.constant 0 : index
        %get3A_499 = tpu.vector_load %arg11[%get3A_496, %get3A_497, %get3A_498] {strides = array<i32>} : memref<6x40x128xf32, #tpu.memory_space<vmem>>, vector<1x1x16xf32>,
        %get3A_500 = vector.shape_cast %get3A_499 : vector<1x1x16xf32> to vector<16xf32>
        %get3A_501 = arith.constant 0 : i32
        %get3A_502 = arith.index_cast %get3A_501 : i32 to index
        %get3A_503 = arith.index_cast %scan3A_475 : i32 to index
        %get3A_504 = arith.constant 0 : index
        %get3A_505 = tpu.vector_load %arg12[%get3A_502, %get3A_503, %get3A_504] {strides = array<i32>} : memref<6x40x128xf32, #tpu.memory_space<vmem>>, vector<1x1x16xf32>,
        %get3A_506 = vector.shape_cast %get3A_505 : vector<1x1x16xf32> to vector<16xf32>
        %mul3A_507 = arith.mulf %get3A_500, %get3A_506 : vector<16xf32>
        %add3A_508 = arith.addf %get3A_494, %mul3A_507 : vector<16xf32>
        %get3A_509 = arith.constant 1 : i32
        %get3A_510 = arith.index_cast %get3A_509 : i32 to index
        %get3A_511 = arith.index_cast %scan3A_475 : i32 to index
        %get3A_512 = arith.constant 0 : index
        %get3A_513 = tpu.vector_load %arg11[%get3A_510, %get3A_511, %get3A_512] {strides = array<i32>} : memref<6x40x128xf32, #tpu.memory_space<vmem>>, vector<1x1x16xf32>,
        %get3A_514 = vector.shape_cast %get3A_513 : vector<1x1x16xf32> to vector<16xf32>
        %get3A_515 = arith.constant 1 : i32
        %get3A_516 = arith.index_cast %get3A_515 : i32 to index
        %get3A_517 = arith.index_cast %scan3A_475 : i32 to index
        %get3A_518 = arith.constant 0 : index
        %get3A_519 = tpu.vector_load %arg12[%get3A_516, %get3A_517, %get3A_518] {strides = array<i32>} : memref<6x40x128xf32, #tpu.memory_space<vmem>>, vector<1x1x16xf32>,
        %get3A_520 = vector.shape_cast %get3A_519 : vector<1x1x16xf32> to vector<16xf32>
        %mul3A_521 = arith.mulf %get3A_514, %get3A_520 : vector<16xf32>
        %add3A_522 = arith.addf %add3A_508, %mul3A_521 : vector<16xf32>
        %get3A_523 = arith.constant 2 : i32
        %get3A_524 = arith.index_cast %get3A_523 : i32 to index
        %get3A_525 = arith.index_cast %scan3A_475 : i32 to index
        %get3A_526 = arith.constant 0 : index
        %get3A_527 = tpu.vector_load %arg11[%get3A_524, %get3A_525, %get3A_526] {strides = array<i32>} : memref<6x40x128xf32, #tpu.memory_space<vmem>>, vector<1x1x16xf32>,
        %get3A_528 = vector.shape_cast %get3A_527 : vector<1x1x16xf32> to vector<16xf32>
        %get3A_529 = arith.constant 2 : i32
        %get3A_530 = arith.index_cast %get3A_529 : i32 to index
        %get3A_531 = arith.index_cast %scan3A_475 : i32 to index
        %get3A_532 = arith.constant 0 : index
        %get3A_533 = tpu.vector_load %arg12[%get3A_530, %get3A_531, %get3A_532] {strides = array<i32>} : memref<6x40x128xf32, #tpu.memory_space<vmem>>, vector<1x1x16xf32>,
        %get3A_534 = vector.shape_cast %get3A_533 : vector<1x1x16xf32> to vector<16xf32>
        %mul3A_535 = arith.mulf %get3A_528, %get3A_534 : vector<16xf32>
        %add3A_536 = arith.addf %add3A_522, %mul3A_535 : vector<16xf32>
        %get3A_537 = arith.constant 3 : i32
        %get3A_538 = arith.index_cast %get3A_537 : i32 to index
        %get3A_539 = arith.index_cast %scan3A_475 : i32 to index
        %get3A_540 = arith.constant 0 : index
        %get3A_541 = tpu.vector_load %arg11[%get3A_538, %get3A_539, %get3A_540] {strides = array<i32>} : memref<6x40x128xf32, #tpu.memory_space<vmem>>, vector<1x1x16xf32>,
        %get3A_542 = vector.shape_cast %get3A_541 : vector<1x1x16xf32> to vector<16xf32>
        %get3A_543 = arith.constant 3 : i32
        %get3A_544 = arith.index_cast %get3A_543 : i32 to index
        %get3A_545 = arith.index_cast %scan3A_475 : i32 to index
        %get3A_546 = arith.constant 0 : index
        %get3A_547 = tpu.vector_load %arg12[%get3A_544, %get3A_545, %get3A_546] {strides = array<i32>} : memref<6x40x128xf32, #tpu.memory_space<vmem>>, vector<1x1x16xf32>,
        %get3A_548 = vector.shape_cast %get3A_547 : vector<1x1x16xf32> to vector<16xf32>
        %mul3A_549 = arith.mulf %get3A_542, %get3A_548 : vector<16xf32>
        %add3A_550 = arith.addf %add3A_536, %mul3A_549 : vector<16xf32>
        %get3A_551 = arith.constant 4 : i32
        %get3A_552 = arith.index_cast %get3A_551 : i32 to index
        %get3A_553 = arith.index_cast %scan3A_475 : i32 to index
        %get3A_554 = arith.constant 0 : index
        %get3A_555 = tpu.vector_load %arg11[%get3A_552, %get3A_553, %get3A_554] {strides = array<i32>} : memref<6x40x128xf32, #tpu.memory_space<vmem>>, vector<1x1x16xf32>,
        %get3A_556 = vector.shape_cast %get3A_555 : vector<1x1x16xf32> to vector<16xf32>
        %get3A_557 = arith.constant 4 : i32
        %get3A_558 = arith.index_cast %get3A_557 : i32 to index
        %get3A_559 = arith.index_cast %scan3A_475 : i32 to index
        %get3A_560 = arith.constant 0 : index
        %get3A_561 = tpu.vector_load %arg12[%get3A_558, %get3A_559, %get3A_560] {strides = array<i32>} : memref<6x40x128xf32, #tpu.memory_space<vmem>>, vector<1x1x16xf32>,
        %get3A_562 = vector.shape_cast %get3A_561 : vector<1x1x16xf32> to vector<16xf32>
        %mul3A_563 = arith.mulf %get3A_556, %get3A_562 : vector<16xf32>
        %add3A_564 = arith.addf %add3A_550, %mul3A_563 : vector<16xf32>
        %get3A_565 = arith.constant 5 : i32
        %get3A_566 = arith.index_cast %get3A_565 : i32 to index
        %get3A_567 = arith.index_cast %scan3A_475 : i32 to index
        %get3A_568 = arith.constant 0 : index
        %get3A_569 = tpu.vector_load %arg11[%get3A_566, %get3A_567, %get3A_568] {strides = array<i32>} : memref<6x40x128xf32, #tpu.memory_space<vmem>>, vector<1x1x16xf32>,
        %get3A_570 = vector.shape_cast %get3A_569 : vector<1x1x16xf32> to vector<16xf32>
        %get3A_571 = arith.constant 5 : i32
        %get3A_572 = arith.index_cast %get3A_571 : i32 to index
        %get3A_573 = arith.index_cast %scan3A_475 : i32 to index
        %get3A_574 = arith.constant 0 : index
        %get3A_575 = tpu.vector_load %arg12[%get3A_572, %get3A_573, %get3A_574] {strides = array<i32>} : memref<6x40x128xf32, #tpu.memory_space<vmem>>, vector<1x1x16xf32>,
        %get3A_576 = vector.shape_cast %get3A_575 : vector<1x1x16xf32> to vector<16xf32>
        %mul3A_577 = arith.mulf %get3A_570, %get3A_576 : vector<16xf32>
        %add3A_578 = arith.addf %add3A_564, %mul3A_577 : vector<16xf32>
        %swap3A_579 = arith.index_cast %scan3A_475 : i32 to index
        %swap3A_580 = arith.constant 0 : index
        %swap3A_581 = tpu.vector_load %arg13[%swap3A_579, %swap3A_580] {strides = array<i32>} : memref<40x128xf32, #tpu.memory_space<vmem>>, vector<1x16xf32>,
        %swap3A_582 = vector.shape_cast %swap3A_581 : vector<1x16xf32> to vector<16xf32>
        %swap3A_583 = vector.shape_cast %add3A_578 : vector<16xf32> to vector<1x16xf32>
        tpu.vector_store %arg13[%swap3A_579, %swap3A_580], %swap3A_583 {strides = array<i32>} : memref<40x128xf32, #tpu.memory_space<vmem>>, vector<1x16xf32>,
        %add3A_584 = arith.addf %scan3A_476, %add3A_578 : vector<16xf32>
        %mul3A_585 = arith.mulf %add3A_578, %add3A_578 : vector<16xf32>
        %add3A_586 = arith.addf %scan3A_484, %mul3A_585 : vector<16xf32>
        %get3A_587 = arith.index_cast %scan3A_475 : i32 to index
        %get3A_588 = arith.constant 16 : index
        %get3A_589 = tpu.vector_load %arg13[%get3A_587, %get3A_588] {strides = array<i32>} : memref<40x128xf32, #tpu.memory_space<vmem>>, vector<1x16xf32>,
        %get3A_590 = vector.shape_cast %get3A_589 : vector<1x16xf32> to vector<16xf32>
        %get3A_591 = arith.constant 0 : i32
        %get3A_592 = arith.index_cast %get3A_591 : i32 to index
        %get3A_593 = arith.index_cast %scan3A_475 : i32 to index
        %get3A_594 = arith.constant 16 : index
        %get3A_595 = tpu.vector_load %arg11[%get3A_592, %get3A_593, %get3A_594] {strides = array<i32>} : memref<6x40x128xf32, #tpu.memory_space<vmem>>, vector<1x1x16xf32>,
        %get3A_596 = vector.shape_cast %get3A_595 : vector<1x1x16xf32> to vector<16xf32>
        %get3A_597 = arith.constant 0 : i32
        %get3A_598 = arith.index_cast %get3A_597 : i32 to index
        %get3A_599 = arith.index_cast %scan3A_475 : i32 to index
        %get3A_600 = arith.constant 16 : index
        %get3A_601 = tpu.vector_load %arg12[%get3A_598, %get3A_599, %get3A_600] {strides = array<i32>} : memref<6x40x128xf32, #tpu.memory_space<vmem>>, vector<1x1x16xf32>,
        %get3A_602 = vector.shape_cast %get3A_601 : vector<1x1x16xf32> to vector<16xf32>
        %mul3A_603 = arith.mulf %get3A_596, %get3A_602 : vector<16xf32>
        %add3A_604 = arith.addf %get3A_590, %mul3A_603 : vector<16xf32>
        %get3A_605 = arith.constant 1 : i32
        %get3A_606 = arith.index_cast %get3A_605 : i32 to index
        %get3A_607 = arith.index_cast %scan3A_475 : i32 to index
        %get3A_608 = arith.constant 16 : index
        %get3A_609 = tpu.vector_load %arg11[%get3A_606, %get3A_607, %get3A_608] {strides = array<i32>} : memref<6x40x128xf32, #tpu.memory_space<vmem>>, vector<1x1x16xf32>,
        %get3A_610 = vector.shape_cast %get3A_609 : vector<1x1x16xf32> to vector<16xf32>
        %get3A_611 = arith.constant 1 : i32
        %get3A_612 = arith.index_cast %get3A_611 : i32 to index
        %get3A_613 = arith.index_cast %scan3A_475 : i32 to index
        %get3A_614 = arith.constant 16 : index
        %get3A_615 = tpu.vector_load %arg12[%get3A_612, %get3A_613, %get3A_614] {strides = array<i32>} : memref<6x40x128xf32, #tpu.memory_space<vmem>>, vector<1x1x16xf32>,
        %get3A_616 = vector.shape_cast %get3A_615 : vector<1x1x16xf32> to vector<16xf32>
        %mul3A_617 = arith.mulf %get3A_610, %get3A_616 : vector<16xf32>
        %add3A_618 = arith.addf %add3A_604, %mul3A_617 : vector<16xf32>
        %get3A_619 = arith.constant 2 : i32
        %get3A_620 = arith.index_cast %get3A_619 : i32 to index
        %get3A_621 = arith.index_cast %scan3A_475 : i32 to index
        %get3A_622 = arith.constant 16 : index
        %get3A_623 = tpu.vector_load %arg11[%get3A_620, %get3A_621, %get3A_622] {strides = array<i32>} : memref<6x40x128xf32, #tpu.memory_space<vmem>>, vector<1x1x16xf32>,
        %get3A_624 = vector.shape_cast %get3A_623 : vector<1x1x16xf32> to vector<16xf32>
        %get3A_625 = arith.constant 2 : i32
        %get3A_626 = arith.index_cast %get3A_625 : i32 to index
        %get3A_627 = arith.index_cast %scan3A_475 : i32 to index
        %get3A_628 = arith.constant 16 : index
        %get3A_629 = tpu.vector_load %arg12[%get3A_626, %get3A_627, %get3A_628] {strides = array<i32>} : memref<6x40x128xf32, #tpu.memory_space<vmem>>, vector<1x1x16xf32>,
        %get3A_630 = vector.shape_cast %get3A_629 : vector<1x1x16xf32> to vector<16xf32>
        %mul3A_631 = arith.mulf %get3A_624, %get3A_630 : vector<16xf32>
        %add3A_632 = arith.addf %add3A_618, %mul3A_631 : vector<16xf32>
        %get3A_633 = arith.constant 3 : i32
        %get3A_634 = arith.index_cast %get3A_633 : i32 to index
        %get3A_635 = arith.index_cast %scan3A_475 : i32 to index
        %get3A_636 = arith.constant 16 : index
        %get3A_637 = tpu.vector_load %arg11[%get3A_634, %get3A_635, %get3A_636] {strides = array<i32>} : memref<6x40x128xf32, #tpu.memory_space<vmem>>, vector<1x1x16xf32>,
        %get3A_638 = vector.shape_cast %get3A_637 : vector<1x1x16xf32> to vector<16xf32>
        %get3A_639 = arith.constant 3 : i32
        %get3A_640 = arith.index_cast %get3A_639 : i32 to index
        %get3A_641 = arith.index_cast %scan3A_475 : i32 to index
        %get3A_642 = arith.constant 16 : index
        %get3A_643 = tpu.vector_load %arg12[%get3A_640, %get3A_641, %get3A_642] {strides = array<i32>} : memref<6x40x128xf32, #tpu.memory_space<vmem>>, vector<1x1x16xf32>,
        %get3A_644 = vector.shape_cast %get3A_643 : vector<1x1x16xf32> to vector<16xf32>
        %mul3A_645 = arith.mulf %get3A_638, %get3A_644 : vector<16xf32>
        %add3A_646 = arith.addf %add3A_632, %mul3A_645 : vector<16xf32>
        %get3A_647 = arith.constant 4 : i32
        %get3A_648 = arith.index_cast %get3A_647 : i32 to index
        %get3A_649 = arith.index_cast %scan3A_475 : i32 to index
        %get3A_650 = arith.constant 16 : index
        %get3A_651 = tpu.vector_load %arg11[%get3A_648, %get3A_649, %get3A_650] {strides = array<i32>} : memref<6x40x128xf32, #tpu.memory_space<vmem>>, vector<1x1x16xf32>,
        %get3A_652 = vector.shape_cast %get3A_651 : vector<1x1x16xf32> to vector<16xf32>
        %get3A_653 = arith.constant 4 : i32
        %get3A_654 = arith.index_cast %get3A_653 : i32 to index
        %get3A_655 = arith.index_cast %scan3A_475 : i32 to index
        %get3A_656 = arith.constant 16 : index
        %get3A_657 = tpu.vector_load %arg12[%get3A_654, %get3A_655, %get3A_656] {strides = array<i32>} : memref<6x40x128xf32, #tpu.memory_space<vmem>>, vector<1x1x16xf32>,
        %get3A_658 = vector.shape_cast %get3A_657 : vector<1x1x16xf32> to vector<16xf32>
        %mul3A_659 = arith.mulf %get3A_652, %get3A_658 : vector<16xf32>
        %add3A_660 = arith.addf %add3A_646, %mul3A_659 : vector<16xf32>
        %get3A_661 = arith.constant 5 : i32
        %get3A_662 = arith.index_cast %get3A_661 : i32 to index
        %get3A_663 = arith.index_cast %scan3A_475 : i32 to index
        %get3A_664 = arith.constant 16 : index
        %get3A_665 = tpu.vector_load %arg11[%get3A_662, %get3A_663, %get3A_664] {strides = array<i32>} : memref<6x40x128xf32, #tpu.memory_space<vmem>>, vector<1x1x16xf32>,
        %get3A_666 = vector.shape_cast %get3A_665 : vector<1x1x16xf32> to vector<16xf32>
        %get3A_667 = arith.constant 5 : i32
        %get3A_668 = arith.index_cast %get3A_667 : i32 to index
        %get3A_669 = arith.index_cast %scan3A_475 : i32 to index
        %get3A_670 = arith.constant 16 : index
        %get3A_671 = tpu.vector_load %arg12[%get3A_668, %get3A_669, %get3A_670] {strides = array<i32>} : memref<6x40x128xf32, #tpu.memory_space<vmem>>, vector<1x1x16xf32>,
        %get3A_672 = vector.shape_cast %get3A_671 : vector<1x1x16xf32> to vector<16xf32>
        %mul3A_673 = arith.mulf %get3A_666, %get3A_672 : vector<16xf32>
        %add3A_674 = arith.addf %add3A_660, %mul3A_673 : vector<16xf32>
        %swap3A_675 = arith.index_cast %scan3A_475 : i32 to index
        %swap3A_676 = arith.constant 16 : index
        %swap3A_677 = tpu.vector_load %arg13[%swap3A_675, %swap3A_676] {strides = array<i32>} : memref<40x128xf32, #tpu.memory_space<vmem>>, vector<1x16xf32>,
        %swap3A_678 = vector.shape_cast %swap3A_677 : vector<1x16xf32> to vector<16xf32>
        %swap3A_679 = vector.shape_cast %add3A_674 : vector<16xf32> to vector<1x16xf32>
        tpu.vector_store %arg13[%swap3A_675, %swap3A_676], %swap3A_679 {strides = array<i32>} : memref<40x128xf32, #tpu.memory_space<vmem>>, vector<1x16xf32>,
        %add3A_680 = arith.addf %scan3A_477, %add3A_674 : vector<16xf32>
        %mul3A_681 = arith.mulf %add3A_674, %add3A_674 : vector<16xf32>
        %add3A_682 = arith.addf %scan3A_485, %mul3A_681 : vector<16xf32>
        %get3A_683 = arith.index_cast %scan3A_475 : i32 to index
        %get3A_684 = arith.constant 32 : index
        %get3A_685 = tpu.vector_load %arg13[%get3A_683, %get3A_684] {strides = array<i32>} : memref<40x128xf32, #tpu.memory_space<vmem>>, vector<1x16xf32>,
        %get3A_686 = vector.shape_cast %get3A_685 : vector<1x16xf32> to vector<16xf32>
        %get3A_687 = arith.constant 0 : i32
        %get3A_688 = arith.index_cast %get3A_687 : i32 to index
        %get3A_689 = arith.index_cast %scan3A_475 : i32 to index
        %get3A_690 = arith.constant 32 : index
        %get3A_691 = tpu.vector_load %arg11[%get3A_688, %get3A_689, %get3A_690] {strides = array<i32>} : memref<6x40x128xf32, #tpu.memory_space<vmem>>, vector<1x1x16xf32>,
        %get3A_692 = vector.shape_cast %get3A_691 : vector<1x1x16xf32> to vector<16xf32>
        %get3A_693 = arith.constant 0 : i32
        %get3A_694 = arith.index_cast %get3A_693 : i32 to index
        %get3A_695 = arith.index_cast %scan3A_475 : i32 to index
        %get3A_696 = arith.constant 32 : index
        %get3A_697 = tpu.vector_load %arg12[%get3A_694, %get3A_695, %get3A_696] {strides = array<i32>} : memref<6x40x128xf32, #tpu.memory_space<vmem>>, vector<1x1x16xf32>,
        %get3A_698 = vector.shape_cast %get3A_697 : vector<1x1x16xf32> to vector<16xf32>
        %mul3A_699 = arith.mulf %get3A_692, %get3A_698 : vector<16xf32>
        %add3A_700 = arith.addf %get3A_686, %mul3A_699 : vector<16xf32>
        %get3A_701 = arith.constant 1 : i32
        %get3A_702 = arith.index_cast %get3A_701 : i32 to index
        %get3A_703 = arith.index_cast %scan3A_475 : i32 to index
        %get3A_704 = arith.constant 32 : index
        %get3A_705 = tpu.vector_load %arg11[%get3A_702, %get3A_703, %get3A_704] {strides = array<i32>} : memref<6x40x128xf32, #tpu.memory_space<vmem>>, vector<1x1x16xf32>,
        %get3A_706 = vector.shape_cast %get3A_705 : vector<1x1x16xf32> to vector<16xf32>
        %get3A_707 = arith.constant 1 : i32
        %get3A_708 = arith.index_cast %get3A_707 : i32 to index
        %get3A_709 = arith.index_cast %scan3A_475 : i32 to index
        %get3A_710 = arith.constant 32 : index
        %get3A_711 = tpu.vector_load %arg12[%get3A_708, %get3A_709, %get3A_710] {strides = array<i32>} : memref<6x40x128xf32, #tpu.memory_space<vmem>>, vector<1x1x16xf32>,
        %get3A_712 = vector.shape_cast %get3A_711 : vector<1x1x16xf32> to vector<16xf32>
        %mul3A_713 = arith.mulf %get3A_706, %get3A_712 : vector<16xf32>
        %add3A_714 = arith.addf %add3A_700, %mul3A_713 : vector<16xf32>
        %get3A_715 = arith.constant 2 : i32
        %get3A_716 = arith.index_cast %get3A_715 : i32 to index
        %get3A_717 = arith.index_cast %scan3A_475 : i32 to index
        %get3A_718 = arith.constant 32 : index
        %get3A_719 = tpu.vector_load %arg11[%get3A_716, %get3A_717, %get3A_718] {strides = array<i32>} : memref<6x40x128xf32, #tpu.memory_space<vmem>>, vector<1x1x16xf32>,
        %get3A_720 = vector.shape_cast %get3A_719 : vector<1x1x16xf32> to vector<16xf32>
        %get3A_721 = arith.constant 2 : i32
        %get3A_722 = arith.index_cast %get3A_721 : i32 to index
        %get3A_723 = arith.index_cast %scan3A_475 : i32 to index
        %get3A_724 = arith.constant 32 : index
        %get3A_725 = tpu.vector_load %arg12[%get3A_722, %get3A_723, %get3A_724] {strides = array<i32>} : memref<6x40x128xf32, #tpu.memory_space<vmem>>, vector<1x1x16xf32>,
        %get3A_726 = vector.shape_cast %get3A_725 : vector<1x1x16xf32> to vector<16xf32>
        %mul3A_727 = arith.mulf %get3A_720, %get3A_726 : vector<16xf32>
        %add3A_728 = arith.addf %add3A_714, %mul3A_727 : vector<16xf32>
        %get3A_729 = arith.constant 3 : i32
        %get3A_730 = arith.index_cast %get3A_729 : i32 to index
        %get3A_731 = arith.index_cast %scan3A_475 : i32 to index
        %get3A_732 = arith.constant 32 : index
        %get3A_733 = tpu.vector_load %arg11[%get3A_730, %get3A_731, %get3A_732] {strides = array<i32>} : memref<6x40x128xf32, #tpu.memory_space<vmem>>, vector<1x1x16xf32>,
        %get3A_734 = vector.shape_cast %get3A_733 : vector<1x1x16xf32> to vector<16xf32>
        %get3A_735 = arith.constant 3 : i32
        %get3A_736 = arith.index_cast %get3A_735 : i32 to index
        %get3A_737 = arith.index_cast %scan3A_475 : i32 to index
        %get3A_738 = arith.constant 32 : index
        %get3A_739 = tpu.vector_load %arg12[%get3A_736, %get3A_737, %get3A_738] {strides = array<i32>} : memref<6x40x128xf32, #tpu.memory_space<vmem>>, vector<1x1x16xf32>,
        %get3A_740 = vector.shape_cast %get3A_739 : vector<1x1x16xf32> to vector<16xf32>
        %mul3A_741 = arith.mulf %get3A_734, %get3A_740 : vector<16xf32>
        %add3A_742 = arith.addf %add3A_728, %mul3A_741 : vector<16xf32>
        %get3A_743 = arith.constant 4 : i32
        %get3A_744 = arith.index_cast %get3A_743 : i32 to index
        %get3A_745 = arith.index_cast %scan3A_475 : i32 to index
        %get3A_746 = arith.constant 32 : index
        %get3A_747 = tpu.vector_load %arg11[%get3A_744, %get3A_745, %get3A_746] {strides = array<i32>} : memref<6x40x128xf32, #tpu.memory_space<vmem>>, vector<1x1x16xf32>,
        %get3A_748 = vector.shape_cast %get3A_747 : vector<1x1x16xf32> to vector<16xf32>
        %get3A_749 = arith.constant 4 : i32
        %get3A_750 = arith.index_cast %get3A_749 : i32 to index
        %get3A_751 = arith.index_cast %scan3A_475 : i32 to index
        %get3A_752 = arith.constant 32 : index
        %get3A_753 = tpu.vector_load %arg12[%get3A_750, %get3A_751, %get3A_752] {strides = array<i32>} : memref<6x40x128xf32, #tpu.memory_space<vmem>>, vector<1x1x16xf32>,
        %get3A_754 = vector.shape_cast %get3A_753 : vector<1x1x16xf32> to vector<16xf32>
        %mul3A_755 = arith.mulf %get3A_748, %get3A_754 : vector<16xf32>
        %add3A_756 = arith.addf %add3A_742, %mul3A_755 : vector<16xf32>
        %get3A_757 = arith.constant 5 : i32
        %get3A_758 = arith.index_cast %get3A_757 : i32 to index
        %get3A_759 = arith.index_cast %scan3A_475 : i32 to index
        %get3A_760 = arith.constant 32 : index
        %get3A_761 = tpu.vector_load %arg11[%get3A_758, %get3A_759, %get3A_760] {strides = array<i32>} : memref<6x40x128xf32, #tpu.memory_space<vmem>>, vector<1x1x16xf32>,
        %get3A_762 = vector.shape_cast %get3A_761 : vector<1x1x16xf32> to vector<16xf32>
        %get3A_763 = arith.constant 5 : i32
        %get3A_764 = arith.index_cast %get3A_763 : i32 to index
        %get3A_765 = arith.index_cast %scan3A_475 : i32 to index
        %get3A_766 = arith.constant 32 : index
        %get3A_767 = tpu.vector_load %arg12[%get3A_764, %get3A_765, %get3A_766] {strides = array<i32>} : memref<6x40x128xf32, #tpu.memory_space<vmem>>, vector<1x1x16xf32>,
        %get3A_768 = vector.shape_cast %get3A_767 : vector<1x1x16xf32> to vector<16xf32>
        %mul3A_769 = arith.mulf %get3A_762, %get3A_768 : vector<16xf32>
        %add3A_770 = arith.addf %add3A_756, %mul3A_769 : vector<16xf32>
        %swap3A_771 = arith.index_cast %scan3A_475 : i32 to index
        %swap3A_772 = arith.constant 32 : index
        %swap3A_773 = tpu.vector_load %arg13[%swap3A_771, %swap3A_772] {strides = array<i32>} : memref<40x128xf32, #tpu.memory_space<vmem>>, vector<1x16xf32>,
        %swap3A_774 = vector.shape_cast %swap3A_773 : vector<1x16xf32> to vector<16xf32>
        %swap3A_775 = vector.shape_cast %add3A_770 : vector<16xf32> to vector<1x16xf32>
        tpu.vector_store %arg13[%swap3A_771, %swap3A_772], %swap3A_775 {strides = array<i32>} : memref<40x128xf32, #tpu.memory_space<vmem>>, vector<1x16xf32>,
        %add3A_776 = arith.addf %scan3A_478, %add3A_770 : vector<16xf32>
        %mul3A_777 = arith.mulf %add3A_770, %add3A_770 : vector<16xf32>
        %add3A_778 = arith.addf %scan3A_486, %mul3A_777 : vector<16xf32>
        %get3A_779 = arith.index_cast %scan3A_475 : i32 to index
        %get3A_780 = arith.constant 48 : index
        %get3A_781 = tpu.vector_load %arg13[%get3A_779, %get3A_780] {strides = array<i32>} : memref<40x128xf32, #tpu.memory_space<vmem>>, vector<1x16xf32>,
        %get3A_782 = vector.shape_cast %get3A_781 : vector<1x16xf32> to vector<16xf32>
        %get3A_783 = arith.constant 0 : i32
        %get3A_784 = arith.index_cast %get3A_783 : i32 to index
        %get3A_785 = arith.index_cast %scan3A_475 : i32 to index
        %get3A_786 = arith.constant 48 : index
        %get3A_787 = tpu.vector_load %arg11[%get3A_784, %get3A_785, %get3A_786] {strides = array<i32>} : memref<6x40x128xf32, #tpu.memory_space<vmem>>, vector<1x1x16xf32>,
        %get3A_788 = vector.shape_cast %get3A_787 : vector<1x1x16xf32> to vector<16xf32>
        %get3A_789 = arith.constant 0 : i32
        %get3A_790 = arith.index_cast %get3A_789 : i32 to index
        %get3A_791 = arith.index_cast %scan3A_475 : i32 to index
        %get3A_792 = arith.constant 48 : index
        %get3A_793 = tpu.vector_load %arg12[%get3A_790, %get3A_791, %get3A_792] {strides = array<i32>} : memref<6x40x128xf32, #tpu.memory_space<vmem>>, vector<1x1x16xf32>,
        %get3A_794 = vector.shape_cast %get3A_793 : vector<1x1x16xf32> to vector<16xf32>
        %mul3A_795 = arith.mulf %get3A_788, %get3A_794 : vector<16xf32>
        %add3A_796 = arith.addf %get3A_782, %mul3A_795 : vector<16xf32>
        %get3A_797 = arith.constant 1 : i32
        %get3A_798 = arith.index_cast %get3A_797 : i32 to index
        %get3A_799 = arith.index_cast %scan3A_475 : i32 to index
        %get3A_800 = arith.constant 48 : index
        %get3A_801 = tpu.vector_load %arg11[%get3A_798, %get3A_799, %get3A_800] {strides = array<i32>} : memref<6x40x128xf32, #tpu.memory_space<vmem>>, vector<1x1x16xf32>,
        %get3A_802 = vector.shape_cast %get3A_801 : vector<1x1x16xf32> to vector<16xf32>
        %get3A_803 = arith.constant 1 : i32
        %get3A_804 = arith.index_cast %get3A_803 : i32 to index
        %get3A_805 = arith.index_cast %scan3A_475 : i32 to index
        %get3A_806 = arith.constant 48 : index
        %get3A_807 = tpu.vector_load %arg12[%get3A_804, %get3A_805, %get3A_806] {strides = array<i32>} : memref<6x40x128xf32, #tpu.memory_space<vmem>>, vector<1x1x16xf32>,
        %get3A_808 = vector.shape_cast %get3A_807 : vector<1x1x16xf32> to vector<16xf32>
        %mul3A_809 = arith.mulf %get3A_802, %get3A_808 : vector<16xf32>
        %add3A_810 = arith.addf %add3A_796, %mul3A_809 : vector<16xf32>
        %get3A_811 = arith.constant 2 : i32
        %get3A_812 = arith.index_cast %get3A_811 : i32 to index
        %get3A_813 = arith.index_cast %scan3A_475 : i32 to index
        %get3A_814 = arith.constant 48 : index
        %get3A_815 = tpu.vector_load %arg11[%get3A_812, %get3A_813, %get3A_814] {strides = array<i32>} : memref<6x40x128xf32, #tpu.memory_space<vmem>>, vector<1x1x16xf32>,
        %get3A_816 = vector.shape_cast %get3A_815 : vector<1x1x16xf32> to vector<16xf32>
        %get3A_817 = arith.constant 2 : i32
        %get3A_818 = arith.index_cast %get3A_817 : i32 to index
        %get3A_819 = arith.index_cast %scan3A_475 : i32 to index
        %get3A_820 = arith.constant 48 : index
        %get3A_821 = tpu.vector_load %arg12[%get3A_818, %get3A_819, %get3A_820] {strides = array<i32>} : memref<6x40x128xf32, #tpu.memory_space<vmem>>, vector<1x1x16xf32>,
        %get3A_822 = vector.shape_cast %get3A_821 : vector<1x1x16xf32> to vector<16xf32>
        %mul3A_823 = arith.mulf %get3A_816, %get3A_822 : vector<16xf32>
        %add3A_824 = arith.addf %add3A_810, %mul3A_823 : vector<16xf32>
        %get3A_825 = arith.constant 3 : i32
        %get3A_826 = arith.index_cast %get3A_825 : i32 to index
        %get3A_827 = arith.index_cast %scan3A_475 : i32 to index
        %get3A_828 = arith.constant 48 : index
        %get3A_829 = tpu.vector_load %arg11[%get3A_826, %get3A_827, %get3A_828] {strides = array<i32>} : memref<6x40x128xf32, #tpu.memory_space<vmem>>, vector<1x1x16xf32>,
        %get3A_830 = vector.shape_cast %get3A_829 : vector<1x1x16xf32> to vector<16xf32>
        %get3A_831 = arith.constant 3 : i32
        %get3A_832 = arith.index_cast %get3A_831 : i32 to index
        %get3A_833 = arith.index_cast %scan3A_475 : i32 to index
        %get3A_834 = arith.constant 48 : index
        %get3A_835 = tpu.vector_load %arg12[%get3A_832, %get3A_833, %get3A_834] {strides = array<i32>} : memref<6x40x128xf32, #tpu.memory_space<vmem>>, vector<1x1x16xf32>,
        %get3A_836 = vector.shape_cast %get3A_835 : vector<1x1x16xf32> to vector<16xf32>
        %mul3A_837 = arith.mulf %get3A_830, %get3A_836 : vector<16xf32>
        %add3A_838 = arith.addf %add3A_824, %mul3A_837 : vector<16xf32>
        %get3A_839 = arith.constant 4 : i32
        %get3A_840 = arith.index_cast %get3A_839 : i32 to index
        %get3A_841 = arith.index_cast %scan3A_475 : i32 to index
        %get3A_842 = arith.constant 48 : index
        %get3A_843 = tpu.vector_load %arg11[%get3A_840, %get3A_841, %get3A_842] {strides = array<i32>} : memref<6x40x128xf32, #tpu.memory_space<vmem>>, vector<1x1x16xf32>,
        %get3A_844 = vector.shape_cast %get3A_843 : vector<1x1x16xf32> to vector<16xf32>
        %get3A_845 = arith.constant 4 : i32
        %get3A_846 = arith.index_cast %get3A_845 : i32 to index
        %get3A_847 = arith.index_cast %scan3A_475 : i32 to index
        %get3A_848 = arith.constant 48 : index
        %get3A_849 = tpu.vector_load %arg12[%get3A_846, %get3A_847, %get3A_848] {strides = array<i32>} : memref<6x40x128xf32, #tpu.memory_space<vmem>>, vector<1x1x16xf32>,
        %get3A_850 = vector.shape_cast %get3A_849 : vector<1x1x16xf32> to vector<16xf32>
        %mul3A_851 = arith.mulf %get3A_844, %get3A_850 : vector<16xf32>
        %add3A_852 = arith.addf %add3A_838, %mul3A_851 : vector<16xf32>
        %get3A_853 = arith.constant 5 : i32
        %get3A_854 = arith.index_cast %get3A_853 : i32 to index
        %get3A_855 = arith.index_cast %scan3A_475 : i32 to index
        %get3A_856 = arith.constant 48 : index
        %get3A_857 = tpu.vector_load %arg11[%get3A_854, %get3A_855, %get3A_856] {strides = array<i32>} : memref<6x40x128xf32, #tpu.memory_space<vmem>>, vector<1x1x16xf32>,
        %get3A_858 = vector.shape_cast %get3A_857 : vector<1x1x16xf32> to vector<16xf32>
        %get3A_859 = arith.constant 5 : i32
        %get3A_860 = arith.index_cast %get3A_859 : i32 to index
        %get3A_861 = arith.index_cast %scan3A_475 : i32 to index
        %get3A_862 = arith.constant 48 : index
        %get3A_863 = tpu.vector_load %arg12[%get3A_860, %get3A_861, %get3A_862] {strides = array<i32>} : memref<6x40x128xf32, #tpu.memory_space<vmem>>, vector<1x1x16xf32>,
        %get3A_864 = vector.shape_cast %get3A_863 : vector<1x1x16xf32> to vector<16xf32>
        %mul3A_865 = arith.mulf %get3A_858, %get3A_864 : vector<16xf32>
        %add3A_866 = arith.addf %add3A_852, %mul3A_865 : vector<16xf32>
        %swap3A_867 = arith.index_cast %scan3A_475 : i32 to index
        %swap3A_868 = arith.constant 48 : index
        %swap3A_869 = tpu.vector_load %arg13[%swap3A_867, %swap3A_868] {strides = array<i32>} : memref<40x128xf32, #tpu.memory_space<vmem>>, vector<1x16xf32>,
        %swap3A_870 = vector.shape_cast %swap3A_869 : vector<1x16xf32> to vector<16xf32>
        %swap3A_871 = vector.shape_cast %add3A_866 : vector<16xf32> to vector<1x16xf32>
        tpu.vector_store %arg13[%swap3A_867, %swap3A_868], %swap3A_871 {strides = array<i32>} : memref<40x128xf32, #tpu.memory_space<vmem>>, vector<1x16xf32>,
        %add3A_872 = arith.addf %scan3A_479, %add3A_866 : vector<16xf32>
        %mul3A_873 = arith.mulf %add3A_866, %add3A_866 : vector<16xf32>
        %add3A_874 = arith.addf %scan3A_487, %mul3A_873 : vector<16xf32>
        %get3A_875 = arith.index_cast %scan3A_475 : i32 to index
        %get3A_876 = arith.constant 64 : index
        %get3A_877 = tpu.vector_load %arg13[%get3A_875, %get3A_876] {strides = array<i32>} : memref<40x128xf32, #tpu.memory_space<vmem>>, vector<1x16xf32>,
        %get3A_878 = vector.shape_cast %get3A_877 : vector<1x16xf32> to vector<16xf32>
        %get3A_879 = arith.constant 0 : i32
        %get3A_880 = arith.index_cast %get3A_879 : i32 to index
        %get3A_881 = arith.index_cast %scan3A_475 : i32 to index
        %get3A_882 = arith.constant 64 : index
        %get3A_883 = tpu.vector_load %arg11[%get3A_880, %get3A_881, %get3A_882] {strides = array<i32>} : memref<6x40x128xf32, #tpu.memory_space<vmem>>, vector<1x1x16xf32>,
        %get3A_884 = vector.shape_cast %get3A_883 : vector<1x1x16xf32> to vector<16xf32>
        %get3A_885 = arith.constant 0 : i32
        %get3A_886 = arith.index_cast %get3A_885 : i32 to index
        %get3A_887 = arith.index_cast %scan3A_475 : i32 to index
        %get3A_888 = arith.constant 64 : index
        %get3A_889 = tpu.vector_load %arg12[%get3A_886, %get3A_887, %get3A_888] {strides = array<i32>} : memref<6x40x128xf32, #tpu.memory_space<vmem>>, vector<1x1x16xf32>,
        %get3A_890 = vector.shape_cast %get3A_889 : vector<1x1x16xf32> to vector<16xf32>
        %mul3A_891 = arith.mulf %get3A_884, %get3A_890 : vector<16xf32>
        %add3A_892 = arith.addf %get3A_878, %mul3A_891 : vector<16xf32>
        %get3A_893 = arith.constant 1 : i32
        %get3A_894 = arith.index_cast %get3A_893 : i32 to index
        %get3A_895 = arith.index_cast %scan3A_475 : i32 to index
        %get3A_896 = arith.constant 64 : index
        %get3A_897 = tpu.vector_load %arg11[%get3A_894, %get3A_895, %get3A_896] {strides = array<i32>} : memref<6x40x128xf32, #tpu.memory_space<vmem>>, vector<1x1x16xf32>,
        %get3A_898 = vector.shape_cast %get3A_897 : vector<1x1x16xf32> to vector<16xf32>
        %get3A_899 = arith.constant 1 : i32
        %get3A_900 = arith.index_cast %get3A_899 : i32 to index
        %get3A_901 = arith.index_cast %scan3A_475 : i32 to index
        %get3A_902 = arith.constant 64 : index
        %get3A_903 = tpu.vector_load %arg12[%get3A_900, %get3A_901, %get3A_902] {strides = array<i32>} : memref<6x40x128xf32, #tpu.memory_space<vmem>>, vector<1x1x16xf32>,
        %get3A_904 = vector.shape_cast %get3A_903 : vector<1x1x16xf32> to vector<16xf32>
        %mul3A_905 = arith.mulf %get3A_898, %get3A_904 : vector<16xf32>
        %add3A_906 = arith.addf %add3A_892, %mul3A_905 : vector<16xf32>
        %get3A_907 = arith.constant 2 : i32
        %get3A_908 = arith.index_cast %get3A_907 : i32 to index
        %get3A_909 = arith.index_cast %scan3A_475 : i32 to index
        %get3A_910 = arith.constant 64 : index
        %get3A_911 = tpu.vector_load %arg11[%get3A_908, %get3A_909, %get3A_910] {strides = array<i32>} : memref<6x40x128xf32, #tpu.memory_space<vmem>>, vector<1x1x16xf32>,
        %get3A_912 = vector.shape_cast %get3A_911 : vector<1x1x16xf32> to vector<16xf32>
        %get3A_913 = arith.constant 2 : i32
        %get3A_914 = arith.index_cast %get3A_913 : i32 to index
        %get3A_915 = arith.index_cast %scan3A_475 : i32 to index
        %get3A_916 = arith.constant 64 : index
        %get3A_917 = tpu.vector_load %arg12[%get3A_914, %get3A_915, %get3A_916] {strides = array<i32>} : memref<6x40x128xf32, #tpu.memory_space<vmem>>, vector<1x1x16xf32>,
        %get3A_918 = vector.shape_cast %get3A_917 : vector<1x1x16xf32> to vector<16xf32>
        %mul3A_919 = arith.mulf %get3A_912, %get3A_918 : vector<16xf32>
        %add3A_920 = arith.addf %add3A_906, %mul3A_919 : vector<16xf32>
        %get3A_921 = arith.constant 3 : i32
        %get3A_922 = arith.index_cast %get3A_921 : i32 to index
        %get3A_923 = arith.index_cast %scan3A_475 : i32 to index
        %get3A_924 = arith.constant 64 : index
        %get3A_925 = tpu.vector_load %arg11[%get3A_922, %get3A_923, %get3A_924] {strides = array<i32>} : memref<6x40x128xf32, #tpu.memory_space<vmem>>, vector<1x1x16xf32>,
        %get3A_926 = vector.shape_cast %get3A_925 : vector<1x1x16xf32> to vector<16xf32>
        %get3A_927 = arith.constant 3 : i32
        %get3A_928 = arith.index_cast %get3A_927 : i32 to index
        %get3A_929 = arith.index_cast %scan3A_475 : i32 to index
        %get3A_930 = arith.constant 64 : index
        %get3A_931 = tpu.vector_load %arg12[%get3A_928, %get3A_929, %get3A_930] {strides = array<i32>} : memref<6x40x128xf32, #tpu.memory_space<vmem>>, vector<1x1x16xf32>,
        %get3A_932 = vector.shape_cast %get3A_931 : vector<1x1x16xf32> to vector<16xf32>
        %mul3A_933 = arith.mulf %get3A_926, %get3A_932 : vector<16xf32>
        %add3A_934 = arith.addf %add3A_920, %mul3A_933 : vector<16xf32>
        %get3A_935 = arith.constant 4 : i32
        %get3A_936 = arith.index_cast %get3A_935 : i32 to index
        %get3A_937 = arith.index_cast %scan3A_475 : i32 to index
        %get3A_938 = arith.constant 64 : index
        %get3A_939 = tpu.vector_load %arg11[%get3A_936, %get3A_937, %get3A_938] {strides = array<i32>} : memref<6x40x128xf32, #tpu.memory_space<vmem>>, vector<1x1x16xf32>,
        %get3A_940 = vector.shape_cast %get3A_939 : vector<1x1x16xf32> to vector<16xf32>
        %get3A_941 = arith.constant 4 : i32
        %get3A_942 = arith.index_cast %get3A_941 : i32 to index
        %get3A_943 = arith.index_cast %scan3A_475 : i32 to index
        %get3A_944 = arith.constant 64 : index
        %get3A_945 = tpu.vector_load %arg12[%get3A_942, %get3A_943, %get3A_944] {strides = array<i32>} : memref<6x40x128xf32, #tpu.memory_space<vmem>>, vector<1x1x16xf32>,
        %get3A_946 = vector.shape_cast %get3A_945 : vector<1x1x16xf32> to vector<16xf32>
        %mul3A_947 = arith.mulf %get3A_940, %get3A_946 : vector<16xf32>
        %add3A_948 = arith.addf %add3A_934, %mul3A_947 : vector<16xf32>
        %get3A_949 = arith.constant 5 : i32
        %get3A_950 = arith.index_cast %get3A_949 : i32 to index
        %get3A_951 = arith.index_cast %scan3A_475 : i32 to index
        %get3A_952 = arith.constant 64 : index
        %get3A_953 = tpu.vector_load %arg11[%get3A_950, %get3A_951, %get3A_952] {strides = array<i32>} : memref<6x40x128xf32, #tpu.memory_space<vmem>>, vector<1x1x16xf32>,
        %get3A_954 = vector.shape_cast %get3A_953 : vector<1x1x16xf32> to vector<16xf32>
        %get3A_955 = arith.constant 5 : i32
        %get3A_956 = arith.index_cast %get3A_955 : i32 to index
        %get3A_957 = arith.index_cast %scan3A_475 : i32 to index
        %get3A_958 = arith.constant 64 : index
        %get3A_959 = tpu.vector_load %arg12[%get3A_956, %get3A_957, %get3A_958] {strides = array<i32>} : memref<6x40x128xf32, #tpu.memory_space<vmem>>, vector<1x1x16xf32>,
        %get3A_960 = vector.shape_cast %get3A_959 : vector<1x1x16xf32> to vector<16xf32>
        %mul3A_961 = arith.mulf %get3A_954, %get3A_960 : vector<16xf32>
        %add3A_962 = arith.addf %add3A_948, %mul3A_961 : vector<16xf32>
        %swap3A_963 = arith.index_cast %scan3A_475 : i32 to index
        %swap3A_964 = arith.constant 64 : index
        %swap3A_965 = tpu.vector_load %arg13[%swap3A_963, %swap3A_964] {strides = array<i32>} : memref<40x128xf32, #tpu.memory_space<vmem>>, vector<1x16xf32>,
        %swap3A_966 = vector.shape_cast %swap3A_965 : vector<1x16xf32> to vector<16xf32>
        %swap3A_967 = vector.shape_cast %add3A_962 : vector<16xf32> to vector<1x16xf32>
        tpu.vector_store %arg13[%swap3A_963, %swap3A_964], %swap3A_967 {strides = array<i32>} : memref<40x128xf32, #tpu.memory_space<vmem>>, vector<1x16xf32>,
        %add3A_968 = arith.addf %scan3A_480, %add3A_962 : vector<16xf32>
        %mul3A_969 = arith.mulf %add3A_962, %add3A_962 : vector<16xf32>
        %add3A_970 = arith.addf %scan3A_488, %mul3A_969 : vector<16xf32>
        %get3A_971 = arith.index_cast %scan3A_475 : i32 to index
        %get3A_972 = arith.constant 80 : index
        %get3A_973 = tpu.vector_load %arg13[%get3A_971, %get3A_972] {strides = array<i32>} : memref<40x128xf32, #tpu.memory_space<vmem>>, vector<1x16xf32>,
        %get3A_974 = vector.shape_cast %get3A_973 : vector<1x16xf32> to vector<16xf32>
        %get3A_975 = arith.constant 0 : i32
        %get3A_976 = arith.index_cast %get3A_975 : i32 to index
        %get3A_977 = arith.index_cast %scan3A_475 : i32 to index
        %get3A_978 = arith.constant 80 : index
        %get3A_979 = tpu.vector_load %arg11[%get3A_976, %get3A_977, %get3A_978] {strides = array<i32>} : memref<6x40x128xf32, #tpu.memory_space<vmem>>, vector<1x1x16xf32>,
        %get3A_980 = vector.shape_cast %get3A_979 : vector<1x1x16xf32> to vector<16xf32>
        %get3A_981 = arith.constant 0 : i32
        %get3A_982 = arith.index_cast %get3A_981 : i32 to index
        %get3A_983 = arith.index_cast %scan3A_475 : i32 to index
        %get3A_984 = arith.constant 80 : index
        %get3A_985 = tpu.vector_load %arg12[%get3A_982, %get3A_983, %get3A_984] {strides = array<i32>} : memref<6x40x128xf32, #tpu.memory_space<vmem>>, vector<1x1x16xf32>,
        %get3A_986 = vector.shape_cast %get3A_985 : vector<1x1x16xf32> to vector<16xf32>
        %mul3A_987 = arith.mulf %get3A_980, %get3A_986 : vector<16xf32>
        %add3A_988 = arith.addf %get3A_974, %mul3A_987 : vector<16xf32>
        %get3A_989 = arith.constant 1 : i32
        %get3A_990 = arith.index_cast %get3A_989 : i32 to index
        %get3A_991 = arith.index_cast %scan3A_475 : i32 to index
        %get3A_992 = arith.constant 80 : index
        %get3A_993 = tpu.vector_load %arg11[%get3A_990, %get3A_991, %get3A_992] {strides = array<i32>} : memref<6x40x128xf32, #tpu.memory_space<vmem>>, vector<1x1x16xf32>,
        %get3A_994 = vector.shape_cast %get3A_993 : vector<1x1x16xf32> to vector<16xf32>
        %get3A_995 = arith.constant 1 : i32
        %get3A_996 = arith.index_cast %get3A_995 : i32 to index
        %get3A_997 = arith.index_cast %scan3A_475 : i32 to index
        %get3A_998 = arith.constant 80 : index
        %get3A_999 = tpu.vector_load %arg12[%get3A_996, %get3A_997, %get3A_998] {strides = array<i32>} : memref<6x40x128xf32, #tpu.memory_space<vmem>>, vector<1x1x16xf32>,
        %get3A_1000 = vector.shape_cast %get3A_999 : vector<1x1x16xf32> to vector<16xf32>
        %mul3A_1001 = arith.mulf %get3A_994, %get3A_1000 : vector<16xf32>
        %add3A_1002 = arith.addf %add3A_988, %mul3A_1001 : vector<16xf32>
        %get3A_1003 = arith.constant 2 : i32
        %get3A_1004 = arith.index_cast %get3A_1003 : i32 to index
        %get3A_1005 = arith.index_cast %scan3A_475 : i32 to index
        %get3A_1006 = arith.constant 80 : index
        %get3A_1007 = tpu.vector_load %arg11[%get3A_1004, %get3A_1005, %get3A_1006] {strides = array<i32>} : memref<6x40x128xf32, #tpu.memory_space<vmem>>, vector<1x1x16xf32>,
        %get3A_1008 = vector.shape_cast %get3A_1007 : vector<1x1x16xf32> to vector<16xf32>
        %get3A_1009 = arith.constant 2 : i32
        %get3A_1010 = arith.index_cast %get3A_1009 : i32 to index
        %get3A_1011 = arith.index_cast %scan3A_475 : i32 to index
        %get3A_1012 = arith.constant 80 : index
        %get3A_1013 = tpu.vector_load %arg12[%get3A_1010, %get3A_1011, %get3A_1012] {strides = array<i32>} : memref<6x40x128xf32, #tpu.memory_space<vmem>>, vector<1x1x16xf32>,
        %get3A_1014 = vector.shape_cast %get3A_1013 : vector<1x1x16xf32> to vector<16xf32>
        %mul3A_1015 = arith.mulf %get3A_1008, %get3A_1014 : vector<16xf32>
        %add3A_1016 = arith.addf %add3A_1002, %mul3A_1015 : vector<16xf32>
        %get3A_1017 = arith.constant 3 : i32
        %get3A_1018 = arith.index_cast %get3A_1017 : i32 to index
        %get3A_1019 = arith.index_cast %scan3A_475 : i32 to index
        %get3A_1020 = arith.constant 80 : index
        %get3A_1021 = tpu.vector_load %arg11[%get3A_1018, %get3A_1019, %get3A_1020] {strides = array<i32>} : memref<6x40x128xf32, #tpu.memory_space<vmem>>, vector<1x1x16xf32>,
        %get3A_1022 = vector.shape_cast %get3A_1021 : vector<1x1x16xf32> to vector<16xf32>
        %get3A_1023 = arith.constant 3 : i32
        %get3A_1024 = arith.index_cast %get3A_1023 : i32 to index
        %get3A_1025 = arith.index_cast %scan3A_475 : i32 to index
        %get3A_1026 = arith.constant 80 : index
        %get3A_1027 = tpu.vector_load %arg12[%get3A_1024, %get3A_1025, %get3A_1026] {strides = array<i32>} : memref<6x40x128xf32, #tpu.memory_space<vmem>>, vector<1x1x16xf32>,
        %get3A_1028 = vector.shape_cast %get3A_1027 : vector<1x1x16xf32> to vector<16xf32>
        %mul3A_1029 = arith.mulf %get3A_1022, %get3A_1028 : vector<16xf32>
        %add3A_1030 = arith.addf %add3A_1016, %mul3A_1029 : vector<16xf32>
        %get3A_1031 = arith.constant 4 : i32
        %get3A_1032 = arith.index_cast %get3A_1031 : i32 to index
        %get3A_1033 = arith.index_cast %scan3A_475 : i32 to index
        %get3A_1034 = arith.constant 80 : index
        %get3A_1035 = tpu.vector_load %arg11[%get3A_1032, %get3A_1033, %get3A_1034] {strides = array<i32>} : memref<6x40x128xf32, #tpu.memory_space<vmem>>, vector<1x1x16xf32>,
        %get3A_1036 = vector.shape_cast %get3A_1035 : vector<1x1x16xf32> to vector<16xf32>
        %get3A_1037 = arith.constant 4 : i32
        %get3A_1038 = arith.index_cast %get3A_1037 : i32 to index
        %get3A_1039 = arith.index_cast %scan3A_475 : i32 to index
        %get3A_1040 = arith.constant 80 : index
        %get3A_1041 = tpu.vector_load %arg12[%get3A_1038, %get3A_1039, %get3A_1040] {strides = array<i32>} : memref<6x40x128xf32, #tpu.memory_space<vmem>>, vector<1x1x16xf32>,
        %get3A_1042 = vector.shape_cast %get3A_1041 : vector<1x1x16xf32> to vector<16xf32>
        %mul3A_1043 = arith.mulf %get3A_1036, %get3A_1042 : vector<16xf32>
        %add3A_1044 = arith.addf %add3A_1030, %mul3A_1043 : vector<16xf32>
        %get3A_1045 = arith.constant 5 : i32
        %get3A_1046 = arith.index_cast %get3A_1045 : i32 to index
        %get3A_1047 = arith.index_cast %scan3A_475 : i32 to index
        %get3A_1048 = arith.constant 80 : index
        %get3A_1049 = tpu.vector_load %arg11[%get3A_1046, %get3A_1047, %get3A_1048] {strides = array<i32>} : memref<6x40x128xf32, #tpu.memory_space<vmem>>, vector<1x1x16xf32>,
        %get3A_1050 = vector.shape_cast %get3A_1049 : vector<1x1x16xf32> to vector<16xf32>
        %get3A_1051 = arith.constant 5 : i32
        %get3A_1052 = arith.index_cast %get3A_1051 : i32 to index
        %get3A_1053 = arith.index_cast %scan3A_475 : i32 to index
        %get3A_1054 = arith.constant 80 : index
        %get3A_1055 = tpu.vector_load %arg12[%get3A_1052, %get3A_1053, %get3A_1054] {strides = array<i32>} : memref<6x40x128xf32, #tpu.memory_space<vmem>>, vector<1x1x16xf32>,
        %get3A_1056 = vector.shape_cast %get3A_1055 : vector<1x1x16xf32> to vector<16xf32>
        %mul3A_1057 = arith.mulf %get3A_1050, %get3A_1056 : vector<16xf32>
        %add3A_1058 = arith.addf %add3A_1044, %mul3A_1057 : vector<16xf32>
        %swap3A_1059 = arith.index_cast %scan3A_475 : i32 to index
        %swap3A_1060 = arith.constant 80 : index
        %swap3A_1061 = tpu.vector_load %arg13[%swap3A_1059, %swap3A_1060] {strides = array<i32>} : memref<40x128xf32, #tpu.memory_space<vmem>>, vector<1x16xf32>,
        %swap3A_1062 = vector.shape_cast %swap3A_1061 : vector<1x16xf32> to vector<16xf32>
        %swap3A_1063 = vector.shape_cast %add3A_1058 : vector<16xf32> to vector<1x16xf32>
        tpu.vector_store %arg13[%swap3A_1059, %swap3A_1060], %swap3A_1063 {strides = array<i32>} : memref<40x128xf32, #tpu.memory_space<vmem>>, vector<1x16xf32>,
        %add3A_1064 = arith.addf %scan3A_481, %add3A_1058 : vector<16xf32>
        %mul3A_1065 = arith.mulf %add3A_1058, %add3A_1058 : vector<16xf32>
        %add3A_1066 = arith.addf %scan3A_489, %mul3A_1065 : vector<16xf32>
        %get3A_1067 = arith.index_cast %scan3A_475 : i32 to index
        %get3A_1068 = arith.constant 96 : index
        %get3A_1069 = tpu.vector_load %arg13[%get3A_1067, %get3A_1068] {strides = array<i32>} : memref<40x128xf32, #tpu.memory_space<vmem>>, vector<1x16xf32>,
        %get3A_1070 = vector.shape_cast %get3A_1069 : vector<1x16xf32> to vector<16xf32>
        %get3A_1071 = arith.constant 0 : i32
        %get3A_1072 = arith.index_cast %get3A_1071 : i32 to index
        %get3A_1073 = arith.index_cast %scan3A_475 : i32 to index
        %get3A_1074 = arith.constant 96 : index
        %get3A_1075 = tpu.vector_load %arg11[%get3A_1072, %get3A_1073, %get3A_1074] {strides = array<i32>} : memref<6x40x128xf32, #tpu.memory_space<vmem>>, vector<1x1x16xf32>,
        %get3A_1076 = vector.shape_cast %get3A_1075 : vector<1x1x16xf32> to vector<16xf32>
        %get3A_1077 = arith.constant 0 : i32
        %get3A_1078 = arith.index_cast %get3A_1077 : i32 to index
        %get3A_1079 = arith.index_cast %scan3A_475 : i32 to index
        %get3A_1080 = arith.constant 96 : index
        %get3A_1081 = tpu.vector_load %arg12[%get3A_1078, %get3A_1079, %get3A_1080] {strides = array<i32>} : memref<6x40x128xf32, #tpu.memory_space<vmem>>, vector<1x1x16xf32>,
        %get3A_1082 = vector.shape_cast %get3A_1081 : vector<1x1x16xf32> to vector<16xf32>
        %mul3A_1083 = arith.mulf %get3A_1076, %get3A_1082 : vector<16xf32>
        %add3A_1084 = arith.addf %get3A_1070, %mul3A_1083 : vector<16xf32>
        %get3A_1085 = arith.constant 1 : i32
        %get3A_1086 = arith.index_cast %get3A_1085 : i32 to index
        %get3A_1087 = arith.index_cast %scan3A_475 : i32 to index
        %get3A_1088 = arith.constant 96 : index
        %get3A_1089 = tpu.vector_load %arg11[%get3A_1086, %get3A_1087, %get3A_1088] {strides = array<i32>} : memref<6x40x128xf32, #tpu.memory_space<vmem>>, vector<1x1x16xf32>,
        %get3A_1090 = vector.shape_cast %get3A_1089 : vector<1x1x16xf32> to vector<16xf32>
        %get3A_1091 = arith.constant 1 : i32
        %get3A_1092 = arith.index_cast %get3A_1091 : i32 to index
        %get3A_1093 = arith.index_cast %scan3A_475 : i32 to index
        %get3A_1094 = arith.constant 96 : index
        %get3A_1095 = tpu.vector_load %arg12[%get3A_1092, %get3A_1093, %get3A_1094] {strides = array<i32>} : memref<6x40x128xf32, #tpu.memory_space<vmem>>, vector<1x1x16xf32>,
        %get3A_1096 = vector.shape_cast %get3A_1095 : vector<1x1x16xf32> to vector<16xf32>
        %mul3A_1097 = arith.mulf %get3A_1090, %get3A_1096 : vector<16xf32>
        %add3A_1098 = arith.addf %add3A_1084, %mul3A_1097 : vector<16xf32>
        %get3A_1099 = arith.constant 2 : i32
        %get3A_1100 = arith.index_cast %get3A_1099 : i32 to index
        %get3A_1101 = arith.index_cast %scan3A_475 : i32 to index
        %get3A_1102 = arith.constant 96 : index
        %get3A_1103 = tpu.vector_load %arg11[%get3A_1100, %get3A_1101, %get3A_1102] {strides = array<i32>} : memref<6x40x128xf32, #tpu.memory_space<vmem>>, vector<1x1x16xf32>,
        %get3A_1104 = vector.shape_cast %get3A_1103 : vector<1x1x16xf32> to vector<16xf32>
        %get3A_1105 = arith.constant 2 : i32
        %get3A_1106 = arith.index_cast %get3A_1105 : i32 to index
        %get3A_1107 = arith.index_cast %scan3A_475 : i32 to index
        %get3A_1108 = arith.constant 96 : index
        %get3A_1109 = tpu.vector_load %arg12[%get3A_1106, %get3A_1107, %get3A_1108] {strides = array<i32>} : memref<6x40x128xf32, #tpu.memory_space<vmem>>, vector<1x1x16xf32>,
        %get3A_1110 = vector.shape_cast %get3A_1109 : vector<1x1x16xf32> to vector<16xf32>
        %mul3A_1111 = arith.mulf %get3A_1104, %get3A_1110 : vector<16xf32>
        %add3A_1112 = arith.addf %add3A_1098, %mul3A_1111 : vector<16xf32>
        %get3A_1113 = arith.constant 3 : i32
        %get3A_1114 = arith.index_cast %get3A_1113 : i32 to index
        %get3A_1115 = arith.index_cast %scan3A_475 : i32 to index
        %get3A_1116 = arith.constant 96 : index
        %get3A_1117 = tpu.vector_load %arg11[%get3A_1114, %get3A_1115, %get3A_1116] {strides = array<i32>} : memref<6x40x128xf32, #tpu.memory_space<vmem>>, vector<1x1x16xf32>,
        %get3A_1118 = vector.shape_cast %get3A_1117 : vector<1x1x16xf32> to vector<16xf32>
        %get3A_1119 = arith.constant 3 : i32
        %get3A_1120 = arith.index_cast %get3A_1119 : i32 to index
        %get3A_1121 = arith.index_cast %scan3A_475 : i32 to index
        %get3A_1122 = arith.constant 96 : index
        %get3A_1123 = tpu.vector_load %arg12[%get3A_1120, %get3A_1121, %get3A_1122] {strides = array<i32>} : memref<6x40x128xf32, #tpu.memory_space<vmem>>, vector<1x1x16xf32>,
        %get3A_1124 = vector.shape_cast %get3A_1123 : vector<1x1x16xf32> to vector<16xf32>
        %mul3A_1125 = arith.mulf %get3A_1118, %get3A_1124 : vector<16xf32>
        %add3A_1126 = arith.addf %add3A_1112, %mul3A_1125 : vector<16xf32>
        %get3A_1127 = arith.constant 4 : i32
        %get3A_1128 = arith.index_cast %get3A_1127 : i32 to index
        %get3A_1129 = arith.index_cast %scan3A_475 : i32 to index
        %get3A_1130 = arith.constant 96 : index
        %get3A_1131 = tpu.vector_load %arg11[%get3A_1128, %get3A_1129, %get3A_1130] {strides = array<i32>} : memref<6x40x128xf32, #tpu.memory_space<vmem>>, vector<1x1x16xf32>,
        %get3A_1132 = vector.shape_cast %get3A_1131 : vector<1x1x16xf32> to vector<16xf32>
        %get3A_1133 = arith.constant 4 : i32
        %get3A_1134 = arith.index_cast %get3A_1133 : i32 to index
        %get3A_1135 = arith.index_cast %scan3A_475 : i32 to index
        %get3A_1136 = arith.constant 96 : index
        %get3A_1137 = tpu.vector_load %arg12[%get3A_1134, %get3A_1135, %get3A_1136] {strides = array<i32>} : memref<6x40x128xf32, #tpu.memory_space<vmem>>, vector<1x1x16xf32>,
        %get3A_1138 = vector.shape_cast %get3A_1137 : vector<1x1x16xf32> to vector<16xf32>
        %mul3A_1139 = arith.mulf %get3A_1132, %get3A_1138 : vector<16xf32>
        %add3A_1140 = arith.addf %add3A_1126, %mul3A_1139 : vector<16xf32>
        %get3A_1141 = arith.constant 5 : i32
        %get3A_1142 = arith.index_cast %get3A_1141 : i32 to index
        %get3A_1143 = arith.index_cast %scan3A_475 : i32 to index
        %get3A_1144 = arith.constant 96 : index
        %get3A_1145 = tpu.vector_load %arg11[%get3A_1142, %get3A_1143, %get3A_1144] {strides = array<i32>} : memref<6x40x128xf32, #tpu.memory_space<vmem>>, vector<1x1x16xf32>,
        %get3A_1146 = vector.shape_cast %get3A_1145 : vector<1x1x16xf32> to vector<16xf32>
        %get3A_1147 = arith.constant 5 : i32
        %get3A_1148 = arith.index_cast %get3A_1147 : i32 to index
        %get3A_1149 = arith.index_cast %scan3A_475 : i32 to index
        %get3A_1150 = arith.constant 96 : index
        %get3A_1151 = tpu.vector_load %arg12[%get3A_1148, %get3A_1149, %get3A_1150] {strides = array<i32>} : memref<6x40x128xf32, #tpu.memory_space<vmem>>, vector<1x1x16xf32>,
        %get3A_1152 = vector.shape_cast %get3A_1151 : vector<1x1x16xf32> to vector<16xf32>
        %mul3A_1153 = arith.mulf %get3A_1146, %get3A_1152 : vector<16xf32>
        %add3A_1154 = arith.addf %add3A_1140, %mul3A_1153 : vector<16xf32>
        %swap3A_1155 = arith.index_cast %scan3A_475 : i32 to index
        %swap3A_1156 = arith.constant 96 : index
        %swap3A_1157 = tpu.vector_load %arg13[%swap3A_1155, %swap3A_1156] {strides = array<i32>} : memref<40x128xf32, #tpu.memory_space<vmem>>, vector<1x16xf32>,
        %swap3A_1158 = vector.shape_cast %swap3A_1157 : vector<1x16xf32> to vector<16xf32>
        %swap3A_1159 = vector.shape_cast %add3A_1154 : vector<16xf32> to vector<1x16xf32>
        tpu.vector_store %arg13[%swap3A_1155, %swap3A_1156], %swap3A_1159 {strides = array<i32>} : memref<40x128xf32, #tpu.memory_space<vmem>>, vector<1x16xf32>,
        %add3A_1160 = arith.addf %scan3A_482, %add3A_1154 : vector<16xf32>
        %mul3A_1161 = arith.mulf %add3A_1154, %add3A_1154 : vector<16xf32>
        %add3A_1162 = arith.addf %scan3A_490, %mul3A_1161 : vector<16xf32>
        %get3A_1163 = arith.index_cast %scan3A_475 : i32 to index
        %get3A_1164 = arith.constant 112 : index
        %get3A_1165 = tpu.vector_load %arg13[%get3A_1163, %get3A_1164] {strides = array<i32>} : memref<40x128xf32, #tpu.memory_space<vmem>>, vector<1x16xf32>,
        %get3A_1166 = vector.shape_cast %get3A_1165 : vector<1x16xf32> to vector<16xf32>
        %get3A_1167 = arith.constant 0 : i32
        %get3A_1168 = arith.index_cast %get3A_1167 : i32 to index
        %get3A_1169 = arith.index_cast %scan3A_475 : i32 to index
        %get3A_1170 = arith.constant 112 : index
        %get3A_1171 = tpu.vector_load %arg11[%get3A_1168, %get3A_1169, %get3A_1170] {strides = array<i32>} : memref<6x40x128xf32, #tpu.memory_space<vmem>>, vector<1x1x16xf32>,
        %get3A_1172 = vector.shape_cast %get3A_1171 : vector<1x1x16xf32> to vector<16xf32>
        %get3A_1173 = arith.constant 0 : i32
        %get3A_1174 = arith.index_cast %get3A_1173 : i32 to index
        %get3A_1175 = arith.index_cast %scan3A_475 : i32 to index
        %get3A_1176 = arith.constant 112 : index
        %get3A_1177 = tpu.vector_load %arg12[%get3A_1174, %get3A_1175, %get3A_1176] {strides = array<i32>} : memref<6x40x128xf32, #tpu.memory_space<vmem>>, vector<1x1x16xf32>,
        %get3A_1178 = vector.shape_cast %get3A_1177 : vector<1x1x16xf32> to vector<16xf32>
        %mul3A_1179 = arith.mulf %get3A_1172, %get3A_1178 : vector<16xf32>
        %add3A_1180 = arith.addf %get3A_1166, %mul3A_1179 : vector<16xf32>
        %get3A_1181 = arith.constant 1 : i32
        %get3A_1182 = arith.index_cast %get3A_1181 : i32 to index
        %get3A_1183 = arith.index_cast %scan3A_475 : i32 to index
        %get3A_1184 = arith.constant 112 : index
        %get3A_1185 = tpu.vector_load %arg11[%get3A_1182, %get3A_1183, %get3A_1184] {strides = array<i32>} : memref<6x40x128xf32, #tpu.memory_space<vmem>>, vector<1x1x16xf32>,
        %get3A_1186 = vector.shape_cast %get3A_1185 : vector<1x1x16xf32> to vector<16xf32>
        %get3A_1187 = arith.constant 1 : i32
        %get3A_1188 = arith.index_cast %get3A_1187 : i32 to index
        %get3A_1189 = arith.index_cast %scan3A_475 : i32 to index
        %get3A_1190 = arith.constant 112 : index
        %get3A_1191 = tpu.vector_load %arg12[%get3A_1188, %get3A_1189, %get3A_1190] {strides = array<i32>} : memref<6x40x128xf32, #tpu.memory_space<vmem>>, vector<1x1x16xf32>,
        %get3A_1192 = vector.shape_cast %get3A_1191 : vector<1x1x16xf32> to vector<16xf32>
        %mul3A_1193 = arith.mulf %get3A_1186, %get3A_1192 : vector<16xf32>
        %add3A_1194 = arith.addf %add3A_1180, %mul3A_1193 : vector<16xf32>
        %get3A_1195 = arith.constant 2 : i32
        %get3A_1196 = arith.index_cast %get3A_1195 : i32 to index
        %get3A_1197 = arith.index_cast %scan3A_475 : i32 to index
        %get3A_1198 = arith.constant 112 : index
        %get3A_1199 = tpu.vector_load %arg11[%get3A_1196, %get3A_1197, %get3A_1198] {strides = array<i32>} : memref<6x40x128xf32, #tpu.memory_space<vmem>>, vector<1x1x16xf32>,
        %get3A_1200 = vector.shape_cast %get3A_1199 : vector<1x1x16xf32> to vector<16xf32>
        %get3A_1201 = arith.constant 2 : i32
        %get3A_1202 = arith.index_cast %get3A_1201 : i32 to index
        %get3A_1203 = arith.index_cast %scan3A_475 : i32 to index
        %get3A_1204 = arith.constant 112 : index
        %get3A_1205 = tpu.vector_load %arg12[%get3A_1202, %get3A_1203, %get3A_1204] {strides = array<i32>} : memref<6x40x128xf32, #tpu.memory_space<vmem>>, vector<1x1x16xf32>,
        %get3A_1206 = vector.shape_cast %get3A_1205 : vector<1x1x16xf32> to vector<16xf32>
        %mul3A_1207 = arith.mulf %get3A_1200, %get3A_1206 : vector<16xf32>
        %add3A_1208 = arith.addf %add3A_1194, %mul3A_1207 : vector<16xf32>
        %get3A_1209 = arith.constant 3 : i32
        %get3A_1210 = arith.index_cast %get3A_1209 : i32 to index
        %get3A_1211 = arith.index_cast %scan3A_475 : i32 to index
        %get3A_1212 = arith.constant 112 : index
        %get3A_1213 = tpu.vector_load %arg11[%get3A_1210, %get3A_1211, %get3A_1212] {strides = array<i32>} : memref<6x40x128xf32, #tpu.memory_space<vmem>>, vector<1x1x16xf32>,
        %get3A_1214 = vector.shape_cast %get3A_1213 : vector<1x1x16xf32> to vector<16xf32>
        %get3A_1215 = arith.constant 3 : i32
        %get3A_1216 = arith.index_cast %get3A_1215 : i32 to index
        %get3A_1217 = arith.index_cast %scan3A_475 : i32 to index
        %get3A_1218 = arith.constant 112 : index
        %get3A_1219 = tpu.vector_load %arg12[%get3A_1216, %get3A_1217, %get3A_1218] {strides = array<i32>} : memref<6x40x128xf32, #tpu.memory_space<vmem>>, vector<1x1x16xf32>,
        %get3A_1220 = vector.shape_cast %get3A_1219 : vector<1x1x16xf32> to vector<16xf32>
        %mul3A_1221 = arith.mulf %get3A_1214, %get3A_1220 : vector<16xf32>
        %add3A_1222 = arith.addf %add3A_1208, %mul3A_1221 : vector<16xf32>
        %get3A_1223 = arith.constant 4 : i32
        %get3A_1224 = arith.index_cast %get3A_1223 : i32 to index
        %get3A_1225 = arith.index_cast %scan3A_475 : i32 to index
        %get3A_1226 = arith.constant 112 : index
        %get3A_1227 = tpu.vector_load %arg11[%get3A_1224, %get3A_1225, %get3A_1226] {strides = array<i32>} : memref<6x40x128xf32, #tpu.memory_space<vmem>>, vector<1x1x16xf32>,
        %get3A_1228 = vector.shape_cast %get3A_1227 : vector<1x1x16xf32> to vector<16xf32>
        %get3A_1229 = arith.constant 4 : i32
        %get3A_1230 = arith.index_cast %get3A_1229 : i32 to index
        %get3A_1231 = arith.index_cast %scan3A_475 : i32 to index
        %get3A_1232 = arith.constant 112 : index
        %get3A_1233 = tpu.vector_load %arg12[%get3A_1230, %get3A_1231, %get3A_1232] {strides = array<i32>} : memref<6x40x128xf32, #tpu.memory_space<vmem>>, vector<1x1x16xf32>,
        %get3A_1234 = vector.shape_cast %get3A_1233 : vector<1x1x16xf32> to vector<16xf32>
        %mul3A_1235 = arith.mulf %get3A_1228, %get3A_1234 : vector<16xf32>
        %add3A_1236 = arith.addf %add3A_1222, %mul3A_1235 : vector<16xf32>
        %get3A_1237 = arith.constant 5 : i32
        %get3A_1238 = arith.index_cast %get3A_1237 : i32 to index
        %get3A_1239 = arith.index_cast %scan3A_475 : i32 to index
        %get3A_1240 = arith.constant 112 : index
        %get3A_1241 = tpu.vector_load %arg11[%get3A_1238, %get3A_1239, %get3A_1240] {strides = array<i32>} : memref<6x40x128xf32, #tpu.memory_space<vmem>>, vector<1x1x16xf32>,
        %get3A_1242 = vector.shape_cast %get3A_1241 : vector<1x1x16xf32> to vector<16xf32>
        %get3A_1243 = arith.constant 5 : i32
        %get3A_1244 = arith.index_cast %get3A_1243 : i32 to index
        %get3A_1245 = arith.index_cast %scan3A_475 : i32 to index
        %get3A_1246 = arith.constant 112 : index
        %get3A_1247 = tpu.vector_load %arg12[%get3A_1244, %get3A_1245, %get3A_1246] {strides = array<i32>} : memref<6x40x128xf32, #tpu.memory_space<vmem>>, vector<1x1x16xf32>,
        %get3A_1248 = vector.shape_cast %get3A_1247 : vector<1x1x16xf32> to vector<16xf32>
        %mul3A_1249 = arith.mulf %get3A_1242, %get3A_1248 : vector<16xf32>
        %add3A_1250 = arith.addf %add3A_1236, %mul3A_1249 : vector<16xf32>
        %swap3A_1251 = arith.index_cast %scan3A_475 : i32 to index
        %swap3A_1252 = arith.constant 112 : index
        %swap3A_1253 = tpu.vector_load %arg13[%swap3A_1251, %swap3A_1252] {strides = array<i32>} : memref<40x128xf32, #tpu.memory_space<vmem>>, vector<1x16xf32>,
        %swap3A_1254 = vector.shape_cast %swap3A_1253 : vector<1x16xf32> to vector<16xf32>
        %swap3A_1255 = vector.shape_cast %add3A_1250 : vector<16xf32> to vector<1x16xf32>
        tpu.vector_store %arg13[%swap3A_1251, %swap3A_1252], %swap3A_1255 {strides = array<i32>} : memref<40x128xf32, #tpu.memory_space<vmem>>, vector<1x16xf32>,
        %add3A_1256 = arith.addf %scan3A_483, %add3A_1250 : vector<16xf32>
        %mul3A_1257 = arith.mulf %add3A_1250, %add3A_1250 : vector<16xf32>
        %add3A_1258 = arith.addf %scan3A_491, %mul3A_1257 : vector<16xf32>
        scf.yield %add3A_584, %add3A_680, %add3A_776, %add3A_872, %add3A_968, %add3A_1064, %add3A_1160, %add3A_1256, %add3A_586, %add3A_682, %add3A_778, %add3A_874, %add3A_970, %add3A_1066, %add3A_1162, %add3A_1258 : vector<16xf32>, vector<16xf32>, vector<16xf32>, vector<16xf32>, vector<16xf32>, vector<16xf32>, vector<16xf32>, vector<16xf32>, vector<16xf32>, vector<16xf32>, vector<16xf32>, vector<16xf32>, vector<16xf32>, vector<16xf32>, vector<16xf32>, vector<16xf32>
      }
      %scan3A_474 = arith.constant 40 : i32
      "tpu.region"() ({
        %run_scoped3A_475 = tpu.sem_alloc : memref<!tpu.dma_semaphore, #tpu.memory_space<semaphore_mem>>
        %dma_start3A_476 = arith.constant 0 : i32
        %dma_start3A_477 = tpu.memref_slice %arg7[%mul3A_148, %dma_start3A_476] : memref<50000x128xf32, #tpu.memory_space<hbm>> -> memref<40x128xf32, #tpu.memory_space<hbm>>
        %dma_start3A_478 = arith.constant 0 : i32
        %dma_start3A_479 = tpu.memref_slice %arg7[%mul3A_148, %dma_start3A_478] : memref<50000x128xf32, #tpu.memory_space<hbm>> -> memref<40x128xf32, #tpu.memory_space<hbm>>
        tpu.enqueue_dma source(%arg13 : memref<40x128xf32, #tpu.memory_space<vmem>>) target(%dma_start3A_479 : memref<40x128xf32, #tpu.memory_space<hbm>>) target_semaphore(%run_scoped3A_475 : memref<!tpu.dma_semaphore, #tpu.memory_space<semaphore_mem>>)
        %dma_wait3A_480 = arith.constant 0 : i32
        %dma_wait3A_481 = tpu.memref_slice %arg7[%mul3A_148, %dma_wait3A_480] : memref<50000x128xf32, #tpu.memory_space<hbm>> -> memref<40x128xf32, #tpu.memory_space<hbm>>
        %dma_wait3A_482 = arith.constant 0 : i32
        %dma_wait3A_483 = tpu.memref_slice %arg7[%mul3A_148, %dma_wait3A_482] : memref<50000x128xf32, #tpu.memory_space<hbm>> -> memref<40x128xf32, #tpu.memory_space<hbm>>
        tpu.wait_dma2 semaphore(%run_scoped3A_475 : memref<!tpu.dma_semaphore, #tpu.memory_space<semaphore_mem>>) src(%arg13 : memref<40x128xf32, #tpu.memory_space<vmem>>) dst(%dma_wait3A_483 : memref<40x128xf32, #tpu.memory_space<hbm>>)
        tpu.yield
      }) : () -> ()
      scf.yield %scan3A_473#0, %scan3A_473#1, %scan3A_473#2, %scan3A_473#3, %scan3A_473#4, %scan3A_473#5, %scan3A_473#6, %scan3A_473#7, %scan3A_473#8, %scan3A_473#9, %scan3A_473#10, %scan3A_473#11, %scan3A_473#12, %scan3A_473#13, %scan3A_473#14, %scan3A_473#15 : vector<16xf32>, vector<16xf32>, vector<16xf32>, vector<16xf32>, vector<16xf32>, vector<16xf32>, vector<16xf32>, vector<16xf32>, vector<16xf32>, vector<16xf32>, vector<16xf32>, vector<16xf32>, vector<16xf32>, vector<16xf32>, vector<16xf32>, vector<16xf32>
    }
    %while3A_30 = arith.constant 1 : i32
    %while3A_31:16 = scf.for %while3A_127 = %while3A_27 to %while3A_23 step %while3A_30 iter_args(%while3A_128 = %while3A_29#0, %while3A_129 = %while3A_29#1, %while3A_130 = %while3A_29#2, %while3A_131 = %while3A_29#3, %while3A_132 = %while3A_29#4, %while3A_133 = %while3A_29#5, %while3A_134 = %while3A_29#6, %while3A_135 = %while3A_29#7, %while3A_136 = %while3A_29#8, %while3A_137 = %while3A_29#9, %while3A_138 = %while3A_29#10, %while3A_139 = %while3A_29#11, %while3A_140 = %while3A_29#12, %while3A_141 = %while3A_29#13, %while3A_142 = %while3A_29#14, %while3A_143 = %while3A_29#15) -> (vector<16xf32>, vector<16xf32>, vector<16xf32>, vector<16xf32>, vector<16xf32>, vector<16xf32>, vector<16xf32>, vector<16xf32>, vector<16xf32>, vector<16xf32>, vector<16xf32>, vector<16xf32>, vector<16xf32>, vector<16xf32>, vector<16xf32>, vector<16xf32>)  : i32 {
      %mul3A_144 = arith.constant 32 : i32
      %mul3A_145 = arith.muli %while3A_127, %mul3A_144 : i32
      %add3A_146 = arith.addi %add3A, %mul3A_145 : i32
      %mul3A_147 = arith.constant 40 : i32
      %mul3A_148 = arith.muli %add3A_146, %mul3A_147 : i32
      %add3A_149 = arith.constant 0 : i32
      %add3A_150 = arith.addi %add3A_149, %mul3A_148 : i32
      %run_scoped3A = arith.constant 0 : i32
      "tpu.region"() ({
        %run_scoped3A_475 = tpu.sem_alloc : memref<!tpu.dma_semaphore, #tpu.memory_space<semaphore_mem>>
        %dma_start3A_476 = arith.constant 0 : i32
        %dma_start3A_477 = tpu.memref_slice %arg9[%run_scoped3A, %dma_start3A_476] : memref<6x40xi32, #tpu.memory_space<vmem>> -> memref<1x40xi32, #tpu.memory_space<vmem>>
        %dma_start3A_478 = tpu.memref_squeeze %dma_start3A_477 : memref<1x40xi32, #tpu.memory_space<vmem>> -> memref<40xi32, #tpu.memory_space<vmem>>
        %dma_start3A_479 = tpu.memref_slice %arg5[%add3A_150] : memref<300000xi32, #tpu.memory_space<hbm>> -> memref<40xi32, #tpu.memory_space<hbm>>
        %dma_start3A_480 = arith.constant 0 : i32
        %dma_start3A_481 = tpu.memref_slice %arg9[%run_scoped3A, %dma_start3A_480] : memref<6x40xi32, #tpu.memory_space<vmem>> -> memref<1x40xi32, #tpu.memory_space<vmem>>
        %dma_start3A_482 = tpu.memref_squeeze %dma_start3A_481 : memref<1x40xi32, #tpu.memory_space<vmem>> -> memref<40xi32, #tpu.memory_space<vmem>>
        %dma_start3A_483 = tpu.memref_slice %arg5[%add3A_150] : memref<300000xi32, #tpu.memory_space<hbm>> -> memref<40xi32, #tpu.memory_space<hbm>>
        tpu.enqueue_dma source(%dma_start3A_483 : memref<40xi32, #tpu.memory_space<hbm>>) target(%dma_start3A_482 : memref<40xi32, #tpu.memory_space<vmem>>) target_semaphore(%run_scoped3A_475 : memref<!tpu.dma_semaphore, #tpu.memory_space<semaphore_mem>>)
        %dma_wait3A_484 = arith.constant 0 : i32
        %dma_wait3A_485 = tpu.memref_slice %arg9[%run_scoped3A, %dma_wait3A_484] : memref<6x40xi32, #tpu.memory_space<vmem>> -> memref<1x40xi32, #tpu.memory_space<vmem>>
        %dma_wait3A_486 = tpu.memref_squeeze %dma_wait3A_485 : memref<1x40xi32, #tpu.memory_space<vmem>> -> memref<40xi32, #tpu.memory_space<vmem>>
        %dma_wait3A_487 = tpu.memref_slice %arg5[%add3A_150] : memref<300000xi32, #tpu.memory_space<hbm>> -> memref<40xi32, #tpu.memory_space<hbm>>
        %dma_wait3A_488 = arith.constant 0 : i32
        %dma_wait3A_489 = tpu.memref_slice %arg9[%run_scoped3A, %dma_wait3A_488] : memref<6x40xi32, #tpu.memory_space<vmem>> -> memref<1x40xi32, #tpu.memory_space<vmem>>
        %dma_wait3A_490 = tpu.memref_squeeze %dma_wait3A_489 : memref<1x40xi32, #tpu.memory_space<vmem>> -> memref<40xi32, #tpu.memory_space<vmem>>
        %dma_wait3A_491 = tpu.memref_slice %arg5[%add3A_150] : memref<300000xi32, #tpu.memory_space<hbm>> -> memref<40xi32, #tpu.memory_space<hbm>>
        tpu.wait_dma2 semaphore(%run_scoped3A_475 : memref<!tpu.dma_semaphore, #tpu.memory_space<semaphore_mem>>) src(%dma_wait3A_491 : memref<40xi32, #tpu.memory_space<hbm>>) dst(%dma_wait3A_490 : memref<40xi32, #tpu.memory_space<vmem>>)
        tpu.yield
      }) : () -> ()
      %add3A_151 = arith.constant 0 : i32
      %add3A_152 = arith.addi %add3A_151, %mul3A_148 : i32
      %run_scoped3A_153 = arith.constant 0 : i32
      "tpu.region"() ({
        %run_scoped3A_475 = tpu.sem_alloc : memref<!tpu.dma_semaphore, #tpu.memory_space<semaphore_mem>>
        %dma_start3A_476 = arith.constant 0 : i32
        %dma_start3A_477 = tpu.memref_slice %arg10[%run_scoped3A_153, %dma_start3A_476] : memref<6x40xi32, #tpu.memory_space<vmem>> -> memref<1x40xi32, #tpu.memory_space<vmem>>
        %dma_start3A_478 = tpu.memref_squeeze %dma_start3A_477 : memref<1x40xi32, #tpu.memory_space<vmem>> -> memref<40xi32, #tpu.memory_space<vmem>>
        %dma_start3A_479 = tpu.memref_slice %arg6[%add3A_152] : memref<300000xi32, #tpu.memory_space<hbm>> -> memref<40xi32, #tpu.memory_space<hbm>>
        %dma_start3A_480 = arith.constant 0 : i32
        %dma_start3A_481 = tpu.memref_slice %arg10[%run_scoped3A_153, %dma_start3A_480] : memref<6x40xi32, #tpu.memory_space<vmem>> -> memref<1x40xi32, #tpu.memory_space<vmem>>
        %dma_start3A_482 = tpu.memref_squeeze %dma_start3A_481 : memref<1x40xi32, #tpu.memory_space<vmem>> -> memref<40xi32, #tpu.memory_space<vmem>>
        %dma_start3A_483 = tpu.memref_slice %arg6[%add3A_152] : memref<300000xi32, #tpu.memory_space<hbm>> -> memref<40xi32, #tpu.memory_space<hbm>>
        tpu.enqueue_dma source(%dma_start3A_483 : memref<40xi32, #tpu.memory_space<hbm>>) target(%dma_start3A_482 : memref<40xi32, #tpu.memory_space<vmem>>) target_semaphore(%run_scoped3A_475 : memref<!tpu.dma_semaphore, #tpu.memory_space<semaphore_mem>>)
        %dma_wait3A_484 = arith.constant 0 : i32
        %dma_wait3A_485 = tpu.memref_slice %arg10[%run_scoped3A_153, %dma_wait3A_484] : memref<6x40xi32, #tpu.memory_space<vmem>> -> memref<1x40xi32, #tpu.memory_space<vmem>>
        %dma_wait3A_486 = tpu.memref_squeeze %dma_wait3A_485 : memref<1x40xi32, #tpu.memory_space<vmem>> -> memref<40xi32, #tpu.memory_space<vmem>>
        %dma_wait3A_487 = tpu.memref_slice %arg6[%add3A_152] : memref<300000xi32, #tpu.memory_space<hbm>> -> memref<40xi32, #tpu.memory_space<hbm>>
        %dma_wait3A_488 = arith.constant 0 : i32
        %dma_wait3A_489 = tpu.memref_slice %arg10[%run_scoped3A_153, %dma_wait3A_488] : memref<6x40xi32, #tpu.memory_space<vmem>> -> memref<1x40xi32, #tpu.memory_space<vmem>>
        %dma_wait3A_490 = tpu.memref_squeeze %dma_wait3A_489 : memref<1x40xi32, #tpu.memory_space<vmem>> -> memref<40xi32, #tpu.memory_space<vmem>>
        %dma_wait3A_491 = tpu.memref_slice %arg6[%add3A_152] : memref<300000xi32, #tpu.memory_space<hbm>> -> memref<40xi32, #tpu.memory_space<hbm>>
        tpu.wait_dma2 semaphore(%run_scoped3A_475 : memref<!tpu.dma_semaphore, #tpu.memory_space<semaphore_mem>>) src(%dma_wait3A_491 : memref<40xi32, #tpu.memory_space<hbm>>) dst(%dma_wait3A_490 : memref<40xi32, #tpu.memory_space<vmem>>)
        tpu.yield
      }) : () -> ()
      %add3A_154 = arith.constant 50000 : i32
      %add3A_155 = arith.addi %add3A_154, %mul3A_148 : i32
      %run_scoped3A_156 = arith.constant 1 : i32
      "tpu.region"() ({
        %run_scoped3A_475 = tpu.sem_alloc : memref<!tpu.dma_semaphore, #tpu.memory_space<semaphore_mem>>
        %dma_start3A_476 = arith.constant 0 : i32
        %dma_start3A_477 = tpu.memref_slice %arg9[%run_scoped3A_156, %dma_start3A_476] : memref<6x40xi32, #tpu.memory_space<vmem>> -> memref<1x40xi32, #tpu.memory_space<vmem>>
        %dma_start3A_478 = tpu.memref_squeeze %dma_start3A_477 : memref<1x40xi32, #tpu.memory_space<vmem>> -> memref<40xi32, #tpu.memory_space<vmem>>
        %dma_start3A_479 = tpu.memref_slice %arg5[%add3A_155] : memref<300000xi32, #tpu.memory_space<hbm>> -> memref<40xi32, #tpu.memory_space<hbm>>
        %dma_start3A_480 = arith.constant 0 : i32
        %dma_start3A_481 = tpu.memref_slice %arg9[%run_scoped3A_156, %dma_start3A_480] : memref<6x40xi32, #tpu.memory_space<vmem>> -> memref<1x40xi32, #tpu.memory_space<vmem>>
        %dma_start3A_482 = tpu.memref_squeeze %dma_start3A_481 : memref<1x40xi32, #tpu.memory_space<vmem>> -> memref<40xi32, #tpu.memory_space<vmem>>
        %dma_start3A_483 = tpu.memref_slice %arg5[%add3A_155] : memref<300000xi32, #tpu.memory_space<hbm>> -> memref<40xi32, #tpu.memory_space<hbm>>
        tpu.enqueue_dma source(%dma_start3A_483 : memref<40xi32, #tpu.memory_space<hbm>>) target(%dma_start3A_482 : memref<40xi32, #tpu.memory_space<vmem>>) target_semaphore(%run_scoped3A_475 : memref<!tpu.dma_semaphore, #tpu.memory_space<semaphore_mem>>)
        %dma_wait3A_484 = arith.constant 0 : i32
        %dma_wait3A_485 = tpu.memref_slice %arg9[%run_scoped3A_156, %dma_wait3A_484] : memref<6x40xi32, #tpu.memory_space<vmem>> -> memref<1x40xi32, #tpu.memory_space<vmem>>
        %dma_wait3A_486 = tpu.memref_squeeze %dma_wait3A_485 : memref<1x40xi32, #tpu.memory_space<vmem>> -> memref<40xi32, #tpu.memory_space<vmem>>
        %dma_wait3A_487 = tpu.memref_slice %arg5[%add3A_155] : memref<300000xi32, #tpu.memory_space<hbm>> -> memref<40xi32, #tpu.memory_space<hbm>>
        %dma_wait3A_488 = arith.constant 0 : i32
        %dma_wait3A_489 = tpu.memref_slice %arg9[%run_scoped3A_156, %dma_wait3A_488] : memref<6x40xi32, #tpu.memory_space<vmem>> -> memref<1x40xi32, #tpu.memory_space<vmem>>
        %dma_wait3A_490 = tpu.memref_squeeze %dma_wait3A_489 : memref<1x40xi32, #tpu.memory_space<vmem>> -> memref<40xi32, #tpu.memory_space<vmem>>
        %dma_wait3A_491 = tpu.memref_slice %arg5[%add3A_155] : memref<300000xi32, #tpu.memory_space<hbm>> -> memref<40xi32, #tpu.memory_space<hbm>>
        tpu.wait_dma2 semaphore(%run_scoped3A_475 : memref<!tpu.dma_semaphore, #tpu.memory_space<semaphore_mem>>) src(%dma_wait3A_491 : memref<40xi32, #tpu.memory_space<hbm>>) dst(%dma_wait3A_490 : memref<40xi32, #tpu.memory_space<vmem>>)
        tpu.yield
      }) : () -> ()
      %add3A_157 = arith.constant 50000 : i32
      %add3A_158 = arith.addi %add3A_157, %mul3A_148 : i32
      %run_scoped3A_159 = arith.constant 1 : i32
      "tpu.region"() ({
        %run_scoped3A_475 = tpu.sem_alloc : memref<!tpu.dma_semaphore, #tpu.memory_space<semaphore_mem>>
        %dma_start3A_476 = arith.constant 0 : i32
        %dma_start3A_477 = tpu.memref_slice %arg10[%run_scoped3A_159, %dma_start3A_476] : memref<6x40xi32, #tpu.memory_space<vmem>> -> memref<1x40xi32, #tpu.memory_space<vmem>>
        %dma_start3A_478 = tpu.memref_squeeze %dma_start3A_477 : memref<1x40xi32, #tpu.memory_space<vmem>> -> memref<40xi32, #tpu.memory_space<vmem>>
        %dma_start3A_479 = tpu.memref_slice %arg6[%add3A_158] : memref<300000xi32, #tpu.memory_space<hbm>> -> memref<40xi32, #tpu.memory_space<hbm>>
        %dma_start3A_480 = arith.constant 0 : i32
        %dma_start3A_481 = tpu.memref_slice %arg10[%run_scoped3A_159, %dma_start3A_480] : memref<6x40xi32, #tpu.memory_space<vmem>> -> memref<1x40xi32, #tpu.memory_space<vmem>>
        %dma_start3A_482 = tpu.memref_squeeze %dma_start3A_481 : memref<1x40xi32, #tpu.memory_space<vmem>> -> memref<40xi32, #tpu.memory_space<vmem>>
        %dma_start3A_483 = tpu.memref_slice %arg6[%add3A_158] : memref<300000xi32, #tpu.memory_space<hbm>> -> memref<40xi32, #tpu.memory_space<hbm>>
        tpu.enqueue_dma source(%dma_start3A_483 : memref<40xi32, #tpu.memory_space<hbm>>) target(%dma_start3A_482 : memref<40xi32, #tpu.memory_space<vmem>>) target_semaphore(%run_scoped3A_475 : memref<!tpu.dma_semaphore, #tpu.memory_space<semaphore_mem>>)
        %dma_wait3A_484 = arith.constant 0 : i32
        %dma_wait3A_485 = tpu.memref_slice %arg10[%run_scoped3A_159, %dma_wait3A_484] : memref<6x40xi32, #tpu.memory_space<vmem>> -> memref<1x40xi32, #tpu.memory_space<vmem>>
        %dma_wait3A_486 = tpu.memref_squeeze %dma_wait3A_485 : memref<1x40xi32, #tpu.memory_space<vmem>> -> memref<40xi32, #tpu.memory_space<vmem>>
        %dma_wait3A_487 = tpu.memref_slice %arg6[%add3A_158] : memref<300000xi32, #tpu.memory_space<hbm>> -> memref<40xi32, #tpu.memory_space<hbm>>
        %dma_wait3A_488 = arith.constant 0 : i32
        %dma_wait3A_489 = tpu.memref_slice %arg10[%run_scoped3A_159, %dma_wait3A_488] : memref<6x40xi32, #tpu.memory_space<vmem>> -> memref<1x40xi32, #tpu.memory_space<vmem>>
        %dma_wait3A_490 = tpu.memref_squeeze %dma_wait3A_489 : memref<1x40xi32, #tpu.memory_space<vmem>> -> memref<40xi32, #tpu.memory_space<vmem>>
        %dma_wait3A_491 = tpu.memref_slice %arg6[%add3A_158] : memref<300000xi32, #tpu.memory_space<hbm>> -> memref<40xi32, #tpu.memory_space<hbm>>
        tpu.wait_dma2 semaphore(%run_scoped3A_475 : memref<!tpu.dma_semaphore, #tpu.memory_space<semaphore_mem>>) src(%dma_wait3A_491 : memref<40xi32, #tpu.memory_space<hbm>>) dst(%dma_wait3A_490 : memref<40xi32, #tpu.memory_space<vmem>>)
        tpu.yield
      }) : () -> ()
      %add3A_160 = arith.constant 100000 : i32
      %add3A_161 = arith.addi %add3A_160, %mul3A_148 : i32
      %run_scoped3A_162 = arith.constant 2 : i32
      "tpu.region"() ({
        %run_scoped3A_475 = tpu.sem_alloc : memref<!tpu.dma_semaphore, #tpu.memory_space<semaphore_mem>>
        %dma_start3A_476 = arith.constant 0 : i32
        %dma_start3A_477 = tpu.memref_slice %arg9[%run_scoped3A_162, %dma_start3A_476] : memref<6x40xi32, #tpu.memory_space<vmem>> -> memref<1x40xi32, #tpu.memory_space<vmem>>
        %dma_start3A_478 = tpu.memref_squeeze %dma_start3A_477 : memref<1x40xi32, #tpu.memory_space<vmem>> -> memref<40xi32, #tpu.memory_space<vmem>>
        %dma_start3A_479 = tpu.memref_slice %arg5[%add3A_161] : memref<300000xi32, #tpu.memory_space<hbm>> -> memref<40xi32, #tpu.memory_space<hbm>>
        %dma_start3A_480 = arith.constant 0 : i32
        %dma_start3A_481 = tpu.memref_slice %arg9[%run_scoped3A_162, %dma_start3A_480] : memref<6x40xi32, #tpu.memory_space<vmem>> -> memref<1x40xi32, #tpu.memory_space<vmem>>
        %dma_start3A_482 = tpu.memref_squeeze %dma_start3A_481 : memref<1x40xi32, #tpu.memory_space<vmem>> -> memref<40xi32, #tpu.memory_space<vmem>>
        %dma_start3A_483 = tpu.memref_slice %arg5[%add3A_161] : memref<300000xi32, #tpu.memory_space<hbm>> -> memref<40xi32, #tpu.memory_space<hbm>>
        tpu.enqueue_dma source(%dma_start3A_483 : memref<40xi32, #tpu.memory_space<hbm>>) target(%dma_start3A_482 : memref<40xi32, #tpu.memory_space<vmem>>) target_semaphore(%run_scoped3A_475 : memref<!tpu.dma_semaphore, #tpu.memory_space<semaphore_mem>>)
        %dma_wait3A_484 = arith.constant 0 : i32
        %dma_wait3A_485 = tpu.memref_slice %arg9[%run_scoped3A_162, %dma_wait3A_484] : memref<6x40xi32, #tpu.memory_space<vmem>> -> memref<1x40xi32, #tpu.memory_space<vmem>>
        %dma_wait3A_486 = tpu.memref_squeeze %dma_wait3A_485 : memref<1x40xi32, #tpu.memory_space<vmem>> -> memref<40xi32, #tpu.memory_space<vmem>>
        %dma_wait3A_487 = tpu.memref_slice %arg5[%add3A_161] : memref<300000xi32, #tpu.memory_space<hbm>> -> memref<40xi32, #tpu.memory_space<hbm>>
        %dma_wait3A_488 = arith.constant 0 : i32
        %dma_wait3A_489 = tpu.memref_slice %arg9[%run_scoped3A_162, %dma_wait3A_488] : memref<6x40xi32, #tpu.memory_space<vmem>> -> memref<1x40xi32, #tpu.memory_space<vmem>>
        %dma_wait3A_490 = tpu.memref_squeeze %dma_wait3A_489 : memref<1x40xi32, #tpu.memory_space<vmem>> -> memref<40xi32, #tpu.memory_space<vmem>>
        %dma_wait3A_491 = tpu.memref_slice %arg5[%add3A_161] : memref<300000xi32, #tpu.memory_space<hbm>> -> memref<40xi32, #tpu.memory_space<hbm>>
        tpu.wait_dma2 semaphore(%run_scoped3A_475 : memref<!tpu.dma_semaphore, #tpu.memory_space<semaphore_mem>>) src(%dma_wait3A_491 : memref<40xi32, #tpu.memory_space<hbm>>) dst(%dma_wait3A_490 : memref<40xi32, #tpu.memory_space<vmem>>)
        tpu.yield
      }) : () -> ()
      %add3A_163 = arith.constant 100000 : i32
      %add3A_164 = arith.addi %add3A_163, %mul3A_148 : i32
      %run_scoped3A_165 = arith.constant 2 : i32
      "tpu.region"() ({
        %run_scoped3A_475 = tpu.sem_alloc : memref<!tpu.dma_semaphore, #tpu.memory_space<semaphore_mem>>
        %dma_start3A_476 = arith.constant 0 : i32
        %dma_start3A_477 = tpu.memref_slice %arg10[%run_scoped3A_165, %dma_start3A_476] : memref<6x40xi32, #tpu.memory_space<vmem>> -> memref<1x40xi32, #tpu.memory_space<vmem>>
        %dma_start3A_478 = tpu.memref_squeeze %dma_start3A_477 : memref<1x40xi32, #tpu.memory_space<vmem>> -> memref<40xi32, #tpu.memory_space<vmem>>
        %dma_start3A_479 = tpu.memref_slice %arg6[%add3A_164] : memref<300000xi32, #tpu.memory_space<hbm>> -> memref<40xi32, #tpu.memory_space<hbm>>
        %dma_start3A_480 = arith.constant 0 : i32
        %dma_start3A_481 = tpu.memref_slice %arg10[%run_scoped3A_165, %dma_start3A_480] : memref<6x40xi32, #tpu.memory_space<vmem>> -> memref<1x40xi32, #tpu.memory_space<vmem>>
        %dma_start3A_482 = tpu.memref_squeeze %dma_start3A_481 : memref<1x40xi32, #tpu.memory_space<vmem>> -> memref<40xi32, #tpu.memory_space<vmem>>
        %dma_start3A_483 = tpu.memref_slice %arg6[%add3A_164] : memref<300000xi32, #tpu.memory_space<hbm>> -> memref<40xi32, #tpu.memory_space<hbm>>
        tpu.enqueue_dma source(%dma_start3A_483 : memref<40xi32, #tpu.memory_space<hbm>>) target(%dma_start3A_482 : memref<40xi32, #tpu.memory_space<vmem>>) target_semaphore(%run_scoped3A_475 : memref<!tpu.dma_semaphore, #tpu.memory_space<semaphore_mem>>)
        %dma_wait3A_484 = arith.constant 0 : i32
        %dma_wait3A_485 = tpu.memref_slice %arg10[%run_scoped3A_165, %dma_wait3A_484] : memref<6x40xi32, #tpu.memory_space<vmem>> -> memref<1x40xi32, #tpu.memory_space<vmem>>
        %dma_wait3A_486 = tpu.memref_squeeze %dma_wait3A_485 : memref<1x40xi32, #tpu.memory_space<vmem>> -> memref<40xi32, #tpu.memory_space<vmem>>
        %dma_wait3A_487 = tpu.memref_slice %arg6[%add3A_164] : memref<300000xi32, #tpu.memory_space<hbm>> -> memref<40xi32, #tpu.memory_space<hbm>>
        %dma_wait3A_488 = arith.constant 0 : i32
        %dma_wait3A_489 = tpu.memref_slice %arg10[%run_scoped3A_165, %dma_wait3A_488] : memref<6x40xi32, #tpu.memory_space<vmem>> -> memref<1x40xi32, #tpu.memory_space<vmem>>
        %dma_wait3A_490 = tpu.memref_squeeze %dma_wait3A_489 : memref<1x40xi32, #tpu.memory_space<vmem>> -> memref<40xi32, #tpu.memory_space<vmem>>
        %dma_wait3A_491 = tpu.memref_slice %arg6[%add3A_164] : memref<300000xi32, #tpu.memory_space<hbm>> -> memref<40xi32, #tpu.memory_space<hbm>>
        tpu.wait_dma2 semaphore(%run_scoped3A_475 : memref<!tpu.dma_semaphore, #tpu.memory_space<semaphore_mem>>) src(%dma_wait3A_491 : memref<40xi32, #tpu.memory_space<hbm>>) dst(%dma_wait3A_490 : memref<40xi32, #tpu.memory_space<vmem>>)
        tpu.yield
      }) : () -> ()
      %add3A_166 = arith.constant 150000 : i32
      %add3A_167 = arith.addi %add3A_166, %mul3A_148 : i32
      %run_scoped3A_168 = arith.constant 3 : i32
      "tpu.region"() ({
        %run_scoped3A_475 = tpu.sem_alloc : memref<!tpu.dma_semaphore, #tpu.memory_space<semaphore_mem>>
        %dma_start3A_476 = arith.constant 0 : i32
        %dma_start3A_477 = tpu.memref_slice %arg9[%run_scoped3A_168, %dma_start3A_476] : memref<6x40xi32, #tpu.memory_space<vmem>> -> memref<1x40xi32, #tpu.memory_space<vmem>>
        %dma_start3A_478 = tpu.memref_squeeze %dma_start3A_477 : memref<1x40xi32, #tpu.memory_space<vmem>> -> memref<40xi32, #tpu.memory_space<vmem>>
        %dma_start3A_479 = tpu.memref_slice %arg5[%add3A_167] : memref<300000xi32, #tpu.memory_space<hbm>> -> memref<40xi32, #tpu.memory_space<hbm>>
        %dma_start3A_480 = arith.constant 0 : i32
        %dma_start3A_481 = tpu.memref_slice %arg9[%run_scoped3A_168, %dma_start3A_480] : memref<6x40xi32, #tpu.memory_space<vmem>> -> memref<1x40xi32, #tpu.memory_space<vmem>>
        %dma_start3A_482 = tpu.memref_squeeze %dma_start3A_481 : memref<1x40xi32, #tpu.memory_space<vmem>> -> memref<40xi32, #tpu.memory_space<vmem>>
        %dma_start3A_483 = tpu.memref_slice %arg5[%add3A_167] : memref<300000xi32, #tpu.memory_space<hbm>> -> memref<40xi32, #tpu.memory_space<hbm>>
        tpu.enqueue_dma source(%dma_start3A_483 : memref<40xi32, #tpu.memory_space<hbm>>) target(%dma_start3A_482 : memref<40xi32, #tpu.memory_space<vmem>>) target_semaphore(%run_scoped3A_475 : memref<!tpu.dma_semaphore, #tpu.memory_space<semaphore_mem>>)
        %dma_wait3A_484 = arith.constant 0 : i32
        %dma_wait3A_485 = tpu.memref_slice %arg9[%run_scoped3A_168, %dma_wait3A_484] : memref<6x40xi32, #tpu.memory_space<vmem>> -> memref<1x40xi32, #tpu.memory_space<vmem>>
        %dma_wait3A_486 = tpu.memref_squeeze %dma_wait3A_485 : memref<1x40xi32, #tpu.memory_space<vmem>> -> memref<40xi32, #tpu.memory_space<vmem>>
        %dma_wait3A_487 = tpu.memref_slice %arg5[%add3A_167] : memref<300000xi32, #tpu.memory_space<hbm>> -> memref<40xi32, #tpu.memory_space<hbm>>
        %dma_wait3A_488 = arith.constant 0 : i32
        %dma_wait3A_489 = tpu.memref_slice %arg9[%run_scoped3A_168, %dma_wait3A_488] : memref<6x40xi32, #tpu.memory_space<vmem>> -> memref<1x40xi32, #tpu.memory_space<vmem>>
        %dma_wait3A_490 = tpu.memref_squeeze %dma_wait3A_489 : memref<1x40xi32, #tpu.memory_space<vmem>> -> memref<40xi32, #tpu.memory_space<vmem>>
        %dma_wait3A_491 = tpu.memref_slice %arg5[%add3A_167] : memref<300000xi32, #tpu.memory_space<hbm>> -> memref<40xi32, #tpu.memory_space<hbm>>
        tpu.wait_dma2 semaphore(%run_scoped3A_475 : memref<!tpu.dma_semaphore, #tpu.memory_space<semaphore_mem>>) src(%dma_wait3A_491 : memref<40xi32, #tpu.memory_space<hbm>>) dst(%dma_wait3A_490 : memref<40xi32, #tpu.memory_space<vmem>>)
        tpu.yield
      }) : () -> ()
      %add3A_169 = arith.constant 150000 : i32
      %add3A_170 = arith.addi %add3A_169, %mul3A_148 : i32
      %run_scoped3A_171 = arith.constant 3 : i32
      "tpu.region"() ({
        %run_scoped3A_475 = tpu.sem_alloc : memref<!tpu.dma_semaphore, #tpu.memory_space<semaphore_mem>>
        %dma_start3A_476 = arith.constant 0 : i32
        %dma_start3A_477 = tpu.memref_slice %arg10[%run_scoped3A_171, %dma_start3A_476] : memref<6x40xi32, #tpu.memory_space<vmem>> -> memref<1x40xi32, #tpu.memory_space<vmem>>
        %dma_start3A_478 = tpu.memref_squeeze %dma_start3A_477 : memref<1x40xi32, #tpu.memory_space<vmem>> -> memref<40xi32, #tpu.memory_space<vmem>>
        %dma_start3A_479 = tpu.memref_slice %arg6[%add3A_170] : memref<300000xi32, #tpu.memory_space<hbm>> -> memref<40xi32, #tpu.memory_space<hbm>>
        %dma_start3A_480 = arith.constant 0 : i32
        %dma_start3A_481 = tpu.memref_slice %arg10[%run_scoped3A_171, %dma_start3A_480] : memref<6x40xi32, #tpu.memory_space<vmem>> -> memref<1x40xi32, #tpu.memory_space<vmem>>
        %dma_start3A_482 = tpu.memref_squeeze %dma_start3A_481 : memref<1x40xi32, #tpu.memory_space<vmem>> -> memref<40xi32, #tpu.memory_space<vmem>>
        %dma_start3A_483 = tpu.memref_slice %arg6[%add3A_170] : memref<300000xi32, #tpu.memory_space<hbm>> -> memref<40xi32, #tpu.memory_space<hbm>>
        tpu.enqueue_dma source(%dma_start3A_483 : memref<40xi32, #tpu.memory_space<hbm>>) target(%dma_start3A_482 : memref<40xi32, #tpu.memory_space<vmem>>) target_semaphore(%run_scoped3A_475 : memref<!tpu.dma_semaphore, #tpu.memory_space<semaphore_mem>>)
        %dma_wait3A_484 = arith.constant 0 : i32
        %dma_wait3A_485 = tpu.memref_slice %arg10[%run_scoped3A_171, %dma_wait3A_484] : memref<6x40xi32, #tpu.memory_space<vmem>> -> memref<1x40xi32, #tpu.memory_space<vmem>>
        %dma_wait3A_486 = tpu.memref_squeeze %dma_wait3A_485 : memref<1x40xi32, #tpu.memory_space<vmem>> -> memref<40xi32, #tpu.memory_space<vmem>>
        %dma_wait3A_487 = tpu.memref_slice %arg6[%add3A_170] : memref<300000xi32, #tpu.memory_space<hbm>> -> memref<40xi32, #tpu.memory_space<hbm>>
        %dma_wait3A_488 = arith.constant 0 : i32
        %dma_wait3A_489 = tpu.memref_slice %arg10[%run_scoped3A_171, %dma_wait3A_488] : memref<6x40xi32, #tpu.memory_space<vmem>> -> memref<1x40xi32, #tpu.memory_space<vmem>>
        %dma_wait3A_490 = tpu.memref_squeeze %dma_wait3A_489 : memref<1x40xi32, #tpu.memory_space<vmem>> -> memref<40xi32, #tpu.memory_space<vmem>>
        %dma_wait3A_491 = tpu.memref_slice %arg6[%add3A_170] : memref<300000xi32, #tpu.memory_space<hbm>> -> memref<40xi32, #tpu.memory_space<hbm>>
        tpu.wait_dma2 semaphore(%run_scoped3A_475 : memref<!tpu.dma_semaphore, #tpu.memory_space<semaphore_mem>>) src(%dma_wait3A_491 : memref<40xi32, #tpu.memory_space<hbm>>) dst(%dma_wait3A_490 : memref<40xi32, #tpu.memory_space<vmem>>)
        tpu.yield
      }) : () -> ()
      %add3A_172 = arith.constant 200000 : i32
      %add3A_173 = arith.addi %add3A_172, %mul3A_148 : i32
      %run_scoped3A_174 = arith.constant 4 : i32
      "tpu.region"() ({
        %run_scoped3A_475 = tpu.sem_alloc : memref<!tpu.dma_semaphore, #tpu.memory_space<semaphore_mem>>
        %dma_start3A_476 = arith.constant 0 : i32
        %dma_start3A_477 = tpu.memref_slice %arg9[%run_scoped3A_174, %dma_start3A_476] : memref<6x40xi32, #tpu.memory_space<vmem>> -> memref<1x40xi32, #tpu.memory_space<vmem>>
        %dma_start3A_478 = tpu.memref_squeeze %dma_start3A_477 : memref<1x40xi32, #tpu.memory_space<vmem>> -> memref<40xi32, #tpu.memory_space<vmem>>
        %dma_start3A_479 = tpu.memref_slice %arg5[%add3A_173] : memref<300000xi32, #tpu.memory_space<hbm>> -> memref<40xi32, #tpu.memory_space<hbm>>
        %dma_start3A_480 = arith.constant 0 : i32
        %dma_start3A_481 = tpu.memref_slice %arg9[%run_scoped3A_174, %dma_start3A_480] : memref<6x40xi32, #tpu.memory_space<vmem>> -> memref<1x40xi32, #tpu.memory_space<vmem>>
        %dma_start3A_482 = tpu.memref_squeeze %dma_start3A_481 : memref<1x40xi32, #tpu.memory_space<vmem>> -> memref<40xi32, #tpu.memory_space<vmem>>
        %dma_start3A_483 = tpu.memref_slice %arg5[%add3A_173] : memref<300000xi32, #tpu.memory_space<hbm>> -> memref<40xi32, #tpu.memory_space<hbm>>
        tpu.enqueue_dma source(%dma_start3A_483 : memref<40xi32, #tpu.memory_space<hbm>>) target(%dma_start3A_482 : memref<40xi32, #tpu.memory_space<vmem>>) target_semaphore(%run_scoped3A_475 : memref<!tpu.dma_semaphore, #tpu.memory_space<semaphore_mem>>)
        %dma_wait3A_484 = arith.constant 0 : i32
        %dma_wait3A_485 = tpu.memref_slice %arg9[%run_scoped3A_174, %dma_wait3A_484] : memref<6x40xi32, #tpu.memory_space<vmem>> -> memref<1x40xi32, #tpu.memory_space<vmem>>
        %dma_wait3A_486 = tpu.memref_squeeze %dma_wait3A_485 : memref<1x40xi32, #tpu.memory_space<vmem>> -> memref<40xi32, #tpu.memory_space<vmem>>
        %dma_wait3A_487 = tpu.memref_slice %arg5[%add3A_173] : memref<300000xi32, #tpu.memory_space<hbm>> -> memref<40xi32, #tpu.memory_space<hbm>>
        %dma_wait3A_488 = arith.constant 0 : i32
        %dma_wait3A_489 = tpu.memref_slice %arg9[%run_scoped3A_174, %dma_wait3A_488] : memref<6x40xi32, #tpu.memory_space<vmem>> -> memref<1x40xi32, #tpu.memory_space<vmem>>
        %dma_wait3A_490 = tpu.memref_squeeze %dma_wait3A_489 : memref<1x40xi32, #tpu.memory_space<vmem>> -> memref<40xi32, #tpu.memory_space<vmem>>
        %dma_wait3A_491 = tpu.memref_slice %arg5[%add3A_173] : memref<300000xi32, #tpu.memory_space<hbm>> -> memref<40xi32, #tpu.memory_space<hbm>>
        tpu.wait_dma2 semaphore(%run_scoped3A_475 : memref<!tpu.dma_semaphore, #tpu.memory_space<semaphore_mem>>) src(%dma_wait3A_491 : memref<40xi32, #tpu.memory_space<hbm>>) dst(%dma_wait3A_490 : memref<40xi32, #tpu.memory_space<vmem>>)
        tpu.yield
      }) : () -> ()
      %add3A_175 = arith.constant 200000 : i32
      %add3A_176 = arith.addi %add3A_175, %mul3A_148 : i32
      %run_scoped3A_177 = arith.constant 4 : i32
      "tpu.region"() ({
        %run_scoped3A_475 = tpu.sem_alloc : memref<!tpu.dma_semaphore, #tpu.memory_space<semaphore_mem>>
        %dma_start3A_476 = arith.constant 0 : i32
        %dma_start3A_477 = tpu.memref_slice %arg10[%run_scoped3A_177, %dma_start3A_476] : memref<6x40xi32, #tpu.memory_space<vmem>> -> memref<1x40xi32, #tpu.memory_space<vmem>>
        %dma_start3A_478 = tpu.memref_squeeze %dma_start3A_477 : memref<1x40xi32, #tpu.memory_space<vmem>> -> memref<40xi32, #tpu.memory_space<vmem>>
        %dma_start3A_479 = tpu.memref_slice %arg6[%add3A_176] : memref<300000xi32, #tpu.memory_space<hbm>> -> memref<40xi32, #tpu.memory_space<hbm>>
        %dma_start3A_480 = arith.constant 0 : i32
        %dma_start3A_481 = tpu.memref_slice %arg10[%run_scoped3A_177, %dma_start3A_480] : memref<6x40xi32, #tpu.memory_space<vmem>> -> memref<1x40xi32, #tpu.memory_space<vmem>>
        %dma_start3A_482 = tpu.memref_squeeze %dma_start3A_481 : memref<1x40xi32, #tpu.memory_space<vmem>> -> memref<40xi32, #tpu.memory_space<vmem>>
        %dma_start3A_483 = tpu.memref_slice %arg6[%add3A_176] : memref<300000xi32, #tpu.memory_space<hbm>> -> memref<40xi32, #tpu.memory_space<hbm>>
        tpu.enqueue_dma source(%dma_start3A_483 : memref<40xi32, #tpu.memory_space<hbm>>) target(%dma_start3A_482 : memref<40xi32, #tpu.memory_space<vmem>>) target_semaphore(%run_scoped3A_475 : memref<!tpu.dma_semaphore, #tpu.memory_space<semaphore_mem>>)
        %dma_wait3A_484 = arith.constant 0 : i32
        %dma_wait3A_485 = tpu.memref_slice %arg10[%run_scoped3A_177, %dma_wait3A_484] : memref<6x40xi32, #tpu.memory_space<vmem>> -> memref<1x40xi32, #tpu.memory_space<vmem>>
        %dma_wait3A_486 = tpu.memref_squeeze %dma_wait3A_485 : memref<1x40xi32, #tpu.memory_space<vmem>> -> memref<40xi32, #tpu.memory_space<vmem>>
        %dma_wait3A_487 = tpu.memref_slice %arg6[%add3A_176] : memref<300000xi32, #tpu.memory_space<hbm>> -> memref<40xi32, #tpu.memory_space<hbm>>
        %dma_wait3A_488 = arith.constant 0 : i32
        %dma_wait3A_489 = tpu.memref_slice %arg10[%run_scoped3A_177, %dma_wait3A_488] : memref<6x40xi32, #tpu.memory_space<vmem>> -> memref<1x40xi32, #tpu.memory_space<vmem>>
        %dma_wait3A_490 = tpu.memref_squeeze %dma_wait3A_489 : memref<1x40xi32, #tpu.memory_space<vmem>> -> memref<40xi32, #tpu.memory_space<vmem>>
        %dma_wait3A_491 = tpu.memref_slice %arg6[%add3A_176] : memref<300000xi32, #tpu.memory_space<hbm>> -> memref<40xi32, #tpu.memory_space<hbm>>
        tpu.wait_dma2 semaphore(%run_scoped3A_475 : memref<!tpu.dma_semaphore, #tpu.memory_space<semaphore_mem>>) src(%dma_wait3A_491 : memref<40xi32, #tpu.memory_space<hbm>>) dst(%dma_wait3A_490 : memref<40xi32, #tpu.memory_space<vmem>>)
        tpu.yield
      }) : () -> ()
      %add3A_178 = arith.constant 250000 : i32
      %add3A_179 = arith.addi %add3A_178, %mul3A_148 : i32
      %run_scoped3A_180 = arith.constant 5 : i32
      "tpu.region"() ({
        %run_scoped3A_475 = tpu.sem_alloc : memref<!tpu.dma_semaphore, #tpu.memory_space<semaphore_mem>>
        %dma_start3A_476 = arith.constant 0 : i32
        %dma_start3A_477 = tpu.memref_slice %arg9[%run_scoped3A_180, %dma_start3A_476] : memref<6x40xi32, #tpu.memory_space<vmem>> -> memref<1x40xi32, #tpu.memory_space<vmem>>
        %dma_start3A_478 = tpu.memref_squeeze %dma_start3A_477 : memref<1x40xi32, #tpu.memory_space<vmem>> -> memref<40xi32, #tpu.memory_space<vmem>>
        %dma_start3A_479 = tpu.memref_slice %arg5[%add3A_179] : memref<300000xi32, #tpu.memory_space<hbm>> -> memref<40xi32, #tpu.memory_space<hbm>>
        %dma_start3A_480 = arith.constant 0 : i32
        %dma_start3A_481 = tpu.memref_slice %arg9[%run_scoped3A_180, %dma_start3A_480] : memref<6x40xi32, #tpu.memory_space<vmem>> -> memref<1x40xi32, #tpu.memory_space<vmem>>
        %dma_start3A_482 = tpu.memref_squeeze %dma_start3A_481 : memref<1x40xi32, #tpu.memory_space<vmem>> -> memref<40xi32, #tpu.memory_space<vmem>>
        %dma_start3A_483 = tpu.memref_slice %arg5[%add3A_179] : memref<300000xi32, #tpu.memory_space<hbm>> -> memref<40xi32, #tpu.memory_space<hbm>>
        tpu.enqueue_dma source(%dma_start3A_483 : memref<40xi32, #tpu.memory_space<hbm>>) target(%dma_start3A_482 : memref<40xi32, #tpu.memory_space<vmem>>) target_semaphore(%run_scoped3A_475 : memref<!tpu.dma_semaphore, #tpu.memory_space<semaphore_mem>>)
        %dma_wait3A_484 = arith.constant 0 : i32
        %dma_wait3A_485 = tpu.memref_slice %arg9[%run_scoped3A_180, %dma_wait3A_484] : memref<6x40xi32, #tpu.memory_space<vmem>> -> memref<1x40xi32, #tpu.memory_space<vmem>>
        %dma_wait3A_486 = tpu.memref_squeeze %dma_wait3A_485 : memref<1x40xi32, #tpu.memory_space<vmem>> -> memref<40xi32, #tpu.memory_space<vmem>>
        %dma_wait3A_487 = tpu.memref_slice %arg5[%add3A_179] : memref<300000xi32, #tpu.memory_space<hbm>> -> memref<40xi32, #tpu.memory_space<hbm>>
        %dma_wait3A_488 = arith.constant 0 : i32
        %dma_wait3A_489 = tpu.memref_slice %arg9[%run_scoped3A_180, %dma_wait3A_488] : memref<6x40xi32, #tpu.memory_space<vmem>> -> memref<1x40xi32, #tpu.memory_space<vmem>>
        %dma_wait3A_490 = tpu.memref_squeeze %dma_wait3A_489 : memref<1x40xi32, #tpu.memory_space<vmem>> -> memref<40xi32, #tpu.memory_space<vmem>>
        %dma_wait3A_491 = tpu.memref_slice %arg5[%add3A_179] : memref<300000xi32, #tpu.memory_space<hbm>> -> memref<40xi32, #tpu.memory_space<hbm>>
        tpu.wait_dma2 semaphore(%run_scoped3A_475 : memref<!tpu.dma_semaphore, #tpu.memory_space<semaphore_mem>>) src(%dma_wait3A_491 : memref<40xi32, #tpu.memory_space<hbm>>) dst(%dma_wait3A_490 : memref<40xi32, #tpu.memory_space<vmem>>)
        tpu.yield
      }) : () -> ()
      %add3A_181 = arith.constant 250000 : i32
      %add3A_182 = arith.addi %add3A_181, %mul3A_148 : i32
      %run_scoped3A_183 = arith.constant 5 : i32
      "tpu.region"() ({
        %run_scoped3A_475 = tpu.sem_alloc : memref<!tpu.dma_semaphore, #tpu.memory_space<semaphore_mem>>
        %dma_start3A_476 = arith.constant 0 : i32
        %dma_start3A_477 = tpu.memref_slice %arg10[%run_scoped3A_183, %dma_start3A_476] : memref<6x40xi32, #tpu.memory_space<vmem>> -> memref<1x40xi32, #tpu.memory_space<vmem>>
        %dma_start3A_478 = tpu.memref_squeeze %dma_start3A_477 : memref<1x40xi32, #tpu.memory_space<vmem>> -> memref<40xi32, #tpu.memory_space<vmem>>
        %dma_start3A_479 = tpu.memref_slice %arg6[%add3A_182] : memref<300000xi32, #tpu.memory_space<hbm>> -> memref<40xi32, #tpu.memory_space<hbm>>
        %dma_start3A_480 = arith.constant 0 : i32
        %dma_start3A_481 = tpu.memref_slice %arg10[%run_scoped3A_183, %dma_start3A_480] : memref<6x40xi32, #tpu.memory_space<vmem>> -> memref<1x40xi32, #tpu.memory_space<vmem>>
        %dma_start3A_482 = tpu.memref_squeeze %dma_start3A_481 : memref<1x40xi32, #tpu.memory_space<vmem>> -> memref<40xi32, #tpu.memory_space<vmem>>
        %dma_start3A_483 = tpu.memref_slice %arg6[%add3A_182] : memref<300000xi32, #tpu.memory_space<hbm>> -> memref<40xi32, #tpu.memory_space<hbm>>
        tpu.enqueue_dma source(%dma_start3A_483 : memref<40xi32, #tpu.memory_space<hbm>>) target(%dma_start3A_482 : memref<40xi32, #tpu.memory_space<vmem>>) target_semaphore(%run_scoped3A_475 : memref<!tpu.dma_semaphore, #tpu.memory_space<semaphore_mem>>)
        %dma_wait3A_484 = arith.constant 0 : i32
        %dma_wait3A_485 = tpu.memref_slice %arg10[%run_scoped3A_183, %dma_wait3A_484] : memref<6x40xi32, #tpu.memory_space<vmem>> -> memref<1x40xi32, #tpu.memory_space<vmem>>
        %dma_wait3A_486 = tpu.memref_squeeze %dma_wait3A_485 : memref<1x40xi32, #tpu.memory_space<vmem>> -> memref<40xi32, #tpu.memory_space<vmem>>
        %dma_wait3A_487 = tpu.memref_slice %arg6[%add3A_182] : memref<300000xi32, #tpu.memory_space<hbm>> -> memref<40xi32, #tpu.memory_space<hbm>>
        %dma_wait3A_488 = arith.constant 0 : i32
        %dma_wait3A_489 = tpu.memref_slice %arg10[%run_scoped3A_183, %dma_wait3A_488] : memref<6x40xi32, #tpu.memory_space<vmem>> -> memref<1x40xi32, #tpu.memory_space<vmem>>
        %dma_wait3A_490 = tpu.memref_squeeze %dma_wait3A_489 : memref<1x40xi32, #tpu.memory_space<vmem>> -> memref<40xi32, #tpu.memory_space<vmem>>
        %dma_wait3A_491 = tpu.memref_slice %arg6[%add3A_182] : memref<300000xi32, #tpu.memory_space<hbm>> -> memref<40xi32, #tpu.memory_space<hbm>>
        tpu.wait_dma2 semaphore(%run_scoped3A_475 : memref<!tpu.dma_semaphore, #tpu.memory_space<semaphore_mem>>) src(%dma_wait3A_491 : memref<40xi32, #tpu.memory_space<hbm>>) dst(%dma_wait3A_490 : memref<40xi32, #tpu.memory_space<vmem>>)
        tpu.yield
      }) : () -> ()
      %dma_start3A = arith.constant 0 : i32
      %dma_start3A_184 = arith.constant 0 : i32
      %dma_start3A_185 = arith.constant 0 : i32
      %dma_start3A_186 = arith.constant 0 : i32
      %dma_start3A_187 = tpu.memref_slice %arg11[%dma_start3A_184, %dma_start3A_185, %dma_start3A_186] : memref<6x40x128xf32, #tpu.memory_space<vmem>> -> memref<1x40x128xf32, #tpu.memory_space<vmem>>
      %dma_start3A_188 = tpu.memref_squeeze %dma_start3A_187 : memref<1x40x128xf32, #tpu.memory_space<vmem>> -> memref<40x128xf32, #tpu.memory_space<vmem>>
      %dma_start3A_189 = arith.constant 0 : i32
      %dma_start3A_190 = tpu.memref_slice %arg9[%dma_start3A, %dma_start3A_189] : memref<6x40xi32, #tpu.memory_space<vmem>> -> memref<1x40xi32, #tpu.memory_space<vmem>>
      %dma_start3A_191 = tpu.memref_squeeze %dma_start3A_190 : memref<1x40xi32, #tpu.memory_space<vmem>> -> memref<40xi32, #tpu.memory_space<vmem>>
      %dma_start3A_192 = arith.constant 0 : i32
      %dma_start3A_193 = arith.constant 0 : i32
      %dma_start3A_194 = tpu.memref_slice %arg3[%dma_start3A_192, %dma_start3A_193] : memref<50000x128xf32, #tpu.memory_space<hbm>> -> memref<50000x128xf32, #tpu.memory_space<hbm>>
      tpu.enqueue_indirect_dma source(%dma_start3A_194 : memref<50000x128xf32, #tpu.memory_space<hbm>>) target(%dma_start3A_188 : memref<40x128xf32, #tpu.memory_space<vmem>>) offsets(%dma_start3A_191 : memref<40xi32, #tpu.memory_space<vmem>>) semaphore(%arg15 : memref<!tpu.dma_semaphore, #tpu.memory_space<semaphore_mem>>)
      %dma_start3A_195 = arith.constant 0 : i32
      %dma_start3A_196 = arith.constant 0 : i32
      %dma_start3A_197 = arith.constant 0 : i32
      %dma_start3A_198 = arith.constant 0 : i32
      %dma_start3A_199 = tpu.memref_slice %arg12[%dma_start3A_196, %dma_start3A_197, %dma_start3A_198] : memref<6x40x128xf32, #tpu.memory_space<vmem>> -> memref<1x40x128xf32, #tpu.memory_space<vmem>>
      %dma_start3A_200 = tpu.memref_squeeze %dma_start3A_199 : memref<1x40x128xf32, #tpu.memory_space<vmem>> -> memref<40x128xf32, #tpu.memory_space<vmem>>
      %dma_start3A_201 = arith.constant 0 : i32
      %dma_start3A_202 = tpu.memref_slice %arg10[%dma_start3A_195, %dma_start3A_201] : memref<6x40xi32, #tpu.memory_space<vmem>> -> memref<1x40xi32, #tpu.memory_space<vmem>>
      %dma_start3A_203 = tpu.memref_squeeze %dma_start3A_202 : memref<1x40xi32, #tpu.memory_space<vmem>> -> memref<40xi32, #tpu.memory_space<vmem>>
      %dma_start3A_204 = arith.constant 0 : i32
      %dma_start3A_205 = arith.constant 0 : i32
      %dma_start3A_206 = tpu.memref_slice %arg4[%dma_start3A_204, %dma_start3A_205] : memref<300000x128xf32, #tpu.memory_space<hbm>> -> memref<300000x128xf32, #tpu.memory_space<hbm>>
      tpu.enqueue_indirect_dma source(%dma_start3A_206 : memref<300000x128xf32, #tpu.memory_space<hbm>>) target(%dma_start3A_200 : memref<40x128xf32, #tpu.memory_space<vmem>>) offsets(%dma_start3A_203 : memref<40xi32, #tpu.memory_space<vmem>>) semaphore(%arg15 : memref<!tpu.dma_semaphore, #tpu.memory_space<semaphore_mem>>)
      %dma_start3A_207 = arith.constant 1 : i32
      %dma_start3A_208 = arith.constant 1 : i32
      %dma_start3A_209 = arith.constant 0 : i32
      %dma_start3A_210 = arith.constant 0 : i32
      %dma_start3A_211 = tpu.memref_slice %arg11[%dma_start3A_208, %dma_start3A_209, %dma_start3A_210] : memref<6x40x128xf32, #tpu.memory_space<vmem>> -> memref<1x40x128xf32, #tpu.memory_space<vmem>>
      %dma_start3A_212 = tpu.memref_squeeze %dma_start3A_211 : memref<1x40x128xf32, #tpu.memory_space<vmem>> -> memref<40x128xf32, #tpu.memory_space<vmem>>
      %dma_start3A_213 = arith.constant 0 : i32
      %dma_start3A_214 = tpu.memref_slice %arg9[%dma_start3A_207, %dma_start3A_213] : memref<6x40xi32, #tpu.memory_space<vmem>> -> memref<1x40xi32, #tpu.memory_space<vmem>>
      %dma_start3A_215 = tpu.memref_squeeze %dma_start3A_214 : memref<1x40xi32, #tpu.memory_space<vmem>> -> memref<40xi32, #tpu.memory_space<vmem>>
      %dma_start3A_216 = arith.constant 0 : i32
      %dma_start3A_217 = arith.constant 0 : i32
      %dma_start3A_218 = tpu.memref_slice %arg3[%dma_start3A_216, %dma_start3A_217] : memref<50000x128xf32, #tpu.memory_space<hbm>> -> memref<50000x128xf32, #tpu.memory_space<hbm>>
      tpu.enqueue_indirect_dma source(%dma_start3A_218 : memref<50000x128xf32, #tpu.memory_space<hbm>>) target(%dma_start3A_212 : memref<40x128xf32, #tpu.memory_space<vmem>>) offsets(%dma_start3A_215 : memref<40xi32, #tpu.memory_space<vmem>>) semaphore(%arg15 : memref<!tpu.dma_semaphore, #tpu.memory_space<semaphore_mem>>)
      %dma_start3A_219 = arith.constant 1 : i32
      %dma_start3A_220 = arith.constant 1 : i32
      %dma_start3A_221 = arith.constant 0 : i32
      %dma_start3A_222 = arith.constant 0 : i32
      %dma_start3A_223 = tpu.memref_slice %arg12[%dma_start3A_220, %dma_start3A_221, %dma_start3A_222] : memref<6x40x128xf32, #tpu.memory_space<vmem>> -> memref<1x40x128xf32, #tpu.memory_space<vmem>>
      %dma_start3A_224 = tpu.memref_squeeze %dma_start3A_223 : memref<1x40x128xf32, #tpu.memory_space<vmem>> -> memref<40x128xf32, #tpu.memory_space<vmem>>
      %dma_start3A_225 = arith.constant 0 : i32
      %dma_start3A_226 = tpu.memref_slice %arg10[%dma_start3A_219, %dma_start3A_225] : memref<6x40xi32, #tpu.memory_space<vmem>> -> memref<1x40xi32, #tpu.memory_space<vmem>>
      %dma_start3A_227 = tpu.memref_squeeze %dma_start3A_226 : memref<1x40xi32, #tpu.memory_space<vmem>> -> memref<40xi32, #tpu.memory_space<vmem>>
      %dma_start3A_228 = arith.constant 0 : i32
      %dma_start3A_229 = arith.constant 0 : i32
      %dma_start3A_230 = tpu.memref_slice %arg4[%dma_start3A_228, %dma_start3A_229] : memref<300000x128xf32, #tpu.memory_space<hbm>> -> memref<300000x128xf32, #tpu.memory_space<hbm>>
      tpu.enqueue_indirect_dma source(%dma_start3A_230 : memref<300000x128xf32, #tpu.memory_space<hbm>>) target(%dma_start3A_224 : memref<40x128xf32, #tpu.memory_space<vmem>>) offsets(%dma_start3A_227 : memref<40xi32, #tpu.memory_space<vmem>>) semaphore(%arg15 : memref<!tpu.dma_semaphore, #tpu.memory_space<semaphore_mem>>)
      %dma_start3A_231 = arith.constant 2 : i32
      %dma_start3A_232 = arith.constant 2 : i32
      %dma_start3A_233 = arith.constant 0 : i32
      %dma_start3A_234 = arith.constant 0 : i32
      %dma_start3A_235 = tpu.memref_slice %arg11[%dma_start3A_232, %dma_start3A_233, %dma_start3A_234] : memref<6x40x128xf32, #tpu.memory_space<vmem>> -> memref<1x40x128xf32, #tpu.memory_space<vmem>>
      %dma_start3A_236 = tpu.memref_squeeze %dma_start3A_235 : memref<1x40x128xf32, #tpu.memory_space<vmem>> -> memref<40x128xf32, #tpu.memory_space<vmem>>
      %dma_start3A_237 = arith.constant 0 : i32
      %dma_start3A_238 = tpu.memref_slice %arg9[%dma_start3A_231, %dma_start3A_237] : memref<6x40xi32, #tpu.memory_space<vmem>> -> memref<1x40xi32, #tpu.memory_space<vmem>>
      %dma_start3A_239 = tpu.memref_squeeze %dma_start3A_238 : memref<1x40xi32, #tpu.memory_space<vmem>> -> memref<40xi32, #tpu.memory_space<vmem>>
      %dma_start3A_240 = arith.constant 0 : i32
      %dma_start3A_241 = arith.constant 0 : i32
      %dma_start3A_242 = tpu.memref_slice %arg3[%dma_start3A_240, %dma_start3A_241] : memref<50000x128xf32, #tpu.memory_space<hbm>> -> memref<50000x128xf32, #tpu.memory_space<hbm>>
      tpu.enqueue_indirect_dma source(%dma_start3A_242 : memref<50000x128xf32, #tpu.memory_space<hbm>>) target(%dma_start3A_236 : memref<40x128xf32, #tpu.memory_space<vmem>>) offsets(%dma_start3A_239 : memref<40xi32, #tpu.memory_space<vmem>>) semaphore(%arg15 : memref<!tpu.dma_semaphore, #tpu.memory_space<semaphore_mem>>)
      %dma_start3A_243 = arith.constant 2 : i32
      %dma_start3A_244 = arith.constant 2 : i32
      %dma_start3A_245 = arith.constant 0 : i32
      %dma_start3A_246 = arith.constant 0 : i32
      %dma_start3A_247 = tpu.memref_slice %arg12[%dma_start3A_244, %dma_start3A_245, %dma_start3A_246] : memref<6x40x128xf32, #tpu.memory_space<vmem>> -> memref<1x40x128xf32, #tpu.memory_space<vmem>>
      %dma_start3A_248 = tpu.memref_squeeze %dma_start3A_247 : memref<1x40x128xf32, #tpu.memory_space<vmem>> -> memref<40x128xf32, #tpu.memory_space<vmem>>
      %dma_start3A_249 = arith.constant 0 : i32
      %dma_start3A_250 = tpu.memref_slice %arg10[%dma_start3A_243, %dma_start3A_249] : memref<6x40xi32, #tpu.memory_space<vmem>> -> memref<1x40xi32, #tpu.memory_space<vmem>>
      %dma_start3A_251 = tpu.memref_squeeze %dma_start3A_250 : memref<1x40xi32, #tpu.memory_space<vmem>> -> memref<40xi32, #tpu.memory_space<vmem>>
      %dma_start3A_252 = arith.constant 0 : i32
      %dma_start3A_253 = arith.constant 0 : i32
      %dma_start3A_254 = tpu.memref_slice %arg4[%dma_start3A_252, %dma_start3A_253] : memref<300000x128xf32, #tpu.memory_space<hbm>> -> memref<300000x128xf32, #tpu.memory_space<hbm>>
      tpu.enqueue_indirect_dma source(%dma_start3A_254 : memref<300000x128xf32, #tpu.memory_space<hbm>>) target(%dma_start3A_248 : memref<40x128xf32, #tpu.memory_space<vmem>>) offsets(%dma_start3A_251 : memref<40xi32, #tpu.memory_space<vmem>>) semaphore(%arg15 : memref<!tpu.dma_semaphore, #tpu.memory_space<semaphore_mem>>)
      %dma_start3A_255 = arith.constant 3 : i32
      %dma_start3A_256 = arith.constant 3 : i32
      %dma_start3A_257 = arith.constant 0 : i32
      %dma_start3A_258 = arith.constant 0 : i32
      %dma_start3A_259 = tpu.memref_slice %arg11[%dma_start3A_256, %dma_start3A_257, %dma_start3A_258] : memref<6x40x128xf32, #tpu.memory_space<vmem>> -> memref<1x40x128xf32, #tpu.memory_space<vmem>>
      %dma_start3A_260 = tpu.memref_squeeze %dma_start3A_259 : memref<1x40x128xf32, #tpu.memory_space<vmem>> -> memref<40x128xf32, #tpu.memory_space<vmem>>
      %dma_start3A_261 = arith.constant 0 : i32
      %dma_start3A_262 = tpu.memref_slice %arg9[%dma_start3A_255, %dma_start3A_261] : memref<6x40xi32, #tpu.memory_space<vmem>> -> memref<1x40xi32, #tpu.memory_space<vmem>>
      %dma_start3A_263 = tpu.memref_squeeze %dma_start3A_262 : memref<1x40xi32, #tpu.memory_space<vmem>> -> memref<40xi32, #tpu.memory_space<vmem>>
      %dma_start3A_264 = arith.constant 0 : i32
      %dma_start3A_265 = arith.constant 0 : i32
      %dma_start3A_266 = tpu.memref_slice %arg3[%dma_start3A_264, %dma_start3A_265] : memref<50000x128xf32, #tpu.memory_space<hbm>> -> memref<50000x128xf32, #tpu.memory_space<hbm>>
      tpu.enqueue_indirect_dma source(%dma_start3A_266 : memref<50000x128xf32, #tpu.memory_space<hbm>>) target(%dma_start3A_260 : memref<40x128xf32, #tpu.memory_space<vmem>>) offsets(%dma_start3A_263 : memref<40xi32, #tpu.memory_space<vmem>>) semaphore(%arg15 : memref<!tpu.dma_semaphore, #tpu.memory_space<semaphore_mem>>)
      %dma_start3A_267 = arith.constant 3 : i32
      %dma_start3A_268 = arith.constant 3 : i32
      %dma_start3A_269 = arith.constant 0 : i32
      %dma_start3A_270 = arith.constant 0 : i32
      %dma_start3A_271 = tpu.memref_slice %arg12[%dma_start3A_268, %dma_start3A_269, %dma_start3A_270] : memref<6x40x128xf32, #tpu.memory_space<vmem>> -> memref<1x40x128xf32, #tpu.memory_space<vmem>>
      %dma_start3A_272 = tpu.memref_squeeze %dma_start3A_271 : memref<1x40x128xf32, #tpu.memory_space<vmem>> -> memref<40x128xf32, #tpu.memory_space<vmem>>
      %dma_start3A_273 = arith.constant 0 : i32
      %dma_start3A_274 = tpu.memref_slice %arg10[%dma_start3A_267, %dma_start3A_273] : memref<6x40xi32, #tpu.memory_space<vmem>> -> memref<1x40xi32, #tpu.memory_space<vmem>>
      %dma_start3A_275 = tpu.memref_squeeze %dma_start3A_274 : memref<1x40xi32, #tpu.memory_space<vmem>> -> memref<40xi32, #tpu.memory_space<vmem>>
      %dma_start3A_276 = arith.constant 0 : i32
      %dma_start3A_277 = arith.constant 0 : i32
      %dma_start3A_278 = tpu.memref_slice %arg4[%dma_start3A_276, %dma_start3A_277] : memref<300000x128xf32, #tpu.memory_space<hbm>> -> memref<300000x128xf32, #tpu.memory_space<hbm>>
      tpu.enqueue_indirect_dma source(%dma_start3A_278 : memref<300000x128xf32, #tpu.memory_space<hbm>>) target(%dma_start3A_272 : memref<40x128xf32, #tpu.memory_space<vmem>>) offsets(%dma_start3A_275 : memref<40xi32, #tpu.memory_space<vmem>>) semaphore(%arg15 : memref<!tpu.dma_semaphore, #tpu.memory_space<semaphore_mem>>)
      %dma_start3A_279 = arith.constant 4 : i32
      %dma_start3A_280 = arith.constant 4 : i32
      %dma_start3A_281 = arith.constant 0 : i32
      %dma_start3A_282 = arith.constant 0 : i32
      %dma_start3A_283 = tpu.memref_slice %arg11[%dma_start3A_280, %dma_start3A_281, %dma_start3A_282] : memref<6x40x128xf32, #tpu.memory_space<vmem>> -> memref<1x40x128xf32, #tpu.memory_space<vmem>>
      %dma_start3A_284 = tpu.memref_squeeze %dma_start3A_283 : memref<1x40x128xf32, #tpu.memory_space<vmem>> -> memref<40x128xf32, #tpu.memory_space<vmem>>
      %dma_start3A_285 = arith.constant 0 : i32
      %dma_start3A_286 = tpu.memref_slice %arg9[%dma_start3A_279, %dma_start3A_285] : memref<6x40xi32, #tpu.memory_space<vmem>> -> memref<1x40xi32, #tpu.memory_space<vmem>>
      %dma_start3A_287 = tpu.memref_squeeze %dma_start3A_286 : memref<1x40xi32, #tpu.memory_space<vmem>> -> memref<40xi32, #tpu.memory_space<vmem>>
      %dma_start3A_288 = arith.constant 0 : i32
      %dma_start3A_289 = arith.constant 0 : i32
      %dma_start3A_290 = tpu.memref_slice %arg3[%dma_start3A_288, %dma_start3A_289] : memref<50000x128xf32, #tpu.memory_space<hbm>> -> memref<50000x128xf32, #tpu.memory_space<hbm>>
      tpu.enqueue_indirect_dma source(%dma_start3A_290 : memref<50000x128xf32, #tpu.memory_space<hbm>>) target(%dma_start3A_284 : memref<40x128xf32, #tpu.memory_space<vmem>>) offsets(%dma_start3A_287 : memref<40xi32, #tpu.memory_space<vmem>>) semaphore(%arg15 : memref<!tpu.dma_semaphore, #tpu.memory_space<semaphore_mem>>)
      %dma_start3A_291 = arith.constant 4 : i32
      %dma_start3A_292 = arith.constant 4 : i32
      %dma_start3A_293 = arith.constant 0 : i32
      %dma_start3A_294 = arith.constant 0 : i32
      %dma_start3A_295 = tpu.memref_slice %arg12[%dma_start3A_292, %dma_start3A_293, %dma_start3A_294] : memref<6x40x128xf32, #tpu.memory_space<vmem>> -> memref<1x40x128xf32, #tpu.memory_space<vmem>>
      %dma_start3A_296 = tpu.memref_squeeze %dma_start3A_295 : memref<1x40x128xf32, #tpu.memory_space<vmem>> -> memref<40x128xf32, #tpu.memory_space<vmem>>
      %dma_start3A_297 = arith.constant 0 : i32
      %dma_start3A_298 = tpu.memref_slice %arg10[%dma_start3A_291, %dma_start3A_297] : memref<6x40xi32, #tpu.memory_space<vmem>> -> memref<1x40xi32, #tpu.memory_space<vmem>>
      %dma_start3A_299 = tpu.memref_squeeze %dma_start3A_298 : memref<1x40xi32, #tpu.memory_space<vmem>> -> memref<40xi32, #tpu.memory_space<vmem>>
      %dma_start3A_300 = arith.constant 0 : i32
      %dma_start3A_301 = arith.constant 0 : i32
      %dma_start3A_302 = tpu.memref_slice %arg4[%dma_start3A_300, %dma_start3A_301] : memref<300000x128xf32, #tpu.memory_space<hbm>> -> memref<300000x128xf32, #tpu.memory_space<hbm>>
      tpu.enqueue_indirect_dma source(%dma_start3A_302 : memref<300000x128xf32, #tpu.memory_space<hbm>>) target(%dma_start3A_296 : memref<40x128xf32, #tpu.memory_space<vmem>>) offsets(%dma_start3A_299 : memref<40xi32, #tpu.memory_space<vmem>>) semaphore(%arg15 : memref<!tpu.dma_semaphore, #tpu.memory_space<semaphore_mem>>)
      %dma_start3A_303 = arith.constant 5 : i32
      %dma_start3A_304 = arith.constant 5 : i32
      %dma_start3A_305 = arith.constant 0 : i32
      %dma_start3A_306 = arith.constant 0 : i32
      %dma_start3A_307 = tpu.memref_slice %arg11[%dma_start3A_304, %dma_start3A_305, %dma_start3A_306] : memref<6x40x128xf32, #tpu.memory_space<vmem>> -> memref<1x40x128xf32, #tpu.memory_space<vmem>>
      %dma_start3A_308 = tpu.memref_squeeze %dma_start3A_307 : memref<1x40x128xf32, #tpu.memory_space<vmem>> -> memref<40x128xf32, #tpu.memory_space<vmem>>
      %dma_start3A_309 = arith.constant 0 : i32
      %dma_start3A_310 = tpu.memref_slice %arg9[%dma_start3A_303, %dma_start3A_309] : memref<6x40xi32, #tpu.memory_space<vmem>> -> memref<1x40xi32, #tpu.memory_space<vmem>>
      %dma_start3A_311 = tpu.memref_squeeze %dma_start3A_310 : memref<1x40xi32, #tpu.memory_space<vmem>> -> memref<40xi32, #tpu.memory_space<vmem>>
      %dma_start3A_312 = arith.constant 0 : i32
      %dma_start3A_313 = arith.constant 0 : i32
      %dma_start3A_314 = tpu.memref_slice %arg3[%dma_start3A_312, %dma_start3A_313] : memref<50000x128xf32, #tpu.memory_space<hbm>> -> memref<50000x128xf32, #tpu.memory_space<hbm>>
      tpu.enqueue_indirect_dma source(%dma_start3A_314 : memref<50000x128xf32, #tpu.memory_space<hbm>>) target(%dma_start3A_308 : memref<40x128xf32, #tpu.memory_space<vmem>>) offsets(%dma_start3A_311 : memref<40xi32, #tpu.memory_space<vmem>>) semaphore(%arg15 : memref<!tpu.dma_semaphore, #tpu.memory_space<semaphore_mem>>)
      %dma_start3A_315 = arith.constant 5 : i32
      %dma_start3A_316 = arith.constant 5 : i32
      %dma_start3A_317 = arith.constant 0 : i32
      %dma_start3A_318 = arith.constant 0 : i32
      %dma_start3A_319 = tpu.memref_slice %arg12[%dma_start3A_316, %dma_start3A_317, %dma_start3A_318] : memref<6x40x128xf32, #tpu.memory_space<vmem>> -> memref<1x40x128xf32, #tpu.memory_space<vmem>>
      %dma_start3A_320 = tpu.memref_squeeze %dma_start3A_319 : memref<1x40x128xf32, #tpu.memory_space<vmem>> -> memref<40x128xf32, #tpu.memory_space<vmem>>
      %dma_start3A_321 = arith.constant 0 : i32
      %dma_start3A_322 = tpu.memref_slice %arg10[%dma_start3A_315, %dma_start3A_321] : memref<6x40xi32, #tpu.memory_space<vmem>> -> memref<1x40xi32, #tpu.memory_space<vmem>>
      %dma_start3A_323 = tpu.memref_squeeze %dma_start3A_322 : memref<1x40xi32, #tpu.memory_space<vmem>> -> memref<40xi32, #tpu.memory_space<vmem>>
      %dma_start3A_324 = arith.constant 0 : i32
      %dma_start3A_325 = arith.constant 0 : i32
      %dma_start3A_326 = tpu.memref_slice %arg4[%dma_start3A_324, %dma_start3A_325] : memref<300000x128xf32, #tpu.memory_space<hbm>> -> memref<300000x128xf32, #tpu.memory_space<hbm>>
      tpu.enqueue_indirect_dma source(%dma_start3A_326 : memref<300000x128xf32, #tpu.memory_space<hbm>>) target(%dma_start3A_320 : memref<40x128xf32, #tpu.memory_space<vmem>>) offsets(%dma_start3A_323 : memref<40xi32, #tpu.memory_space<vmem>>) semaphore(%arg15 : memref<!tpu.dma_semaphore, #tpu.memory_space<semaphore_mem>>)
      "tpu.region"() ({
        %run_scoped3A_475 = tpu.sem_alloc : memref<!tpu.dma_semaphore, #tpu.memory_space<semaphore_mem>>
        %dma_start3A_476 = arith.constant 0 : i32
        %dma_start3A_477 = tpu.memref_slice %arg2[%mul3A_148, %dma_start3A_476] : memref<50000x128xf32, #tpu.memory_space<hbm>> -> memref<40x128xf32, #tpu.memory_space<hbm>>
        %dma_start3A_478 = arith.constant 0 : i32
        %dma_start3A_479 = tpu.memref_slice %arg2[%mul3A_148, %dma_start3A_478] : memref<50000x128xf32, #tpu.memory_space<hbm>> -> memref<40x128xf32, #tpu.memory_space<hbm>>
        tpu.enqueue_dma source(%dma_start3A_479 : memref<40x128xf32, #tpu.memory_space<hbm>>) target(%arg13 : memref<40x128xf32, #tpu.memory_space<vmem>>) target_semaphore(%run_scoped3A_475 : memref<!tpu.dma_semaphore, #tpu.memory_space<semaphore_mem>>)
        %dma_wait3A_480 = arith.constant 0 : i32
        %dma_wait3A_481 = tpu.memref_slice %arg2[%mul3A_148, %dma_wait3A_480] : memref<50000x128xf32, #tpu.memory_space<hbm>> -> memref<40x128xf32, #tpu.memory_space<hbm>>
        %dma_wait3A_482 = arith.constant 0 : i32
        %dma_wait3A_483 = tpu.memref_slice %arg2[%mul3A_148, %dma_wait3A_482] : memref<50000x128xf32, #tpu.memory_space<hbm>> -> memref<40x128xf32, #tpu.memory_space<hbm>>
        tpu.wait_dma2 semaphore(%run_scoped3A_475 : memref<!tpu.dma_semaphore, #tpu.memory_space<semaphore_mem>>) src(%dma_wait3A_483 : memref<40x128xf32, #tpu.memory_space<hbm>>) dst(%arg13 : memref<40x128xf32, #tpu.memory_space<vmem>>)
        tpu.yield
      }) : () -> ()
      %dma_wait3A = arith.constant 0 : i32
      %dma_wait3A_327 = arith.constant 0 : i32
      %dma_wait3A_328 = arith.constant 0 : i32
      %dma_wait3A_329 = arith.constant 0 : i32
      %dma_wait3A_330 = tpu.memref_slice %arg11[%dma_wait3A_327, %dma_wait3A_328, %dma_wait3A_329] : memref<6x40x128xf32, #tpu.memory_space<vmem>> -> memref<1x40x128xf32, #tpu.memory_space<vmem>>
      %dma_wait3A_331 = tpu.memref_squeeze %dma_wait3A_330 : memref<1x40x128xf32, #tpu.memory_space<vmem>> -> memref<40x128xf32, #tpu.memory_space<vmem>>
      %dma_wait3A_332 = arith.constant 0 : i32
      %dma_wait3A_333 = tpu.memref_slice %arg9[%dma_wait3A, %dma_wait3A_332] : memref<6x40xi32, #tpu.memory_space<vmem>> -> memref<1x40xi32, #tpu.memory_space<vmem>>
      %dma_wait3A_334 = tpu.memref_squeeze %dma_wait3A_333 : memref<1x40xi32, #tpu.memory_space<vmem>> -> memref<40xi32, #tpu.memory_space<vmem>>
      %dma_wait3A_335 = arith.constant 0 : i32
      %dma_wait3A_336 = arith.constant 0 : i32
      %dma_wait3A_337 = tpu.memref_slice %arg3[%dma_wait3A_335, %dma_wait3A_336] : memref<50000x128xf32, #tpu.memory_space<hbm>> -> memref<50000x128xf32, #tpu.memory_space<hbm>>
      tpu.wait_indirect_dma semaphore(%arg15 : memref<!tpu.dma_semaphore, #tpu.memory_space<semaphore_mem>>) src(%dma_wait3A_337 : memref<50000x128xf32, #tpu.memory_space<hbm>>) dst(%dma_wait3A_331 : memref<40x128xf32, #tpu.memory_space<vmem>>)
      %dma_wait3A_338 = arith.constant 0 : i32
      %dma_wait3A_339 = arith.constant 0 : i32
      %dma_wait3A_340 = arith.constant 0 : i32
      %dma_wait3A_341 = arith.constant 0 : i32
      %dma_wait3A_342 = tpu.memref_slice %arg12[%dma_wait3A_339, %dma_wait3A_340, %dma_wait3A_341] : memref<6x40x128xf32, #tpu.memory_space<vmem>> -> memref<1x40x128xf32, #tpu.memory_space<vmem>>
      %dma_wait3A_343 = tpu.memref_squeeze %dma_wait3A_342 : memref<1x40x128xf32, #tpu.memory_space<vmem>> -> memref<40x128xf32, #tpu.memory_space<vmem>>
      %dma_wait3A_344 = arith.constant 0 : i32
      %dma_wait3A_345 = tpu.memref_slice %arg10[%dma_wait3A_338, %dma_wait3A_344] : memref<6x40xi32, #tpu.memory_space<vmem>> -> memref<1x40xi32, #tpu.memory_space<vmem>>
      %dma_wait3A_346 = tpu.memref_squeeze %dma_wait3A_345 : memref<1x40xi32, #tpu.memory_space<vmem>> -> memref<40xi32, #tpu.memory_space<vmem>>
      %dma_wait3A_347 = arith.constant 0 : i32
      %dma_wait3A_348 = arith.constant 0 : i32
      %dma_wait3A_349 = tpu.memref_slice %arg4[%dma_wait3A_347, %dma_wait3A_348] : memref<300000x128xf32, #tpu.memory_space<hbm>> -> memref<300000x128xf32, #tpu.memory_space<hbm>>
      tpu.wait_indirect_dma semaphore(%arg15 : memref<!tpu.dma_semaphore, #tpu.memory_space<semaphore_mem>>) src(%dma_wait3A_349 : memref<300000x128xf32, #tpu.memory_space<hbm>>) dst(%dma_wait3A_343 : memref<40x128xf32, #tpu.memory_space<vmem>>)
      %dma_wait3A_350 = arith.constant 1 : i32
      %dma_wait3A_351 = arith.constant 1 : i32
      %dma_wait3A_352 = arith.constant 0 : i32
      %dma_wait3A_353 = arith.constant 0 : i32
      %dma_wait3A_354 = tpu.memref_slice %arg11[%dma_wait3A_351, %dma_wait3A_352, %dma_wait3A_353] : memref<6x40x128xf32, #tpu.memory_space<vmem>> -> memref<1x40x128xf32, #tpu.memory_space<vmem>>
      %dma_wait3A_355 = tpu.memref_squeeze %dma_wait3A_354 : memref<1x40x128xf32, #tpu.memory_space<vmem>> -> memref<40x128xf32, #tpu.memory_space<vmem>>
      %dma_wait3A_356 = arith.constant 0 : i32
      %dma_wait3A_357 = tpu.memref_slice %arg9[%dma_wait3A_350, %dma_wait3A_356] : memref<6x40xi32, #tpu.memory_space<vmem>> -> memref<1x40xi32, #tpu.memory_space<vmem>>
      %dma_wait3A_358 = tpu.memref_squeeze %dma_wait3A_357 : memref<1x40xi32, #tpu.memory_space<vmem>> -> memref<40xi32, #tpu.memory_space<vmem>>
      %dma_wait3A_359 = arith.constant 0 : i32
      %dma_wait3A_360 = arith.constant 0 : i32
      %dma_wait3A_361 = tpu.memref_slice %arg3[%dma_wait3A_359, %dma_wait3A_360] : memref<50000x128xf32, #tpu.memory_space<hbm>> -> memref<50000x128xf32, #tpu.memory_space<hbm>>
      tpu.wait_indirect_dma semaphore(%arg15 : memref<!tpu.dma_semaphore, #tpu.memory_space<semaphore_mem>>) src(%dma_wait3A_361 : memref<50000x128xf32, #tpu.memory_space<hbm>>) dst(%dma_wait3A_355 : memref<40x128xf32, #tpu.memory_space<vmem>>)
      %dma_wait3A_362 = arith.constant 1 : i32
      %dma_wait3A_363 = arith.constant 1 : i32
      %dma_wait3A_364 = arith.constant 0 : i32
      %dma_wait3A_365 = arith.constant 0 : i32
      %dma_wait3A_366 = tpu.memref_slice %arg12[%dma_wait3A_363, %dma_wait3A_364, %dma_wait3A_365] : memref<6x40x128xf32, #tpu.memory_space<vmem>> -> memref<1x40x128xf32, #tpu.memory_space<vmem>>
      %dma_wait3A_367 = tpu.memref_squeeze %dma_wait3A_366 : memref<1x40x128xf32, #tpu.memory_space<vmem>> -> memref<40x128xf32, #tpu.memory_space<vmem>>
      %dma_wait3A_368 = arith.constant 0 : i32
      %dma_wait3A_369 = tpu.memref_slice %arg10[%dma_wait3A_362, %dma_wait3A_368] : memref<6x40xi32, #tpu.memory_space<vmem>> -> memref<1x40xi32, #tpu.memory_space<vmem>>
      %dma_wait3A_370 = tpu.memref_squeeze %dma_wait3A_369 : memref<1x40xi32, #tpu.memory_space<vmem>> -> memref<40xi32, #tpu.memory_space<vmem>>
      %dma_wait3A_371 = arith.constant 0 : i32
      %dma_wait3A_372 = arith.constant 0 : i32
      %dma_wait3A_373 = tpu.memref_slice %arg4[%dma_wait3A_371, %dma_wait3A_372] : memref<300000x128xf32, #tpu.memory_space<hbm>> -> memref<300000x128xf32, #tpu.memory_space<hbm>>
      tpu.wait_indirect_dma semaphore(%arg15 : memref<!tpu.dma_semaphore, #tpu.memory_space<semaphore_mem>>) src(%dma_wait3A_373 : memref<300000x128xf32, #tpu.memory_space<hbm>>) dst(%dma_wait3A_367 : memref<40x128xf32, #tpu.memory_space<vmem>>)
      %dma_wait3A_374 = arith.constant 2 : i32
      %dma_wait3A_375 = arith.constant 2 : i32
      %dma_wait3A_376 = arith.constant 0 : i32
      %dma_wait3A_377 = arith.constant 0 : i32
      %dma_wait3A_378 = tpu.memref_slice %arg11[%dma_wait3A_375, %dma_wait3A_376, %dma_wait3A_377] : memref<6x40x128xf32, #tpu.memory_space<vmem>> -> memref<1x40x128xf32, #tpu.memory_space<vmem>>
      %dma_wait3A_379 = tpu.memref_squeeze %dma_wait3A_378 : memref<1x40x128xf32, #tpu.memory_space<vmem>> -> memref<40x128xf32, #tpu.memory_space<vmem>>
      %dma_wait3A_380 = arith.constant 0 : i32
      %dma_wait3A_381 = tpu.memref_slice %arg9[%dma_wait3A_374, %dma_wait3A_380] : memref<6x40xi32, #tpu.memory_space<vmem>> -> memref<1x40xi32, #tpu.memory_space<vmem>>
      %dma_wait3A_382 = tpu.memref_squeeze %dma_wait3A_381 : memref<1x40xi32, #tpu.memory_space<vmem>> -> memref<40xi32, #tpu.memory_space<vmem>>
      %dma_wait3A_383 = arith.constant 0 : i32
      %dma_wait3A_384 = arith.constant 0 : i32
      %dma_wait3A_385 = tpu.memref_slice %arg3[%dma_wait3A_383, %dma_wait3A_384] : memref<50000x128xf32, #tpu.memory_space<hbm>> -> memref<50000x128xf32, #tpu.memory_space<hbm>>
      tpu.wait_indirect_dma semaphore(%arg15 : memref<!tpu.dma_semaphore, #tpu.memory_space<semaphore_mem>>) src(%dma_wait3A_385 : memref<50000x128xf32, #tpu.memory_space<hbm>>) dst(%dma_wait3A_379 : memref<40x128xf32, #tpu.memory_space<vmem>>)
      %dma_wait3A_386 = arith.constant 2 : i32
      %dma_wait3A_387 = arith.constant 2 : i32
      %dma_wait3A_388 = arith.constant 0 : i32
      %dma_wait3A_389 = arith.constant 0 : i32
      %dma_wait3A_390 = tpu.memref_slice %arg12[%dma_wait3A_387, %dma_wait3A_388, %dma_wait3A_389] : memref<6x40x128xf32, #tpu.memory_space<vmem>> -> memref<1x40x128xf32, #tpu.memory_space<vmem>>
      %dma_wait3A_391 = tpu.memref_squeeze %dma_wait3A_390 : memref<1x40x128xf32, #tpu.memory_space<vmem>> -> memref<40x128xf32, #tpu.memory_space<vmem>>
      %dma_wait3A_392 = arith.constant 0 : i32
      %dma_wait3A_393 = tpu.memref_slice %arg10[%dma_wait3A_386, %dma_wait3A_392] : memref<6x40xi32, #tpu.memory_space<vmem>> -> memref<1x40xi32, #tpu.memory_space<vmem>>
      %dma_wait3A_394 = tpu.memref_squeeze %dma_wait3A_393 : memref<1x40xi32, #tpu.memory_space<vmem>> -> memref<40xi32, #tpu.memory_space<vmem>>
      %dma_wait3A_395 = arith.constant 0 : i32
      %dma_wait3A_396 = arith.constant 0 : i32
      %dma_wait3A_397 = tpu.memref_slice %arg4[%dma_wait3A_395, %dma_wait3A_396] : memref<300000x128xf32, #tpu.memory_space<hbm>> -> memref<300000x128xf32, #tpu.memory_space<hbm>>
      tpu.wait_indirect_dma semaphore(%arg15 : memref<!tpu.dma_semaphore, #tpu.memory_space<semaphore_mem>>) src(%dma_wait3A_397 : memref<300000x128xf32, #tpu.memory_space<hbm>>) dst(%dma_wait3A_391 : memref<40x128xf32, #tpu.memory_space<vmem>>)
      %dma_wait3A_398 = arith.constant 3 : i32
      %dma_wait3A_399 = arith.constant 3 : i32
      %dma_wait3A_400 = arith.constant 0 : i32
      %dma_wait3A_401 = arith.constant 0 : i32
      %dma_wait3A_402 = tpu.memref_slice %arg11[%dma_wait3A_399, %dma_wait3A_400, %dma_wait3A_401] : memref<6x40x128xf32, #tpu.memory_space<vmem>> -> memref<1x40x128xf32, #tpu.memory_space<vmem>>
      %dma_wait3A_403 = tpu.memref_squeeze %dma_wait3A_402 : memref<1x40x128xf32, #tpu.memory_space<vmem>> -> memref<40x128xf32, #tpu.memory_space<vmem>>
      %dma_wait3A_404 = arith.constant 0 : i32
      %dma_wait3A_405 = tpu.memref_slice %arg9[%dma_wait3A_398, %dma_wait3A_404] : memref<6x40xi32, #tpu.memory_space<vmem>> -> memref<1x40xi32, #tpu.memory_space<vmem>>
      %dma_wait3A_406 = tpu.memref_squeeze %dma_wait3A_405 : memref<1x40xi32, #tpu.memory_space<vmem>> -> memref<40xi32, #tpu.memory_space<vmem>>
      %dma_wait3A_407 = arith.constant 0 : i32
      %dma_wait3A_408 = arith.constant 0 : i32
      %dma_wait3A_409 = tpu.memref_slice %arg3[%dma_wait3A_407, %dma_wait3A_408] : memref<50000x128xf32, #tpu.memory_space<hbm>> -> memref<50000x128xf32, #tpu.memory_space<hbm>>
      tpu.wait_indirect_dma semaphore(%arg15 : memref<!tpu.dma_semaphore, #tpu.memory_space<semaphore_mem>>) src(%dma_wait3A_409 : memref<50000x128xf32, #tpu.memory_space<hbm>>) dst(%dma_wait3A_403 : memref<40x128xf32, #tpu.memory_space<vmem>>)
      %dma_wait3A_410 = arith.constant 3 : i32
      %dma_wait3A_411 = arith.constant 3 : i32
      %dma_wait3A_412 = arith.constant 0 : i32
      %dma_wait3A_413 = arith.constant 0 : i32
      %dma_wait3A_414 = tpu.memref_slice %arg12[%dma_wait3A_411, %dma_wait3A_412, %dma_wait3A_413] : memref<6x40x128xf32, #tpu.memory_space<vmem>> -> memref<1x40x128xf32, #tpu.memory_space<vmem>>
      %dma_wait3A_415 = tpu.memref_squeeze %dma_wait3A_414 : memref<1x40x128xf32, #tpu.memory_space<vmem>> -> memref<40x128xf32, #tpu.memory_space<vmem>>
      %dma_wait3A_416 = arith.constant 0 : i32
      %dma_wait3A_417 = tpu.memref_slice %arg10[%dma_wait3A_410, %dma_wait3A_416] : memref<6x40xi32, #tpu.memory_space<vmem>> -> memref<1x40xi32, #tpu.memory_space<vmem>>
      %dma_wait3A_418 = tpu.memref_squeeze %dma_wait3A_417 : memref<1x40xi32, #tpu.memory_space<vmem>> -> memref<40xi32, #tpu.memory_space<vmem>>
      %dma_wait3A_419 = arith.constant 0 : i32
      %dma_wait3A_420 = arith.constant 0 : i32
      %dma_wait3A_421 = tpu.memref_slice %arg4[%dma_wait3A_419, %dma_wait3A_420] : memref<300000x128xf32, #tpu.memory_space<hbm>> -> memref<300000x128xf32, #tpu.memory_space<hbm>>
      tpu.wait_indirect_dma semaphore(%arg15 : memref<!tpu.dma_semaphore, #tpu.memory_space<semaphore_mem>>) src(%dma_wait3A_421 : memref<300000x128xf32, #tpu.memory_space<hbm>>) dst(%dma_wait3A_415 : memref<40x128xf32, #tpu.memory_space<vmem>>)
      %dma_wait3A_422 = arith.constant 4 : i32
      %dma_wait3A_423 = arith.constant 4 : i32
      %dma_wait3A_424 = arith.constant 0 : i32
      %dma_wait3A_425 = arith.constant 0 : i32
      %dma_wait3A_426 = tpu.memref_slice %arg11[%dma_wait3A_423, %dma_wait3A_424, %dma_wait3A_425] : memref<6x40x128xf32, #tpu.memory_space<vmem>> -> memref<1x40x128xf32, #tpu.memory_space<vmem>>
      %dma_wait3A_427 = tpu.memref_squeeze %dma_wait3A_426 : memref<1x40x128xf32, #tpu.memory_space<vmem>> -> memref<40x128xf32, #tpu.memory_space<vmem>>
      %dma_wait3A_428 = arith.constant 0 : i32
      %dma_wait3A_429 = tpu.memref_slice %arg9[%dma_wait3A_422, %dma_wait3A_428] : memref<6x40xi32, #tpu.memory_space<vmem>> -> memref<1x40xi32, #tpu.memory_space<vmem>>
      %dma_wait3A_430 = tpu.memref_squeeze %dma_wait3A_429 : memref<1x40xi32, #tpu.memory_space<vmem>> -> memref<40xi32, #tpu.memory_space<vmem>>
      %dma_wait3A_431 = arith.constant 0 : i32
      %dma_wait3A_432 = arith.constant 0 : i32
      %dma_wait3A_433 = tpu.memref_slice %arg3[%dma_wait3A_431, %dma_wait3A_432] : memref<50000x128xf32, #tpu.memory_space<hbm>> -> memref<50000x128xf32, #tpu.memory_space<hbm>>
      tpu.wait_indirect_dma semaphore(%arg15 : memref<!tpu.dma_semaphore, #tpu.memory_space<semaphore_mem>>) src(%dma_wait3A_433 : memref<50000x128xf32, #tpu.memory_space<hbm>>) dst(%dma_wait3A_427 : memref<40x128xf32, #tpu.memory_space<vmem>>)
      %dma_wait3A_434 = arith.constant 4 : i32
      %dma_wait3A_435 = arith.constant 4 : i32
      %dma_wait3A_436 = arith.constant 0 : i32
      %dma_wait3A_437 = arith.constant 0 : i32
      %dma_wait3A_438 = tpu.memref_slice %arg12[%dma_wait3A_435, %dma_wait3A_436, %dma_wait3A_437] : memref<6x40x128xf32, #tpu.memory_space<vmem>> -> memref<1x40x128xf32, #tpu.memory_space<vmem>>
      %dma_wait3A_439 = tpu.memref_squeeze %dma_wait3A_438 : memref<1x40x128xf32, #tpu.memory_space<vmem>> -> memref<40x128xf32, #tpu.memory_space<vmem>>
      %dma_wait3A_440 = arith.constant 0 : i32
      %dma_wait3A_441 = tpu.memref_slice %arg10[%dma_wait3A_434, %dma_wait3A_440] : memref<6x40xi32, #tpu.memory_space<vmem>> -> memref<1x40xi32, #tpu.memory_space<vmem>>
      %dma_wait3A_442 = tpu.memref_squeeze %dma_wait3A_441 : memref<1x40xi32, #tpu.memory_space<vmem>> -> memref<40xi32, #tpu.memory_space<vmem>>
      %dma_wait3A_443 = arith.constant 0 : i32
      %dma_wait3A_444 = arith.constant 0 : i32
      %dma_wait3A_445 = tpu.memref_slice %arg4[%dma_wait3A_443, %dma_wait3A_444] : memref<300000x128xf32, #tpu.memory_space<hbm>> -> memref<300000x128xf32, #tpu.memory_space<hbm>>
      tpu.wait_indirect_dma semaphore(%arg15 : memref<!tpu.dma_semaphore, #tpu.memory_space<semaphore_mem>>) src(%dma_wait3A_445 : memref<300000x128xf32, #tpu.memory_space<hbm>>) dst(%dma_wait3A_439 : memref<40x128xf32, #tpu.memory_space<vmem>>)
      %dma_wait3A_446 = arith.constant 5 : i32
      %dma_wait3A_447 = arith.constant 5 : i32
      %dma_wait3A_448 = arith.constant 0 : i32
      %dma_wait3A_449 = arith.constant 0 : i32
      %dma_wait3A_450 = tpu.memref_slice %arg11[%dma_wait3A_447, %dma_wait3A_448, %dma_wait3A_449] : memref<6x40x128xf32, #tpu.memory_space<vmem>> -> memref<1x40x128xf32, #tpu.memory_space<vmem>>
      %dma_wait3A_451 = tpu.memref_squeeze %dma_wait3A_450 : memref<1x40x128xf32, #tpu.memory_space<vmem>> -> memref<40x128xf32, #tpu.memory_space<vmem>>
      %dma_wait3A_452 = arith.constant 0 : i32
      %dma_wait3A_453 = tpu.memref_slice %arg9[%dma_wait3A_446, %dma_wait3A_452] : memref<6x40xi32, #tpu.memory_space<vmem>> -> memref<1x40xi32, #tpu.memory_space<vmem>>
      %dma_wait3A_454 = tpu.memref_squeeze %dma_wait3A_453 : memref<1x40xi32, #tpu.memory_space<vmem>> -> memref<40xi32, #tpu.memory_space<vmem>>
      %dma_wait3A_455 = arith.constant 0 : i32
      %dma_wait3A_456 = arith.constant 0 : i32
      %dma_wait3A_457 = tpu.memref_slice %arg3[%dma_wait3A_455, %dma_wait3A_456] : memref<50000x128xf32, #tpu.memory_space<hbm>> -> memref<50000x128xf32, #tpu.memory_space<hbm>>
      tpu.wait_indirect_dma semaphore(%arg15 : memref<!tpu.dma_semaphore, #tpu.memory_space<semaphore_mem>>) src(%dma_wait3A_457 : memref<50000x128xf32, #tpu.memory_space<hbm>>) dst(%dma_wait3A_451 : memref<40x128xf32, #tpu.memory_space<vmem>>)
      %dma_wait3A_458 = arith.constant 5 : i32
      %dma_wait3A_459 = arith.constant 5 : i32
      %dma_wait3A_460 = arith.constant 0 : i32
      %dma_wait3A_461 = arith.constant 0 : i32
      %dma_wait3A_462 = tpu.memref_slice %arg12[%dma_wait3A_459, %dma_wait3A_460, %dma_wait3A_461] : memref<6x40x128xf32, #tpu.memory_space<vmem>> -> memref<1x40x128xf32, #tpu.memory_space<vmem>>
      %dma_wait3A_463 = tpu.memref_squeeze %dma_wait3A_462 : memref<1x40x128xf32, #tpu.memory_space<vmem>> -> memref<40x128xf32, #tpu.memory_space<vmem>>
      %dma_wait3A_464 = arith.constant 0 : i32
      %dma_wait3A_465 = tpu.memref_slice %arg10[%dma_wait3A_458, %dma_wait3A_464] : memref<6x40xi32, #tpu.memory_space<vmem>> -> memref<1x40xi32, #tpu.memory_space<vmem>>
      %dma_wait3A_466 = tpu.memref_squeeze %dma_wait3A_465 : memref<1x40xi32, #tpu.memory_space<vmem>> -> memref<40xi32, #tpu.memory_space<vmem>>
      %dma_wait3A_467 = arith.constant 0 : i32
      %dma_wait3A_468 = arith.constant 0 : i32
      %dma_wait3A_469 = tpu.memref_slice %arg4[%dma_wait3A_467, %dma_wait3A_468] : memref<300000x128xf32, #tpu.memory_space<hbm>> -> memref<300000x128xf32, #tpu.memory_space<hbm>>
      tpu.wait_indirect_dma semaphore(%arg15 : memref<!tpu.dma_semaphore, #tpu.memory_space<semaphore_mem>>) src(%dma_wait3A_469 : memref<300000x128xf32, #tpu.memory_space<hbm>>) dst(%dma_wait3A_463 : memref<40x128xf32, #tpu.memory_space<vmem>>)
      %scan3A = arith.constant 0 : i32
      %scan3A_470 = arith.constant 40 : i32
      %scan3A_471 = arith.addi %scan3A, %scan3A_470 : i32
      %scan3A_472 = arith.constant 1 : i32
      %scan3A_473:16 = scf.for %scan3A_475 = %scan3A to %scan3A_471 step %scan3A_472 iter_args(%scan3A_476 = %while3A_128, %scan3A_477 = %while3A_129, %scan3A_478 = %while3A_130, %scan3A_479 = %while3A_131, %scan3A_480 = %while3A_132, %scan3A_481 = %while3A_133, %scan3A_482 = %while3A_134, %scan3A_483 = %while3A_135, %scan3A_484 = %while3A_136, %scan3A_485 = %while3A_137, %scan3A_486 = %while3A_138, %scan3A_487 = %while3A_139, %scan3A_488 = %while3A_140, %scan3A_489 = %while3A_141, %scan3A_490 = %while3A_142, %scan3A_491 = %while3A_143) -> (vector<16xf32>, vector<16xf32>, vector<16xf32>, vector<16xf32>, vector<16xf32>, vector<16xf32>, vector<16xf32>, vector<16xf32>, vector<16xf32>, vector<16xf32>, vector<16xf32>, vector<16xf32>, vector<16xf32>, vector<16xf32>, vector<16xf32>, vector<16xf32>)  : i32 {
        %get3A = arith.index_cast %scan3A_475 : i32 to index
        %get3A_492 = arith.constant 0 : index
        %get3A_493 = tpu.vector_load %arg13[%get3A, %get3A_492] {strides = array<i32>} : memref<40x128xf32, #tpu.memory_space<vmem>>, vector<1x16xf32>,
        %get3A_494 = vector.shape_cast %get3A_493 : vector<1x16xf32> to vector<16xf32>
        %get3A_495 = arith.constant 0 : i32
        %get3A_496 = arith.index_cast %get3A_495 : i32 to index
        %get3A_497 = arith.index_cast %scan3A_475 : i32 to index
        %get3A_498 = arith.constant 0 : index
        %get3A_499 = tpu.vector_load %arg11[%get3A_496, %get3A_497, %get3A_498] {strides = array<i32>} : memref<6x40x128xf32, #tpu.memory_space<vmem>>, vector<1x1x16xf32>,
        %get3A_500 = vector.shape_cast %get3A_499 : vector<1x1x16xf32> to vector<16xf32>
        %get3A_501 = arith.constant 0 : i32
        %get3A_502 = arith.index_cast %get3A_501 : i32 to index
        %get3A_503 = arith.index_cast %scan3A_475 : i32 to index
        %get3A_504 = arith.constant 0 : index
        %get3A_505 = tpu.vector_load %arg12[%get3A_502, %get3A_503, %get3A_504] {strides = array<i32>} : memref<6x40x128xf32, #tpu.memory_space<vmem>>, vector<1x1x16xf32>,
        %get3A_506 = vector.shape_cast %get3A_505 : vector<1x1x16xf32> to vector<16xf32>
        %mul3A_507 = arith.mulf %get3A_500, %get3A_506 : vector<16xf32>
        %add3A_508 = arith.addf %get3A_494, %mul3A_507 : vector<16xf32>
        %get3A_509 = arith.constant 1 : i32
        %get3A_510 = arith.index_cast %get3A_509 : i32 to index
        %get3A_511 = arith.index_cast %scan3A_475 : i32 to index
        %get3A_512 = arith.constant 0 : index
        %get3A_513 = tpu.vector_load %arg11[%get3A_510, %get3A_511, %get3A_512] {strides = array<i32>} : memref<6x40x128xf32, #tpu.memory_space<vmem>>, vector<1x1x16xf32>,
        %get3A_514 = vector.shape_cast %get3A_513 : vector<1x1x16xf32> to vector<16xf32>
        %get3A_515 = arith.constant 1 : i32
        %get3A_516 = arith.index_cast %get3A_515 : i32 to index
        %get3A_517 = arith.index_cast %scan3A_475 : i32 to index
        %get3A_518 = arith.constant 0 : index
        %get3A_519 = tpu.vector_load %arg12[%get3A_516, %get3A_517, %get3A_518] {strides = array<i32>} : memref<6x40x128xf32, #tpu.memory_space<vmem>>, vector<1x1x16xf32>,
        %get3A_520 = vector.shape_cast %get3A_519 : vector<1x1x16xf32> to vector<16xf32>
        %mul3A_521 = arith.mulf %get3A_514, %get3A_520 : vector<16xf32>
        %add3A_522 = arith.addf %add3A_508, %mul3A_521 : vector<16xf32>
        %get3A_523 = arith.constant 2 : i32
        %get3A_524 = arith.index_cast %get3A_523 : i32 to index
        %get3A_525 = arith.index_cast %scan3A_475 : i32 to index
        %get3A_526 = arith.constant 0 : index
        %get3A_527 = tpu.vector_load %arg11[%get3A_524, %get3A_525, %get3A_526] {strides = array<i32>} : memref<6x40x128xf32, #tpu.memory_space<vmem>>, vector<1x1x16xf32>,
        %get3A_528 = vector.shape_cast %get3A_527 : vector<1x1x16xf32> to vector<16xf32>
        %get3A_529 = arith.constant 2 : i32
        %get3A_530 = arith.index_cast %get3A_529 : i32 to index
        %get3A_531 = arith.index_cast %scan3A_475 : i32 to index
        %get3A_532 = arith.constant 0 : index
        %get3A_533 = tpu.vector_load %arg12[%get3A_530, %get3A_531, %get3A_532] {strides = array<i32>} : memref<6x40x128xf32, #tpu.memory_space<vmem>>, vector<1x1x16xf32>,
        %get3A_534 = vector.shape_cast %get3A_533 : vector<1x1x16xf32> to vector<16xf32>
        %mul3A_535 = arith.mulf %get3A_528, %get3A_534 : vector<16xf32>
        %add3A_536 = arith.addf %add3A_522, %mul3A_535 : vector<16xf32>
        %get3A_537 = arith.constant 3 : i32
        %get3A_538 = arith.index_cast %get3A_537 : i32 to index
        %get3A_539 = arith.index_cast %scan3A_475 : i32 to index
        %get3A_540 = arith.constant 0 : index
        %get3A_541 = tpu.vector_load %arg11[%get3A_538, %get3A_539, %get3A_540] {strides = array<i32>} : memref<6x40x128xf32, #tpu.memory_space<vmem>>, vector<1x1x16xf32>,
        %get3A_542 = vector.shape_cast %get3A_541 : vector<1x1x16xf32> to vector<16xf32>
        %get3A_543 = arith.constant 3 : i32
        %get3A_544 = arith.index_cast %get3A_543 : i32 to index
        %get3A_545 = arith.index_cast %scan3A_475 : i32 to index
        %get3A_546 = arith.constant 0 : index
        %get3A_547 = tpu.vector_load %arg12[%get3A_544, %get3A_545, %get3A_546] {strides = array<i32>} : memref<6x40x128xf32, #tpu.memory_space<vmem>>, vector<1x1x16xf32>,
        %get3A_548 = vector.shape_cast %get3A_547 : vector<1x1x16xf32> to vector<16xf32>
        %mul3A_549 = arith.mulf %get3A_542, %get3A_548 : vector<16xf32>
        %add3A_550 = arith.addf %add3A_536, %mul3A_549 : vector<16xf32>
        %get3A_551 = arith.constant 4 : i32
        %get3A_552 = arith.index_cast %get3A_551 : i32 to index
        %get3A_553 = arith.index_cast %scan3A_475 : i32 to index
        %get3A_554 = arith.constant 0 : index
        %get3A_555 = tpu.vector_load %arg11[%get3A_552, %get3A_553, %get3A_554] {strides = array<i32>} : memref<6x40x128xf32, #tpu.memory_space<vmem>>, vector<1x1x16xf32>,
        %get3A_556 = vector.shape_cast %get3A_555 : vector<1x1x16xf32> to vector<16xf32>
        %get3A_557 = arith.constant 4 : i32
        %get3A_558 = arith.index_cast %get3A_557 : i32 to index
        %get3A_559 = arith.index_cast %scan3A_475 : i32 to index
        %get3A_560 = arith.constant 0 : index
        %get3A_561 = tpu.vector_load %arg12[%get3A_558, %get3A_559, %get3A_560] {strides = array<i32>} : memref<6x40x128xf32, #tpu.memory_space<vmem>>, vector<1x1x16xf32>,
        %get3A_562 = vector.shape_cast %get3A_561 : vector<1x1x16xf32> to vector<16xf32>
        %mul3A_563 = arith.mulf %get3A_556, %get3A_562 : vector<16xf32>
        %add3A_564 = arith.addf %add3A_550, %mul3A_563 : vector<16xf32>
        %get3A_565 = arith.constant 5 : i32
        %get3A_566 = arith.index_cast %get3A_565 : i32 to index
        %get3A_567 = arith.index_cast %scan3A_475 : i32 to index
        %get3A_568 = arith.constant 0 : index
        %get3A_569 = tpu.vector_load %arg11[%get3A_566, %get3A_567, %get3A_568] {strides = array<i32>} : memref<6x40x128xf32, #tpu.memory_space<vmem>>, vector<1x1x16xf32>,
        %get3A_570 = vector.shape_cast %get3A_569 : vector<1x1x16xf32> to vector<16xf32>
        %get3A_571 = arith.constant 5 : i32
        %get3A_572 = arith.index_cast %get3A_571 : i32 to index
        %get3A_573 = arith.index_cast %scan3A_475 : i32 to index
        %get3A_574 = arith.constant 0 : index
        %get3A_575 = tpu.vector_load %arg12[%get3A_572, %get3A_573, %get3A_574] {strides = array<i32>} : memref<6x40x128xf32, #tpu.memory_space<vmem>>, vector<1x1x16xf32>,
        %get3A_576 = vector.shape_cast %get3A_575 : vector<1x1x16xf32> to vector<16xf32>
        %mul3A_577 = arith.mulf %get3A_570, %get3A_576 : vector<16xf32>
        %add3A_578 = arith.addf %add3A_564, %mul3A_577 : vector<16xf32>
        %swap3A_579 = arith.index_cast %scan3A_475 : i32 to index
        %swap3A_580 = arith.constant 0 : index
        %swap3A_581 = tpu.vector_load %arg13[%swap3A_579, %swap3A_580] {strides = array<i32>} : memref<40x128xf32, #tpu.memory_space<vmem>>, vector<1x16xf32>,
        %swap3A_582 = vector.shape_cast %swap3A_581 : vector<1x16xf32> to vector<16xf32>
        %swap3A_583 = vector.shape_cast %add3A_578 : vector<16xf32> to vector<1x16xf32>
        tpu.vector_store %arg13[%swap3A_579, %swap3A_580], %swap3A_583 {strides = array<i32>} : memref<40x128xf32, #tpu.memory_space<vmem>>, vector<1x16xf32>,
        %add3A_584 = arith.addf %scan3A_476, %add3A_578 : vector<16xf32>
        %mul3A_585 = arith.mulf %add3A_578, %add3A_578 : vector<16xf32>
        %add3A_586 = arith.addf %scan3A_484, %mul3A_585 : vector<16xf32>
        %get3A_587 = arith.index_cast %scan3A_475 : i32 to index
        %get3A_588 = arith.constant 16 : index
        %get3A_589 = tpu.vector_load %arg13[%get3A_587, %get3A_588] {strides = array<i32>} : memref<40x128xf32, #tpu.memory_space<vmem>>, vector<1x16xf32>,
        %get3A_590 = vector.shape_cast %get3A_589 : vector<1x16xf32> to vector<16xf32>
        %get3A_591 = arith.constant 0 : i32
        %get3A_592 = arith.index_cast %get3A_591 : i32 to index
        %get3A_593 = arith.index_cast %scan3A_475 : i32 to index
        %get3A_594 = arith.constant 16 : index
        %get3A_595 = tpu.vector_load %arg11[%get3A_592, %get3A_593, %get3A_594] {strides = array<i32>} : memref<6x40x128xf32, #tpu.memory_space<vmem>>, vector<1x1x16xf32>,
        %get3A_596 = vector.shape_cast %get3A_595 : vector<1x1x16xf32> to vector<16xf32>
        %get3A_597 = arith.constant 0 : i32
        %get3A_598 = arith.index_cast %get3A_597 : i32 to index
        %get3A_599 = arith.index_cast %scan3A_475 : i32 to index
        %get3A_600 = arith.constant 16 : index
        %get3A_601 = tpu.vector_load %arg12[%get3A_598, %get3A_599, %get3A_600] {strides = array<i32>} : memref<6x40x128xf32, #tpu.memory_space<vmem>>, vector<1x1x16xf32>,
        %get3A_602 = vector.shape_cast %get3A_601 : vector<1x1x16xf32> to vector<16xf32>
        %mul3A_603 = arith.mulf %get3A_596, %get3A_602 : vector<16xf32>
        %add3A_604 = arith.addf %get3A_590, %mul3A_603 : vector<16xf32>
        %get3A_605 = arith.constant 1 : i32
        %get3A_606 = arith.index_cast %get3A_605 : i32 to index
        %get3A_607 = arith.index_cast %scan3A_475 : i32 to index
        %get3A_608 = arith.constant 16 : index
        %get3A_609 = tpu.vector_load %arg11[%get3A_606, %get3A_607, %get3A_608] {strides = array<i32>} : memref<6x40x128xf32, #tpu.memory_space<vmem>>, vector<1x1x16xf32>,
        %get3A_610 = vector.shape_cast %get3A_609 : vector<1x1x16xf32> to vector<16xf32>
        %get3A_611 = arith.constant 1 : i32
        %get3A_612 = arith.index_cast %get3A_611 : i32 to index
        %get3A_613 = arith.index_cast %scan3A_475 : i32 to index
        %get3A_614 = arith.constant 16 : index
        %get3A_615 = tpu.vector_load %arg12[%get3A_612, %get3A_613, %get3A_614] {strides = array<i32>} : memref<6x40x128xf32, #tpu.memory_space<vmem>>, vector<1x1x16xf32>,
        %get3A_616 = vector.shape_cast %get3A_615 : vector<1x1x16xf32> to vector<16xf32>
        %mul3A_617 = arith.mulf %get3A_610, %get3A_616 : vector<16xf32>
        %add3A_618 = arith.addf %add3A_604, %mul3A_617 : vector<16xf32>
        %get3A_619 = arith.constant 2 : i32
        %get3A_620 = arith.index_cast %get3A_619 : i32 to index
        %get3A_621 = arith.index_cast %scan3A_475 : i32 to index
        %get3A_622 = arith.constant 16 : index
        %get3A_623 = tpu.vector_load %arg11[%get3A_620, %get3A_621, %get3A_622] {strides = array<i32>} : memref<6x40x128xf32, #tpu.memory_space<vmem>>, vector<1x1x16xf32>,
        %get3A_624 = vector.shape_cast %get3A_623 : vector<1x1x16xf32> to vector<16xf32>
        %get3A_625 = arith.constant 2 : i32
        %get3A_626 = arith.index_cast %get3A_625 : i32 to index
        %get3A_627 = arith.index_cast %scan3A_475 : i32 to index
        %get3A_628 = arith.constant 16 : index
        %get3A_629 = tpu.vector_load %arg12[%get3A_626, %get3A_627, %get3A_628] {strides = array<i32>} : memref<6x40x128xf32, #tpu.memory_space<vmem>>, vector<1x1x16xf32>,
        %get3A_630 = vector.shape_cast %get3A_629 : vector<1x1x16xf32> to vector<16xf32>
        %mul3A_631 = arith.mulf %get3A_624, %get3A_630 : vector<16xf32>
        %add3A_632 = arith.addf %add3A_618, %mul3A_631 : vector<16xf32>
        %get3A_633 = arith.constant 3 : i32
        %get3A_634 = arith.index_cast %get3A_633 : i32 to index
        %get3A_635 = arith.index_cast %scan3A_475 : i32 to index
        %get3A_636 = arith.constant 16 : index
        %get3A_637 = tpu.vector_load %arg11[%get3A_634, %get3A_635, %get3A_636] {strides = array<i32>} : memref<6x40x128xf32, #tpu.memory_space<vmem>>, vector<1x1x16xf32>,
        %get3A_638 = vector.shape_cast %get3A_637 : vector<1x1x16xf32> to vector<16xf32>
        %get3A_639 = arith.constant 3 : i32
        %get3A_640 = arith.index_cast %get3A_639 : i32 to index
        %get3A_641 = arith.index_cast %scan3A_475 : i32 to index
        %get3A_642 = arith.constant 16 : index
        %get3A_643 = tpu.vector_load %arg12[%get3A_640, %get3A_641, %get3A_642] {strides = array<i32>} : memref<6x40x128xf32, #tpu.memory_space<vmem>>, vector<1x1x16xf32>,
        %get3A_644 = vector.shape_cast %get3A_643 : vector<1x1x16xf32> to vector<16xf32>
        %mul3A_645 = arith.mulf %get3A_638, %get3A_644 : vector<16xf32>
        %add3A_646 = arith.addf %add3A_632, %mul3A_645 : vector<16xf32>
        %get3A_647 = arith.constant 4 : i32
        %get3A_648 = arith.index_cast %get3A_647 : i32 to index
        %get3A_649 = arith.index_cast %scan3A_475 : i32 to index
        %get3A_650 = arith.constant 16 : index
        %get3A_651 = tpu.vector_load %arg11[%get3A_648, %get3A_649, %get3A_650] {strides = array<i32>} : memref<6x40x128xf32, #tpu.memory_space<vmem>>, vector<1x1x16xf32>,
        %get3A_652 = vector.shape_cast %get3A_651 : vector<1x1x16xf32> to vector<16xf32>
        %get3A_653 = arith.constant 4 : i32
        %get3A_654 = arith.index_cast %get3A_653 : i32 to index
        %get3A_655 = arith.index_cast %scan3A_475 : i32 to index
        %get3A_656 = arith.constant 16 : index
        %get3A_657 = tpu.vector_load %arg12[%get3A_654, %get3A_655, %get3A_656] {strides = array<i32>} : memref<6x40x128xf32, #tpu.memory_space<vmem>>, vector<1x1x16xf32>,
        %get3A_658 = vector.shape_cast %get3A_657 : vector<1x1x16xf32> to vector<16xf32>
        %mul3A_659 = arith.mulf %get3A_652, %get3A_658 : vector<16xf32>
        %add3A_660 = arith.addf %add3A_646, %mul3A_659 : vector<16xf32>
        %get3A_661 = arith.constant 5 : i32
        %get3A_662 = arith.index_cast %get3A_661 : i32 to index
        %get3A_663 = arith.index_cast %scan3A_475 : i32 to index
        %get3A_664 = arith.constant 16 : index
        %get3A_665 = tpu.vector_load %arg11[%get3A_662, %get3A_663, %get3A_664] {strides = array<i32>} : memref<6x40x128xf32, #tpu.memory_space<vmem>>, vector<1x1x16xf32>,
        %get3A_666 = vector.shape_cast %get3A_665 : vector<1x1x16xf32> to vector<16xf32>
        %get3A_667 = arith.constant 5 : i32
        %get3A_668 = arith.index_cast %get3A_667 : i32 to index
        %get3A_669 = arith.index_cast %scan3A_475 : i32 to index
        %get3A_670 = arith.constant 16 : index
        %get3A_671 = tpu.vector_load %arg12[%get3A_668, %get3A_669, %get3A_670] {strides = array<i32>} : memref<6x40x128xf32, #tpu.memory_space<vmem>>, vector<1x1x16xf32>,
        %get3A_672 = vector.shape_cast %get3A_671 : vector<1x1x16xf32> to vector<16xf32>
        %mul3A_673 = arith.mulf %get3A_666, %get3A_672 : vector<16xf32>
        %add3A_674 = arith.addf %add3A_660, %mul3A_673 : vector<16xf32>
        %swap3A_675 = arith.index_cast %scan3A_475 : i32 to index
        %swap3A_676 = arith.constant 16 : index
        %swap3A_677 = tpu.vector_load %arg13[%swap3A_675, %swap3A_676] {strides = array<i32>} : memref<40x128xf32, #tpu.memory_space<vmem>>, vector<1x16xf32>,
        %swap3A_678 = vector.shape_cast %swap3A_677 : vector<1x16xf32> to vector<16xf32>
        %swap3A_679 = vector.shape_cast %add3A_674 : vector<16xf32> to vector<1x16xf32>
        tpu.vector_store %arg13[%swap3A_675, %swap3A_676], %swap3A_679 {strides = array<i32>} : memref<40x128xf32, #tpu.memory_space<vmem>>, vector<1x16xf32>,
        %add3A_680 = arith.addf %scan3A_477, %add3A_674 : vector<16xf32>
        %mul3A_681 = arith.mulf %add3A_674, %add3A_674 : vector<16xf32>
        %add3A_682 = arith.addf %scan3A_485, %mul3A_681 : vector<16xf32>
        %get3A_683 = arith.index_cast %scan3A_475 : i32 to index
        %get3A_684 = arith.constant 32 : index
        %get3A_685 = tpu.vector_load %arg13[%get3A_683, %get3A_684] {strides = array<i32>} : memref<40x128xf32, #tpu.memory_space<vmem>>, vector<1x16xf32>,
        %get3A_686 = vector.shape_cast %get3A_685 : vector<1x16xf32> to vector<16xf32>
        %get3A_687 = arith.constant 0 : i32
        %get3A_688 = arith.index_cast %get3A_687 : i32 to index
        %get3A_689 = arith.index_cast %scan3A_475 : i32 to index
        %get3A_690 = arith.constant 32 : index
        %get3A_691 = tpu.vector_load %arg11[%get3A_688, %get3A_689, %get3A_690] {strides = array<i32>} : memref<6x40x128xf32, #tpu.memory_space<vmem>>, vector<1x1x16xf32>,
        %get3A_692 = vector.shape_cast %get3A_691 : vector<1x1x16xf32> to vector<16xf32>
        %get3A_693 = arith.constant 0 : i32
        %get3A_694 = arith.index_cast %get3A_693 : i32 to index
        %get3A_695 = arith.index_cast %scan3A_475 : i32 to index
        %get3A_696 = arith.constant 32 : index
        %get3A_697 = tpu.vector_load %arg12[%get3A_694, %get3A_695, %get3A_696] {strides = array<i32>} : memref<6x40x128xf32, #tpu.memory_space<vmem>>, vector<1x1x16xf32>,
        %get3A_698 = vector.shape_cast %get3A_697 : vector<1x1x16xf32> to vector<16xf32>
        %mul3A_699 = arith.mulf %get3A_692, %get3A_698 : vector<16xf32>
        %add3A_700 = arith.addf %get3A_686, %mul3A_699 : vector<16xf32>
        %get3A_701 = arith.constant 1 : i32
        %get3A_702 = arith.index_cast %get3A_701 : i32 to index
        %get3A_703 = arith.index_cast %scan3A_475 : i32 to index
        %get3A_704 = arith.constant 32 : index
        %get3A_705 = tpu.vector_load %arg11[%get3A_702, %get3A_703, %get3A_704] {strides = array<i32>} : memref<6x40x128xf32, #tpu.memory_space<vmem>>, vector<1x1x16xf32>,
        %get3A_706 = vector.shape_cast %get3A_705 : vector<1x1x16xf32> to vector<16xf32>
        %get3A_707 = arith.constant 1 : i32
        %get3A_708 = arith.index_cast %get3A_707 : i32 to index
        %get3A_709 = arith.index_cast %scan3A_475 : i32 to index
        %get3A_710 = arith.constant 32 : index
        %get3A_711 = tpu.vector_load %arg12[%get3A_708, %get3A_709, %get3A_710] {strides = array<i32>} : memref<6x40x128xf32, #tpu.memory_space<vmem>>, vector<1x1x16xf32>,
        %get3A_712 = vector.shape_cast %get3A_711 : vector<1x1x16xf32> to vector<16xf32>
        %mul3A_713 = arith.mulf %get3A_706, %get3A_712 : vector<16xf32>
        %add3A_714 = arith.addf %add3A_700, %mul3A_713 : vector<16xf32>
        %get3A_715 = arith.constant 2 : i32
        %get3A_716 = arith.index_cast %get3A_715 : i32 to index
        %get3A_717 = arith.index_cast %scan3A_475 : i32 to index
        %get3A_718 = arith.constant 32 : index
        %get3A_719 = tpu.vector_load %arg11[%get3A_716, %get3A_717, %get3A_718] {strides = array<i32>} : memref<6x40x128xf32, #tpu.memory_space<vmem>>, vector<1x1x16xf32>,
        %get3A_720 = vector.shape_cast %get3A_719 : vector<1x1x16xf32> to vector<16xf32>
        %get3A_721 = arith.constant 2 : i32
        %get3A_722 = arith.index_cast %get3A_721 : i32 to index
        %get3A_723 = arith.index_cast %scan3A_475 : i32 to index
        %get3A_724 = arith.constant 32 : index
        %get3A_725 = tpu.vector_load %arg12[%get3A_722, %get3A_723, %get3A_724] {strides = array<i32>} : memref<6x40x128xf32, #tpu.memory_space<vmem>>, vector<1x1x16xf32>,
        %get3A_726 = vector.shape_cast %get3A_725 : vector<1x1x16xf32> to vector<16xf32>
        %mul3A_727 = arith.mulf %get3A_720, %get3A_726 : vector<16xf32>
        %add3A_728 = arith.addf %add3A_714, %mul3A_727 : vector<16xf32>
        %get3A_729 = arith.constant 3 : i32
        %get3A_730 = arith.index_cast %get3A_729 : i32 to index
        %get3A_731 = arith.index_cast %scan3A_475 : i32 to index
        %get3A_732 = arith.constant 32 : index
        %get3A_733 = tpu.vector_load %arg11[%get3A_730, %get3A_731, %get3A_732] {strides = array<i32>} : memref<6x40x128xf32, #tpu.memory_space<vmem>>, vector<1x1x16xf32>,
        %get3A_734 = vector.shape_cast %get3A_733 : vector<1x1x16xf32> to vector<16xf32>
        %get3A_735 = arith.constant 3 : i32
        %get3A_736 = arith.index_cast %get3A_735 : i32 to index
        %get3A_737 = arith.index_cast %scan3A_475 : i32 to index
        %get3A_738 = arith.constant 32 : index
        %get3A_739 = tpu.vector_load %arg12[%get3A_736, %get3A_737, %get3A_738] {strides = array<i32>} : memref<6x40x128xf32, #tpu.memory_space<vmem>>, vector<1x1x16xf32>,
        %get3A_740 = vector.shape_cast %get3A_739 : vector<1x1x16xf32> to vector<16xf32>
        %mul3A_741 = arith.mulf %get3A_734, %get3A_740 : vector<16xf32>
        %add3A_742 = arith.addf %add3A_728, %mul3A_741 : vector<16xf32>
        %get3A_743 = arith.constant 4 : i32
        %get3A_744 = arith.index_cast %get3A_743 : i32 to index
        %get3A_745 = arith.index_cast %scan3A_475 : i32 to index
        %get3A_746 = arith.constant 32 : index
        %get3A_747 = tpu.vector_load %arg11[%get3A_744, %get3A_745, %get3A_746] {strides = array<i32>} : memref<6x40x128xf32, #tpu.memory_space<vmem>>, vector<1x1x16xf32>,
        %get3A_748 = vector.shape_cast %get3A_747 : vector<1x1x16xf32> to vector<16xf32>
        %get3A_749 = arith.constant 4 : i32
        %get3A_750 = arith.index_cast %get3A_749 : i32 to index
        %get3A_751 = arith.index_cast %scan3A_475 : i32 to index
        %get3A_752 = arith.constant 32 : index
        %get3A_753 = tpu.vector_load %arg12[%get3A_750, %get3A_751, %get3A_752] {strides = array<i32>} : memref<6x40x128xf32, #tpu.memory_space<vmem>>, vector<1x1x16xf32>,
        %get3A_754 = vector.shape_cast %get3A_753 : vector<1x1x16xf32> to vector<16xf32>
        %mul3A_755 = arith.mulf %get3A_748, %get3A_754 : vector<16xf32>
        %add3A_756 = arith.addf %add3A_742, %mul3A_755 : vector<16xf32>
        %get3A_757 = arith.constant 5 : i32
        %get3A_758 = arith.index_cast %get3A_757 : i32 to index
        %get3A_759 = arith.index_cast %scan3A_475 : i32 to index
        %get3A_760 = arith.constant 32 : index
        %get3A_761 = tpu.vector_load %arg11[%get3A_758, %get3A_759, %get3A_760] {strides = array<i32>} : memref<6x40x128xf32, #tpu.memory_space<vmem>>, vector<1x1x16xf32>,
        %get3A_762 = vector.shape_cast %get3A_761 : vector<1x1x16xf32> to vector<16xf32>
        %get3A_763 = arith.constant 5 : i32
        %get3A_764 = arith.index_cast %get3A_763 : i32 to index
        %get3A_765 = arith.index_cast %scan3A_475 : i32 to index
        %get3A_766 = arith.constant 32 : index
        %get3A_767 = tpu.vector_load %arg12[%get3A_764, %get3A_765, %get3A_766] {strides = array<i32>} : memref<6x40x128xf32, #tpu.memory_space<vmem>>, vector<1x1x16xf32>,
        %get3A_768 = vector.shape_cast %get3A_767 : vector<1x1x16xf32> to vector<16xf32>
        %mul3A_769 = arith.mulf %get3A_762, %get3A_768 : vector<16xf32>
        %add3A_770 = arith.addf %add3A_756, %mul3A_769 : vector<16xf32>
        %swap3A_771 = arith.index_cast %scan3A_475 : i32 to index
        %swap3A_772 = arith.constant 32 : index
        %swap3A_773 = tpu.vector_load %arg13[%swap3A_771, %swap3A_772] {strides = array<i32>} : memref<40x128xf32, #tpu.memory_space<vmem>>, vector<1x16xf32>,
        %swap3A_774 = vector.shape_cast %swap3A_773 : vector<1x16xf32> to vector<16xf32>
        %swap3A_775 = vector.shape_cast %add3A_770 : vector<16xf32> to vector<1x16xf32>
        tpu.vector_store %arg13[%swap3A_771, %swap3A_772], %swap3A_775 {strides = array<i32>} : memref<40x128xf32, #tpu.memory_space<vmem>>, vector<1x16xf32>,
        %add3A_776 = arith.addf %scan3A_478, %add3A_770 : vector<16xf32>
        %mul3A_777 = arith.mulf %add3A_770, %add3A_770 : vector<16xf32>
        %add3A_778 = arith.addf %scan3A_486, %mul3A_777 : vector<16xf32>
        %get3A_779 = arith.index_cast %scan3A_475 : i32 to index
        %get3A_780 = arith.constant 48 : index
        %get3A_781 = tpu.vector_load %arg13[%get3A_779, %get3A_780] {strides = array<i32>} : memref<40x128xf32, #tpu.memory_space<vmem>>, vector<1x16xf32>,
        %get3A_782 = vector.shape_cast %get3A_781 : vector<1x16xf32> to vector<16xf32>
        %get3A_783 = arith.constant 0 : i32
        %get3A_784 = arith.index_cast %get3A_783 : i32 to index
        %get3A_785 = arith.index_cast %scan3A_475 : i32 to index
        %get3A_786 = arith.constant 48 : index
        %get3A_787 = tpu.vector_load %arg11[%get3A_784, %get3A_785, %get3A_786] {strides = array<i32>} : memref<6x40x128xf32, #tpu.memory_space<vmem>>, vector<1x1x16xf32>,
        %get3A_788 = vector.shape_cast %get3A_787 : vector<1x1x16xf32> to vector<16xf32>
        %get3A_789 = arith.constant 0 : i32
        %get3A_790 = arith.index_cast %get3A_789 : i32 to index
        %get3A_791 = arith.index_cast %scan3A_475 : i32 to index
        %get3A_792 = arith.constant 48 : index
        %get3A_793 = tpu.vector_load %arg12[%get3A_790, %get3A_791, %get3A_792] {strides = array<i32>} : memref<6x40x128xf32, #tpu.memory_space<vmem>>, vector<1x1x16xf32>,
        %get3A_794 = vector.shape_cast %get3A_793 : vector<1x1x16xf32> to vector<16xf32>
        %mul3A_795 = arith.mulf %get3A_788, %get3A_794 : vector<16xf32>
        %add3A_796 = arith.addf %get3A_782, %mul3A_795 : vector<16xf32>
        %get3A_797 = arith.constant 1 : i32
        %get3A_798 = arith.index_cast %get3A_797 : i32 to index
        %get3A_799 = arith.index_cast %scan3A_475 : i32 to index
        %get3A_800 = arith.constant 48 : index
        %get3A_801 = tpu.vector_load %arg11[%get3A_798, %get3A_799, %get3A_800] {strides = array<i32>} : memref<6x40x128xf32, #tpu.memory_space<vmem>>, vector<1x1x16xf32>,
        %get3A_802 = vector.shape_cast %get3A_801 : vector<1x1x16xf32> to vector<16xf32>
        %get3A_803 = arith.constant 1 : i32
        %get3A_804 = arith.index_cast %get3A_803 : i32 to index
        %get3A_805 = arith.index_cast %scan3A_475 : i32 to index
        %get3A_806 = arith.constant 48 : index
        %get3A_807 = tpu.vector_load %arg12[%get3A_804, %get3A_805, %get3A_806] {strides = array<i32>} : memref<6x40x128xf32, #tpu.memory_space<vmem>>, vector<1x1x16xf32>,
        %get3A_808 = vector.shape_cast %get3A_807 : vector<1x1x16xf32> to vector<16xf32>
        %mul3A_809 = arith.mulf %get3A_802, %get3A_808 : vector<16xf32>
        %add3A_810 = arith.addf %add3A_796, %mul3A_809 : vector<16xf32>
        %get3A_811 = arith.constant 2 : i32
        %get3A_812 = arith.index_cast %get3A_811 : i32 to index
        %get3A_813 = arith.index_cast %scan3A_475 : i32 to index
        %get3A_814 = arith.constant 48 : index
        %get3A_815 = tpu.vector_load %arg11[%get3A_812, %get3A_813, %get3A_814] {strides = array<i32>} : memref<6x40x128xf32, #tpu.memory_space<vmem>>, vector<1x1x16xf32>,
        %get3A_816 = vector.shape_cast %get3A_815 : vector<1x1x16xf32> to vector<16xf32>
        %get3A_817 = arith.constant 2 : i32
        %get3A_818 = arith.index_cast %get3A_817 : i32 to index
        %get3A_819 = arith.index_cast %scan3A_475 : i32 to index
        %get3A_820 = arith.constant 48 : index
        %get3A_821 = tpu.vector_load %arg12[%get3A_818, %get3A_819, %get3A_820] {strides = array<i32>} : memref<6x40x128xf32, #tpu.memory_space<vmem>>, vector<1x1x16xf32>,
        %get3A_822 = vector.shape_cast %get3A_821 : vector<1x1x16xf32> to vector<16xf32>
        %mul3A_823 = arith.mulf %get3A_816, %get3A_822 : vector<16xf32>
        %add3A_824 = arith.addf %add3A_810, %mul3A_823 : vector<16xf32>
        %get3A_825 = arith.constant 3 : i32
        %get3A_826 = arith.index_cast %get3A_825 : i32 to index
        %get3A_827 = arith.index_cast %scan3A_475 : i32 to index
        %get3A_828 = arith.constant 48 : index
        %get3A_829 = tpu.vector_load %arg11[%get3A_826, %get3A_827, %get3A_828] {strides = array<i32>} : memref<6x40x128xf32, #tpu.memory_space<vmem>>, vector<1x1x16xf32>,
        %get3A_830 = vector.shape_cast %get3A_829 : vector<1x1x16xf32> to vector<16xf32>
        %get3A_831 = arith.constant 3 : i32
        %get3A_832 = arith.index_cast %get3A_831 : i32 to index
        %get3A_833 = arith.index_cast %scan3A_475 : i32 to index
        %get3A_834 = arith.constant 48 : index
        %get3A_835 = tpu.vector_load %arg12[%get3A_832, %get3A_833, %get3A_834] {strides = array<i32>} : memref<6x40x128xf32, #tpu.memory_space<vmem>>, vector<1x1x16xf32>,
        %get3A_836 = vector.shape_cast %get3A_835 : vector<1x1x16xf32> to vector<16xf32>
        %mul3A_837 = arith.mulf %get3A_830, %get3A_836 : vector<16xf32>
        %add3A_838 = arith.addf %add3A_824, %mul3A_837 : vector<16xf32>
        %get3A_839 = arith.constant 4 : i32
        %get3A_840 = arith.index_cast %get3A_839 : i32 to index
        %get3A_841 = arith.index_cast %scan3A_475 : i32 to index
        %get3A_842 = arith.constant 48 : index
        %get3A_843 = tpu.vector_load %arg11[%get3A_840, %get3A_841, %get3A_842] {strides = array<i32>} : memref<6x40x128xf32, #tpu.memory_space<vmem>>, vector<1x1x16xf32>,
        %get3A_844 = vector.shape_cast %get3A_843 : vector<1x1x16xf32> to vector<16xf32>
        %get3A_845 = arith.constant 4 : i32
        %get3A_846 = arith.index_cast %get3A_845 : i32 to index
        %get3A_847 = arith.index_cast %scan3A_475 : i32 to index
        %get3A_848 = arith.constant 48 : index
        %get3A_849 = tpu.vector_load %arg12[%get3A_846, %get3A_847, %get3A_848] {strides = array<i32>} : memref<6x40x128xf32, #tpu.memory_space<vmem>>, vector<1x1x16xf32>,
        %get3A_850 = vector.shape_cast %get3A_849 : vector<1x1x16xf32> to vector<16xf32>
        %mul3A_851 = arith.mulf %get3A_844, %get3A_850 : vector<16xf32>
        %add3A_852 = arith.addf %add3A_838, %mul3A_851 : vector<16xf32>
        %get3A_853 = arith.constant 5 : i32
        %get3A_854 = arith.index_cast %get3A_853 : i32 to index
        %get3A_855 = arith.index_cast %scan3A_475 : i32 to index
        %get3A_856 = arith.constant 48 : index
        %get3A_857 = tpu.vector_load %arg11[%get3A_854, %get3A_855, %get3A_856] {strides = array<i32>} : memref<6x40x128xf32, #tpu.memory_space<vmem>>, vector<1x1x16xf32>,
        %get3A_858 = vector.shape_cast %get3A_857 : vector<1x1x16xf32> to vector<16xf32>
        %get3A_859 = arith.constant 5 : i32
        %get3A_860 = arith.index_cast %get3A_859 : i32 to index
        %get3A_861 = arith.index_cast %scan3A_475 : i32 to index
        %get3A_862 = arith.constant 48 : index
        %get3A_863 = tpu.vector_load %arg12[%get3A_860, %get3A_861, %get3A_862] {strides = array<i32>} : memref<6x40x128xf32, #tpu.memory_space<vmem>>, vector<1x1x16xf32>,
        %get3A_864 = vector.shape_cast %get3A_863 : vector<1x1x16xf32> to vector<16xf32>
        %mul3A_865 = arith.mulf %get3A_858, %get3A_864 : vector<16xf32>
        %add3A_866 = arith.addf %add3A_852, %mul3A_865 : vector<16xf32>
        %swap3A_867 = arith.index_cast %scan3A_475 : i32 to index
        %swap3A_868 = arith.constant 48 : index
        %swap3A_869 = tpu.vector_load %arg13[%swap3A_867, %swap3A_868] {strides = array<i32>} : memref<40x128xf32, #tpu.memory_space<vmem>>, vector<1x16xf32>,
        %swap3A_870 = vector.shape_cast %swap3A_869 : vector<1x16xf32> to vector<16xf32>
        %swap3A_871 = vector.shape_cast %add3A_866 : vector<16xf32> to vector<1x16xf32>
        tpu.vector_store %arg13[%swap3A_867, %swap3A_868], %swap3A_871 {strides = array<i32>} : memref<40x128xf32, #tpu.memory_space<vmem>>, vector<1x16xf32>,
        %add3A_872 = arith.addf %scan3A_479, %add3A_866 : vector<16xf32>
        %mul3A_873 = arith.mulf %add3A_866, %add3A_866 : vector<16xf32>
        %add3A_874 = arith.addf %scan3A_487, %mul3A_873 : vector<16xf32>
        %get3A_875 = arith.index_cast %scan3A_475 : i32 to index
        %get3A_876 = arith.constant 64 : index
        %get3A_877 = tpu.vector_load %arg13[%get3A_875, %get3A_876] {strides = array<i32>} : memref<40x128xf32, #tpu.memory_space<vmem>>, vector<1x16xf32>,
        %get3A_878 = vector.shape_cast %get3A_877 : vector<1x16xf32> to vector<16xf32>
        %get3A_879 = arith.constant 0 : i32
        %get3A_880 = arith.index_cast %get3A_879 : i32 to index
        %get3A_881 = arith.index_cast %scan3A_475 : i32 to index
        %get3A_882 = arith.constant 64 : index
        %get3A_883 = tpu.vector_load %arg11[%get3A_880, %get3A_881, %get3A_882] {strides = array<i32>} : memref<6x40x128xf32, #tpu.memory_space<vmem>>, vector<1x1x16xf32>,
        %get3A_884 = vector.shape_cast %get3A_883 : vector<1x1x16xf32> to vector<16xf32>
        %get3A_885 = arith.constant 0 : i32
        %get3A_886 = arith.index_cast %get3A_885 : i32 to index
        %get3A_887 = arith.index_cast %scan3A_475 : i32 to index
        %get3A_888 = arith.constant 64 : index
        %get3A_889 = tpu.vector_load %arg12[%get3A_886, %get3A_887, %get3A_888] {strides = array<i32>} : memref<6x40x128xf32, #tpu.memory_space<vmem>>, vector<1x1x16xf32>,
        %get3A_890 = vector.shape_cast %get3A_889 : vector<1x1x16xf32> to vector<16xf32>
        %mul3A_891 = arith.mulf %get3A_884, %get3A_890 : vector<16xf32>
        %add3A_892 = arith.addf %get3A_878, %mul3A_891 : vector<16xf32>
        %get3A_893 = arith.constant 1 : i32
        %get3A_894 = arith.index_cast %get3A_893 : i32 to index
        %get3A_895 = arith.index_cast %scan3A_475 : i32 to index
        %get3A_896 = arith.constant 64 : index
        %get3A_897 = tpu.vector_load %arg11[%get3A_894, %get3A_895, %get3A_896] {strides = array<i32>} : memref<6x40x128xf32, #tpu.memory_space<vmem>>, vector<1x1x16xf32>,
        %get3A_898 = vector.shape_cast %get3A_897 : vector<1x1x16xf32> to vector<16xf32>
        %get3A_899 = arith.constant 1 : i32
        %get3A_900 = arith.index_cast %get3A_899 : i32 to index
        %get3A_901 = arith.index_cast %scan3A_475 : i32 to index
        %get3A_902 = arith.constant 64 : index
        %get3A_903 = tpu.vector_load %arg12[%get3A_900, %get3A_901, %get3A_902] {strides = array<i32>} : memref<6x40x128xf32, #tpu.memory_space<vmem>>, vector<1x1x16xf32>,
        %get3A_904 = vector.shape_cast %get3A_903 : vector<1x1x16xf32> to vector<16xf32>
        %mul3A_905 = arith.mulf %get3A_898, %get3A_904 : vector<16xf32>
        %add3A_906 = arith.addf %add3A_892, %mul3A_905 : vector<16xf32>
        %get3A_907 = arith.constant 2 : i32
        %get3A_908 = arith.index_cast %get3A_907 : i32 to index
        %get3A_909 = arith.index_cast %scan3A_475 : i32 to index
        %get3A_910 = arith.constant 64 : index
        %get3A_911 = tpu.vector_load %arg11[%get3A_908, %get3A_909, %get3A_910] {strides = array<i32>} : memref<6x40x128xf32, #tpu.memory_space<vmem>>, vector<1x1x16xf32>,
        %get3A_912 = vector.shape_cast %get3A_911 : vector<1x1x16xf32> to vector<16xf32>
        %get3A_913 = arith.constant 2 : i32
        %get3A_914 = arith.index_cast %get3A_913 : i32 to index
        %get3A_915 = arith.index_cast %scan3A_475 : i32 to index
        %get3A_916 = arith.constant 64 : index
        %get3A_917 = tpu.vector_load %arg12[%get3A_914, %get3A_915, %get3A_916] {strides = array<i32>} : memref<6x40x128xf32, #tpu.memory_space<vmem>>, vector<1x1x16xf32>,
        %get3A_918 = vector.shape_cast %get3A_917 : vector<1x1x16xf32> to vector<16xf32>
        %mul3A_919 = arith.mulf %get3A_912, %get3A_918 : vector<16xf32>
        %add3A_920 = arith.addf %add3A_906, %mul3A_919 : vector<16xf32>
        %get3A_921 = arith.constant 3 : i32
        %get3A_922 = arith.index_cast %get3A_921 : i32 to index
        %get3A_923 = arith.index_cast %scan3A_475 : i32 to index
        %get3A_924 = arith.constant 64 : index
        %get3A_925 = tpu.vector_load %arg11[%get3A_922, %get3A_923, %get3A_924] {strides = array<i32>} : memref<6x40x128xf32, #tpu.memory_space<vmem>>, vector<1x1x16xf32>,
        %get3A_926 = vector.shape_cast %get3A_925 : vector<1x1x16xf32> to vector<16xf32>
        %get3A_927 = arith.constant 3 : i32
        %get3A_928 = arith.index_cast %get3A_927 : i32 to index
        %get3A_929 = arith.index_cast %scan3A_475 : i32 to index
        %get3A_930 = arith.constant 64 : index
        %get3A_931 = tpu.vector_load %arg12[%get3A_928, %get3A_929, %get3A_930] {strides = array<i32>} : memref<6x40x128xf32, #tpu.memory_space<vmem>>, vector<1x1x16xf32>,
        %get3A_932 = vector.shape_cast %get3A_931 : vector<1x1x16xf32> to vector<16xf32>
        %mul3A_933 = arith.mulf %get3A_926, %get3A_932 : vector<16xf32>
        %add3A_934 = arith.addf %add3A_920, %mul3A_933 : vector<16xf32>
        %get3A_935 = arith.constant 4 : i32
        %get3A_936 = arith.index_cast %get3A_935 : i32 to index
        %get3A_937 = arith.index_cast %scan3A_475 : i32 to index
        %get3A_938 = arith.constant 64 : index
        %get3A_939 = tpu.vector_load %arg11[%get3A_936, %get3A_937, %get3A_938] {strides = array<i32>} : memref<6x40x128xf32, #tpu.memory_space<vmem>>, vector<1x1x16xf32>,
        %get3A_940 = vector.shape_cast %get3A_939 : vector<1x1x16xf32> to vector<16xf32>
        %get3A_941 = arith.constant 4 : i32
        %get3A_942 = arith.index_cast %get3A_941 : i32 to index
        %get3A_943 = arith.index_cast %scan3A_475 : i32 to index
        %get3A_944 = arith.constant 64 : index
        %get3A_945 = tpu.vector_load %arg12[%get3A_942, %get3A_943, %get3A_944] {strides = array<i32>} : memref<6x40x128xf32, #tpu.memory_space<vmem>>, vector<1x1x16xf32>,
        %get3A_946 = vector.shape_cast %get3A_945 : vector<1x1x16xf32> to vector<16xf32>
        %mul3A_947 = arith.mulf %get3A_940, %get3A_946 : vector<16xf32>
        %add3A_948 = arith.addf %add3A_934, %mul3A_947 : vector<16xf32>
        %get3A_949 = arith.constant 5 : i32
        %get3A_950 = arith.index_cast %get3A_949 : i32 to index
        %get3A_951 = arith.index_cast %scan3A_475 : i32 to index
        %get3A_952 = arith.constant 64 : index
        %get3A_953 = tpu.vector_load %arg11[%get3A_950, %get3A_951, %get3A_952] {strides = array<i32>} : memref<6x40x128xf32, #tpu.memory_space<vmem>>, vector<1x1x16xf32>,
        %get3A_954 = vector.shape_cast %get3A_953 : vector<1x1x16xf32> to vector<16xf32>
        %get3A_955 = arith.constant 5 : i32
        %get3A_956 = arith.index_cast %get3A_955 : i32 to index
        %get3A_957 = arith.index_cast %scan3A_475 : i32 to index
        %get3A_958 = arith.constant 64 : index
        %get3A_959 = tpu.vector_load %arg12[%get3A_956, %get3A_957, %get3A_958] {strides = array<i32>} : memref<6x40x128xf32, #tpu.memory_space<vmem>>, vector<1x1x16xf32>,
        %get3A_960 = vector.shape_cast %get3A_959 : vector<1x1x16xf32> to vector<16xf32>
        %mul3A_961 = arith.mulf %get3A_954, %get3A_960 : vector<16xf32>
        %add3A_962 = arith.addf %add3A_948, %mul3A_961 : vector<16xf32>
        %swap3A_963 = arith.index_cast %scan3A_475 : i32 to index
        %swap3A_964 = arith.constant 64 : index
        %swap3A_965 = tpu.vector_load %arg13[%swap3A_963, %swap3A_964] {strides = array<i32>} : memref<40x128xf32, #tpu.memory_space<vmem>>, vector<1x16xf32>,
        %swap3A_966 = vector.shape_cast %swap3A_965 : vector<1x16xf32> to vector<16xf32>
        %swap3A_967 = vector.shape_cast %add3A_962 : vector<16xf32> to vector<1x16xf32>
        tpu.vector_store %arg13[%swap3A_963, %swap3A_964], %swap3A_967 {strides = array<i32>} : memref<40x128xf32, #tpu.memory_space<vmem>>, vector<1x16xf32>,
        %add3A_968 = arith.addf %scan3A_480, %add3A_962 : vector<16xf32>
        %mul3A_969 = arith.mulf %add3A_962, %add3A_962 : vector<16xf32>
        %add3A_970 = arith.addf %scan3A_488, %mul3A_969 : vector<16xf32>
        %get3A_971 = arith.index_cast %scan3A_475 : i32 to index
        %get3A_972 = arith.constant 80 : index
        %get3A_973 = tpu.vector_load %arg13[%get3A_971, %get3A_972] {strides = array<i32>} : memref<40x128xf32, #tpu.memory_space<vmem>>, vector<1x16xf32>,
        %get3A_974 = vector.shape_cast %get3A_973 : vector<1x16xf32> to vector<16xf32>
        %get3A_975 = arith.constant 0 : i32
        %get3A_976 = arith.index_cast %get3A_975 : i32 to index
        %get3A_977 = arith.index_cast %scan3A_475 : i32 to index
        %get3A_978 = arith.constant 80 : index
        %get3A_979 = tpu.vector_load %arg11[%get3A_976, %get3A_977, %get3A_978] {strides = array<i32>} : memref<6x40x128xf32, #tpu.memory_space<vmem>>, vector<1x1x16xf32>,
        %get3A_980 = vector.shape_cast %get3A_979 : vector<1x1x16xf32> to vector<16xf32>
        %get3A_981 = arith.constant 0 : i32
        %get3A_982 = arith.index_cast %get3A_981 : i32 to index
        %get3A_983 = arith.index_cast %scan3A_475 : i32 to index
        %get3A_984 = arith.constant 80 : index
        %get3A_985 = tpu.vector_load %arg12[%get3A_982, %get3A_983, %get3A_984] {strides = array<i32>} : memref<6x40x128xf32, #tpu.memory_space<vmem>>, vector<1x1x16xf32>,
        %get3A_986 = vector.shape_cast %get3A_985 : vector<1x1x16xf32> to vector<16xf32>
        %mul3A_987 = arith.mulf %get3A_980, %get3A_986 : vector<16xf32>
        %add3A_988 = arith.addf %get3A_974, %mul3A_987 : vector<16xf32>
        %get3A_989 = arith.constant 1 : i32
        %get3A_990 = arith.index_cast %get3A_989 : i32 to index
        %get3A_991 = arith.index_cast %scan3A_475 : i32 to index
        %get3A_992 = arith.constant 80 : index
        %get3A_993 = tpu.vector_load %arg11[%get3A_990, %get3A_991, %get3A_992] {strides = array<i32>} : memref<6x40x128xf32, #tpu.memory_space<vmem>>, vector<1x1x16xf32>,
        %get3A_994 = vector.shape_cast %get3A_993 : vector<1x1x16xf32> to vector<16xf32>
        %get3A_995 = arith.constant 1 : i32
        %get3A_996 = arith.index_cast %get3A_995 : i32 to index
        %get3A_997 = arith.index_cast %scan3A_475 : i32 to index
        %get3A_998 = arith.constant 80 : index
        %get3A_999 = tpu.vector_load %arg12[%get3A_996, %get3A_997, %get3A_998] {strides = array<i32>} : memref<6x40x128xf32, #tpu.memory_space<vmem>>, vector<1x1x16xf32>,
        %get3A_1000 = vector.shape_cast %get3A_999 : vector<1x1x16xf32> to vector<16xf32>
        %mul3A_1001 = arith.mulf %get3A_994, %get3A_1000 : vector<16xf32>
        %add3A_1002 = arith.addf %add3A_988, %mul3A_1001 : vector<16xf32>
        %get3A_1003 = arith.constant 2 : i32
        %get3A_1004 = arith.index_cast %get3A_1003 : i32 to index
        %get3A_1005 = arith.index_cast %scan3A_475 : i32 to index
        %get3A_1006 = arith.constant 80 : index
        %get3A_1007 = tpu.vector_load %arg11[%get3A_1004, %get3A_1005, %get3A_1006] {strides = array<i32>} : memref<6x40x128xf32, #tpu.memory_space<vmem>>, vector<1x1x16xf32>,
        %get3A_1008 = vector.shape_cast %get3A_1007 : vector<1x1x16xf32> to vector<16xf32>
        %get3A_1009 = arith.constant 2 : i32
        %get3A_1010 = arith.index_cast %get3A_1009 : i32 to index
        %get3A_1011 = arith.index_cast %scan3A_475 : i32 to index
        %get3A_1012 = arith.constant 80 : index
        %get3A_1013 = tpu.vector_load %arg12[%get3A_1010, %get3A_1011, %get3A_1012] {strides = array<i32>} : memref<6x40x128xf32, #tpu.memory_space<vmem>>, vector<1x1x16xf32>,
        %get3A_1014 = vector.shape_cast %get3A_1013 : vector<1x1x16xf32> to vector<16xf32>
        %mul3A_1015 = arith.mulf %get3A_1008, %get3A_1014 : vector<16xf32>
        %add3A_1016 = arith.addf %add3A_1002, %mul3A_1015 : vector<16xf32>
        %get3A_1017 = arith.constant 3 : i32
        %get3A_1018 = arith.index_cast %get3A_1017 : i32 to index
        %get3A_1019 = arith.index_cast %scan3A_475 : i32 to index
        %get3A_1020 = arith.constant 80 : index
        %get3A_1021 = tpu.vector_load %arg11[%get3A_1018, %get3A_1019, %get3A_1020] {strides = array<i32>} : memref<6x40x128xf32, #tpu.memory_space<vmem>>, vector<1x1x16xf32>,
        %get3A_1022 = vector.shape_cast %get3A_1021 : vector<1x1x16xf32> to vector<16xf32>
        %get3A_1023 = arith.constant 3 : i32
        %get3A_1024 = arith.index_cast %get3A_1023 : i32 to index
        %get3A_1025 = arith.index_cast %scan3A_475 : i32 to index
        %get3A_1026 = arith.constant 80 : index
        %get3A_1027 = tpu.vector_load %arg12[%get3A_1024, %get3A_1025, %get3A_1026] {strides = array<i32>} : memref<6x40x128xf32, #tpu.memory_space<vmem>>, vector<1x1x16xf32>,
        %get3A_1028 = vector.shape_cast %get3A_1027 : vector<1x1x16xf32> to vector<16xf32>
        %mul3A_1029 = arith.mulf %get3A_1022, %get3A_1028 : vector<16xf32>
        %add3A_1030 = arith.addf %add3A_1016, %mul3A_1029 : vector<16xf32>
        %get3A_1031 = arith.constant 4 : i32
        %get3A_1032 = arith.index_cast %get3A_1031 : i32 to index
        %get3A_1033 = arith.index_cast %scan3A_475 : i32 to index
        %get3A_1034 = arith.constant 80 : index
        %get3A_1035 = tpu.vector_load %arg11[%get3A_1032, %get3A_1033, %get3A_1034] {strides = array<i32>} : memref<6x40x128xf32, #tpu.memory_space<vmem>>, vector<1x1x16xf32>,
        %get3A_1036 = vector.shape_cast %get3A_1035 : vector<1x1x16xf32> to vector<16xf32>
        %get3A_1037 = arith.constant 4 : i32
        %get3A_1038 = arith.index_cast %get3A_1037 : i32 to index
        %get3A_1039 = arith.index_cast %scan3A_475 : i32 to index
        %get3A_1040 = arith.constant 80 : index
        %get3A_1041 = tpu.vector_load %arg12[%get3A_1038, %get3A_1039, %get3A_1040] {strides = array<i32>} : memref<6x40x128xf32, #tpu.memory_space<vmem>>, vector<1x1x16xf32>,
        %get3A_1042 = vector.shape_cast %get3A_1041 : vector<1x1x16xf32> to vector<16xf32>
        %mul3A_1043 = arith.mulf %get3A_1036, %get3A_1042 : vector<16xf32>
        %add3A_1044 = arith.addf %add3A_1030, %mul3A_1043 : vector<16xf32>
        %get3A_1045 = arith.constant 5 : i32
        %get3A_1046 = arith.index_cast %get3A_1045 : i32 to index
        %get3A_1047 = arith.index_cast %scan3A_475 : i32 to index
        %get3A_1048 = arith.constant 80 : index
        %get3A_1049 = tpu.vector_load %arg11[%get3A_1046, %get3A_1047, %get3A_1048] {strides = array<i32>} : memref<6x40x128xf32, #tpu.memory_space<vmem>>, vector<1x1x16xf32>,
        %get3A_1050 = vector.shape_cast %get3A_1049 : vector<1x1x16xf32> to vector<16xf32>
        %get3A_1051 = arith.constant 5 : i32
        %get3A_1052 = arith.index_cast %get3A_1051 : i32 to index
        %get3A_1053 = arith.index_cast %scan3A_475 : i32 to index
        %get3A_1054 = arith.constant 80 : index
        %get3A_1055 = tpu.vector_load %arg12[%get3A_1052, %get3A_1053, %get3A_1054] {strides = array<i32>} : memref<6x40x128xf32, #tpu.memory_space<vmem>>, vector<1x1x16xf32>,
        %get3A_1056 = vector.shape_cast %get3A_1055 : vector<1x1x16xf32> to vector<16xf32>
        %mul3A_1057 = arith.mulf %get3A_1050, %get3A_1056 : vector<16xf32>
        %add3A_1058 = arith.addf %add3A_1044, %mul3A_1057 : vector<16xf32>
        %swap3A_1059 = arith.index_cast %scan3A_475 : i32 to index
        %swap3A_1060 = arith.constant 80 : index
        %swap3A_1061 = tpu.vector_load %arg13[%swap3A_1059, %swap3A_1060] {strides = array<i32>} : memref<40x128xf32, #tpu.memory_space<vmem>>, vector<1x16xf32>,
        %swap3A_1062 = vector.shape_cast %swap3A_1061 : vector<1x16xf32> to vector<16xf32>
        %swap3A_1063 = vector.shape_cast %add3A_1058 : vector<16xf32> to vector<1x16xf32>
        tpu.vector_store %arg13[%swap3A_1059, %swap3A_1060], %swap3A_1063 {strides = array<i32>} : memref<40x128xf32, #tpu.memory_space<vmem>>, vector<1x16xf32>,
        %add3A_1064 = arith.addf %scan3A_481, %add3A_1058 : vector<16xf32>
        %mul3A_1065 = arith.mulf %add3A_1058, %add3A_1058 : vector<16xf32>
        %add3A_1066 = arith.addf %scan3A_489, %mul3A_1065 : vector<16xf32>
        %get3A_1067 = arith.index_cast %scan3A_475 : i32 to index
        %get3A_1068 = arith.constant 96 : index
        %get3A_1069 = tpu.vector_load %arg13[%get3A_1067, %get3A_1068] {strides = array<i32>} : memref<40x128xf32, #tpu.memory_space<vmem>>, vector<1x16xf32>,
        %get3A_1070 = vector.shape_cast %get3A_1069 : vector<1x16xf32> to vector<16xf32>
        %get3A_1071 = arith.constant 0 : i32
        %get3A_1072 = arith.index_cast %get3A_1071 : i32 to index
        %get3A_1073 = arith.index_cast %scan3A_475 : i32 to index
        %get3A_1074 = arith.constant 96 : index
        %get3A_1075 = tpu.vector_load %arg11[%get3A_1072, %get3A_1073, %get3A_1074] {strides = array<i32>} : memref<6x40x128xf32, #tpu.memory_space<vmem>>, vector<1x1x16xf32>,
        %get3A_1076 = vector.shape_cast %get3A_1075 : vector<1x1x16xf32> to vector<16xf32>
        %get3A_1077 = arith.constant 0 : i32
        %get3A_1078 = arith.index_cast %get3A_1077 : i32 to index
        %get3A_1079 = arith.index_cast %scan3A_475 : i32 to index
        %get3A_1080 = arith.constant 96 : index
        %get3A_1081 = tpu.vector_load %arg12[%get3A_1078, %get3A_1079, %get3A_1080] {strides = array<i32>} : memref<6x40x128xf32, #tpu.memory_space<vmem>>, vector<1x1x16xf32>,
        %get3A_1082 = vector.shape_cast %get3A_1081 : vector<1x1x16xf32> to vector<16xf32>
        %mul3A_1083 = arith.mulf %get3A_1076, %get3A_1082 : vector<16xf32>
        %add3A_1084 = arith.addf %get3A_1070, %mul3A_1083 : vector<16xf32>
        %get3A_1085 = arith.constant 1 : i32
        %get3A_1086 = arith.index_cast %get3A_1085 : i32 to index
        %get3A_1087 = arith.index_cast %scan3A_475 : i32 to index
        %get3A_1088 = arith.constant 96 : index
        %get3A_1089 = tpu.vector_load %arg11[%get3A_1086, %get3A_1087, %get3A_1088] {strides = array<i32>} : memref<6x40x128xf32, #tpu.memory_space<vmem>>, vector<1x1x16xf32>,
        %get3A_1090 = vector.shape_cast %get3A_1089 : vector<1x1x16xf32> to vector<16xf32>
        %get3A_1091 = arith.constant 1 : i32
        %get3A_1092 = arith.index_cast %get3A_1091 : i32 to index
        %get3A_1093 = arith.index_cast %scan3A_475 : i32 to index
        %get3A_1094 = arith.constant 96 : index
        %get3A_1095 = tpu.vector_load %arg12[%get3A_1092, %get3A_1093, %get3A_1094] {strides = array<i32>} : memref<6x40x128xf32, #tpu.memory_space<vmem>>, vector<1x1x16xf32>,
        %get3A_1096 = vector.shape_cast %get3A_1095 : vector<1x1x16xf32> to vector<16xf32>
        %mul3A_1097 = arith.mulf %get3A_1090, %get3A_1096 : vector<16xf32>
        %add3A_1098 = arith.addf %add3A_1084, %mul3A_1097 : vector<16xf32>
        %get3A_1099 = arith.constant 2 : i32
        %get3A_1100 = arith.index_cast %get3A_1099 : i32 to index
        %get3A_1101 = arith.index_cast %scan3A_475 : i32 to index
        %get3A_1102 = arith.constant 96 : index
        %get3A_1103 = tpu.vector_load %arg11[%get3A_1100, %get3A_1101, %get3A_1102] {strides = array<i32>} : memref<6x40x128xf32, #tpu.memory_space<vmem>>, vector<1x1x16xf32>,
        %get3A_1104 = vector.shape_cast %get3A_1103 : vector<1x1x16xf32> to vector<16xf32>
        %get3A_1105 = arith.constant 2 : i32
        %get3A_1106 = arith.index_cast %get3A_1105 : i32 to index
        %get3A_1107 = arith.index_cast %scan3A_475 : i32 to index
        %get3A_1108 = arith.constant 96 : index
        %get3A_1109 = tpu.vector_load %arg12[%get3A_1106, %get3A_1107, %get3A_1108] {strides = array<i32>} : memref<6x40x128xf32, #tpu.memory_space<vmem>>, vector<1x1x16xf32>,
        %get3A_1110 = vector.shape_cast %get3A_1109 : vector<1x1x16xf32> to vector<16xf32>
        %mul3A_1111 = arith.mulf %get3A_1104, %get3A_1110 : vector<16xf32>
        %add3A_1112 = arith.addf %add3A_1098, %mul3A_1111 : vector<16xf32>
        %get3A_1113 = arith.constant 3 : i32
        %get3A_1114 = arith.index_cast %get3A_1113 : i32 to index
        %get3A_1115 = arith.index_cast %scan3A_475 : i32 to index
        %get3A_1116 = arith.constant 96 : index
        %get3A_1117 = tpu.vector_load %arg11[%get3A_1114, %get3A_1115, %get3A_1116] {strides = array<i32>} : memref<6x40x128xf32, #tpu.memory_space<vmem>>, vector<1x1x16xf32>,
        %get3A_1118 = vector.shape_cast %get3A_1117 : vector<1x1x16xf32> to vector<16xf32>
        %get3A_1119 = arith.constant 3 : i32
        %get3A_1120 = arith.index_cast %get3A_1119 : i32 to index
        %get3A_1121 = arith.index_cast %scan3A_475 : i32 to index
        %get3A_1122 = arith.constant 96 : index
        %get3A_1123 = tpu.vector_load %arg12[%get3A_1120, %get3A_1121, %get3A_1122] {strides = array<i32>} : memref<6x40x128xf32, #tpu.memory_space<vmem>>, vector<1x1x16xf32>,
        %get3A_1124 = vector.shape_cast %get3A_1123 : vector<1x1x16xf32> to vector<16xf32>
        %mul3A_1125 = arith.mulf %get3A_1118, %get3A_1124 : vector<16xf32>
        %add3A_1126 = arith.addf %add3A_1112, %mul3A_1125 : vector<16xf32>
        %get3A_1127 = arith.constant 4 : i32
        %get3A_1128 = arith.index_cast %get3A_1127 : i32 to index
        %get3A_1129 = arith.index_cast %scan3A_475 : i32 to index
        %get3A_1130 = arith.constant 96 : index
        %get3A_1131 = tpu.vector_load %arg11[%get3A_1128, %get3A_1129, %get3A_1130] {strides = array<i32>} : memref<6x40x128xf32, #tpu.memory_space<vmem>>, vector<1x1x16xf32>,
        %get3A_1132 = vector.shape_cast %get3A_1131 : vector<1x1x16xf32> to vector<16xf32>
        %get3A_1133 = arith.constant 4 : i32
        %get3A_1134 = arith.index_cast %get3A_1133 : i32 to index
        %get3A_1135 = arith.index_cast %scan3A_475 : i32 to index
        %get3A_1136 = arith.constant 96 : index
        %get3A_1137 = tpu.vector_load %arg12[%get3A_1134, %get3A_1135, %get3A_1136] {strides = array<i32>} : memref<6x40x128xf32, #tpu.memory_space<vmem>>, vector<1x1x16xf32>,
        %get3A_1138 = vector.shape_cast %get3A_1137 : vector<1x1x16xf32> to vector<16xf32>
        %mul3A_1139 = arith.mulf %get3A_1132, %get3A_1138 : vector<16xf32>
        %add3A_1140 = arith.addf %add3A_1126, %mul3A_1139 : vector<16xf32>
        %get3A_1141 = arith.constant 5 : i32
        %get3A_1142 = arith.index_cast %get3A_1141 : i32 to index
        %get3A_1143 = arith.index_cast %scan3A_475 : i32 to index
        %get3A_1144 = arith.constant 96 : index
        %get3A_1145 = tpu.vector_load %arg11[%get3A_1142, %get3A_1143, %get3A_1144] {strides = array<i32>} : memref<6x40x128xf32, #tpu.memory_space<vmem>>, vector<1x1x16xf32>,
        %get3A_1146 = vector.shape_cast %get3A_1145 : vector<1x1x16xf32> to vector<16xf32>
        %get3A_1147 = arith.constant 5 : i32
        %get3A_1148 = arith.index_cast %get3A_1147 : i32 to index
        %get3A_1149 = arith.index_cast %scan3A_475 : i32 to index
        %get3A_1150 = arith.constant 96 : index
        %get3A_1151 = tpu.vector_load %arg12[%get3A_1148, %get3A_1149, %get3A_1150] {strides = array<i32>} : memref<6x40x128xf32, #tpu.memory_space<vmem>>, vector<1x1x16xf32>,
        %get3A_1152 = vector.shape_cast %get3A_1151 : vector<1x1x16xf32> to vector<16xf32>
        %mul3A_1153 = arith.mulf %get3A_1146, %get3A_1152 : vector<16xf32>
        %add3A_1154 = arith.addf %add3A_1140, %mul3A_1153 : vector<16xf32>
        %swap3A_1155 = arith.index_cast %scan3A_475 : i32 to index
        %swap3A_1156 = arith.constant 96 : index
        %swap3A_1157 = tpu.vector_load %arg13[%swap3A_1155, %swap3A_1156] {strides = array<i32>} : memref<40x128xf32, #tpu.memory_space<vmem>>, vector<1x16xf32>,
        %swap3A_1158 = vector.shape_cast %swap3A_1157 : vector<1x16xf32> to vector<16xf32>
        %swap3A_1159 = vector.shape_cast %add3A_1154 : vector<16xf32> to vector<1x16xf32>
        tpu.vector_store %arg13[%swap3A_1155, %swap3A_1156], %swap3A_1159 {strides = array<i32>} : memref<40x128xf32, #tpu.memory_space<vmem>>, vector<1x16xf32>,
        %add3A_1160 = arith.addf %scan3A_482, %add3A_1154 : vector<16xf32>
        %mul3A_1161 = arith.mulf %add3A_1154, %add3A_1154 : vector<16xf32>
        %add3A_1162 = arith.addf %scan3A_490, %mul3A_1161 : vector<16xf32>
        %get3A_1163 = arith.index_cast %scan3A_475 : i32 to index
        %get3A_1164 = arith.constant 112 : index
        %get3A_1165 = tpu.vector_load %arg13[%get3A_1163, %get3A_1164] {strides = array<i32>} : memref<40x128xf32, #tpu.memory_space<vmem>>, vector<1x16xf32>,
        %get3A_1166 = vector.shape_cast %get3A_1165 : vector<1x16xf32> to vector<16xf32>
        %get3A_1167 = arith.constant 0 : i32
        %get3A_1168 = arith.index_cast %get3A_1167 : i32 to index
        %get3A_1169 = arith.index_cast %scan3A_475 : i32 to index
        %get3A_1170 = arith.constant 112 : index
        %get3A_1171 = tpu.vector_load %arg11[%get3A_1168, %get3A_1169, %get3A_1170] {strides = array<i32>} : memref<6x40x128xf32, #tpu.memory_space<vmem>>, vector<1x1x16xf32>,
        %get3A_1172 = vector.shape_cast %get3A_1171 : vector<1x1x16xf32> to vector<16xf32>
        %get3A_1173 = arith.constant 0 : i32
        %get3A_1174 = arith.index_cast %get3A_1173 : i32 to index
        %get3A_1175 = arith.index_cast %scan3A_475 : i32 to index
        %get3A_1176 = arith.constant 112 : index
        %get3A_1177 = tpu.vector_load %arg12[%get3A_1174, %get3A_1175, %get3A_1176] {strides = array<i32>} : memref<6x40x128xf32, #tpu.memory_space<vmem>>, vector<1x1x16xf32>,
        %get3A_1178 = vector.shape_cast %get3A_1177 : vector<1x1x16xf32> to vector<16xf32>
        %mul3A_1179 = arith.mulf %get3A_1172, %get3A_1178 : vector<16xf32>
        %add3A_1180 = arith.addf %get3A_1166, %mul3A_1179 : vector<16xf32>
        %get3A_1181 = arith.constant 1 : i32
        %get3A_1182 = arith.index_cast %get3A_1181 : i32 to index
        %get3A_1183 = arith.index_cast %scan3A_475 : i32 to index
        %get3A_1184 = arith.constant 112 : index
        %get3A_1185 = tpu.vector_load %arg11[%get3A_1182, %get3A_1183, %get3A_1184] {strides = array<i32>} : memref<6x40x128xf32, #tpu.memory_space<vmem>>, vector<1x1x16xf32>,
        %get3A_1186 = vector.shape_cast %get3A_1185 : vector<1x1x16xf32> to vector<16xf32>
        %get3A_1187 = arith.constant 1 : i32
        %get3A_1188 = arith.index_cast %get3A_1187 : i32 to index
        %get3A_1189 = arith.index_cast %scan3A_475 : i32 to index
        %get3A_1190 = arith.constant 112 : index
        %get3A_1191 = tpu.vector_load %arg12[%get3A_1188, %get3A_1189, %get3A_1190] {strides = array<i32>} : memref<6x40x128xf32, #tpu.memory_space<vmem>>, vector<1x1x16xf32>,
        %get3A_1192 = vector.shape_cast %get3A_1191 : vector<1x1x16xf32> to vector<16xf32>
        %mul3A_1193 = arith.mulf %get3A_1186, %get3A_1192 : vector<16xf32>
        %add3A_1194 = arith.addf %add3A_1180, %mul3A_1193 : vector<16xf32>
        %get3A_1195 = arith.constant 2 : i32
        %get3A_1196 = arith.index_cast %get3A_1195 : i32 to index
        %get3A_1197 = arith.index_cast %scan3A_475 : i32 to index
        %get3A_1198 = arith.constant 112 : index
        %get3A_1199 = tpu.vector_load %arg11[%get3A_1196, %get3A_1197, %get3A_1198] {strides = array<i32>} : memref<6x40x128xf32, #tpu.memory_space<vmem>>, vector<1x1x16xf32>,
        %get3A_1200 = vector.shape_cast %get3A_1199 : vector<1x1x16xf32> to vector<16xf32>
        %get3A_1201 = arith.constant 2 : i32
        %get3A_1202 = arith.index_cast %get3A_1201 : i32 to index
        %get3A_1203 = arith.index_cast %scan3A_475 : i32 to index
        %get3A_1204 = arith.constant 112 : index
        %get3A_1205 = tpu.vector_load %arg12[%get3A_1202, %get3A_1203, %get3A_1204] {strides = array<i32>} : memref<6x40x128xf32, #tpu.memory_space<vmem>>, vector<1x1x16xf32>,
        %get3A_1206 = vector.shape_cast %get3A_1205 : vector<1x1x16xf32> to vector<16xf32>
        %mul3A_1207 = arith.mulf %get3A_1200, %get3A_1206 : vector<16xf32>
        %add3A_1208 = arith.addf %add3A_1194, %mul3A_1207 : vector<16xf32>
        %get3A_1209 = arith.constant 3 : i32
        %get3A_1210 = arith.index_cast %get3A_1209 : i32 to index
        %get3A_1211 = arith.index_cast %scan3A_475 : i32 to index
        %get3A_1212 = arith.constant 112 : index
        %get3A_1213 = tpu.vector_load %arg11[%get3A_1210, %get3A_1211, %get3A_1212] {strides = array<i32>} : memref<6x40x128xf32, #tpu.memory_space<vmem>>, vector<1x1x16xf32>,
        %get3A_1214 = vector.shape_cast %get3A_1213 : vector<1x1x16xf32> to vector<16xf32>
        %get3A_1215 = arith.constant 3 : i32
        %get3A_1216 = arith.index_cast %get3A_1215 : i32 to index
        %get3A_1217 = arith.index_cast %scan3A_475 : i32 to index
        %get3A_1218 = arith.constant 112 : index
        %get3A_1219 = tpu.vector_load %arg12[%get3A_1216, %get3A_1217, %get3A_1218] {strides = array<i32>} : memref<6x40x128xf32, #tpu.memory_space<vmem>>, vector<1x1x16xf32>,
        %get3A_1220 = vector.shape_cast %get3A_1219 : vector<1x1x16xf32> to vector<16xf32>
        %mul3A_1221 = arith.mulf %get3A_1214, %get3A_1220 : vector<16xf32>
        %add3A_1222 = arith.addf %add3A_1208, %mul3A_1221 : vector<16xf32>
        %get3A_1223 = arith.constant 4 : i32
        %get3A_1224 = arith.index_cast %get3A_1223 : i32 to index
        %get3A_1225 = arith.index_cast %scan3A_475 : i32 to index
        %get3A_1226 = arith.constant 112 : index
        %get3A_1227 = tpu.vector_load %arg11[%get3A_1224, %get3A_1225, %get3A_1226] {strides = array<i32>} : memref<6x40x128xf32, #tpu.memory_space<vmem>>, vector<1x1x16xf32>,
        %get3A_1228 = vector.shape_cast %get3A_1227 : vector<1x1x16xf32> to vector<16xf32>
        %get3A_1229 = arith.constant 4 : i32
        %get3A_1230 = arith.index_cast %get3A_1229 : i32 to index
        %get3A_1231 = arith.index_cast %scan3A_475 : i32 to index
        %get3A_1232 = arith.constant 112 : index
        %get3A_1233 = tpu.vector_load %arg12[%get3A_1230, %get3A_1231, %get3A_1232] {strides = array<i32>} : memref<6x40x128xf32, #tpu.memory_space<vmem>>, vector<1x1x16xf32>,
        %get3A_1234 = vector.shape_cast %get3A_1233 : vector<1x1x16xf32> to vector<16xf32>
        %mul3A_1235 = arith.mulf %get3A_1228, %get3A_1234 : vector<16xf32>
        %add3A_1236 = arith.addf %add3A_1222, %mul3A_1235 : vector<16xf32>
        %get3A_1237 = arith.constant 5 : i32
        %get3A_1238 = arith.index_cast %get3A_1237 : i32 to index
        %get3A_1239 = arith.index_cast %scan3A_475 : i32 to index
        %get3A_1240 = arith.constant 112 : index
        %get3A_1241 = tpu.vector_load %arg11[%get3A_1238, %get3A_1239, %get3A_1240] {strides = array<i32>} : memref<6x40x128xf32, #tpu.memory_space<vmem>>, vector<1x1x16xf32>,
        %get3A_1242 = vector.shape_cast %get3A_1241 : vector<1x1x16xf32> to vector<16xf32>
        %get3A_1243 = arith.constant 5 : i32
        %get3A_1244 = arith.index_cast %get3A_1243 : i32 to index
        %get3A_1245 = arith.index_cast %scan3A_475 : i32 to index
        %get3A_1246 = arith.constant 112 : index
        %get3A_1247 = tpu.vector_load %arg12[%get3A_1244, %get3A_1245, %get3A_1246] {strides = array<i32>} : memref<6x40x128xf32, #tpu.memory_space<vmem>>, vector<1x1x16xf32>,
        %get3A_1248 = vector.shape_cast %get3A_1247 : vector<1x1x16xf32> to vector<16xf32>
        %mul3A_1249 = arith.mulf %get3A_1242, %get3A_1248 : vector<16xf32>
        %add3A_1250 = arith.addf %add3A_1236, %mul3A_1249 : vector<16xf32>
        %swap3A_1251 = arith.index_cast %scan3A_475 : i32 to index
        %swap3A_1252 = arith.constant 112 : index
        %swap3A_1253 = tpu.vector_load %arg13[%swap3A_1251, %swap3A_1252] {strides = array<i32>} : memref<40x128xf32, #tpu.memory_space<vmem>>, vector<1x16xf32>,
        %swap3A_1254 = vector.shape_cast %swap3A_1253 : vector<1x16xf32> to vector<16xf32>
        %swap3A_1255 = vector.shape_cast %add3A_1250 : vector<16xf32> to vector<1x16xf32>
        tpu.vector_store %arg13[%swap3A_1251, %swap3A_1252], %swap3A_1255 {strides = array<i32>} : memref<40x128xf32, #tpu.memory_space<vmem>>, vector<1x16xf32>,
        %add3A_1256 = arith.addf %scan3A_483, %add3A_1250 : vector<16xf32>
        %mul3A_1257 = arith.mulf %add3A_1250, %add3A_1250 : vector<16xf32>
        %add3A_1258 = arith.addf %scan3A_491, %mul3A_1257 : vector<16xf32>
        scf.yield %add3A_584, %add3A_680, %add3A_776, %add3A_872, %add3A_968, %add3A_1064, %add3A_1160, %add3A_1256, %add3A_586, %add3A_682, %add3A_778, %add3A_874, %add3A_970, %add3A_1066, %add3A_1162, %add3A_1258 : vector<16xf32>, vector<16xf32>, vector<16xf32>, vector<16xf32>, vector<16xf32>, vector<16xf32>, vector<16xf32>, vector<16xf32>, vector<16xf32>, vector<16xf32>, vector<16xf32>, vector<16xf32>, vector<16xf32>, vector<16xf32>, vector<16xf32>, vector<16xf32>
      }
      %scan3A_474 = arith.constant 40 : i32
      "tpu.region"() ({
        %run_scoped3A_475 = tpu.sem_alloc : memref<!tpu.dma_semaphore, #tpu.memory_space<semaphore_mem>>
        %dma_start3A_476 = arith.constant 0 : i32
        %dma_start3A_477 = tpu.memref_slice %arg7[%mul3A_148, %dma_start3A_476] : memref<50000x128xf32, #tpu.memory_space<hbm>> -> memref<40x128xf32, #tpu.memory_space<hbm>>
        %dma_start3A_478 = arith.constant 0 : i32
        %dma_start3A_479 = tpu.memref_slice %arg7[%mul3A_148, %dma_start3A_478] : memref<50000x128xf32, #tpu.memory_space<hbm>> -> memref<40x128xf32, #tpu.memory_space<hbm>>
        tpu.enqueue_dma source(%arg13 : memref<40x128xf32, #tpu.memory_space<vmem>>) target(%dma_start3A_479 : memref<40x128xf32, #tpu.memory_space<hbm>>) target_semaphore(%run_scoped3A_475 : memref<!tpu.dma_semaphore, #tpu.memory_space<semaphore_mem>>)
        %dma_wait3A_480 = arith.constant 0 : i32
        %dma_wait3A_481 = tpu.memref_slice %arg7[%mul3A_148, %dma_wait3A_480] : memref<50000x128xf32, #tpu.memory_space<hbm>> -> memref<40x128xf32, #tpu.memory_space<hbm>>
        %dma_wait3A_482 = arith.constant 0 : i32
        %dma_wait3A_483 = tpu.memref_slice %arg7[%mul3A_148, %dma_wait3A_482] : memref<50000x128xf32, #tpu.memory_space<hbm>> -> memref<40x128xf32, #tpu.memory_space<hbm>>
        tpu.wait_dma2 semaphore(%run_scoped3A_475 : memref<!tpu.dma_semaphore, #tpu.memory_space<semaphore_mem>>) src(%arg13 : memref<40x128xf32, #tpu.memory_space<vmem>>) dst(%dma_wait3A_483 : memref<40x128xf32, #tpu.memory_space<hbm>>)
        tpu.yield
      }) : () -> ()
      scf.yield %scan3A_473#0, %scan3A_473#1, %scan3A_473#2, %scan3A_473#3, %scan3A_473#4, %scan3A_473#5, %scan3A_473#6, %scan3A_473#7, %scan3A_473#8, %scan3A_473#9, %scan3A_473#10, %scan3A_473#11, %scan3A_473#12, %scan3A_473#13, %scan3A_473#14, %scan3A_473#15 : vector<16xf32>, vector<16xf32>, vector<16xf32>, vector<16xf32>, vector<16xf32>, vector<16xf32>, vector<16xf32>, vector<16xf32>, vector<16xf32>, vector<16xf32>, vector<16xf32>, vector<16xf32>, vector<16xf32>, vector<16xf32>, vector<16xf32>, vector<16xf32>
    }
    %swap3A = arith.constant 0 : i32
    %swap3A_32 = arith.index_cast %swap3A : i32 to index
    %swap3A_33 = arith.constant 0 : index
    %swap3A_34 = tpu.vector_load %arg14[%swap3A_32, %swap3A_33] {strides = array<i32>} : memref<2x128xf32, #tpu.memory_space<vmem>>, vector<1x16xf32>,
    %swap3A_35 = vector.shape_cast %swap3A_34 : vector<1x16xf32> to vector<16xf32>
    %swap3A_36 = vector.shape_cast %while3A_31#0 : vector<16xf32> to vector<1x16xf32>
    tpu.vector_store %arg14[%swap3A_32, %swap3A_33], %swap3A_36 {strides = array<i32>} : memref<2x128xf32, #tpu.memory_space<vmem>>, vector<1x16xf32>,
    %swap3A_37 = arith.constant 1 : i32
    %swap3A_38 = arith.index_cast %swap3A_37 : i32 to index
    %swap3A_39 = arith.constant 0 : index
    %swap3A_40 = tpu.vector_load %arg14[%swap3A_38, %swap3A_39] {strides = array<i32>} : memref<2x128xf32, #tpu.memory_space<vmem>>, vector<1x16xf32>,
    %swap3A_41 = vector.shape_cast %swap3A_40 : vector<1x16xf32> to vector<16xf32>
    %swap3A_42 = vector.shape_cast %while3A_31#8 : vector<16xf32> to vector<1x16xf32>
    tpu.vector_store %arg14[%swap3A_38, %swap3A_39], %swap3A_42 {strides = array<i32>} : memref<2x128xf32, #tpu.memory_space<vmem>>, vector<1x16xf32>,
    %swap3A_43 = arith.constant 0 : i32
    %swap3A_44 = arith.index_cast %swap3A_43 : i32 to index
    %swap3A_45 = arith.constant 16 : index
    %swap3A_46 = tpu.vector_load %arg14[%swap3A_44, %swap3A_45] {strides = array<i32>} : memref<2x128xf32, #tpu.memory_space<vmem>>, vector<1x16xf32>,
    %swap3A_47 = vector.shape_cast %swap3A_46 : vector<1x16xf32> to vector<16xf32>
    %swap3A_48 = vector.shape_cast %while3A_31#1 : vector<16xf32> to vector<1x16xf32>
    tpu.vector_store %arg14[%swap3A_44, %swap3A_45], %swap3A_48 {strides = array<i32>} : memref<2x128xf32, #tpu.memory_space<vmem>>, vector<1x16xf32>,
    %swap3A_49 = arith.constant 1 : i32
    %swap3A_50 = arith.index_cast %swap3A_49 : i32 to index
    %swap3A_51 = arith.constant 16 : index
    %swap3A_52 = tpu.vector_load %arg14[%swap3A_50, %swap3A_51] {strides = array<i32>} : memref<2x128xf32, #tpu.memory_space<vmem>>, vector<1x16xf32>,
    %swap3A_53 = vector.shape_cast %swap3A_52 : vector<1x16xf32> to vector<16xf32>
    %swap3A_54 = vector.shape_cast %while3A_31#9 : vector<16xf32> to vector<1x16xf32>
    tpu.vector_store %arg14[%swap3A_50, %swap3A_51], %swap3A_54 {strides = array<i32>} : memref<2x128xf32, #tpu.memory_space<vmem>>, vector<1x16xf32>,
    %swap3A_55 = arith.constant 0 : i32
    %swap3A_56 = arith.index_cast %swap3A_55 : i32 to index
    %swap3A_57 = arith.constant 32 : index
    %swap3A_58 = tpu.vector_load %arg14[%swap3A_56, %swap3A_57] {strides = array<i32>} : memref<2x128xf32, #tpu.memory_space<vmem>>, vector<1x16xf32>,
    %swap3A_59 = vector.shape_cast %swap3A_58 : vector<1x16xf32> to vector<16xf32>
    %swap3A_60 = vector.shape_cast %while3A_31#2 : vector<16xf32> to vector<1x16xf32>
    tpu.vector_store %arg14[%swap3A_56, %swap3A_57], %swap3A_60 {strides = array<i32>} : memref<2x128xf32, #tpu.memory_space<vmem>>, vector<1x16xf32>,
    %swap3A_61 = arith.constant 1 : i32
    %swap3A_62 = arith.index_cast %swap3A_61 : i32 to index
    %swap3A_63 = arith.constant 32 : index
    %swap3A_64 = tpu.vector_load %arg14[%swap3A_62, %swap3A_63] {strides = array<i32>} : memref<2x128xf32, #tpu.memory_space<vmem>>, vector<1x16xf32>,
    %swap3A_65 = vector.shape_cast %swap3A_64 : vector<1x16xf32> to vector<16xf32>
    %swap3A_66 = vector.shape_cast %while3A_31#10 : vector<16xf32> to vector<1x16xf32>
    tpu.vector_store %arg14[%swap3A_62, %swap3A_63], %swap3A_66 {strides = array<i32>} : memref<2x128xf32, #tpu.memory_space<vmem>>, vector<1x16xf32>,
    %swap3A_67 = arith.constant 0 : i32
    %swap3A_68 = arith.index_cast %swap3A_67 : i32 to index
    %swap3A_69 = arith.constant 48 : index
    %swap3A_70 = tpu.vector_load %arg14[%swap3A_68, %swap3A_69] {strides = array<i32>} : memref<2x128xf32, #tpu.memory_space<vmem>>, vector<1x16xf32>,
    %swap3A_71 = vector.shape_cast %swap3A_70 : vector<1x16xf32> to vector<16xf32>
    %swap3A_72 = vector.shape_cast %while3A_31#3 : vector<16xf32> to vector<1x16xf32>
    tpu.vector_store %arg14[%swap3A_68, %swap3A_69], %swap3A_72 {strides = array<i32>} : memref<2x128xf32, #tpu.memory_space<vmem>>, vector<1x16xf32>,
    %swap3A_73 = arith.constant 1 : i32
    %swap3A_74 = arith.index_cast %swap3A_73 : i32 to index
    %swap3A_75 = arith.constant 48 : index
    %swap3A_76 = tpu.vector_load %arg14[%swap3A_74, %swap3A_75] {strides = array<i32>} : memref<2x128xf32, #tpu.memory_space<vmem>>, vector<1x16xf32>,
    %swap3A_77 = vector.shape_cast %swap3A_76 : vector<1x16xf32> to vector<16xf32>
    %swap3A_78 = vector.shape_cast %while3A_31#11 : vector<16xf32> to vector<1x16xf32>
    tpu.vector_store %arg14[%swap3A_74, %swap3A_75], %swap3A_78 {strides = array<i32>} : memref<2x128xf32, #tpu.memory_space<vmem>>, vector<1x16xf32>,
    %swap3A_79 = arith.constant 0 : i32
    %swap3A_80 = arith.index_cast %swap3A_79 : i32 to index
    %swap3A_81 = arith.constant 64 : index
    %swap3A_82 = tpu.vector_load %arg14[%swap3A_80, %swap3A_81] {strides = array<i32>} : memref<2x128xf32, #tpu.memory_space<vmem>>, vector<1x16xf32>,
    %swap3A_83 = vector.shape_cast %swap3A_82 : vector<1x16xf32> to vector<16xf32>
    %swap3A_84 = vector.shape_cast %while3A_31#4 : vector<16xf32> to vector<1x16xf32>
    tpu.vector_store %arg14[%swap3A_80, %swap3A_81], %swap3A_84 {strides = array<i32>} : memref<2x128xf32, #tpu.memory_space<vmem>>, vector<1x16xf32>,
    %swap3A_85 = arith.constant 1 : i32
    %swap3A_86 = arith.index_cast %swap3A_85 : i32 to index
    %swap3A_87 = arith.constant 64 : index
    %swap3A_88 = tpu.vector_load %arg14[%swap3A_86, %swap3A_87] {strides = array<i32>} : memref<2x128xf32, #tpu.memory_space<vmem>>, vector<1x16xf32>,
    %swap3A_89 = vector.shape_cast %swap3A_88 : vector<1x16xf32> to vector<16xf32>
    %swap3A_90 = vector.shape_cast %while3A_31#12 : vector<16xf32> to vector<1x16xf32>
    tpu.vector_store %arg14[%swap3A_86, %swap3A_87], %swap3A_90 {strides = array<i32>} : memref<2x128xf32, #tpu.memory_space<vmem>>, vector<1x16xf32>,
    %swap3A_91 = arith.constant 0 : i32
    %swap3A_92 = arith.index_cast %swap3A_91 : i32 to index
    %swap3A_93 = arith.constant 80 : index
    %swap3A_94 = tpu.vector_load %arg14[%swap3A_92, %swap3A_93] {strides = array<i32>} : memref<2x128xf32, #tpu.memory_space<vmem>>, vector<1x16xf32>,
    %swap3A_95 = vector.shape_cast %swap3A_94 : vector<1x16xf32> to vector<16xf32>
    %swap3A_96 = vector.shape_cast %while3A_31#5 : vector<16xf32> to vector<1x16xf32>
    tpu.vector_store %arg14[%swap3A_92, %swap3A_93], %swap3A_96 {strides = array<i32>} : memref<2x128xf32, #tpu.memory_space<vmem>>, vector<1x16xf32>,
    %swap3A_97 = arith.constant 1 : i32
    %swap3A_98 = arith.index_cast %swap3A_97 : i32 to index
    %swap3A_99 = arith.constant 80 : index
    %swap3A_100 = tpu.vector_load %arg14[%swap3A_98, %swap3A_99] {strides = array<i32>} : memref<2x128xf32, #tpu.memory_space<vmem>>, vector<1x16xf32>,
    %swap3A_101 = vector.shape_cast %swap3A_100 : vector<1x16xf32> to vector<16xf32>
    %swap3A_102 = vector.shape_cast %while3A_31#13 : vector<16xf32> to vector<1x16xf32>
    tpu.vector_store %arg14[%swap3A_98, %swap3A_99], %swap3A_102 {strides = array<i32>} : memref<2x128xf32, #tpu.memory_space<vmem>>, vector<1x16xf32>,
    %swap3A_103 = arith.constant 0 : i32
    %swap3A_104 = arith.index_cast %swap3A_103 : i32 to index
    %swap3A_105 = arith.constant 96 : index
    %swap3A_106 = tpu.vector_load %arg14[%swap3A_104, %swap3A_105] {strides = array<i32>} : memref<2x128xf32, #tpu.memory_space<vmem>>, vector<1x16xf32>,
    %swap3A_107 = vector.shape_cast %swap3A_106 : vector<1x16xf32> to vector<16xf32>
    %swap3A_108 = vector.shape_cast %while3A_31#6 : vector<16xf32> to vector<1x16xf32>
    tpu.vector_store %arg14[%swap3A_104, %swap3A_105], %swap3A_108 {strides = array<i32>} : memref<2x128xf32, #tpu.memory_space<vmem>>, vector<1x16xf32>,
    %swap3A_109 = arith.constant 1 : i32
    %swap3A_110 = arith.index_cast %swap3A_109 : i32 to index
    %swap3A_111 = arith.constant 96 : index
    %swap3A_112 = tpu.vector_load %arg14[%swap3A_110, %swap3A_111] {strides = array<i32>} : memref<2x128xf32, #tpu.memory_space<vmem>>, vector<1x16xf32>,
    %swap3A_113 = vector.shape_cast %swap3A_112 : vector<1x16xf32> to vector<16xf32>
    %swap3A_114 = vector.shape_cast %while3A_31#14 : vector<16xf32> to vector<1x16xf32>
    tpu.vector_store %arg14[%swap3A_110, %swap3A_111], %swap3A_114 {strides = array<i32>} : memref<2x128xf32, #tpu.memory_space<vmem>>, vector<1x16xf32>,
    %swap3A_115 = arith.constant 0 : i32
    %swap3A_116 = arith.index_cast %swap3A_115 : i32 to index
    %swap3A_117 = arith.constant 112 : index
    %swap3A_118 = tpu.vector_load %arg14[%swap3A_116, %swap3A_117] {strides = array<i32>} : memref<2x128xf32, #tpu.memory_space<vmem>>, vector<1x16xf32>,
    %swap3A_119 = vector.shape_cast %swap3A_118 : vector<1x16xf32> to vector<16xf32>
    %swap3A_120 = vector.shape_cast %while3A_31#7 : vector<16xf32> to vector<1x16xf32>
    tpu.vector_store %arg14[%swap3A_116, %swap3A_117], %swap3A_120 {strides = array<i32>} : memref<2x128xf32, #tpu.memory_space<vmem>>, vector<1x16xf32>,
    %swap3A_121 = arith.constant 1 : i32
    %swap3A_122 = arith.index_cast %swap3A_121 : i32 to index
    %swap3A_123 = arith.constant 112 : index
    %swap3A_124 = tpu.vector_load %arg14[%swap3A_122, %swap3A_123] {strides = array<i32>} : memref<2x128xf32, #tpu.memory_space<vmem>>, vector<1x16xf32>,
    %swap3A_125 = vector.shape_cast %swap3A_124 : vector<1x16xf32> to vector<16xf32>
    %swap3A_126 = vector.shape_cast %while3A_31#15 : vector<16xf32> to vector<1x16xf32>
    tpu.vector_store %arg14[%swap3A_122, %swap3A_123], %swap3A_126 {strides = array<i32>} : memref<2x128xf32, #tpu.memory_space<vmem>>, vector<1x16xf32>,
    "tpu.region"() ({
      %run_scoped3A = tpu.sem_alloc : memref<!tpu.dma_semaphore, #tpu.memory_space<semaphore_mem>>
      %dma_start3A = arith.constant 0 : i32
      %dma_start3A_127 = arith.constant 0 : i32
      %dma_start3A_128 = tpu.memref_slice %arg8[%add3A, %dma_start3A, %dma_start3A_127] : memref<32x2x128xf32, #tpu.memory_space<hbm>> -> memref<1x2x128xf32, #tpu.memory_space<hbm>>
      %dma_start3A_129 = tpu.memref_squeeze %dma_start3A_128 : memref<1x2x128xf32, #tpu.memory_space<hbm>> -> memref<2x128xf32, #tpu.memory_space<hbm>>
      %dma_start3A_130 = arith.constant 0 : i32
      %dma_start3A_131 = arith.constant 0 : i32
      %dma_start3A_132 = tpu.memref_slice %arg8[%add3A, %dma_start3A_130, %dma_start3A_131] : memref<32x2x128xf32, #tpu.memory_space<hbm>> -> memref<1x2x128xf32, #tpu.memory_space<hbm>>
      %dma_start3A_133 = tpu.memref_squeeze %dma_start3A_132 : memref<1x2x128xf32, #tpu.memory_space<hbm>> -> memref<2x128xf32, #tpu.memory_space<hbm>>
      tpu.enqueue_dma source(%arg14 : memref<2x128xf32, #tpu.memory_space<vmem>>) target(%dma_start3A_133 : memref<2x128xf32, #tpu.memory_space<hbm>>) target_semaphore(%run_scoped3A : memref<!tpu.dma_semaphore, #tpu.memory_space<semaphore_mem>>)
      %dma_wait3A = arith.constant 0 : i32
      %dma_wait3A_134 = arith.constant 0 : i32
      %dma_wait3A_135 = tpu.memref_slice %arg8[%add3A, %dma_wait3A, %dma_wait3A_134] : memref<32x2x128xf32, #tpu.memory_space<hbm>> -> memref<1x2x128xf32, #tpu.memory_space<hbm>>
      %dma_wait3A_136 = tpu.memref_squeeze %dma_wait3A_135 : memref<1x2x128xf32, #tpu.memory_space<hbm>> -> memref<2x128xf32, #tpu.memory_space<hbm>>
      %dma_wait3A_137 = arith.constant 0 : i32
      %dma_wait3A_138 = arith.constant 0 : i32
      %dma_wait3A_139 = tpu.memref_slice %arg8[%add3A, %dma_wait3A_137, %dma_wait3A_138] : memref<32x2x128xf32, #tpu.memory_space<hbm>> -> memref<1x2x128xf32, #tpu.memory_space<hbm>>
      %dma_wait3A_140 = tpu.memref_squeeze %dma_wait3A_139 : memref<1x2x128xf32, #tpu.memory_space<hbm>> -> memref<2x128xf32, #tpu.memory_space<hbm>>
      tpu.wait_dma2 semaphore(%run_scoped3A : memref<!tpu.dma_semaphore, #tpu.memory_space<semaphore_mem>>) src(%arg14 : memref<2x128xf32, #tpu.memory_space<vmem>>) dst(%dma_wait3A_140 : memref<2x128xf32, #tpu.memory_space<hbm>>)
      tpu.yield
    }) : () -> ()
    return
  }
}

#map = affine_map<(d0, d1) -> (0, 0)>
#map1 = affine_map<(d0, d1) -> (0)>
#map2 = affine_map<(d0, d1) -> (0, 0, 0)>
module attributes {stable_mosaic.version = 14 : i64} {
  func.func @_edge_body(%arg0: i32, %arg1: i32, %arg2: memref<50000x128xf32, #tpu.memory_space<hbm>>, %arg3: memref<50000x128xf32, #tpu.memory_space<hbm>>, %arg4: memref<300000x128xf32, #tpu.memory_space<hbm>>, %arg5: memref<300000xi32, #tpu.memory_space<hbm>>, %arg6: memref<300000xi32, #tpu.memory_space<hbm>>, %arg7: memref<300000x128xf32, #tpu.memory_space<hbm>>, %arg8: memref<300000x128xf32, #tpu.memory_space<hbm>>, %arg9: memref<32x2x128xf32, #tpu.memory_space<hbm>>, %arg10: memref<96xi32, #tpu.memory_space<vmem>>, %arg11: memref<96xi32, #tpu.memory_space<vmem>>, %arg12: memref<96x128xf32, #tpu.memory_space<vmem>>, %arg13: memref<96x128xf32, #tpu.memory_space<vmem>>, %arg14: memref<96x128xf32, #tpu.memory_space<vmem>>, %arg15: memref<96x128xf32, #tpu.memory_space<vmem>>, %arg16: memref<96x128xf32, #tpu.memory_space<vmem>>, %arg17: memref<2x128xf32, #tpu.memory_space<vmem>>, %arg18: memref<!tpu.dma_semaphore, #tpu.memory_space<semaphore_mem>>) attributes {dimension_semantics = [#tpu.dimension_semantics<core_parallel>, #tpu.dimension_semantics<subcore_parallel>], iteration_bounds = array<i64: 2, 16>, scalar_prefetch = 0 : i64, scratch_operands = 9 : i64, tpu.core_type = #tpu.core_type<sc_vector_subcore>, window_params = [{transform_indices = #map}, {transform_indices = #map}, {transform_indices = #map}, {transform_indices = #map1}, {transform_indices = #map1}, {transform_indices = #map}, {transform_indices = #map}, {transform_indices = #map2}]} {
    %mul3A = arith.constant 2 : i32
    %mul3A_0 = arith.muli %arg1, %mul3A : i32
    %add3A = arith.addi %mul3A_0, %arg0 : i32
    %sub3A = arith.constant 3124 : i32
    %sub3A_1 = arith.subi %sub3A, %add3A : i32
    %jit3A = arith.constant 32 : i32
    %div3A = arith.divsi %sub3A_1, %jit3A : i32
    %sign3A = arith.constant 0 : i32
    %sign3A_2 = arith.cmpi sgt, %sub3A_1, %sign3A : i32
    %sign3A_3 = arith.extui %sign3A_2 : i1 to i32
    %sign3A_4 = arith.constant 0 : i32
    %sign3A_5 = arith.cmpi slt, %sub3A_1, %sign3A_4 : i32
    %sign3A_6 = arith.extui %sign3A_5 : i1 to i32
    %sign3A_7 = arith.subi %sign3A_3, %sign3A_6 : i32
    %sign3A_8 = arith.constant 0 : i32
    %sign3A_9 = arith.cmpi sgt, %jit3A, %sign3A_8 : i32
    %sign3A_10 = arith.extui %sign3A_9 : i1 to i32
    %sign3A_11 = arith.constant 0 : i32
    %sign3A_12 = arith.cmpi slt, %jit3A, %sign3A_11 : i32
    %sign3A_13 = arith.extui %sign3A_12 : i1 to i32
    %sign3A_14 = arith.subi %sign3A_10, %sign3A_13 : i32
    %ne3A = arith.cmpi ne, %sign3A_7, %sign3A_14 : i32
    %rem3A = arith.remsi %sub3A_1, %jit3A : i32
    %ne3A_15 = arith.constant 0 : i32
    %ne3A_16 = arith.cmpi ne, %rem3A, %ne3A_15 : i32
    %and3A = arith.andi %ne3A, %ne3A_16 : i1
    %sub3A_17 = arith.constant 1 : i32
    %sub3A_18 = arith.subi %div3A, %sub3A_17 : i32
    %select_n3A = arith.select %and3A, %sub3A_18, %div3A : i32
    %add3A_19 = arith.constant 1 : i32
    %add3A_20 = arith.addi %select_n3A, %add3A_19 : i32
    %broadcast_in_dim3A = arith.constant 0.000000e+00 : f32
    %broadcast_in_dim3A_21 = vector.broadcast %broadcast_in_dim3A : f32 to vector<16xf32>
    %while3A = arith.constant 0 : i32
    %while3A_22 = arith.subi %add3A_20, %while3A : i32
    %while3A_23 = arith.addi %while3A, %while3A_22 : i32
    %while3A_24 = arith.constant 1 : i32
    %while3A_25 = arith.divsi %while3A_22, %while3A_24 : i32
    %while3A_26 = arith.muli %while3A_25, %while3A_24 : i32
    %while3A_27 = arith.addi %while3A, %while3A_26 : i32
    %while3A_28 = arith.constant 1 : i32
    %while3A_29:16 = scf.for %while3A_127 = %while3A to %while3A_27 step %while3A_28 iter_args(%while3A_128 = %broadcast_in_dim3A_21, %while3A_129 = %broadcast_in_dim3A_21, %while3A_130 = %broadcast_in_dim3A_21, %while3A_131 = %broadcast_in_dim3A_21, %while3A_132 = %broadcast_in_dim3A_21, %while3A_133 = %broadcast_in_dim3A_21, %while3A_134 = %broadcast_in_dim3A_21, %while3A_135 = %broadcast_in_dim3A_21, %while3A_136 = %broadcast_in_dim3A_21, %while3A_137 = %broadcast_in_dim3A_21, %while3A_138 = %broadcast_in_dim3A_21, %while3A_139 = %broadcast_in_dim3A_21, %while3A_140 = %broadcast_in_dim3A_21, %while3A_141 = %broadcast_in_dim3A_21, %while3A_142 = %broadcast_in_dim3A_21, %while3A_143 = %broadcast_in_dim3A_21) -> (vector<16xf32>, vector<16xf32>, vector<16xf32>, vector<16xf32>, vector<16xf32>, vector<16xf32>, vector<16xf32>, vector<16xf32>, vector<16xf32>, vector<16xf32>, vector<16xf32>, vector<16xf32>, vector<16xf32>, vector<16xf32>, vector<16xf32>, vector<16xf32>)  : i32 {
      %mul3A_144 = arith.constant 32 : i32
      %mul3A_145 = arith.muli %while3A_127, %mul3A_144 : i32
      %add3A_146 = arith.addi %add3A, %mul3A_145 : i32
      %mul3A_147 = arith.constant 96 : i32
      %mul3A_148 = arith.muli %add3A_146, %mul3A_147 : i32
      "tpu.region"() ({
        %run_scoped3A = tpu.sem_alloc : memref<!tpu.dma_semaphore, #tpu.memory_space<semaphore_mem>>
        %dma_start3A_164 = tpu.memref_slice %arg5[%mul3A_148] : memref<300000xi32, #tpu.memory_space<hbm>> -> memref<96xi32, #tpu.memory_space<hbm>>
        %dma_start3A_165 = tpu.memref_slice %arg5[%mul3A_148] : memref<300000xi32, #tpu.memory_space<hbm>> -> memref<96xi32, #tpu.memory_space<hbm>>
        tpu.enqueue_dma source(%dma_start3A_165 : memref<96xi32, #tpu.memory_space<hbm>>) target(%arg10 : memref<96xi32, #tpu.memory_space<vmem>>) target_semaphore(%run_scoped3A : memref<!tpu.dma_semaphore, #tpu.memory_space<semaphore_mem>>)
        %dma_wait3A_166 = tpu.memref_slice %arg5[%mul3A_148] : memref<300000xi32, #tpu.memory_space<hbm>> -> memref<96xi32, #tpu.memory_space<hbm>>
        %dma_wait3A_167 = tpu.memref_slice %arg5[%mul3A_148] : memref<300000xi32, #tpu.memory_space<hbm>> -> memref<96xi32, #tpu.memory_space<hbm>>
        tpu.wait_dma2 semaphore(%run_scoped3A : memref<!tpu.dma_semaphore, #tpu.memory_space<semaphore_mem>>) src(%dma_wait3A_167 : memref<96xi32, #tpu.memory_space<hbm>>) dst(%arg10 : memref<96xi32, #tpu.memory_space<vmem>>)
        tpu.yield
      }) : () -> ()
      "tpu.region"() ({
        %run_scoped3A = tpu.sem_alloc : memref<!tpu.dma_semaphore, #tpu.memory_space<semaphore_mem>>
        %dma_start3A_164 = tpu.memref_slice %arg6[%mul3A_148] : memref<300000xi32, #tpu.memory_space<hbm>> -> memref<96xi32, #tpu.memory_space<hbm>>
        %dma_start3A_165 = tpu.memref_slice %arg6[%mul3A_148] : memref<300000xi32, #tpu.memory_space<hbm>> -> memref<96xi32, #tpu.memory_space<hbm>>
        tpu.enqueue_dma source(%dma_start3A_165 : memref<96xi32, #tpu.memory_space<hbm>>) target(%arg11 : memref<96xi32, #tpu.memory_space<vmem>>) target_semaphore(%run_scoped3A : memref<!tpu.dma_semaphore, #tpu.memory_space<semaphore_mem>>)
        %dma_wait3A_166 = tpu.memref_slice %arg6[%mul3A_148] : memref<300000xi32, #tpu.memory_space<hbm>> -> memref<96xi32, #tpu.memory_space<hbm>>
        %dma_wait3A_167 = tpu.memref_slice %arg6[%mul3A_148] : memref<300000xi32, #tpu.memory_space<hbm>> -> memref<96xi32, #tpu.memory_space<hbm>>
        tpu.wait_dma2 semaphore(%run_scoped3A : memref<!tpu.dma_semaphore, #tpu.memory_space<semaphore_mem>>) src(%dma_wait3A_167 : memref<96xi32, #tpu.memory_space<hbm>>) dst(%arg11 : memref<96xi32, #tpu.memory_space<vmem>>)
        tpu.yield
      }) : () -> ()
      %dma_start3A = arith.constant 0 : i32
      %dma_start3A_149 = arith.constant 0 : i32
      %dma_start3A_150 = tpu.memref_slice %arg2[%dma_start3A, %dma_start3A_149] : memref<50000x128xf32, #tpu.memory_space<hbm>> -> memref<50000x128xf32, #tpu.memory_space<hbm>>
      tpu.enqueue_indirect_dma source(%dma_start3A_150 : memref<50000x128xf32, #tpu.memory_space<hbm>>) target(%arg12 : memref<96x128xf32, #tpu.memory_space<vmem>>) offsets(%arg10 : memref<96xi32, #tpu.memory_space<vmem>>) semaphore(%arg18 : memref<!tpu.dma_semaphore, #tpu.memory_space<semaphore_mem>>)
      %dma_start3A_151 = arith.constant 0 : i32
      %dma_start3A_152 = arith.constant 0 : i32
      %dma_start3A_153 = tpu.memref_slice %arg3[%dma_start3A_151, %dma_start3A_152] : memref<50000x128xf32, #tpu.memory_space<hbm>> -> memref<50000x128xf32, #tpu.memory_space<hbm>>
      tpu.enqueue_indirect_dma source(%dma_start3A_153 : memref<50000x128xf32, #tpu.memory_space<hbm>>) target(%arg13 : memref<96x128xf32, #tpu.memory_space<vmem>>) offsets(%arg11 : memref<96xi32, #tpu.memory_space<vmem>>) semaphore(%arg18 : memref<!tpu.dma_semaphore, #tpu.memory_space<semaphore_mem>>)
      "tpu.region"() ({
        %run_scoped3A = tpu.sem_alloc : memref<!tpu.dma_semaphore, #tpu.memory_space<semaphore_mem>>
        %dma_start3A_164 = arith.constant 0 : i32
        %dma_start3A_165 = tpu.memref_slice %arg4[%mul3A_148, %dma_start3A_164] : memref<300000x128xf32, #tpu.memory_space<hbm>> -> memref<96x128xf32, #tpu.memory_space<hbm>>
        %dma_start3A_166 = arith.constant 0 : i32
        %dma_start3A_167 = tpu.memref_slice %arg4[%mul3A_148, %dma_start3A_166] : memref<300000x128xf32, #tpu.memory_space<hbm>> -> memref<96x128xf32, #tpu.memory_space<hbm>>
        tpu.enqueue_dma source(%dma_start3A_167 : memref<96x128xf32, #tpu.memory_space<hbm>>) target(%arg14 : memref<96x128xf32, #tpu.memory_space<vmem>>) target_semaphore(%run_scoped3A : memref<!tpu.dma_semaphore, #tpu.memory_space<semaphore_mem>>)
        %dma_wait3A_168 = arith.constant 0 : i32
        %dma_wait3A_169 = tpu.memref_slice %arg4[%mul3A_148, %dma_wait3A_168] : memref<300000x128xf32, #tpu.memory_space<hbm>> -> memref<96x128xf32, #tpu.memory_space<hbm>>
        %dma_wait3A_170 = arith.constant 0 : i32
        %dma_wait3A_171 = tpu.memref_slice %arg4[%mul3A_148, %dma_wait3A_170] : memref<300000x128xf32, #tpu.memory_space<hbm>> -> memref<96x128xf32, #tpu.memory_space<hbm>>
        tpu.wait_dma2 semaphore(%run_scoped3A : memref<!tpu.dma_semaphore, #tpu.memory_space<semaphore_mem>>) src(%dma_wait3A_171 : memref<96x128xf32, #tpu.memory_space<hbm>>) dst(%arg14 : memref<96x128xf32, #tpu.memory_space<vmem>>)
        tpu.yield
      }) : () -> ()
      %dma_wait3A = arith.constant 0 : i32
      %dma_wait3A_154 = arith.constant 0 : i32
      %dma_wait3A_155 = tpu.memref_slice %arg2[%dma_wait3A, %dma_wait3A_154] : memref<50000x128xf32, #tpu.memory_space<hbm>> -> memref<50000x128xf32, #tpu.memory_space<hbm>>
      tpu.wait_indirect_dma semaphore(%arg18 : memref<!tpu.dma_semaphore, #tpu.memory_space<semaphore_mem>>) src(%dma_wait3A_155 : memref<50000x128xf32, #tpu.memory_space<hbm>>) dst(%arg12 : memref<96x128xf32, #tpu.memory_space<vmem>>)
      %dma_wait3A_156 = arith.constant 0 : i32
      %dma_wait3A_157 = arith.constant 0 : i32
      %dma_wait3A_158 = tpu.memref_slice %arg3[%dma_wait3A_156, %dma_wait3A_157] : memref<50000x128xf32, #tpu.memory_space<hbm>> -> memref<50000x128xf32, #tpu.memory_space<hbm>>
      tpu.wait_indirect_dma semaphore(%arg18 : memref<!tpu.dma_semaphore, #tpu.memory_space<semaphore_mem>>) src(%dma_wait3A_158 : memref<50000x128xf32, #tpu.memory_space<hbm>>) dst(%arg13 : memref<96x128xf32, #tpu.memory_space<vmem>>)
      %scan3A = arith.constant 0 : i32
      %scan3A_159 = arith.constant 96 : i32
      %scan3A_160 = arith.addi %scan3A, %scan3A_159 : i32
      %scan3A_161 = arith.constant 1 : i32
      %scan3A_162:16 = scf.for %scan3A_164 = %scan3A to %scan3A_160 step %scan3A_161 iter_args(%scan3A_165 = %while3A_128, %scan3A_166 = %while3A_129, %scan3A_167 = %while3A_130, %scan3A_168 = %while3A_131, %scan3A_169 = %while3A_132, %scan3A_170 = %while3A_133, %scan3A_171 = %while3A_134, %scan3A_172 = %while3A_135, %scan3A_173 = %while3A_136, %scan3A_174 = %while3A_137, %scan3A_175 = %while3A_138, %scan3A_176 = %while3A_139, %scan3A_177 = %while3A_140, %scan3A_178 = %while3A_141, %scan3A_179 = %while3A_142, %scan3A_180 = %while3A_143) -> (vector<16xf32>, vector<16xf32>, vector<16xf32>, vector<16xf32>, vector<16xf32>, vector<16xf32>, vector<16xf32>, vector<16xf32>, vector<16xf32>, vector<16xf32>, vector<16xf32>, vector<16xf32>, vector<16xf32>, vector<16xf32>, vector<16xf32>, vector<16xf32>)  : i32 {
        %get3A = arith.index_cast %scan3A_164 : i32 to index
        %get3A_181 = arith.constant 0 : index
        %get3A_182 = tpu.vector_load %arg12[%get3A, %get3A_181] {strides = array<i32>} : memref<96x128xf32, #tpu.memory_space<vmem>>, vector<1x16xf32>,
        %get3A_183 = vector.shape_cast %get3A_182 : vector<1x16xf32> to vector<16xf32>
        %get3A_184 = arith.index_cast %scan3A_164 : i32 to index
        %get3A_185 = arith.constant 0 : index
        %get3A_186 = tpu.vector_load %arg13[%get3A_184, %get3A_185] {strides = array<i32>} : memref<96x128xf32, #tpu.memory_space<vmem>>, vector<1x16xf32>,
        %get3A_187 = vector.shape_cast %get3A_186 : vector<1x16xf32> to vector<16xf32>
        %add3A_188 = arith.addf %get3A_183, %get3A_187 : vector<16xf32>
        %get3A_189 = arith.index_cast %scan3A_164 : i32 to index
        %get3A_190 = arith.constant 0 : index
        %get3A_191 = tpu.vector_load %arg14[%get3A_189, %get3A_190] {strides = array<i32>} : memref<96x128xf32, #tpu.memory_space<vmem>>, vector<1x16xf32>,
        %get3A_192 = vector.shape_cast %get3A_191 : vector<1x16xf32> to vector<16xf32>
        %add3A_193 = arith.addf %add3A_188, %get3A_192 : vector<16xf32>
        %neg3A = arith.constant 0.000000e+00 : f32
        %neg3A_194 = vector.broadcast %neg3A : f32 to vector<16xf32>
        %neg3A_195 = arith.subf %neg3A_194, %add3A_193 : vector<16xf32>
        %exp3A = math.exp %neg3A_195 : vector<16xf32>
        %add3A_196 = arith.constant 1.000000e+00 : f32
        %add3A_197 = vector.broadcast %add3A_196 : f32 to vector<16xf32>
        %add3A_198 = arith.addf %add3A_197, %exp3A : vector<16xf32>
        %div3A_199 = arith.constant 1.000000e+00 : f32
        %div3A_200 = vector.broadcast %div3A_199 : f32 to vector<16xf32>
        %div3A_201 = arith.divf %div3A_200, %add3A_198 : vector<16xf32>
        %swap3A_202 = arith.index_cast %scan3A_164 : i32 to index
        %swap3A_203 = arith.constant 0 : index
        %swap3A_204 = tpu.vector_load %arg15[%swap3A_202, %swap3A_203] {strides = array<i32>} : memref<96x128xf32, #tpu.memory_space<vmem>>, vector<1x16xf32>,
        %swap3A_205 = vector.shape_cast %swap3A_204 : vector<1x16xf32> to vector<16xf32>
        %swap3A_206 = vector.shape_cast %add3A_193 : vector<16xf32> to vector<1x16xf32>
        tpu.vector_store %arg15[%swap3A_202, %swap3A_203], %swap3A_206 {strides = array<i32>} : memref<96x128xf32, #tpu.memory_space<vmem>>, vector<1x16xf32>,
        %swap3A_207 = arith.index_cast %scan3A_164 : i32 to index
        %swap3A_208 = arith.constant 0 : index
        %swap3A_209 = tpu.vector_load %arg16[%swap3A_207, %swap3A_208] {strides = array<i32>} : memref<96x128xf32, #tpu.memory_space<vmem>>, vector<1x16xf32>,
        %swap3A_210 = vector.shape_cast %swap3A_209 : vector<1x16xf32> to vector<16xf32>
        %swap3A_211 = vector.shape_cast %div3A_201 : vector<16xf32> to vector<1x16xf32>
        tpu.vector_store %arg16[%swap3A_207, %swap3A_208], %swap3A_211 {strides = array<i32>} : memref<96x128xf32, #tpu.memory_space<vmem>>, vector<1x16xf32>,
        %add3A_212 = arith.addf %scan3A_165, %add3A_193 : vector<16xf32>
        %mul3A_213 = arith.mulf %add3A_193, %add3A_193 : vector<16xf32>
        %add3A_214 = arith.addf %scan3A_173, %mul3A_213 : vector<16xf32>
        %get3A_215 = arith.index_cast %scan3A_164 : i32 to index
        %get3A_216 = arith.constant 16 : index
        %get3A_217 = tpu.vector_load %arg12[%get3A_215, %get3A_216] {strides = array<i32>} : memref<96x128xf32, #tpu.memory_space<vmem>>, vector<1x16xf32>,
        %get3A_218 = vector.shape_cast %get3A_217 : vector<1x16xf32> to vector<16xf32>
        %get3A_219 = arith.index_cast %scan3A_164 : i32 to index
        %get3A_220 = arith.constant 16 : index
        %get3A_221 = tpu.vector_load %arg13[%get3A_219, %get3A_220] {strides = array<i32>} : memref<96x128xf32, #tpu.memory_space<vmem>>, vector<1x16xf32>,
        %get3A_222 = vector.shape_cast %get3A_221 : vector<1x16xf32> to vector<16xf32>
        %add3A_223 = arith.addf %get3A_218, %get3A_222 : vector<16xf32>
        %get3A_224 = arith.index_cast %scan3A_164 : i32 to index
        %get3A_225 = arith.constant 16 : index
        %get3A_226 = tpu.vector_load %arg14[%get3A_224, %get3A_225] {strides = array<i32>} : memref<96x128xf32, #tpu.memory_space<vmem>>, vector<1x16xf32>,
        %get3A_227 = vector.shape_cast %get3A_226 : vector<1x16xf32> to vector<16xf32>
        %add3A_228 = arith.addf %add3A_223, %get3A_227 : vector<16xf32>
        %neg3A_229 = arith.constant 0.000000e+00 : f32
        %neg3A_230 = vector.broadcast %neg3A_229 : f32 to vector<16xf32>
        %neg3A_231 = arith.subf %neg3A_230, %add3A_228 : vector<16xf32>
        %exp3A_232 = math.exp %neg3A_231 : vector<16xf32>
        %add3A_233 = arith.constant 1.000000e+00 : f32
        %add3A_234 = vector.broadcast %add3A_233 : f32 to vector<16xf32>
        %add3A_235 = arith.addf %add3A_234, %exp3A_232 : vector<16xf32>
        %div3A_236 = arith.constant 1.000000e+00 : f32
        %div3A_237 = vector.broadcast %div3A_236 : f32 to vector<16xf32>
        %div3A_238 = arith.divf %div3A_237, %add3A_235 : vector<16xf32>
        %swap3A_239 = arith.index_cast %scan3A_164 : i32 to index
        %swap3A_240 = arith.constant 16 : index
        %swap3A_241 = tpu.vector_load %arg15[%swap3A_239, %swap3A_240] {strides = array<i32>} : memref<96x128xf32, #tpu.memory_space<vmem>>, vector<1x16xf32>,
        %swap3A_242 = vector.shape_cast %swap3A_241 : vector<1x16xf32> to vector<16xf32>
        %swap3A_243 = vector.shape_cast %add3A_228 : vector<16xf32> to vector<1x16xf32>
        tpu.vector_store %arg15[%swap3A_239, %swap3A_240], %swap3A_243 {strides = array<i32>} : memref<96x128xf32, #tpu.memory_space<vmem>>, vector<1x16xf32>,
        %swap3A_244 = arith.index_cast %scan3A_164 : i32 to index
        %swap3A_245 = arith.constant 16 : index
        %swap3A_246 = tpu.vector_load %arg16[%swap3A_244, %swap3A_245] {strides = array<i32>} : memref<96x128xf32, #tpu.memory_space<vmem>>, vector<1x16xf32>,
        %swap3A_247 = vector.shape_cast %swap3A_246 : vector<1x16xf32> to vector<16xf32>
        %swap3A_248 = vector.shape_cast %div3A_238 : vector<16xf32> to vector<1x16xf32>
        tpu.vector_store %arg16[%swap3A_244, %swap3A_245], %swap3A_248 {strides = array<i32>} : memref<96x128xf32, #tpu.memory_space<vmem>>, vector<1x16xf32>,
        %add3A_249 = arith.addf %scan3A_166, %add3A_228 : vector<16xf32>
        %mul3A_250 = arith.mulf %add3A_228, %add3A_228 : vector<16xf32>
        %add3A_251 = arith.addf %scan3A_174, %mul3A_250 : vector<16xf32>
        %get3A_252 = arith.index_cast %scan3A_164 : i32 to index
        %get3A_253 = arith.constant 32 : index
        %get3A_254 = tpu.vector_load %arg12[%get3A_252, %get3A_253] {strides = array<i32>} : memref<96x128xf32, #tpu.memory_space<vmem>>, vector<1x16xf32>,
        %get3A_255 = vector.shape_cast %get3A_254 : vector<1x16xf32> to vector<16xf32>
        %get3A_256 = arith.index_cast %scan3A_164 : i32 to index
        %get3A_257 = arith.constant 32 : index
        %get3A_258 = tpu.vector_load %arg13[%get3A_256, %get3A_257] {strides = array<i32>} : memref<96x128xf32, #tpu.memory_space<vmem>>, vector<1x16xf32>,
        %get3A_259 = vector.shape_cast %get3A_258 : vector<1x16xf32> to vector<16xf32>
        %add3A_260 = arith.addf %get3A_255, %get3A_259 : vector<16xf32>
        %get3A_261 = arith.index_cast %scan3A_164 : i32 to index
        %get3A_262 = arith.constant 32 : index
        %get3A_263 = tpu.vector_load %arg14[%get3A_261, %get3A_262] {strides = array<i32>} : memref<96x128xf32, #tpu.memory_space<vmem>>, vector<1x16xf32>,
        %get3A_264 = vector.shape_cast %get3A_263 : vector<1x16xf32> to vector<16xf32>
        %add3A_265 = arith.addf %add3A_260, %get3A_264 : vector<16xf32>
        %neg3A_266 = arith.constant 0.000000e+00 : f32
        %neg3A_267 = vector.broadcast %neg3A_266 : f32 to vector<16xf32>
        %neg3A_268 = arith.subf %neg3A_267, %add3A_265 : vector<16xf32>
        %exp3A_269 = math.exp %neg3A_268 : vector<16xf32>
        %add3A_270 = arith.constant 1.000000e+00 : f32
        %add3A_271 = vector.broadcast %add3A_270 : f32 to vector<16xf32>
        %add3A_272 = arith.addf %add3A_271, %exp3A_269 : vector<16xf32>
        %div3A_273 = arith.constant 1.000000e+00 : f32
        %div3A_274 = vector.broadcast %div3A_273 : f32 to vector<16xf32>
        %div3A_275 = arith.divf %div3A_274, %add3A_272 : vector<16xf32>
        %swap3A_276 = arith.index_cast %scan3A_164 : i32 to index
        %swap3A_277 = arith.constant 32 : index
        %swap3A_278 = tpu.vector_load %arg15[%swap3A_276, %swap3A_277] {strides = array<i32>} : memref<96x128xf32, #tpu.memory_space<vmem>>, vector<1x16xf32>,
        %swap3A_279 = vector.shape_cast %swap3A_278 : vector<1x16xf32> to vector<16xf32>
        %swap3A_280 = vector.shape_cast %add3A_265 : vector<16xf32> to vector<1x16xf32>
        tpu.vector_store %arg15[%swap3A_276, %swap3A_277], %swap3A_280 {strides = array<i32>} : memref<96x128xf32, #tpu.memory_space<vmem>>, vector<1x16xf32>,
        %swap3A_281 = arith.index_cast %scan3A_164 : i32 to index
        %swap3A_282 = arith.constant 32 : index
        %swap3A_283 = tpu.vector_load %arg16[%swap3A_281, %swap3A_282] {strides = array<i32>} : memref<96x128xf32, #tpu.memory_space<vmem>>, vector<1x16xf32>,
        %swap3A_284 = vector.shape_cast %swap3A_283 : vector<1x16xf32> to vector<16xf32>
        %swap3A_285 = vector.shape_cast %div3A_275 : vector<16xf32> to vector<1x16xf32>
        tpu.vector_store %arg16[%swap3A_281, %swap3A_282], %swap3A_285 {strides = array<i32>} : memref<96x128xf32, #tpu.memory_space<vmem>>, vector<1x16xf32>,
        %add3A_286 = arith.addf %scan3A_167, %add3A_265 : vector<16xf32>
        %mul3A_287 = arith.mulf %add3A_265, %add3A_265 : vector<16xf32>
        %add3A_288 = arith.addf %scan3A_175, %mul3A_287 : vector<16xf32>
        %get3A_289 = arith.index_cast %scan3A_164 : i32 to index
        %get3A_290 = arith.constant 48 : index
        %get3A_291 = tpu.vector_load %arg12[%get3A_289, %get3A_290] {strides = array<i32>} : memref<96x128xf32, #tpu.memory_space<vmem>>, vector<1x16xf32>,
        %get3A_292 = vector.shape_cast %get3A_291 : vector<1x16xf32> to vector<16xf32>
        %get3A_293 = arith.index_cast %scan3A_164 : i32 to index
        %get3A_294 = arith.constant 48 : index
        %get3A_295 = tpu.vector_load %arg13[%get3A_293, %get3A_294] {strides = array<i32>} : memref<96x128xf32, #tpu.memory_space<vmem>>, vector<1x16xf32>,
        %get3A_296 = vector.shape_cast %get3A_295 : vector<1x16xf32> to vector<16xf32>
        %add3A_297 = arith.addf %get3A_292, %get3A_296 : vector<16xf32>
        %get3A_298 = arith.index_cast %scan3A_164 : i32 to index
        %get3A_299 = arith.constant 48 : index
        %get3A_300 = tpu.vector_load %arg14[%get3A_298, %get3A_299] {strides = array<i32>} : memref<96x128xf32, #tpu.memory_space<vmem>>, vector<1x16xf32>,
        %get3A_301 = vector.shape_cast %get3A_300 : vector<1x16xf32> to vector<16xf32>
        %add3A_302 = arith.addf %add3A_297, %get3A_301 : vector<16xf32>
        %neg3A_303 = arith.constant 0.000000e+00 : f32
        %neg3A_304 = vector.broadcast %neg3A_303 : f32 to vector<16xf32>
        %neg3A_305 = arith.subf %neg3A_304, %add3A_302 : vector<16xf32>
        %exp3A_306 = math.exp %neg3A_305 : vector<16xf32>
        %add3A_307 = arith.constant 1.000000e+00 : f32
        %add3A_308 = vector.broadcast %add3A_307 : f32 to vector<16xf32>
        %add3A_309 = arith.addf %add3A_308, %exp3A_306 : vector<16xf32>
        %div3A_310 = arith.constant 1.000000e+00 : f32
        %div3A_311 = vector.broadcast %div3A_310 : f32 to vector<16xf32>
        %div3A_312 = arith.divf %div3A_311, %add3A_309 : vector<16xf32>
        %swap3A_313 = arith.index_cast %scan3A_164 : i32 to index
        %swap3A_314 = arith.constant 48 : index
        %swap3A_315 = tpu.vector_load %arg15[%swap3A_313, %swap3A_314] {strides = array<i32>} : memref<96x128xf32, #tpu.memory_space<vmem>>, vector<1x16xf32>,
        %swap3A_316 = vector.shape_cast %swap3A_315 : vector<1x16xf32> to vector<16xf32>
        %swap3A_317 = vector.shape_cast %add3A_302 : vector<16xf32> to vector<1x16xf32>
        tpu.vector_store %arg15[%swap3A_313, %swap3A_314], %swap3A_317 {strides = array<i32>} : memref<96x128xf32, #tpu.memory_space<vmem>>, vector<1x16xf32>,
        %swap3A_318 = arith.index_cast %scan3A_164 : i32 to index
        %swap3A_319 = arith.constant 48 : index
        %swap3A_320 = tpu.vector_load %arg16[%swap3A_318, %swap3A_319] {strides = array<i32>} : memref<96x128xf32, #tpu.memory_space<vmem>>, vector<1x16xf32>,
        %swap3A_321 = vector.shape_cast %swap3A_320 : vector<1x16xf32> to vector<16xf32>
        %swap3A_322 = vector.shape_cast %div3A_312 : vector<16xf32> to vector<1x16xf32>
        tpu.vector_store %arg16[%swap3A_318, %swap3A_319], %swap3A_322 {strides = array<i32>} : memref<96x128xf32, #tpu.memory_space<vmem>>, vector<1x16xf32>,
        %add3A_323 = arith.addf %scan3A_168, %add3A_302 : vector<16xf32>
        %mul3A_324 = arith.mulf %add3A_302, %add3A_302 : vector<16xf32>
        %add3A_325 = arith.addf %scan3A_176, %mul3A_324 : vector<16xf32>
        %get3A_326 = arith.index_cast %scan3A_164 : i32 to index
        %get3A_327 = arith.constant 64 : index
        %get3A_328 = tpu.vector_load %arg12[%get3A_326, %get3A_327] {strides = array<i32>} : memref<96x128xf32, #tpu.memory_space<vmem>>, vector<1x16xf32>,
        %get3A_329 = vector.shape_cast %get3A_328 : vector<1x16xf32> to vector<16xf32>
        %get3A_330 = arith.index_cast %scan3A_164 : i32 to index
        %get3A_331 = arith.constant 64 : index
        %get3A_332 = tpu.vector_load %arg13[%get3A_330, %get3A_331] {strides = array<i32>} : memref<96x128xf32, #tpu.memory_space<vmem>>, vector<1x16xf32>,
        %get3A_333 = vector.shape_cast %get3A_332 : vector<1x16xf32> to vector<16xf32>
        %add3A_334 = arith.addf %get3A_329, %get3A_333 : vector<16xf32>
        %get3A_335 = arith.index_cast %scan3A_164 : i32 to index
        %get3A_336 = arith.constant 64 : index
        %get3A_337 = tpu.vector_load %arg14[%get3A_335, %get3A_336] {strides = array<i32>} : memref<96x128xf32, #tpu.memory_space<vmem>>, vector<1x16xf32>,
        %get3A_338 = vector.shape_cast %get3A_337 : vector<1x16xf32> to vector<16xf32>
        %add3A_339 = arith.addf %add3A_334, %get3A_338 : vector<16xf32>
        %neg3A_340 = arith.constant 0.000000e+00 : f32
        %neg3A_341 = vector.broadcast %neg3A_340 : f32 to vector<16xf32>
        %neg3A_342 = arith.subf %neg3A_341, %add3A_339 : vector<16xf32>
        %exp3A_343 = math.exp %neg3A_342 : vector<16xf32>
        %add3A_344 = arith.constant 1.000000e+00 : f32
        %add3A_345 = vector.broadcast %add3A_344 : f32 to vector<16xf32>
        %add3A_346 = arith.addf %add3A_345, %exp3A_343 : vector<16xf32>
        %div3A_347 = arith.constant 1.000000e+00 : f32
        %div3A_348 = vector.broadcast %div3A_347 : f32 to vector<16xf32>
        %div3A_349 = arith.divf %div3A_348, %add3A_346 : vector<16xf32>
        %swap3A_350 = arith.index_cast %scan3A_164 : i32 to index
        %swap3A_351 = arith.constant 64 : index
        %swap3A_352 = tpu.vector_load %arg15[%swap3A_350, %swap3A_351] {strides = array<i32>} : memref<96x128xf32, #tpu.memory_space<vmem>>, vector<1x16xf32>,
        %swap3A_353 = vector.shape_cast %swap3A_352 : vector<1x16xf32> to vector<16xf32>
        %swap3A_354 = vector.shape_cast %add3A_339 : vector<16xf32> to vector<1x16xf32>
        tpu.vector_store %arg15[%swap3A_350, %swap3A_351], %swap3A_354 {strides = array<i32>} : memref<96x128xf32, #tpu.memory_space<vmem>>, vector<1x16xf32>,
        %swap3A_355 = arith.index_cast %scan3A_164 : i32 to index
        %swap3A_356 = arith.constant 64 : index
        %swap3A_357 = tpu.vector_load %arg16[%swap3A_355, %swap3A_356] {strides = array<i32>} : memref<96x128xf32, #tpu.memory_space<vmem>>, vector<1x16xf32>,
        %swap3A_358 = vector.shape_cast %swap3A_357 : vector<1x16xf32> to vector<16xf32>
        %swap3A_359 = vector.shape_cast %div3A_349 : vector<16xf32> to vector<1x16xf32>
        tpu.vector_store %arg16[%swap3A_355, %swap3A_356], %swap3A_359 {strides = array<i32>} : memref<96x128xf32, #tpu.memory_space<vmem>>, vector<1x16xf32>,
        %add3A_360 = arith.addf %scan3A_169, %add3A_339 : vector<16xf32>
        %mul3A_361 = arith.mulf %add3A_339, %add3A_339 : vector<16xf32>
        %add3A_362 = arith.addf %scan3A_177, %mul3A_361 : vector<16xf32>
        %get3A_363 = arith.index_cast %scan3A_164 : i32 to index
        %get3A_364 = arith.constant 80 : index
        %get3A_365 = tpu.vector_load %arg12[%get3A_363, %get3A_364] {strides = array<i32>} : memref<96x128xf32, #tpu.memory_space<vmem>>, vector<1x16xf32>,
        %get3A_366 = vector.shape_cast %get3A_365 : vector<1x16xf32> to vector<16xf32>
        %get3A_367 = arith.index_cast %scan3A_164 : i32 to index
        %get3A_368 = arith.constant 80 : index
        %get3A_369 = tpu.vector_load %arg13[%get3A_367, %get3A_368] {strides = array<i32>} : memref<96x128xf32, #tpu.memory_space<vmem>>, vector<1x16xf32>,
        %get3A_370 = vector.shape_cast %get3A_369 : vector<1x16xf32> to vector<16xf32>
        %add3A_371 = arith.addf %get3A_366, %get3A_370 : vector<16xf32>
        %get3A_372 = arith.index_cast %scan3A_164 : i32 to index
        %get3A_373 = arith.constant 80 : index
        %get3A_374 = tpu.vector_load %arg14[%get3A_372, %get3A_373] {strides = array<i32>} : memref<96x128xf32, #tpu.memory_space<vmem>>, vector<1x16xf32>,
        %get3A_375 = vector.shape_cast %get3A_374 : vector<1x16xf32> to vector<16xf32>
        %add3A_376 = arith.addf %add3A_371, %get3A_375 : vector<16xf32>
        %neg3A_377 = arith.constant 0.000000e+00 : f32
        %neg3A_378 = vector.broadcast %neg3A_377 : f32 to vector<16xf32>
        %neg3A_379 = arith.subf %neg3A_378, %add3A_376 : vector<16xf32>
        %exp3A_380 = math.exp %neg3A_379 : vector<16xf32>
        %add3A_381 = arith.constant 1.000000e+00 : f32
        %add3A_382 = vector.broadcast %add3A_381 : f32 to vector<16xf32>
        %add3A_383 = arith.addf %add3A_382, %exp3A_380 : vector<16xf32>
        %div3A_384 = arith.constant 1.000000e+00 : f32
        %div3A_385 = vector.broadcast %div3A_384 : f32 to vector<16xf32>
        %div3A_386 = arith.divf %div3A_385, %add3A_383 : vector<16xf32>
        %swap3A_387 = arith.index_cast %scan3A_164 : i32 to index
        %swap3A_388 = arith.constant 80 : index
        %swap3A_389 = tpu.vector_load %arg15[%swap3A_387, %swap3A_388] {strides = array<i32>} : memref<96x128xf32, #tpu.memory_space<vmem>>, vector<1x16xf32>,
        %swap3A_390 = vector.shape_cast %swap3A_389 : vector<1x16xf32> to vector<16xf32>
        %swap3A_391 = vector.shape_cast %add3A_376 : vector<16xf32> to vector<1x16xf32>
        tpu.vector_store %arg15[%swap3A_387, %swap3A_388], %swap3A_391 {strides = array<i32>} : memref<96x128xf32, #tpu.memory_space<vmem>>, vector<1x16xf32>,
        %swap3A_392 = arith.index_cast %scan3A_164 : i32 to index
        %swap3A_393 = arith.constant 80 : index
        %swap3A_394 = tpu.vector_load %arg16[%swap3A_392, %swap3A_393] {strides = array<i32>} : memref<96x128xf32, #tpu.memory_space<vmem>>, vector<1x16xf32>,
        %swap3A_395 = vector.shape_cast %swap3A_394 : vector<1x16xf32> to vector<16xf32>
        %swap3A_396 = vector.shape_cast %div3A_386 : vector<16xf32> to vector<1x16xf32>
        tpu.vector_store %arg16[%swap3A_392, %swap3A_393], %swap3A_396 {strides = array<i32>} : memref<96x128xf32, #tpu.memory_space<vmem>>, vector<1x16xf32>,
        %add3A_397 = arith.addf %scan3A_170, %add3A_376 : vector<16xf32>
        %mul3A_398 = arith.mulf %add3A_376, %add3A_376 : vector<16xf32>
        %add3A_399 = arith.addf %scan3A_178, %mul3A_398 : vector<16xf32>
        %get3A_400 = arith.index_cast %scan3A_164 : i32 to index
        %get3A_401 = arith.constant 96 : index
        %get3A_402 = tpu.vector_load %arg12[%get3A_400, %get3A_401] {strides = array<i32>} : memref<96x128xf32, #tpu.memory_space<vmem>>, vector<1x16xf32>,
        %get3A_403 = vector.shape_cast %get3A_402 : vector<1x16xf32> to vector<16xf32>
        %get3A_404 = arith.index_cast %scan3A_164 : i32 to index
        %get3A_405 = arith.constant 96 : index
        %get3A_406 = tpu.vector_load %arg13[%get3A_404, %get3A_405] {strides = array<i32>} : memref<96x128xf32, #tpu.memory_space<vmem>>, vector<1x16xf32>,
        %get3A_407 = vector.shape_cast %get3A_406 : vector<1x16xf32> to vector<16xf32>
        %add3A_408 = arith.addf %get3A_403, %get3A_407 : vector<16xf32>
        %get3A_409 = arith.index_cast %scan3A_164 : i32 to index
        %get3A_410 = arith.constant 96 : index
        %get3A_411 = tpu.vector_load %arg14[%get3A_409, %get3A_410] {strides = array<i32>} : memref<96x128xf32, #tpu.memory_space<vmem>>, vector<1x16xf32>,
        %get3A_412 = vector.shape_cast %get3A_411 : vector<1x16xf32> to vector<16xf32>
        %add3A_413 = arith.addf %add3A_408, %get3A_412 : vector<16xf32>
        %neg3A_414 = arith.constant 0.000000e+00 : f32
        %neg3A_415 = vector.broadcast %neg3A_414 : f32 to vector<16xf32>
        %neg3A_416 = arith.subf %neg3A_415, %add3A_413 : vector<16xf32>
        %exp3A_417 = math.exp %neg3A_416 : vector<16xf32>
        %add3A_418 = arith.constant 1.000000e+00 : f32
        %add3A_419 = vector.broadcast %add3A_418 : f32 to vector<16xf32>
        %add3A_420 = arith.addf %add3A_419, %exp3A_417 : vector<16xf32>
        %div3A_421 = arith.constant 1.000000e+00 : f32
        %div3A_422 = vector.broadcast %div3A_421 : f32 to vector<16xf32>
        %div3A_423 = arith.divf %div3A_422, %add3A_420 : vector<16xf32>
        %swap3A_424 = arith.index_cast %scan3A_164 : i32 to index
        %swap3A_425 = arith.constant 96 : index
        %swap3A_426 = tpu.vector_load %arg15[%swap3A_424, %swap3A_425] {strides = array<i32>} : memref<96x128xf32, #tpu.memory_space<vmem>>, vector<1x16xf32>,
        %swap3A_427 = vector.shape_cast %swap3A_426 : vector<1x16xf32> to vector<16xf32>
        %swap3A_428 = vector.shape_cast %add3A_413 : vector<16xf32> to vector<1x16xf32>
        tpu.vector_store %arg15[%swap3A_424, %swap3A_425], %swap3A_428 {strides = array<i32>} : memref<96x128xf32, #tpu.memory_space<vmem>>, vector<1x16xf32>,
        %swap3A_429 = arith.index_cast %scan3A_164 : i32 to index
        %swap3A_430 = arith.constant 96 : index
        %swap3A_431 = tpu.vector_load %arg16[%swap3A_429, %swap3A_430] {strides = array<i32>} : memref<96x128xf32, #tpu.memory_space<vmem>>, vector<1x16xf32>,
        %swap3A_432 = vector.shape_cast %swap3A_431 : vector<1x16xf32> to vector<16xf32>
        %swap3A_433 = vector.shape_cast %div3A_423 : vector<16xf32> to vector<1x16xf32>
        tpu.vector_store %arg16[%swap3A_429, %swap3A_430], %swap3A_433 {strides = array<i32>} : memref<96x128xf32, #tpu.memory_space<vmem>>, vector<1x16xf32>,
        %add3A_434 = arith.addf %scan3A_171, %add3A_413 : vector<16xf32>
        %mul3A_435 = arith.mulf %add3A_413, %add3A_413 : vector<16xf32>
        %add3A_436 = arith.addf %scan3A_179, %mul3A_435 : vector<16xf32>
        %get3A_437 = arith.index_cast %scan3A_164 : i32 to index
        %get3A_438 = arith.constant 112 : index
        %get3A_439 = tpu.vector_load %arg12[%get3A_437, %get3A_438] {strides = array<i32>} : memref<96x128xf32, #tpu.memory_space<vmem>>, vector<1x16xf32>,
        %get3A_440 = vector.shape_cast %get3A_439 : vector<1x16xf32> to vector<16xf32>
        %get3A_441 = arith.index_cast %scan3A_164 : i32 to index
        %get3A_442 = arith.constant 112 : index
        %get3A_443 = tpu.vector_load %arg13[%get3A_441, %get3A_442] {strides = array<i32>} : memref<96x128xf32, #tpu.memory_space<vmem>>, vector<1x16xf32>,
        %get3A_444 = vector.shape_cast %get3A_443 : vector<1x16xf32> to vector<16xf32>
        %add3A_445 = arith.addf %get3A_440, %get3A_444 : vector<16xf32>
        %get3A_446 = arith.index_cast %scan3A_164 : i32 to index
        %get3A_447 = arith.constant 112 : index
        %get3A_448 = tpu.vector_load %arg14[%get3A_446, %get3A_447] {strides = array<i32>} : memref<96x128xf32, #tpu.memory_space<vmem>>, vector<1x16xf32>,
        %get3A_449 = vector.shape_cast %get3A_448 : vector<1x16xf32> to vector<16xf32>
        %add3A_450 = arith.addf %add3A_445, %get3A_449 : vector<16xf32>
        %neg3A_451 = arith.constant 0.000000e+00 : f32
        %neg3A_452 = vector.broadcast %neg3A_451 : f32 to vector<16xf32>
        %neg3A_453 = arith.subf %neg3A_452, %add3A_450 : vector<16xf32>
        %exp3A_454 = math.exp %neg3A_453 : vector<16xf32>
        %add3A_455 = arith.constant 1.000000e+00 : f32
        %add3A_456 = vector.broadcast %add3A_455 : f32 to vector<16xf32>
        %add3A_457 = arith.addf %add3A_456, %exp3A_454 : vector<16xf32>
        %div3A_458 = arith.constant 1.000000e+00 : f32
        %div3A_459 = vector.broadcast %div3A_458 : f32 to vector<16xf32>
        %div3A_460 = arith.divf %div3A_459, %add3A_457 : vector<16xf32>
        %swap3A_461 = arith.index_cast %scan3A_164 : i32 to index
        %swap3A_462 = arith.constant 112 : index
        %swap3A_463 = tpu.vector_load %arg15[%swap3A_461, %swap3A_462] {strides = array<i32>} : memref<96x128xf32, #tpu.memory_space<vmem>>, vector<1x16xf32>,
        %swap3A_464 = vector.shape_cast %swap3A_463 : vector<1x16xf32> to vector<16xf32>
        %swap3A_465 = vector.shape_cast %add3A_450 : vector<16xf32> to vector<1x16xf32>
        tpu.vector_store %arg15[%swap3A_461, %swap3A_462], %swap3A_465 {strides = array<i32>} : memref<96x128xf32, #tpu.memory_space<vmem>>, vector<1x16xf32>,
        %swap3A_466 = arith.index_cast %scan3A_164 : i32 to index
        %swap3A_467 = arith.constant 112 : index
        %swap3A_468 = tpu.vector_load %arg16[%swap3A_466, %swap3A_467] {strides = array<i32>} : memref<96x128xf32, #tpu.memory_space<vmem>>, vector<1x16xf32>,
        %swap3A_469 = vector.shape_cast %swap3A_468 : vector<1x16xf32> to vector<16xf32>
        %swap3A_470 = vector.shape_cast %div3A_460 : vector<16xf32> to vector<1x16xf32>
        tpu.vector_store %arg16[%swap3A_466, %swap3A_467], %swap3A_470 {strides = array<i32>} : memref<96x128xf32, #tpu.memory_space<vmem>>, vector<1x16xf32>,
        %add3A_471 = arith.addf %scan3A_172, %add3A_450 : vector<16xf32>
        %mul3A_472 = arith.mulf %add3A_450, %add3A_450 : vector<16xf32>
        %add3A_473 = arith.addf %scan3A_180, %mul3A_472 : vector<16xf32>
        scf.yield %add3A_212, %add3A_249, %add3A_286, %add3A_323, %add3A_360, %add3A_397, %add3A_434, %add3A_471, %add3A_214, %add3A_251, %add3A_288, %add3A_325, %add3A_362, %add3A_399, %add3A_436, %add3A_473 : vector<16xf32>, vector<16xf32>, vector<16xf32>, vector<16xf32>, vector<16xf32>, vector<16xf32>, vector<16xf32>, vector<16xf32>, vector<16xf32>, vector<16xf32>, vector<16xf32>, vector<16xf32>, vector<16xf32>, vector<16xf32>, vector<16xf32>, vector<16xf32>
      }
      %scan3A_163 = arith.constant 96 : i32
      "tpu.region"() ({
        %run_scoped3A = tpu.sem_alloc : memref<!tpu.dma_semaphore, #tpu.memory_space<semaphore_mem>>
        %dma_start3A_164 = arith.constant 0 : i32
        %dma_start3A_165 = tpu.memref_slice %arg7[%mul3A_148, %dma_start3A_164] : memref<300000x128xf32, #tpu.memory_space<hbm>> -> memref<96x128xf32, #tpu.memory_space<hbm>>
        %dma_start3A_166 = arith.constant 0 : i32
        %dma_start3A_167 = tpu.memref_slice %arg7[%mul3A_148, %dma_start3A_166] : memref<300000x128xf32, #tpu.memory_space<hbm>> -> memref<96x128xf32, #tpu.memory_space<hbm>>
        tpu.enqueue_dma source(%arg15 : memref<96x128xf32, #tpu.memory_space<vmem>>) target(%dma_start3A_167 : memref<96x128xf32, #tpu.memory_space<hbm>>) target_semaphore(%run_scoped3A : memref<!tpu.dma_semaphore, #tpu.memory_space<semaphore_mem>>)
        %dma_wait3A_168 = arith.constant 0 : i32
        %dma_wait3A_169 = tpu.memref_slice %arg7[%mul3A_148, %dma_wait3A_168] : memref<300000x128xf32, #tpu.memory_space<hbm>> -> memref<96x128xf32, #tpu.memory_space<hbm>>
        %dma_wait3A_170 = arith.constant 0 : i32
        %dma_wait3A_171 = tpu.memref_slice %arg7[%mul3A_148, %dma_wait3A_170] : memref<300000x128xf32, #tpu.memory_space<hbm>> -> memref<96x128xf32, #tpu.memory_space<hbm>>
        tpu.wait_dma2 semaphore(%run_scoped3A : memref<!tpu.dma_semaphore, #tpu.memory_space<semaphore_mem>>) src(%arg15 : memref<96x128xf32, #tpu.memory_space<vmem>>) dst(%dma_wait3A_171 : memref<96x128xf32, #tpu.memory_space<hbm>>)
        tpu.yield
      }) : () -> ()
      "tpu.region"() ({
        %run_scoped3A = tpu.sem_alloc : memref<!tpu.dma_semaphore, #tpu.memory_space<semaphore_mem>>
        %dma_start3A_164 = arith.constant 0 : i32
        %dma_start3A_165 = tpu.memref_slice %arg8[%mul3A_148, %dma_start3A_164] : memref<300000x128xf32, #tpu.memory_space<hbm>> -> memref<96x128xf32, #tpu.memory_space<hbm>>
        %dma_start3A_166 = arith.constant 0 : i32
        %dma_start3A_167 = tpu.memref_slice %arg8[%mul3A_148, %dma_start3A_166] : memref<300000x128xf32, #tpu.memory_space<hbm>> -> memref<96x128xf32, #tpu.memory_space<hbm>>
        tpu.enqueue_dma source(%arg16 : memref<96x128xf32, #tpu.memory_space<vmem>>) target(%dma_start3A_167 : memref<96x128xf32, #tpu.memory_space<hbm>>) target_semaphore(%run_scoped3A : memref<!tpu.dma_semaphore, #tpu.memory_space<semaphore_mem>>)
        %dma_wait3A_168 = arith.constant 0 : i32
        %dma_wait3A_169 = tpu.memref_slice %arg8[%mul3A_148, %dma_wait3A_168] : memref<300000x128xf32, #tpu.memory_space<hbm>> -> memref<96x128xf32, #tpu.memory_space<hbm>>
        %dma_wait3A_170 = arith.constant 0 : i32
        %dma_wait3A_171 = tpu.memref_slice %arg8[%mul3A_148, %dma_wait3A_170] : memref<300000x128xf32, #tpu.memory_space<hbm>> -> memref<96x128xf32, #tpu.memory_space<hbm>>
        tpu.wait_dma2 semaphore(%run_scoped3A : memref<!tpu.dma_semaphore, #tpu.memory_space<semaphore_mem>>) src(%arg16 : memref<96x128xf32, #tpu.memory_space<vmem>>) dst(%dma_wait3A_171 : memref<96x128xf32, #tpu.memory_space<hbm>>)
        tpu.yield
      }) : () -> ()
      scf.yield %scan3A_162#0, %scan3A_162#1, %scan3A_162#2, %scan3A_162#3, %scan3A_162#4, %scan3A_162#5, %scan3A_162#6, %scan3A_162#7, %scan3A_162#8, %scan3A_162#9, %scan3A_162#10, %scan3A_162#11, %scan3A_162#12, %scan3A_162#13, %scan3A_162#14, %scan3A_162#15 : vector<16xf32>, vector<16xf32>, vector<16xf32>, vector<16xf32>, vector<16xf32>, vector<16xf32>, vector<16xf32>, vector<16xf32>, vector<16xf32>, vector<16xf32>, vector<16xf32>, vector<16xf32>, vector<16xf32>, vector<16xf32>, vector<16xf32>, vector<16xf32>
    }
    %while3A_30 = arith.constant 1 : i32
    %while3A_31:16 = scf.for %while3A_127 = %while3A_27 to %while3A_23 step %while3A_30 iter_args(%while3A_128 = %while3A_29#0, %while3A_129 = %while3A_29#1, %while3A_130 = %while3A_29#2, %while3A_131 = %while3A_29#3, %while3A_132 = %while3A_29#4, %while3A_133 = %while3A_29#5, %while3A_134 = %while3A_29#6, %while3A_135 = %while3A_29#7, %while3A_136 = %while3A_29#8, %while3A_137 = %while3A_29#9, %while3A_138 = %while3A_29#10, %while3A_139 = %while3A_29#11, %while3A_140 = %while3A_29#12, %while3A_141 = %while3A_29#13, %while3A_142 = %while3A_29#14, %while3A_143 = %while3A_29#15) -> (vector<16xf32>, vector<16xf32>, vector<16xf32>, vector<16xf32>, vector<16xf32>, vector<16xf32>, vector<16xf32>, vector<16xf32>, vector<16xf32>, vector<16xf32>, vector<16xf32>, vector<16xf32>, vector<16xf32>, vector<16xf32>, vector<16xf32>, vector<16xf32>)  : i32 {
      %mul3A_144 = arith.constant 32 : i32
      %mul3A_145 = arith.muli %while3A_127, %mul3A_144 : i32
      %add3A_146 = arith.addi %add3A, %mul3A_145 : i32
      %mul3A_147 = arith.constant 96 : i32
      %mul3A_148 = arith.muli %add3A_146, %mul3A_147 : i32
      "tpu.region"() ({
        %run_scoped3A = tpu.sem_alloc : memref<!tpu.dma_semaphore, #tpu.memory_space<semaphore_mem>>
        %dma_start3A_164 = tpu.memref_slice %arg5[%mul3A_148] : memref<300000xi32, #tpu.memory_space<hbm>> -> memref<96xi32, #tpu.memory_space<hbm>>
        %dma_start3A_165 = tpu.memref_slice %arg5[%mul3A_148] : memref<300000xi32, #tpu.memory_space<hbm>> -> memref<96xi32, #tpu.memory_space<hbm>>
        tpu.enqueue_dma source(%dma_start3A_165 : memref<96xi32, #tpu.memory_space<hbm>>) target(%arg10 : memref<96xi32, #tpu.memory_space<vmem>>) target_semaphore(%run_scoped3A : memref<!tpu.dma_semaphore, #tpu.memory_space<semaphore_mem>>)
        %dma_wait3A_166 = tpu.memref_slice %arg5[%mul3A_148] : memref<300000xi32, #tpu.memory_space<hbm>> -> memref<96xi32, #tpu.memory_space<hbm>>
        %dma_wait3A_167 = tpu.memref_slice %arg5[%mul3A_148] : memref<300000xi32, #tpu.memory_space<hbm>> -> memref<96xi32, #tpu.memory_space<hbm>>
        tpu.wait_dma2 semaphore(%run_scoped3A : memref<!tpu.dma_semaphore, #tpu.memory_space<semaphore_mem>>) src(%dma_wait3A_167 : memref<96xi32, #tpu.memory_space<hbm>>) dst(%arg10 : memref<96xi32, #tpu.memory_space<vmem>>)
        tpu.yield
      }) : () -> ()
      "tpu.region"() ({
        %run_scoped3A = tpu.sem_alloc : memref<!tpu.dma_semaphore, #tpu.memory_space<semaphore_mem>>
        %dma_start3A_164 = tpu.memref_slice %arg6[%mul3A_148] : memref<300000xi32, #tpu.memory_space<hbm>> -> memref<96xi32, #tpu.memory_space<hbm>>
        %dma_start3A_165 = tpu.memref_slice %arg6[%mul3A_148] : memref<300000xi32, #tpu.memory_space<hbm>> -> memref<96xi32, #tpu.memory_space<hbm>>
        tpu.enqueue_dma source(%dma_start3A_165 : memref<96xi32, #tpu.memory_space<hbm>>) target(%arg11 : memref<96xi32, #tpu.memory_space<vmem>>) target_semaphore(%run_scoped3A : memref<!tpu.dma_semaphore, #tpu.memory_space<semaphore_mem>>)
        %dma_wait3A_166 = tpu.memref_slice %arg6[%mul3A_148] : memref<300000xi32, #tpu.memory_space<hbm>> -> memref<96xi32, #tpu.memory_space<hbm>>
        %dma_wait3A_167 = tpu.memref_slice %arg6[%mul3A_148] : memref<300000xi32, #tpu.memory_space<hbm>> -> memref<96xi32, #tpu.memory_space<hbm>>
        tpu.wait_dma2 semaphore(%run_scoped3A : memref<!tpu.dma_semaphore, #tpu.memory_space<semaphore_mem>>) src(%dma_wait3A_167 : memref<96xi32, #tpu.memory_space<hbm>>) dst(%arg11 : memref<96xi32, #tpu.memory_space<vmem>>)
        tpu.yield
      }) : () -> ()
      %dma_start3A = arith.constant 0 : i32
      %dma_start3A_149 = arith.constant 0 : i32
      %dma_start3A_150 = tpu.memref_slice %arg2[%dma_start3A, %dma_start3A_149] : memref<50000x128xf32, #tpu.memory_space<hbm>> -> memref<50000x128xf32, #tpu.memory_space<hbm>>
      tpu.enqueue_indirect_dma source(%dma_start3A_150 : memref<50000x128xf32, #tpu.memory_space<hbm>>) target(%arg12 : memref<96x128xf32, #tpu.memory_space<vmem>>) offsets(%arg10 : memref<96xi32, #tpu.memory_space<vmem>>) semaphore(%arg18 : memref<!tpu.dma_semaphore, #tpu.memory_space<semaphore_mem>>)
      %dma_start3A_151 = arith.constant 0 : i32
      %dma_start3A_152 = arith.constant 0 : i32
      %dma_start3A_153 = tpu.memref_slice %arg3[%dma_start3A_151, %dma_start3A_152] : memref<50000x128xf32, #tpu.memory_space<hbm>> -> memref<50000x128xf32, #tpu.memory_space<hbm>>
      tpu.enqueue_indirect_dma source(%dma_start3A_153 : memref<50000x128xf32, #tpu.memory_space<hbm>>) target(%arg13 : memref<96x128xf32, #tpu.memory_space<vmem>>) offsets(%arg11 : memref<96xi32, #tpu.memory_space<vmem>>) semaphore(%arg18 : memref<!tpu.dma_semaphore, #tpu.memory_space<semaphore_mem>>)
      "tpu.region"() ({
        %run_scoped3A = tpu.sem_alloc : memref<!tpu.dma_semaphore, #tpu.memory_space<semaphore_mem>>
        %dma_start3A_164 = arith.constant 0 : i32
        %dma_start3A_165 = tpu.memref_slice %arg4[%mul3A_148, %dma_start3A_164] : memref<300000x128xf32, #tpu.memory_space<hbm>> -> memref<96x128xf32, #tpu.memory_space<hbm>>
        %dma_start3A_166 = arith.constant 0 : i32
        %dma_start3A_167 = tpu.memref_slice %arg4[%mul3A_148, %dma_start3A_166] : memref<300000x128xf32, #tpu.memory_space<hbm>> -> memref<96x128xf32, #tpu.memory_space<hbm>>
        tpu.enqueue_dma source(%dma_start3A_167 : memref<96x128xf32, #tpu.memory_space<hbm>>) target(%arg14 : memref<96x128xf32, #tpu.memory_space<vmem>>) target_semaphore(%run_scoped3A : memref<!tpu.dma_semaphore, #tpu.memory_space<semaphore_mem>>)
        %dma_wait3A_168 = arith.constant 0 : i32
        %dma_wait3A_169 = tpu.memref_slice %arg4[%mul3A_148, %dma_wait3A_168] : memref<300000x128xf32, #tpu.memory_space<hbm>> -> memref<96x128xf32, #tpu.memory_space<hbm>>
        %dma_wait3A_170 = arith.constant 0 : i32
        %dma_wait3A_171 = tpu.memref_slice %arg4[%mul3A_148, %dma_wait3A_170] : memref<300000x128xf32, #tpu.memory_space<hbm>> -> memref<96x128xf32, #tpu.memory_space<hbm>>
        tpu.wait_dma2 semaphore(%run_scoped3A : memref<!tpu.dma_semaphore, #tpu.memory_space<semaphore_mem>>) src(%dma_wait3A_171 : memref<96x128xf32, #tpu.memory_space<hbm>>) dst(%arg14 : memref<96x128xf32, #tpu.memory_space<vmem>>)
        tpu.yield
      }) : () -> ()
      %dma_wait3A = arith.constant 0 : i32
      %dma_wait3A_154 = arith.constant 0 : i32
      %dma_wait3A_155 = tpu.memref_slice %arg2[%dma_wait3A, %dma_wait3A_154] : memref<50000x128xf32, #tpu.memory_space<hbm>> -> memref<50000x128xf32, #tpu.memory_space<hbm>>
      tpu.wait_indirect_dma semaphore(%arg18 : memref<!tpu.dma_semaphore, #tpu.memory_space<semaphore_mem>>) src(%dma_wait3A_155 : memref<50000x128xf32, #tpu.memory_space<hbm>>) dst(%arg12 : memref<96x128xf32, #tpu.memory_space<vmem>>)
      %dma_wait3A_156 = arith.constant 0 : i32
      %dma_wait3A_157 = arith.constant 0 : i32
      %dma_wait3A_158 = tpu.memref_slice %arg3[%dma_wait3A_156, %dma_wait3A_157] : memref<50000x128xf32, #tpu.memory_space<hbm>> -> memref<50000x128xf32, #tpu.memory_space<hbm>>
      tpu.wait_indirect_dma semaphore(%arg18 : memref<!tpu.dma_semaphore, #tpu.memory_space<semaphore_mem>>) src(%dma_wait3A_158 : memref<50000x128xf32, #tpu.memory_space<hbm>>) dst(%arg13 : memref<96x128xf32, #tpu.memory_space<vmem>>)
      %scan3A = arith.constant 0 : i32
      %scan3A_159 = arith.constant 96 : i32
      %scan3A_160 = arith.addi %scan3A, %scan3A_159 : i32
      %scan3A_161 = arith.constant 1 : i32
      %scan3A_162:16 = scf.for %scan3A_164 = %scan3A to %scan3A_160 step %scan3A_161 iter_args(%scan3A_165 = %while3A_128, %scan3A_166 = %while3A_129, %scan3A_167 = %while3A_130, %scan3A_168 = %while3A_131, %scan3A_169 = %while3A_132, %scan3A_170 = %while3A_133, %scan3A_171 = %while3A_134, %scan3A_172 = %while3A_135, %scan3A_173 = %while3A_136, %scan3A_174 = %while3A_137, %scan3A_175 = %while3A_138, %scan3A_176 = %while3A_139, %scan3A_177 = %while3A_140, %scan3A_178 = %while3A_141, %scan3A_179 = %while3A_142, %scan3A_180 = %while3A_143) -> (vector<16xf32>, vector<16xf32>, vector<16xf32>, vector<16xf32>, vector<16xf32>, vector<16xf32>, vector<16xf32>, vector<16xf32>, vector<16xf32>, vector<16xf32>, vector<16xf32>, vector<16xf32>, vector<16xf32>, vector<16xf32>, vector<16xf32>, vector<16xf32>)  : i32 {
        %get3A = arith.index_cast %scan3A_164 : i32 to index
        %get3A_181 = arith.constant 0 : index
        %get3A_182 = tpu.vector_load %arg12[%get3A, %get3A_181] {strides = array<i32>} : memref<96x128xf32, #tpu.memory_space<vmem>>, vector<1x16xf32>,
        %get3A_183 = vector.shape_cast %get3A_182 : vector<1x16xf32> to vector<16xf32>
        %get3A_184 = arith.index_cast %scan3A_164 : i32 to index
        %get3A_185 = arith.constant 0 : index
        %get3A_186 = tpu.vector_load %arg13[%get3A_184, %get3A_185] {strides = array<i32>} : memref<96x128xf32, #tpu.memory_space<vmem>>, vector<1x16xf32>,
        %get3A_187 = vector.shape_cast %get3A_186 : vector<1x16xf32> to vector<16xf32>
        %add3A_188 = arith.addf %get3A_183, %get3A_187 : vector<16xf32>
        %get3A_189 = arith.index_cast %scan3A_164 : i32 to index
        %get3A_190 = arith.constant 0 : index
        %get3A_191 = tpu.vector_load %arg14[%get3A_189, %get3A_190] {strides = array<i32>} : memref<96x128xf32, #tpu.memory_space<vmem>>, vector<1x16xf32>,
        %get3A_192 = vector.shape_cast %get3A_191 : vector<1x16xf32> to vector<16xf32>
        %add3A_193 = arith.addf %add3A_188, %get3A_192 : vector<16xf32>
        %neg3A = arith.constant 0.000000e+00 : f32
        %neg3A_194 = vector.broadcast %neg3A : f32 to vector<16xf32>
        %neg3A_195 = arith.subf %neg3A_194, %add3A_193 : vector<16xf32>
        %exp3A = math.exp %neg3A_195 : vector<16xf32>
        %add3A_196 = arith.constant 1.000000e+00 : f32
        %add3A_197 = vector.broadcast %add3A_196 : f32 to vector<16xf32>
        %add3A_198 = arith.addf %add3A_197, %exp3A : vector<16xf32>
        %div3A_199 = arith.constant 1.000000e+00 : f32
        %div3A_200 = vector.broadcast %div3A_199 : f32 to vector<16xf32>
        %div3A_201 = arith.divf %div3A_200, %add3A_198 : vector<16xf32>
        %swap3A_202 = arith.index_cast %scan3A_164 : i32 to index
        %swap3A_203 = arith.constant 0 : index
        %swap3A_204 = tpu.vector_load %arg15[%swap3A_202, %swap3A_203] {strides = array<i32>} : memref<96x128xf32, #tpu.memory_space<vmem>>, vector<1x16xf32>,
        %swap3A_205 = vector.shape_cast %swap3A_204 : vector<1x16xf32> to vector<16xf32>
        %swap3A_206 = vector.shape_cast %add3A_193 : vector<16xf32> to vector<1x16xf32>
        tpu.vector_store %arg15[%swap3A_202, %swap3A_203], %swap3A_206 {strides = array<i32>} : memref<96x128xf32, #tpu.memory_space<vmem>>, vector<1x16xf32>,
        %swap3A_207 = arith.index_cast %scan3A_164 : i32 to index
        %swap3A_208 = arith.constant 0 : index
        %swap3A_209 = tpu.vector_load %arg16[%swap3A_207, %swap3A_208] {strides = array<i32>} : memref<96x128xf32, #tpu.memory_space<vmem>>, vector<1x16xf32>,
        %swap3A_210 = vector.shape_cast %swap3A_209 : vector<1x16xf32> to vector<16xf32>
        %swap3A_211 = vector.shape_cast %div3A_201 : vector<16xf32> to vector<1x16xf32>
        tpu.vector_store %arg16[%swap3A_207, %swap3A_208], %swap3A_211 {strides = array<i32>} : memref<96x128xf32, #tpu.memory_space<vmem>>, vector<1x16xf32>,
        %add3A_212 = arith.addf %scan3A_165, %add3A_193 : vector<16xf32>
        %mul3A_213 = arith.mulf %add3A_193, %add3A_193 : vector<16xf32>
        %add3A_214 = arith.addf %scan3A_173, %mul3A_213 : vector<16xf32>
        %get3A_215 = arith.index_cast %scan3A_164 : i32 to index
        %get3A_216 = arith.constant 16 : index
        %get3A_217 = tpu.vector_load %arg12[%get3A_215, %get3A_216] {strides = array<i32>} : memref<96x128xf32, #tpu.memory_space<vmem>>, vector<1x16xf32>,
        %get3A_218 = vector.shape_cast %get3A_217 : vector<1x16xf32> to vector<16xf32>
        %get3A_219 = arith.index_cast %scan3A_164 : i32 to index
        %get3A_220 = arith.constant 16 : index
        %get3A_221 = tpu.vector_load %arg13[%get3A_219, %get3A_220] {strides = array<i32>} : memref<96x128xf32, #tpu.memory_space<vmem>>, vector<1x16xf32>,
        %get3A_222 = vector.shape_cast %get3A_221 : vector<1x16xf32> to vector<16xf32>
        %add3A_223 = arith.addf %get3A_218, %get3A_222 : vector<16xf32>
        %get3A_224 = arith.index_cast %scan3A_164 : i32 to index
        %get3A_225 = arith.constant 16 : index
        %get3A_226 = tpu.vector_load %arg14[%get3A_224, %get3A_225] {strides = array<i32>} : memref<96x128xf32, #tpu.memory_space<vmem>>, vector<1x16xf32>,
        %get3A_227 = vector.shape_cast %get3A_226 : vector<1x16xf32> to vector<16xf32>
        %add3A_228 = arith.addf %add3A_223, %get3A_227 : vector<16xf32>
        %neg3A_229 = arith.constant 0.000000e+00 : f32
        %neg3A_230 = vector.broadcast %neg3A_229 : f32 to vector<16xf32>
        %neg3A_231 = arith.subf %neg3A_230, %add3A_228 : vector<16xf32>
        %exp3A_232 = math.exp %neg3A_231 : vector<16xf32>
        %add3A_233 = arith.constant 1.000000e+00 : f32
        %add3A_234 = vector.broadcast %add3A_233 : f32 to vector<16xf32>
        %add3A_235 = arith.addf %add3A_234, %exp3A_232 : vector<16xf32>
        %div3A_236 = arith.constant 1.000000e+00 : f32
        %div3A_237 = vector.broadcast %div3A_236 : f32 to vector<16xf32>
        %div3A_238 = arith.divf %div3A_237, %add3A_235 : vector<16xf32>
        %swap3A_239 = arith.index_cast %scan3A_164 : i32 to index
        %swap3A_240 = arith.constant 16 : index
        %swap3A_241 = tpu.vector_load %arg15[%swap3A_239, %swap3A_240] {strides = array<i32>} : memref<96x128xf32, #tpu.memory_space<vmem>>, vector<1x16xf32>,
        %swap3A_242 = vector.shape_cast %swap3A_241 : vector<1x16xf32> to vector<16xf32>
        %swap3A_243 = vector.shape_cast %add3A_228 : vector<16xf32> to vector<1x16xf32>
        tpu.vector_store %arg15[%swap3A_239, %swap3A_240], %swap3A_243 {strides = array<i32>} : memref<96x128xf32, #tpu.memory_space<vmem>>, vector<1x16xf32>,
        %swap3A_244 = arith.index_cast %scan3A_164 : i32 to index
        %swap3A_245 = arith.constant 16 : index
        %swap3A_246 = tpu.vector_load %arg16[%swap3A_244, %swap3A_245] {strides = array<i32>} : memref<96x128xf32, #tpu.memory_space<vmem>>, vector<1x16xf32>,
        %swap3A_247 = vector.shape_cast %swap3A_246 : vector<1x16xf32> to vector<16xf32>
        %swap3A_248 = vector.shape_cast %div3A_238 : vector<16xf32> to vector<1x16xf32>
        tpu.vector_store %arg16[%swap3A_244, %swap3A_245], %swap3A_248 {strides = array<i32>} : memref<96x128xf32, #tpu.memory_space<vmem>>, vector<1x16xf32>,
        %add3A_249 = arith.addf %scan3A_166, %add3A_228 : vector<16xf32>
        %mul3A_250 = arith.mulf %add3A_228, %add3A_228 : vector<16xf32>
        %add3A_251 = arith.addf %scan3A_174, %mul3A_250 : vector<16xf32>
        %get3A_252 = arith.index_cast %scan3A_164 : i32 to index
        %get3A_253 = arith.constant 32 : index
        %get3A_254 = tpu.vector_load %arg12[%get3A_252, %get3A_253] {strides = array<i32>} : memref<96x128xf32, #tpu.memory_space<vmem>>, vector<1x16xf32>,
        %get3A_255 = vector.shape_cast %get3A_254 : vector<1x16xf32> to vector<16xf32>
        %get3A_256 = arith.index_cast %scan3A_164 : i32 to index
        %get3A_257 = arith.constant 32 : index
        %get3A_258 = tpu.vector_load %arg13[%get3A_256, %get3A_257] {strides = array<i32>} : memref<96x128xf32, #tpu.memory_space<vmem>>, vector<1x16xf32>,
        %get3A_259 = vector.shape_cast %get3A_258 : vector<1x16xf32> to vector<16xf32>
        %add3A_260 = arith.addf %get3A_255, %get3A_259 : vector<16xf32>
        %get3A_261 = arith.index_cast %scan3A_164 : i32 to index
        %get3A_262 = arith.constant 32 : index
        %get3A_263 = tpu.vector_load %arg14[%get3A_261, %get3A_262] {strides = array<i32>} : memref<96x128xf32, #tpu.memory_space<vmem>>, vector<1x16xf32>,
        %get3A_264 = vector.shape_cast %get3A_263 : vector<1x16xf32> to vector<16xf32>
        %add3A_265 = arith.addf %add3A_260, %get3A_264 : vector<16xf32>
        %neg3A_266 = arith.constant 0.000000e+00 : f32
        %neg3A_267 = vector.broadcast %neg3A_266 : f32 to vector<16xf32>
        %neg3A_268 = arith.subf %neg3A_267, %add3A_265 : vector<16xf32>
        %exp3A_269 = math.exp %neg3A_268 : vector<16xf32>
        %add3A_270 = arith.constant 1.000000e+00 : f32
        %add3A_271 = vector.broadcast %add3A_270 : f32 to vector<16xf32>
        %add3A_272 = arith.addf %add3A_271, %exp3A_269 : vector<16xf32>
        %div3A_273 = arith.constant 1.000000e+00 : f32
        %div3A_274 = vector.broadcast %div3A_273 : f32 to vector<16xf32>
        %div3A_275 = arith.divf %div3A_274, %add3A_272 : vector<16xf32>
        %swap3A_276 = arith.index_cast %scan3A_164 : i32 to index
        %swap3A_277 = arith.constant 32 : index
        %swap3A_278 = tpu.vector_load %arg15[%swap3A_276, %swap3A_277] {strides = array<i32>} : memref<96x128xf32, #tpu.memory_space<vmem>>, vector<1x16xf32>,
        %swap3A_279 = vector.shape_cast %swap3A_278 : vector<1x16xf32> to vector<16xf32>
        %swap3A_280 = vector.shape_cast %add3A_265 : vector<16xf32> to vector<1x16xf32>
        tpu.vector_store %arg15[%swap3A_276, %swap3A_277], %swap3A_280 {strides = array<i32>} : memref<96x128xf32, #tpu.memory_space<vmem>>, vector<1x16xf32>,
        %swap3A_281 = arith.index_cast %scan3A_164 : i32 to index
        %swap3A_282 = arith.constant 32 : index
        %swap3A_283 = tpu.vector_load %arg16[%swap3A_281, %swap3A_282] {strides = array<i32>} : memref<96x128xf32, #tpu.memory_space<vmem>>, vector<1x16xf32>,
        %swap3A_284 = vector.shape_cast %swap3A_283 : vector<1x16xf32> to vector<16xf32>
        %swap3A_285 = vector.shape_cast %div3A_275 : vector<16xf32> to vector<1x16xf32>
        tpu.vector_store %arg16[%swap3A_281, %swap3A_282], %swap3A_285 {strides = array<i32>} : memref<96x128xf32, #tpu.memory_space<vmem>>, vector<1x16xf32>,
        %add3A_286 = arith.addf %scan3A_167, %add3A_265 : vector<16xf32>
        %mul3A_287 = arith.mulf %add3A_265, %add3A_265 : vector<16xf32>
        %add3A_288 = arith.addf %scan3A_175, %mul3A_287 : vector<16xf32>
        %get3A_289 = arith.index_cast %scan3A_164 : i32 to index
        %get3A_290 = arith.constant 48 : index
        %get3A_291 = tpu.vector_load %arg12[%get3A_289, %get3A_290] {strides = array<i32>} : memref<96x128xf32, #tpu.memory_space<vmem>>, vector<1x16xf32>,
        %get3A_292 = vector.shape_cast %get3A_291 : vector<1x16xf32> to vector<16xf32>
        %get3A_293 = arith.index_cast %scan3A_164 : i32 to index
        %get3A_294 = arith.constant 48 : index
        %get3A_295 = tpu.vector_load %arg13[%get3A_293, %get3A_294] {strides = array<i32>} : memref<96x128xf32, #tpu.memory_space<vmem>>, vector<1x16xf32>,
        %get3A_296 = vector.shape_cast %get3A_295 : vector<1x16xf32> to vector<16xf32>
        %add3A_297 = arith.addf %get3A_292, %get3A_296 : vector<16xf32>
        %get3A_298 = arith.index_cast %scan3A_164 : i32 to index
        %get3A_299 = arith.constant 48 : index
        %get3A_300 = tpu.vector_load %arg14[%get3A_298, %get3A_299] {strides = array<i32>} : memref<96x128xf32, #tpu.memory_space<vmem>>, vector<1x16xf32>,
        %get3A_301 = vector.shape_cast %get3A_300 : vector<1x16xf32> to vector<16xf32>
        %add3A_302 = arith.addf %add3A_297, %get3A_301 : vector<16xf32>
        %neg3A_303 = arith.constant 0.000000e+00 : f32
        %neg3A_304 = vector.broadcast %neg3A_303 : f32 to vector<16xf32>
        %neg3A_305 = arith.subf %neg3A_304, %add3A_302 : vector<16xf32>
        %exp3A_306 = math.exp %neg3A_305 : vector<16xf32>
        %add3A_307 = arith.constant 1.000000e+00 : f32
        %add3A_308 = vector.broadcast %add3A_307 : f32 to vector<16xf32>
        %add3A_309 = arith.addf %add3A_308, %exp3A_306 : vector<16xf32>
        %div3A_310 = arith.constant 1.000000e+00 : f32
        %div3A_311 = vector.broadcast %div3A_310 : f32 to vector<16xf32>
        %div3A_312 = arith.divf %div3A_311, %add3A_309 : vector<16xf32>
        %swap3A_313 = arith.index_cast %scan3A_164 : i32 to index
        %swap3A_314 = arith.constant 48 : index
        %swap3A_315 = tpu.vector_load %arg15[%swap3A_313, %swap3A_314] {strides = array<i32>} : memref<96x128xf32, #tpu.memory_space<vmem>>, vector<1x16xf32>,
        %swap3A_316 = vector.shape_cast %swap3A_315 : vector<1x16xf32> to vector<16xf32>
        %swap3A_317 = vector.shape_cast %add3A_302 : vector<16xf32> to vector<1x16xf32>
        tpu.vector_store %arg15[%swap3A_313, %swap3A_314], %swap3A_317 {strides = array<i32>} : memref<96x128xf32, #tpu.memory_space<vmem>>, vector<1x16xf32>,
        %swap3A_318 = arith.index_cast %scan3A_164 : i32 to index
        %swap3A_319 = arith.constant 48 : index
        %swap3A_320 = tpu.vector_load %arg16[%swap3A_318, %swap3A_319] {strides = array<i32>} : memref<96x128xf32, #tpu.memory_space<vmem>>, vector<1x16xf32>,
        %swap3A_321 = vector.shape_cast %swap3A_320 : vector<1x16xf32> to vector<16xf32>
        %swap3A_322 = vector.shape_cast %div3A_312 : vector<16xf32> to vector<1x16xf32>
        tpu.vector_store %arg16[%swap3A_318, %swap3A_319], %swap3A_322 {strides = array<i32>} : memref<96x128xf32, #tpu.memory_space<vmem>>, vector<1x16xf32>,
        %add3A_323 = arith.addf %scan3A_168, %add3A_302 : vector<16xf32>
        %mul3A_324 = arith.mulf %add3A_302, %add3A_302 : vector<16xf32>
        %add3A_325 = arith.addf %scan3A_176, %mul3A_324 : vector<16xf32>
        %get3A_326 = arith.index_cast %scan3A_164 : i32 to index
        %get3A_327 = arith.constant 64 : index
        %get3A_328 = tpu.vector_load %arg12[%get3A_326, %get3A_327] {strides = array<i32>} : memref<96x128xf32, #tpu.memory_space<vmem>>, vector<1x16xf32>,
        %get3A_329 = vector.shape_cast %get3A_328 : vector<1x16xf32> to vector<16xf32>
        %get3A_330 = arith.index_cast %scan3A_164 : i32 to index
        %get3A_331 = arith.constant 64 : index
        %get3A_332 = tpu.vector_load %arg13[%get3A_330, %get3A_331] {strides = array<i32>} : memref<96x128xf32, #tpu.memory_space<vmem>>, vector<1x16xf32>,
        %get3A_333 = vector.shape_cast %get3A_332 : vector<1x16xf32> to vector<16xf32>
        %add3A_334 = arith.addf %get3A_329, %get3A_333 : vector<16xf32>
        %get3A_335 = arith.index_cast %scan3A_164 : i32 to index
        %get3A_336 = arith.constant 64 : index
        %get3A_337 = tpu.vector_load %arg14[%get3A_335, %get3A_336] {strides = array<i32>} : memref<96x128xf32, #tpu.memory_space<vmem>>, vector<1x16xf32>,
        %get3A_338 = vector.shape_cast %get3A_337 : vector<1x16xf32> to vector<16xf32>
        %add3A_339 = arith.addf %add3A_334, %get3A_338 : vector<16xf32>
        %neg3A_340 = arith.constant 0.000000e+00 : f32
        %neg3A_341 = vector.broadcast %neg3A_340 : f32 to vector<16xf32>
        %neg3A_342 = arith.subf %neg3A_341, %add3A_339 : vector<16xf32>
        %exp3A_343 = math.exp %neg3A_342 : vector<16xf32>
        %add3A_344 = arith.constant 1.000000e+00 : f32
        %add3A_345 = vector.broadcast %add3A_344 : f32 to vector<16xf32>
        %add3A_346 = arith.addf %add3A_345, %exp3A_343 : vector<16xf32>
        %div3A_347 = arith.constant 1.000000e+00 : f32
        %div3A_348 = vector.broadcast %div3A_347 : f32 to vector<16xf32>
        %div3A_349 = arith.divf %div3A_348, %add3A_346 : vector<16xf32>
        %swap3A_350 = arith.index_cast %scan3A_164 : i32 to index
        %swap3A_351 = arith.constant 64 : index
        %swap3A_352 = tpu.vector_load %arg15[%swap3A_350, %swap3A_351] {strides = array<i32>} : memref<96x128xf32, #tpu.memory_space<vmem>>, vector<1x16xf32>,
        %swap3A_353 = vector.shape_cast %swap3A_352 : vector<1x16xf32> to vector<16xf32>
        %swap3A_354 = vector.shape_cast %add3A_339 : vector<16xf32> to vector<1x16xf32>
        tpu.vector_store %arg15[%swap3A_350, %swap3A_351], %swap3A_354 {strides = array<i32>} : memref<96x128xf32, #tpu.memory_space<vmem>>, vector<1x16xf32>,
        %swap3A_355 = arith.index_cast %scan3A_164 : i32 to index
        %swap3A_356 = arith.constant 64 : index
        %swap3A_357 = tpu.vector_load %arg16[%swap3A_355, %swap3A_356] {strides = array<i32>} : memref<96x128xf32, #tpu.memory_space<vmem>>, vector<1x16xf32>,
        %swap3A_358 = vector.shape_cast %swap3A_357 : vector<1x16xf32> to vector<16xf32>
        %swap3A_359 = vector.shape_cast %div3A_349 : vector<16xf32> to vector<1x16xf32>
        tpu.vector_store %arg16[%swap3A_355, %swap3A_356], %swap3A_359 {strides = array<i32>} : memref<96x128xf32, #tpu.memory_space<vmem>>, vector<1x16xf32>,
        %add3A_360 = arith.addf %scan3A_169, %add3A_339 : vector<16xf32>
        %mul3A_361 = arith.mulf %add3A_339, %add3A_339 : vector<16xf32>
        %add3A_362 = arith.addf %scan3A_177, %mul3A_361 : vector<16xf32>
        %get3A_363 = arith.index_cast %scan3A_164 : i32 to index
        %get3A_364 = arith.constant 80 : index
        %get3A_365 = tpu.vector_load %arg12[%get3A_363, %get3A_364] {strides = array<i32>} : memref<96x128xf32, #tpu.memory_space<vmem>>, vector<1x16xf32>,
        %get3A_366 = vector.shape_cast %get3A_365 : vector<1x16xf32> to vector<16xf32>
        %get3A_367 = arith.index_cast %scan3A_164 : i32 to index
        %get3A_368 = arith.constant 80 : index
        %get3A_369 = tpu.vector_load %arg13[%get3A_367, %get3A_368] {strides = array<i32>} : memref<96x128xf32, #tpu.memory_space<vmem>>, vector<1x16xf32>,
        %get3A_370 = vector.shape_cast %get3A_369 : vector<1x16xf32> to vector<16xf32>
        %add3A_371 = arith.addf %get3A_366, %get3A_370 : vector<16xf32>
        %get3A_372 = arith.index_cast %scan3A_164 : i32 to index
        %get3A_373 = arith.constant 80 : index
        %get3A_374 = tpu.vector_load %arg14[%get3A_372, %get3A_373] {strides = array<i32>} : memref<96x128xf32, #tpu.memory_space<vmem>>, vector<1x16xf32>,
        %get3A_375 = vector.shape_cast %get3A_374 : vector<1x16xf32> to vector<16xf32>
        %add3A_376 = arith.addf %add3A_371, %get3A_375 : vector<16xf32>
        %neg3A_377 = arith.constant 0.000000e+00 : f32
        %neg3A_378 = vector.broadcast %neg3A_377 : f32 to vector<16xf32>
        %neg3A_379 = arith.subf %neg3A_378, %add3A_376 : vector<16xf32>
        %exp3A_380 = math.exp %neg3A_379 : vector<16xf32>
        %add3A_381 = arith.constant 1.000000e+00 : f32
        %add3A_382 = vector.broadcast %add3A_381 : f32 to vector<16xf32>
        %add3A_383 = arith.addf %add3A_382, %exp3A_380 : vector<16xf32>
        %div3A_384 = arith.constant 1.000000e+00 : f32
        %div3A_385 = vector.broadcast %div3A_384 : f32 to vector<16xf32>
        %div3A_386 = arith.divf %div3A_385, %add3A_383 : vector<16xf32>
        %swap3A_387 = arith.index_cast %scan3A_164 : i32 to index
        %swap3A_388 = arith.constant 80 : index
        %swap3A_389 = tpu.vector_load %arg15[%swap3A_387, %swap3A_388] {strides = array<i32>} : memref<96x128xf32, #tpu.memory_space<vmem>>, vector<1x16xf32>,
        %swap3A_390 = vector.shape_cast %swap3A_389 : vector<1x16xf32> to vector<16xf32>
        %swap3A_391 = vector.shape_cast %add3A_376 : vector<16xf32> to vector<1x16xf32>
        tpu.vector_store %arg15[%swap3A_387, %swap3A_388], %swap3A_391 {strides = array<i32>} : memref<96x128xf32, #tpu.memory_space<vmem>>, vector<1x16xf32>,
        %swap3A_392 = arith.index_cast %scan3A_164 : i32 to index
        %swap3A_393 = arith.constant 80 : index
        %swap3A_394 = tpu.vector_load %arg16[%swap3A_392, %swap3A_393] {strides = array<i32>} : memref<96x128xf32, #tpu.memory_space<vmem>>, vector<1x16xf32>,
        %swap3A_395 = vector.shape_cast %swap3A_394 : vector<1x16xf32> to vector<16xf32>
        %swap3A_396 = vector.shape_cast %div3A_386 : vector<16xf32> to vector<1x16xf32>
        tpu.vector_store %arg16[%swap3A_392, %swap3A_393], %swap3A_396 {strides = array<i32>} : memref<96x128xf32, #tpu.memory_space<vmem>>, vector<1x16xf32>,
        %add3A_397 = arith.addf %scan3A_170, %add3A_376 : vector<16xf32>
        %mul3A_398 = arith.mulf %add3A_376, %add3A_376 : vector<16xf32>
        %add3A_399 = arith.addf %scan3A_178, %mul3A_398 : vector<16xf32>
        %get3A_400 = arith.index_cast %scan3A_164 : i32 to index
        %get3A_401 = arith.constant 96 : index
        %get3A_402 = tpu.vector_load %arg12[%get3A_400, %get3A_401] {strides = array<i32>} : memref<96x128xf32, #tpu.memory_space<vmem>>, vector<1x16xf32>,
        %get3A_403 = vector.shape_cast %get3A_402 : vector<1x16xf32> to vector<16xf32>
        %get3A_404 = arith.index_cast %scan3A_164 : i32 to index
        %get3A_405 = arith.constant 96 : index
        %get3A_406 = tpu.vector_load %arg13[%get3A_404, %get3A_405] {strides = array<i32>} : memref<96x128xf32, #tpu.memory_space<vmem>>, vector<1x16xf32>,
        %get3A_407 = vector.shape_cast %get3A_406 : vector<1x16xf32> to vector<16xf32>
        %add3A_408 = arith.addf %get3A_403, %get3A_407 : vector<16xf32>
        %get3A_409 = arith.index_cast %scan3A_164 : i32 to index
        %get3A_410 = arith.constant 96 : index
        %get3A_411 = tpu.vector_load %arg14[%get3A_409, %get3A_410] {strides = array<i32>} : memref<96x128xf32, #tpu.memory_space<vmem>>, vector<1x16xf32>,
        %get3A_412 = vector.shape_cast %get3A_411 : vector<1x16xf32> to vector<16xf32>
        %add3A_413 = arith.addf %add3A_408, %get3A_412 : vector<16xf32>
        %neg3A_414 = arith.constant 0.000000e+00 : f32
        %neg3A_415 = vector.broadcast %neg3A_414 : f32 to vector<16xf32>
        %neg3A_416 = arith.subf %neg3A_415, %add3A_413 : vector<16xf32>
        %exp3A_417 = math.exp %neg3A_416 : vector<16xf32>
        %add3A_418 = arith.constant 1.000000e+00 : f32
        %add3A_419 = vector.broadcast %add3A_418 : f32 to vector<16xf32>
        %add3A_420 = arith.addf %add3A_419, %exp3A_417 : vector<16xf32>
        %div3A_421 = arith.constant 1.000000e+00 : f32
        %div3A_422 = vector.broadcast %div3A_421 : f32 to vector<16xf32>
        %div3A_423 = arith.divf %div3A_422, %add3A_420 : vector<16xf32>
        %swap3A_424 = arith.index_cast %scan3A_164 : i32 to index
        %swap3A_425 = arith.constant 96 : index
        %swap3A_426 = tpu.vector_load %arg15[%swap3A_424, %swap3A_425] {strides = array<i32>} : memref<96x128xf32, #tpu.memory_space<vmem>>, vector<1x16xf32>,
        %swap3A_427 = vector.shape_cast %swap3A_426 : vector<1x16xf32> to vector<16xf32>
        %swap3A_428 = vector.shape_cast %add3A_413 : vector<16xf32> to vector<1x16xf32>
        tpu.vector_store %arg15[%swap3A_424, %swap3A_425], %swap3A_428 {strides = array<i32>} : memref<96x128xf32, #tpu.memory_space<vmem>>, vector<1x16xf32>,
        %swap3A_429 = arith.index_cast %scan3A_164 : i32 to index
        %swap3A_430 = arith.constant 96 : index
        %swap3A_431 = tpu.vector_load %arg16[%swap3A_429, %swap3A_430] {strides = array<i32>} : memref<96x128xf32, #tpu.memory_space<vmem>>, vector<1x16xf32>,
        %swap3A_432 = vector.shape_cast %swap3A_431 : vector<1x16xf32> to vector<16xf32>
        %swap3A_433 = vector.shape_cast %div3A_423 : vector<16xf32> to vector<1x16xf32>
        tpu.vector_store %arg16[%swap3A_429, %swap3A_430], %swap3A_433 {strides = array<i32>} : memref<96x128xf32, #tpu.memory_space<vmem>>, vector<1x16xf32>,
        %add3A_434 = arith.addf %scan3A_171, %add3A_413 : vector<16xf32>
        %mul3A_435 = arith.mulf %add3A_413, %add3A_413 : vector<16xf32>
        %add3A_436 = arith.addf %scan3A_179, %mul3A_435 : vector<16xf32>
        %get3A_437 = arith.index_cast %scan3A_164 : i32 to index
        %get3A_438 = arith.constant 112 : index
        %get3A_439 = tpu.vector_load %arg12[%get3A_437, %get3A_438] {strides = array<i32>} : memref<96x128xf32, #tpu.memory_space<vmem>>, vector<1x16xf32>,
        %get3A_440 = vector.shape_cast %get3A_439 : vector<1x16xf32> to vector<16xf32>
        %get3A_441 = arith.index_cast %scan3A_164 : i32 to index
        %get3A_442 = arith.constant 112 : index
        %get3A_443 = tpu.vector_load %arg13[%get3A_441, %get3A_442] {strides = array<i32>} : memref<96x128xf32, #tpu.memory_space<vmem>>, vector<1x16xf32>,
        %get3A_444 = vector.shape_cast %get3A_443 : vector<1x16xf32> to vector<16xf32>
        %add3A_445 = arith.addf %get3A_440, %get3A_444 : vector<16xf32>
        %get3A_446 = arith.index_cast %scan3A_164 : i32 to index
        %get3A_447 = arith.constant 112 : index
        %get3A_448 = tpu.vector_load %arg14[%get3A_446, %get3A_447] {strides = array<i32>} : memref<96x128xf32, #tpu.memory_space<vmem>>, vector<1x16xf32>,
        %get3A_449 = vector.shape_cast %get3A_448 : vector<1x16xf32> to vector<16xf32>
        %add3A_450 = arith.addf %add3A_445, %get3A_449 : vector<16xf32>
        %neg3A_451 = arith.constant 0.000000e+00 : f32
        %neg3A_452 = vector.broadcast %neg3A_451 : f32 to vector<16xf32>
        %neg3A_453 = arith.subf %neg3A_452, %add3A_450 : vector<16xf32>
        %exp3A_454 = math.exp %neg3A_453 : vector<16xf32>
        %add3A_455 = arith.constant 1.000000e+00 : f32
        %add3A_456 = vector.broadcast %add3A_455 : f32 to vector<16xf32>
        %add3A_457 = arith.addf %add3A_456, %exp3A_454 : vector<16xf32>
        %div3A_458 = arith.constant 1.000000e+00 : f32
        %div3A_459 = vector.broadcast %div3A_458 : f32 to vector<16xf32>
        %div3A_460 = arith.divf %div3A_459, %add3A_457 : vector<16xf32>
        %swap3A_461 = arith.index_cast %scan3A_164 : i32 to index
        %swap3A_462 = arith.constant 112 : index
        %swap3A_463 = tpu.vector_load %arg15[%swap3A_461, %swap3A_462] {strides = array<i32>} : memref<96x128xf32, #tpu.memory_space<vmem>>, vector<1x16xf32>,
        %swap3A_464 = vector.shape_cast %swap3A_463 : vector<1x16xf32> to vector<16xf32>
        %swap3A_465 = vector.shape_cast %add3A_450 : vector<16xf32> to vector<1x16xf32>
        tpu.vector_store %arg15[%swap3A_461, %swap3A_462], %swap3A_465 {strides = array<i32>} : memref<96x128xf32, #tpu.memory_space<vmem>>, vector<1x16xf32>,
        %swap3A_466 = arith.index_cast %scan3A_164 : i32 to index
        %swap3A_467 = arith.constant 112 : index
        %swap3A_468 = tpu.vector_load %arg16[%swap3A_466, %swap3A_467] {strides = array<i32>} : memref<96x128xf32, #tpu.memory_space<vmem>>, vector<1x16xf32>,
        %swap3A_469 = vector.shape_cast %swap3A_468 : vector<1x16xf32> to vector<16xf32>
        %swap3A_470 = vector.shape_cast %div3A_460 : vector<16xf32> to vector<1x16xf32>
        tpu.vector_store %arg16[%swap3A_466, %swap3A_467], %swap3A_470 {strides = array<i32>} : memref<96x128xf32, #tpu.memory_space<vmem>>, vector<1x16xf32>,
        %add3A_471 = arith.addf %scan3A_172, %add3A_450 : vector<16xf32>
        %mul3A_472 = arith.mulf %add3A_450, %add3A_450 : vector<16xf32>
        %add3A_473 = arith.addf %scan3A_180, %mul3A_472 : vector<16xf32>
        scf.yield %add3A_212, %add3A_249, %add3A_286, %add3A_323, %add3A_360, %add3A_397, %add3A_434, %add3A_471, %add3A_214, %add3A_251, %add3A_288, %add3A_325, %add3A_362, %add3A_399, %add3A_436, %add3A_473 : vector<16xf32>, vector<16xf32>, vector<16xf32>, vector<16xf32>, vector<16xf32>, vector<16xf32>, vector<16xf32>, vector<16xf32>, vector<16xf32>, vector<16xf32>, vector<16xf32>, vector<16xf32>, vector<16xf32>, vector<16xf32>, vector<16xf32>, vector<16xf32>
      }
      %scan3A_163 = arith.constant 96 : i32
      "tpu.region"() ({
        %run_scoped3A = tpu.sem_alloc : memref<!tpu.dma_semaphore, #tpu.memory_space<semaphore_mem>>
        %dma_start3A_164 = arith.constant 0 : i32
        %dma_start3A_165 = tpu.memref_slice %arg7[%mul3A_148, %dma_start3A_164] : memref<300000x128xf32, #tpu.memory_space<hbm>> -> memref<96x128xf32, #tpu.memory_space<hbm>>
        %dma_start3A_166 = arith.constant 0 : i32
        %dma_start3A_167 = tpu.memref_slice %arg7[%mul3A_148, %dma_start3A_166] : memref<300000x128xf32, #tpu.memory_space<hbm>> -> memref<96x128xf32, #tpu.memory_space<hbm>>
        tpu.enqueue_dma source(%arg15 : memref<96x128xf32, #tpu.memory_space<vmem>>) target(%dma_start3A_167 : memref<96x128xf32, #tpu.memory_space<hbm>>) target_semaphore(%run_scoped3A : memref<!tpu.dma_semaphore, #tpu.memory_space<semaphore_mem>>)
        %dma_wait3A_168 = arith.constant 0 : i32
        %dma_wait3A_169 = tpu.memref_slice %arg7[%mul3A_148, %dma_wait3A_168] : memref<300000x128xf32, #tpu.memory_space<hbm>> -> memref<96x128xf32, #tpu.memory_space<hbm>>
        %dma_wait3A_170 = arith.constant 0 : i32
        %dma_wait3A_171 = tpu.memref_slice %arg7[%mul3A_148, %dma_wait3A_170] : memref<300000x128xf32, #tpu.memory_space<hbm>> -> memref<96x128xf32, #tpu.memory_space<hbm>>
        tpu.wait_dma2 semaphore(%run_scoped3A : memref<!tpu.dma_semaphore, #tpu.memory_space<semaphore_mem>>) src(%arg15 : memref<96x128xf32, #tpu.memory_space<vmem>>) dst(%dma_wait3A_171 : memref<96x128xf32, #tpu.memory_space<hbm>>)
        tpu.yield
      }) : () -> ()
      "tpu.region"() ({
        %run_scoped3A = tpu.sem_alloc : memref<!tpu.dma_semaphore, #tpu.memory_space<semaphore_mem>>
        %dma_start3A_164 = arith.constant 0 : i32
        %dma_start3A_165 = tpu.memref_slice %arg8[%mul3A_148, %dma_start3A_164] : memref<300000x128xf32, #tpu.memory_space<hbm>> -> memref<96x128xf32, #tpu.memory_space<hbm>>
        %dma_start3A_166 = arith.constant 0 : i32
        %dma_start3A_167 = tpu.memref_slice %arg8[%mul3A_148, %dma_start3A_166] : memref<300000x128xf32, #tpu.memory_space<hbm>> -> memref<96x128xf32, #tpu.memory_space<hbm>>
        tpu.enqueue_dma source(%arg16 : memref<96x128xf32, #tpu.memory_space<vmem>>) target(%dma_start3A_167 : memref<96x128xf32, #tpu.memory_space<hbm>>) target_semaphore(%run_scoped3A : memref<!tpu.dma_semaphore, #tpu.memory_space<semaphore_mem>>)
        %dma_wait3A_168 = arith.constant 0 : i32
        %dma_wait3A_169 = tpu.memref_slice %arg8[%mul3A_148, %dma_wait3A_168] : memref<300000x128xf32, #tpu.memory_space<hbm>> -> memref<96x128xf32, #tpu.memory_space<hbm>>
        %dma_wait3A_170 = arith.constant 0 : i32
        %dma_wait3A_171 = tpu.memref_slice %arg8[%mul3A_148, %dma_wait3A_170] : memref<300000x128xf32, #tpu.memory_space<hbm>> -> memref<96x128xf32, #tpu.memory_space<hbm>>
        tpu.wait_dma2 semaphore(%run_scoped3A : memref<!tpu.dma_semaphore, #tpu.memory_space<semaphore_mem>>) src(%arg16 : memref<96x128xf32, #tpu.memory_space<vmem>>) dst(%dma_wait3A_171 : memref<96x128xf32, #tpu.memory_space<hbm>>)
        tpu.yield
      }) : () -> ()
      scf.yield %scan3A_162#0, %scan3A_162#1, %scan3A_162#2, %scan3A_162#3, %scan3A_162#4, %scan3A_162#5, %scan3A_162#6, %scan3A_162#7, %scan3A_162#8, %scan3A_162#9, %scan3A_162#10, %scan3A_162#11, %scan3A_162#12, %scan3A_162#13, %scan3A_162#14, %scan3A_162#15 : vector<16xf32>, vector<16xf32>, vector<16xf32>, vector<16xf32>, vector<16xf32>, vector<16xf32>, vector<16xf32>, vector<16xf32>, vector<16xf32>, vector<16xf32>, vector<16xf32>, vector<16xf32>, vector<16xf32>, vector<16xf32>, vector<16xf32>, vector<16xf32>
    }
    %swap3A = arith.constant 0 : i32
    %swap3A_32 = arith.index_cast %swap3A : i32 to index
    %swap3A_33 = arith.constant 0 : index
    %swap3A_34 = tpu.vector_load %arg17[%swap3A_32, %swap3A_33] {strides = array<i32>} : memref<2x128xf32, #tpu.memory_space<vmem>>, vector<1x16xf32>,
    %swap3A_35 = vector.shape_cast %swap3A_34 : vector<1x16xf32> to vector<16xf32>
    %swap3A_36 = vector.shape_cast %while3A_31#0 : vector<16xf32> to vector<1x16xf32>
    tpu.vector_store %arg17[%swap3A_32, %swap3A_33], %swap3A_36 {strides = array<i32>} : memref<2x128xf32, #tpu.memory_space<vmem>>, vector<1x16xf32>,
    %swap3A_37 = arith.constant 1 : i32
    %swap3A_38 = arith.index_cast %swap3A_37 : i32 to index
    %swap3A_39 = arith.constant 0 : index
    %swap3A_40 = tpu.vector_load %arg17[%swap3A_38, %swap3A_39] {strides = array<i32>} : memref<2x128xf32, #tpu.memory_space<vmem>>, vector<1x16xf32>,
    %swap3A_41 = vector.shape_cast %swap3A_40 : vector<1x16xf32> to vector<16xf32>
    %swap3A_42 = vector.shape_cast %while3A_31#8 : vector<16xf32> to vector<1x16xf32>
    tpu.vector_store %arg17[%swap3A_38, %swap3A_39], %swap3A_42 {strides = array<i32>} : memref<2x128xf32, #tpu.memory_space<vmem>>, vector<1x16xf32>,
    %swap3A_43 = arith.constant 0 : i32
    %swap3A_44 = arith.index_cast %swap3A_43 : i32 to index
    %swap3A_45 = arith.constant 16 : index
    %swap3A_46 = tpu.vector_load %arg17[%swap3A_44, %swap3A_45] {strides = array<i32>} : memref<2x128xf32, #tpu.memory_space<vmem>>, vector<1x16xf32>,
    %swap3A_47 = vector.shape_cast %swap3A_46 : vector<1x16xf32> to vector<16xf32>
    %swap3A_48 = vector.shape_cast %while3A_31#1 : vector<16xf32> to vector<1x16xf32>
    tpu.vector_store %arg17[%swap3A_44, %swap3A_45], %swap3A_48 {strides = array<i32>} : memref<2x128xf32, #tpu.memory_space<vmem>>, vector<1x16xf32>,
    %swap3A_49 = arith.constant 1 : i32
    %swap3A_50 = arith.index_cast %swap3A_49 : i32 to index
    %swap3A_51 = arith.constant 16 : index
    %swap3A_52 = tpu.vector_load %arg17[%swap3A_50, %swap3A_51] {strides = array<i32>} : memref<2x128xf32, #tpu.memory_space<vmem>>, vector<1x16xf32>,
    %swap3A_53 = vector.shape_cast %swap3A_52 : vector<1x16xf32> to vector<16xf32>
    %swap3A_54 = vector.shape_cast %while3A_31#9 : vector<16xf32> to vector<1x16xf32>
    tpu.vector_store %arg17[%swap3A_50, %swap3A_51], %swap3A_54 {strides = array<i32>} : memref<2x128xf32, #tpu.memory_space<vmem>>, vector<1x16xf32>,
    %swap3A_55 = arith.constant 0 : i32
    %swap3A_56 = arith.index_cast %swap3A_55 : i32 to index
    %swap3A_57 = arith.constant 32 : index
    %swap3A_58 = tpu.vector_load %arg17[%swap3A_56, %swap3A_57] {strides = array<i32>} : memref<2x128xf32, #tpu.memory_space<vmem>>, vector<1x16xf32>,
    %swap3A_59 = vector.shape_cast %swap3A_58 : vector<1x16xf32> to vector<16xf32>
    %swap3A_60 = vector.shape_cast %while3A_31#2 : vector<16xf32> to vector<1x16xf32>
    tpu.vector_store %arg17[%swap3A_56, %swap3A_57], %swap3A_60 {strides = array<i32>} : memref<2x128xf32, #tpu.memory_space<vmem>>, vector<1x16xf32>,
    %swap3A_61 = arith.constant 1 : i32
    %swap3A_62 = arith.index_cast %swap3A_61 : i32 to index
    %swap3A_63 = arith.constant 32 : index
    %swap3A_64 = tpu.vector_load %arg17[%swap3A_62, %swap3A_63] {strides = array<i32>} : memref<2x128xf32, #tpu.memory_space<vmem>>, vector<1x16xf32>,
    %swap3A_65 = vector.shape_cast %swap3A_64 : vector<1x16xf32> to vector<16xf32>
    %swap3A_66 = vector.shape_cast %while3A_31#10 : vector<16xf32> to vector<1x16xf32>
    tpu.vector_store %arg17[%swap3A_62, %swap3A_63], %swap3A_66 {strides = array<i32>} : memref<2x128xf32, #tpu.memory_space<vmem>>, vector<1x16xf32>,
    %swap3A_67 = arith.constant 0 : i32
    %swap3A_68 = arith.index_cast %swap3A_67 : i32 to index
    %swap3A_69 = arith.constant 48 : index
    %swap3A_70 = tpu.vector_load %arg17[%swap3A_68, %swap3A_69] {strides = array<i32>} : memref<2x128xf32, #tpu.memory_space<vmem>>, vector<1x16xf32>,
    %swap3A_71 = vector.shape_cast %swap3A_70 : vector<1x16xf32> to vector<16xf32>
    %swap3A_72 = vector.shape_cast %while3A_31#3 : vector<16xf32> to vector<1x16xf32>
    tpu.vector_store %arg17[%swap3A_68, %swap3A_69], %swap3A_72 {strides = array<i32>} : memref<2x128xf32, #tpu.memory_space<vmem>>, vector<1x16xf32>,
    %swap3A_73 = arith.constant 1 : i32
    %swap3A_74 = arith.index_cast %swap3A_73 : i32 to index
    %swap3A_75 = arith.constant 48 : index
    %swap3A_76 = tpu.vector_load %arg17[%swap3A_74, %swap3A_75] {strides = array<i32>} : memref<2x128xf32, #tpu.memory_space<vmem>>, vector<1x16xf32>,
    %swap3A_77 = vector.shape_cast %swap3A_76 : vector<1x16xf32> to vector<16xf32>
    %swap3A_78 = vector.shape_cast %while3A_31#11 : vector<16xf32> to vector<1x16xf32>
    tpu.vector_store %arg17[%swap3A_74, %swap3A_75], %swap3A_78 {strides = array<i32>} : memref<2x128xf32, #tpu.memory_space<vmem>>, vector<1x16xf32>,
    %swap3A_79 = arith.constant 0 : i32
    %swap3A_80 = arith.index_cast %swap3A_79 : i32 to index
    %swap3A_81 = arith.constant 64 : index
    %swap3A_82 = tpu.vector_load %arg17[%swap3A_80, %swap3A_81] {strides = array<i32>} : memref<2x128xf32, #tpu.memory_space<vmem>>, vector<1x16xf32>,
    %swap3A_83 = vector.shape_cast %swap3A_82 : vector<1x16xf32> to vector<16xf32>
    %swap3A_84 = vector.shape_cast %while3A_31#4 : vector<16xf32> to vector<1x16xf32>
    tpu.vector_store %arg17[%swap3A_80, %swap3A_81], %swap3A_84 {strides = array<i32>} : memref<2x128xf32, #tpu.memory_space<vmem>>, vector<1x16xf32>,
    %swap3A_85 = arith.constant 1 : i32
    %swap3A_86 = arith.index_cast %swap3A_85 : i32 to index
    %swap3A_87 = arith.constant 64 : index
    %swap3A_88 = tpu.vector_load %arg17[%swap3A_86, %swap3A_87] {strides = array<i32>} : memref<2x128xf32, #tpu.memory_space<vmem>>, vector<1x16xf32>,
    %swap3A_89 = vector.shape_cast %swap3A_88 : vector<1x16xf32> to vector<16xf32>
    %swap3A_90 = vector.shape_cast %while3A_31#12 : vector<16xf32> to vector<1x16xf32>
    tpu.vector_store %arg17[%swap3A_86, %swap3A_87], %swap3A_90 {strides = array<i32>} : memref<2x128xf32, #tpu.memory_space<vmem>>, vector<1x16xf32>,
    %swap3A_91 = arith.constant 0 : i32
    %swap3A_92 = arith.index_cast %swap3A_91 : i32 to index
    %swap3A_93 = arith.constant 80 : index
    %swap3A_94 = tpu.vector_load %arg17[%swap3A_92, %swap3A_93] {strides = array<i32>} : memref<2x128xf32, #tpu.memory_space<vmem>>, vector<1x16xf32>,
    %swap3A_95 = vector.shape_cast %swap3A_94 : vector<1x16xf32> to vector<16xf32>
    %swap3A_96 = vector.shape_cast %while3A_31#5 : vector<16xf32> to vector<1x16xf32>
    tpu.vector_store %arg17[%swap3A_92, %swap3A_93], %swap3A_96 {strides = array<i32>} : memref<2x128xf32, #tpu.memory_space<vmem>>, vector<1x16xf32>,
    %swap3A_97 = arith.constant 1 : i32
    %swap3A_98 = arith.index_cast %swap3A_97 : i32 to index
    %swap3A_99 = arith.constant 80 : index
    %swap3A_100 = tpu.vector_load %arg17[%swap3A_98, %swap3A_99] {strides = array<i32>} : memref<2x128xf32, #tpu.memory_space<vmem>>, vector<1x16xf32>,
    %swap3A_101 = vector.shape_cast %swap3A_100 : vector<1x16xf32> to vector<16xf32>
    %swap3A_102 = vector.shape_cast %while3A_31#13 : vector<16xf32> to vector<1x16xf32>
    tpu.vector_store %arg17[%swap3A_98, %swap3A_99], %swap3A_102 {strides = array<i32>} : memref<2x128xf32, #tpu.memory_space<vmem>>, vector<1x16xf32>,
    %swap3A_103 = arith.constant 0 : i32
    %swap3A_104 = arith.index_cast %swap3A_103 : i32 to index
    %swap3A_105 = arith.constant 96 : index
    %swap3A_106 = tpu.vector_load %arg17[%swap3A_104, %swap3A_105] {strides = array<i32>} : memref<2x128xf32, #tpu.memory_space<vmem>>, vector<1x16xf32>,
    %swap3A_107 = vector.shape_cast %swap3A_106 : vector<1x16xf32> to vector<16xf32>
    %swap3A_108 = vector.shape_cast %while3A_31#6 : vector<16xf32> to vector<1x16xf32>
    tpu.vector_store %arg17[%swap3A_104, %swap3A_105], %swap3A_108 {strides = array<i32>} : memref<2x128xf32, #tpu.memory_space<vmem>>, vector<1x16xf32>,
    %swap3A_109 = arith.constant 1 : i32
    %swap3A_110 = arith.index_cast %swap3A_109 : i32 to index
    %swap3A_111 = arith.constant 96 : index
    %swap3A_112 = tpu.vector_load %arg17[%swap3A_110, %swap3A_111] {strides = array<i32>} : memref<2x128xf32, #tpu.memory_space<vmem>>, vector<1x16xf32>,
    %swap3A_113 = vector.shape_cast %swap3A_112 : vector<1x16xf32> to vector<16xf32>
    %swap3A_114 = vector.shape_cast %while3A_31#14 : vector<16xf32> to vector<1x16xf32>
    tpu.vector_store %arg17[%swap3A_110, %swap3A_111], %swap3A_114 {strides = array<i32>} : memref<2x128xf32, #tpu.memory_space<vmem>>, vector<1x16xf32>,
    %swap3A_115 = arith.constant 0 : i32
    %swap3A_116 = arith.index_cast %swap3A_115 : i32 to index
    %swap3A_117 = arith.constant 112 : index
    %swap3A_118 = tpu.vector_load %arg17[%swap3A_116, %swap3A_117] {strides = array<i32>} : memref<2x128xf32, #tpu.memory_space<vmem>>, vector<1x16xf32>,
    %swap3A_119 = vector.shape_cast %swap3A_118 : vector<1x16xf32> to vector<16xf32>
    %swap3A_120 = vector.shape_cast %while3A_31#7 : vector<16xf32> to vector<1x16xf32>
    tpu.vector_store %arg17[%swap3A_116, %swap3A_117], %swap3A_120 {strides = array<i32>} : memref<2x128xf32, #tpu.memory_space<vmem>>, vector<1x16xf32>,
    %swap3A_121 = arith.constant 1 : i32
    %swap3A_122 = arith.index_cast %swap3A_121 : i32 to index
    %swap3A_123 = arith.constant 112 : index
    %swap3A_124 = tpu.vector_load %arg17[%swap3A_122, %swap3A_123] {strides = array<i32>} : memref<2x128xf32, #tpu.memory_space<vmem>>, vector<1x16xf32>,
    %swap3A_125 = vector.shape_cast %swap3A_124 : vector<1x16xf32> to vector<16xf32>
    %swap3A_126 = vector.shape_cast %while3A_31#15 : vector<16xf32> to vector<1x16xf32>
    tpu.vector_store %arg17[%swap3A_122, %swap3A_123], %swap3A_126 {strides = array<i32>} : memref<2x128xf32, #tpu.memory_space<vmem>>, vector<1x16xf32>,
    "tpu.region"() ({
      %run_scoped3A = tpu.sem_alloc : memref<!tpu.dma_semaphore, #tpu.memory_space<semaphore_mem>>
      %dma_start3A = arith.constant 0 : i32
      %dma_start3A_127 = arith.constant 0 : i32
      %dma_start3A_128 = tpu.memref_slice %arg9[%add3A, %dma_start3A, %dma_start3A_127] : memref<32x2x128xf32, #tpu.memory_space<hbm>> -> memref<1x2x128xf32, #tpu.memory_space<hbm>>
      %dma_start3A_129 = tpu.memref_squeeze %dma_start3A_128 : memref<1x2x128xf32, #tpu.memory_space<hbm>> -> memref<2x128xf32, #tpu.memory_space<hbm>>
      %dma_start3A_130 = arith.constant 0 : i32
      %dma_start3A_131 = arith.constant 0 : i32
      %dma_start3A_132 = tpu.memref_slice %arg9[%add3A, %dma_start3A_130, %dma_start3A_131] : memref<32x2x128xf32, #tpu.memory_space<hbm>> -> memref<1x2x128xf32, #tpu.memory_space<hbm>>
      %dma_start3A_133 = tpu.memref_squeeze %dma_start3A_132 : memref<1x2x128xf32, #tpu.memory_space<hbm>> -> memref<2x128xf32, #tpu.memory_space<hbm>>
      tpu.enqueue_dma source(%arg17 : memref<2x128xf32, #tpu.memory_space<vmem>>) target(%dma_start3A_133 : memref<2x128xf32, #tpu.memory_space<hbm>>) target_semaphore(%run_scoped3A : memref<!tpu.dma_semaphore, #tpu.memory_space<semaphore_mem>>)
      %dma_wait3A = arith.constant 0 : i32
      %dma_wait3A_134 = arith.constant 0 : i32
      %dma_wait3A_135 = tpu.memref_slice %arg9[%add3A, %dma_wait3A, %dma_wait3A_134] : memref<32x2x128xf32, #tpu.memory_space<hbm>> -> memref<1x2x128xf32, #tpu.memory_space<hbm>>
      %dma_wait3A_136 = tpu.memref_squeeze %dma_wait3A_135 : memref<1x2x128xf32, #tpu.memory_space<hbm>> -> memref<2x128xf32, #tpu.memory_space<hbm>>
      %dma_wait3A_137 = arith.constant 0 : i32
      %dma_wait3A_138 = arith.constant 0 : i32
      %dma_wait3A_139 = tpu.memref_slice %arg9[%add3A, %dma_wait3A_137, %dma_wait3A_138] : memref<32x2x128xf32, #tpu.memory_space<hbm>> -> memref<1x2x128xf32, #tpu.memory_space<hbm>>
      %dma_wait3A_140 = tpu.memref_squeeze %dma_wait3A_139 : memref<1x2x128xf32, #tpu.memory_space<hbm>> -> memref<2x128xf32, #tpu.memory_space<hbm>>
      tpu.wait_dma2 semaphore(%run_scoped3A : memref<!tpu.dma_semaphore, #tpu.memory_space<semaphore_mem>>) src(%arg17 : memref<2x128xf32, #tpu.memory_space<vmem>>) dst(%dma_wait3A_140 : memref<2x128xf32, #tpu.memory_space<hbm>>)
      tpu.yield
    }) : () -> ()
    return
  }
}

module attributes {stable_mosaic.version = 14 : i64} {
  func.func @_atom_proj_body(%arg0: i32, %arg1: memref<1000x128xf32, #tpu.memory_space<vmem>>, %arg2: memref<128x512xf32, #tpu.memory_space<vmem>>, %arg3: memref<1x512xf32, #tpu.memory_space<vmem>>, %arg4: memref<1000x128xf32, #tpu.memory_space<vmem>>, %arg5: memref<1000x128xf32, #tpu.memory_space<vmem>>, %arg6: memref<1000x128xf32, #tpu.memory_space<vmem>>, %arg7: memref<1000x128xf32, #tpu.memory_space<vmem>>) attributes {dimension_semantics = [#tpu.dimension_semantics<arbitrary>], iteration_bounds = array<i64: 50>, scalar_prefetch = 0 : i64, scratch_operands = 0 : i64, tpu.core_type = #tpu.core_type<tc>, window_params = [{transform_indices = @transform_0, window_bounds = array<i64: 1000, 128>}, {pipeline_mode = #tpu.pipeline_mode<synchronous>, transform_indices = @transform_1, window_bounds = array<i64: 128, 512>}, {pipeline_mode = #tpu.pipeline_mode<synchronous>, transform_indices = @transform_2, window_bounds = array<i64: 1, 512>}, {transform_indices = @transform_3, window_bounds = array<i64: 1000, 128>}, {transform_indices = @transform_4, window_bounds = array<i64: 1000, 128>}, {transform_indices = @transform_5, window_bounds = array<i64: 1000, 128>}, {transform_indices = @transform_6, window_bounds = array<i64: 1000, 128>}]} {
    %get3A = arith.constant 0 : index
    %get3A_0 = arith.constant 0 : index
    %get3A_1 = vector.load %arg1[%get3A, %get3A_0] : memref<1000x128xf32, #tpu.memory_space<vmem>>, vector<1000x128xf32>
    %get3A_2 = arith.constant 0 : index
    %get3A_3 = arith.constant 0 : index
    %get3A_4 = vector.load %arg2[%get3A_2, %get3A_3] : memref<128x512xf32, #tpu.memory_space<vmem>>, vector<128x512xf32>
    %dot_general3A = arith.constant dense<0.000000e+00> : vector<1000x512xf32>
    %dot_general3A_5 = tpu.matmul %get3A_1, %get3A_4, %dot_general3A {dimension_numbers = #tpu.dot_dimension_numbers<[1], [0], [0], [1], [0, 0, 1, 1], [], []>, transpose_lhs_hint = false} : vector<1000x128xf32>, vector<128x512xf32>, vector<1000x512xf32> -> vector<1000x512xf32>
    %get3A_6 = arith.constant 0 : index
    %get3A_7 = arith.constant 0 : index
    %get3A_8 = vector.load %arg3[%get3A_6, %get3A_7] : memref<1x512xf32, #tpu.memory_space<vmem>>, vector<1x512xf32>
    %add3A = vector.broadcast %get3A_8 : vector<1x512xf32> to vector<1000x512xf32>
    %add3A_9 = arith.addf %dot_general3A_5, %add3A : vector<1000x512xf32>
    %slice3A = vector.extract_strided_slice %add3A_9 {offsets = [0, 0], sizes = [1000, 128], strides = [1, 1]} : vector<1000x512xf32> to vector<1000x128xf32>
    %swap3A = arith.constant 0 : index
    %swap3A_10 = arith.constant 0 : index
    %swap3A_11 = vector.load %arg4[%swap3A, %swap3A_10] : memref<1000x128xf32, #tpu.memory_space<vmem>>, vector<1000x128xf32>
    tpu.vector_store %arg4[%swap3A, %swap3A_10], %slice3A {strides = array<i32>} : memref<1000x128xf32, #tpu.memory_space<vmem>>, vector<1000x128xf32>,
    %slice3A_12 = vector.extract_strided_slice %add3A_9 {offsets = [0, 128], sizes = [1000, 128], strides = [1, 1]} : vector<1000x512xf32> to vector<1000x128xf32>
    %swap3A_13 = arith.constant 0 : index
    %swap3A_14 = arith.constant 0 : index
    %swap3A_15 = vector.load %arg5[%swap3A_13, %swap3A_14] : memref<1000x128xf32, #tpu.memory_space<vmem>>, vector<1000x128xf32>
    tpu.vector_store %arg5[%swap3A_13, %swap3A_14], %slice3A_12 {strides = array<i32>} : memref<1000x128xf32, #tpu.memory_space<vmem>>, vector<1000x128xf32>,
    %slice3A_16 = vector.extract_strided_slice %add3A_9 {offsets = [0, 256], sizes = [1000, 128], strides = [1, 1]} : vector<1000x512xf32> to vector<1000x128xf32>
    %swap3A_17 = arith.constant 0 : index
    %swap3A_18 = arith.constant 0 : index
    %swap3A_19 = vector.load %arg6[%swap3A_17, %swap3A_18] : memref<1000x128xf32, #tpu.memory_space<vmem>>, vector<1000x128xf32>
    tpu.vector_store %arg6[%swap3A_17, %swap3A_18], %slice3A_16 {strides = array<i32>} : memref<1000x128xf32, #tpu.memory_space<vmem>>, vector<1000x128xf32>,
    %slice3A_20 = vector.extract_strided_slice %add3A_9 {offsets = [0, 384], sizes = [1000, 128], strides = [1, 1]} : vector<1000x512xf32> to vector<1000x128xf32>
    %swap3A_21 = arith.constant 0 : index
    %swap3A_22 = arith.constant 0 : index
    %swap3A_23 = vector.load %arg7[%swap3A_21, %swap3A_22] : memref<1000x128xf32, #tpu.memory_space<vmem>>, vector<1000x128xf32>
    tpu.vector_store %arg7[%swap3A_21, %swap3A_22], %slice3A_20 {strides = array<i32>} : memref<1000x128xf32, #tpu.memory_space<vmem>>, vector<1000x128xf32>,
    return
  }
  func.func @transform_0(%arg0: i32) -> (i32, i32) {
    %c0_i32 = arith.constant 0 : i32
    %c0_i32_0 = arith.constant 0 : i32
    return %arg0, %c0_i32 : i32, i32
  }
  func.func @transform_1(%arg0: i32) -> (i32, i32) {
    %c0_i32 = arith.constant 0 : i32
    %c0_i32_0 = arith.constant 0 : i32
    %c0_i32_1 = arith.constant 0 : i32
    return %c0_i32, %c0_i32_0 : i32, i32
  }
  func.func @transform_2(%arg0: i32) -> (i32, i32) {
    %c0_i32 = arith.constant 0 : i32
    %c0_i32_0 = arith.constant 0 : i32
    %c0_i32_1 = arith.constant 0 : i32
    return %c0_i32, %c0_i32_0 : i32, i32
  }
  func.func @transform_3(%arg0: i32) -> (i32, i32) {
    %c0_i32 = arith.constant 0 : i32
    %c0_i32_0 = arith.constant 0 : i32
    return %arg0, %c0_i32 : i32, i32
  }
  func.func @transform_4(%arg0: i32) -> (i32, i32) {
    %c0_i32 = arith.constant 0 : i32
    %c0_i32_0 = arith.constant 0 : i32
    return %arg0, %c0_i32 : i32, i32
  }
  func.func @transform_5(%arg0: i32) -> (i32, i32) {
    %c0_i32 = arith.constant 0 : i32
    %c0_i32_0 = arith.constant 0 : i32
    return %arg0, %c0_i32 : i32, i32
  }
  func.func @transform_6(%arg0: i32) -> (i32, i32) {
    %c0_i32 = arith.constant 0 : i32
    %c0_i32_0 = arith.constant 0 : i32
    return %arg0, %c0_i32 : i32, i32
  }
}

module attributes {stable_mosaic.version = 14 : i64} {
  func.func @_bond_proj_body(%arg0: i32, %arg1: memref<3000x128xf32, #tpu.memory_space<vmem>>, %arg2: memref<128x128xf32, #tpu.memory_space<vmem>>, %arg3: memref<1x128xf32, #tpu.memory_space<vmem>>, %arg4: memref<3000x128xf32, #tpu.memory_space<vmem>>) attributes {dimension_semantics = [#tpu.dimension_semantics<arbitrary>], iteration_bounds = array<i64: 100>, scalar_prefetch = 0 : i64, scratch_operands = 0 : i64, tpu.core_type = #tpu.core_type<tc>, window_params = [{transform_indices = @transform_0, window_bounds = array<i64: 3000, 128>}, {pipeline_mode = #tpu.pipeline_mode<synchronous>, transform_indices = @transform_1, window_bounds = array<i64: 128, 128>}, {pipeline_mode = #tpu.pipeline_mode<synchronous>, transform_indices = @transform_2, window_bounds = array<i64: 1, 128>}, {transform_indices = @transform_3, window_bounds = array<i64: 3000, 128>}]} {
    %get3A = arith.constant 0 : index
    %get3A_0 = arith.constant 0 : index
    %get3A_1 = vector.load %arg1[%get3A, %get3A_0] : memref<3000x128xf32, #tpu.memory_space<vmem>>, vector<3000x128xf32>
    %get3A_2 = arith.constant 0 : index
    %get3A_3 = arith.constant 0 : index
    %get3A_4 = vector.load %arg2[%get3A_2, %get3A_3] : memref<128x128xf32, #tpu.memory_space<vmem>>, vector<128x128xf32>
    %dot_general3A = arith.constant dense<0.000000e+00> : vector<3000x128xf32>
    %dot_general3A_5 = tpu.matmul %get3A_1, %get3A_4, %dot_general3A {dimension_numbers = #tpu.dot_dimension_numbers<[1], [0], [0], [1], [0, 0, 1, 1], [], []>, transpose_lhs_hint = false} : vector<3000x128xf32>, vector<128x128xf32>, vector<3000x128xf32> -> vector<3000x128xf32>
    %get3A_6 = arith.constant 0 : index
    %get3A_7 = arith.constant 0 : index
    %get3A_8 = vector.load %arg3[%get3A_6, %get3A_7] : memref<1x128xf32, #tpu.memory_space<vmem>>, vector<1x128xf32>
    %add3A = vector.broadcast %get3A_8 : vector<1x128xf32> to vector<3000x128xf32>
    %add3A_9 = arith.addf %dot_general3A_5, %add3A : vector<3000x128xf32>
    %swap3A = arith.constant 0 : index
    %swap3A_10 = arith.constant 0 : index
    %swap3A_11 = vector.load %arg4[%swap3A, %swap3A_10] : memref<3000x128xf32, #tpu.memory_space<vmem>>, vector<3000x128xf32>
    tpu.vector_store %arg4[%swap3A, %swap3A_10], %add3A_9 {strides = array<i32>} : memref<3000x128xf32, #tpu.memory_space<vmem>>, vector<3000x128xf32>,
    return
  }
  func.func @transform_0(%arg0: i32) -> (i32, i32) {
    %c0_i32 = arith.constant 0 : i32
    %c0_i32_0 = arith.constant 0 : i32
    return %arg0, %c0_i32 : i32, i32
  }
  func.func @transform_1(%arg0: i32) -> (i32, i32) {
    %c0_i32 = arith.constant 0 : i32
    %c0_i32_0 = arith.constant 0 : i32
    %c0_i32_1 = arith.constant 0 : i32
    return %c0_i32, %c0_i32_0 : i32, i32
  }
  func.func @transform_2(%arg0: i32) -> (i32, i32) {
    %c0_i32 = arith.constant 0 : i32
    %c0_i32_0 = arith.constant 0 : i32
    %c0_i32_1 = arith.constant 0 : i32
    return %c0_i32, %c0_i32_0 : i32, i32
  }
  func.func @transform_3(%arg0: i32) -> (i32, i32) {
    %c0_i32 = arith.constant 0 : i32
    %c0_i32_0 = arith.constant 0 : i32
    return %arg0, %c0_i32 : i32, i32
  }
}

module attributes {stable_mosaic.version = 14 : i64} {
  func.func @_bond_norm_body(%arg0: i32, %arg1: memref<3000x128xf32, #tpu.memory_space<vmem>>, %arg2: memref<32x2x128xf32, #tpu.memory_space<vmem>>, %arg3: memref<1x128xf32, #tpu.memory_space<vmem>>, %arg4: memref<1x128xf32, #tpu.memory_space<vmem>>, %arg5: memref<3000x128xf32, #tpu.memory_space<vmem>>) attributes {dimension_semantics = [#tpu.dimension_semantics<arbitrary>], iteration_bounds = array<i64: 100>, scalar_prefetch = 0 : i64, scratch_operands = 0 : i64, tpu.core_type = #tpu.core_type<tc>, window_params = [{transform_indices = @transform_0, window_bounds = array<i64: 3000, 128>}, {pipeline_mode = #tpu.pipeline_mode<synchronous>, transform_indices = @transform_1, window_bounds = array<i64: 32, 2, 128>}, {pipeline_mode = #tpu.pipeline_mode<synchronous>, transform_indices = @transform_2, window_bounds = array<i64: 1, 128>}, {pipeline_mode = #tpu.pipeline_mode<synchronous>, transform_indices = @transform_3, window_bounds = array<i64: 1, 128>}, {transform_indices = @transform_4, window_bounds = array<i64: 3000, 128>}]} {
    %get3A = arith.constant 0 : index
    %get3A_0 = arith.constant 0 : index
    %get3A_1 = arith.constant 0 : index
    %get3A_2 = vector.load %arg2[%get3A, %get3A_0, %get3A_1] : memref<32x2x128xf32, #tpu.memory_space<vmem>>, vector<32x2x128xf32>
    %slice3A = vector.extract_strided_slice %get3A_2 {offsets = [0, 0, 0], sizes = [32, 1, 128], strides = [1, 1, 1]} : vector<32x2x128xf32> to vector<32x1x128xf32>
    %squeeze3A = vector.shape_cast %slice3A : vector<32x1x128xf32> to vector<32x128xf32>
    %reduce_sum3A = arith.constant dense<0.000000e+00> : vector<128xf32>
    %reduce_sum3A_3 = vector.multi_reduction <add>, %squeeze3A, %reduce_sum3A [0] : vector<32x128xf32> to vector<128xf32>
    %slice3A_4 = vector.extract_strided_slice %get3A_2 {offsets = [0, 1, 0], sizes = [32, 1, 128], strides = [1, 1, 1]} : vector<32x2x128xf32> to vector<32x1x128xf32>
    %squeeze3A_5 = vector.shape_cast %slice3A_4 : vector<32x1x128xf32> to vector<32x128xf32>
    %reduce_sum3A_6 = arith.constant dense<0.000000e+00> : vector<128xf32>
    %reduce_sum3A_7 = vector.multi_reduction <add>, %squeeze3A_5, %reduce_sum3A_6 [0] : vector<32x128xf32> to vector<128xf32>
    %div3A = arith.constant 3.000000e+05 : f32
    %div3A_8 = vector.broadcast %div3A : f32 to vector<128xf32>
    %div3A_9 = arith.divf %reduce_sum3A_3, %div3A_8 : vector<128xf32>
    %div3A_10 = arith.constant 3.000000e+05 : f32
    %div3A_11 = vector.broadcast %div3A_10 : f32 to vector<128xf32>
    %div3A_12 = arith.divf %reduce_sum3A_7, %div3A_11 : vector<128xf32>
    %mul3A = arith.mulf %div3A_9, %div3A_9 : vector<128xf32>
    %sub3A = arith.subf %div3A_12, %mul3A : vector<128xf32>
    %add3A = arith.constant 9.99999974E-6 : f32
    %add3A_13 = vector.broadcast %add3A : f32 to vector<128xf32>
    %add3A_14 = arith.addf %sub3A, %add3A_13 : vector<128xf32>
    %rsqrt3A = math.rsqrt %add3A_14 : vector<128xf32>
    %get3A_15 = arith.constant 0 : index
    %get3A_16 = arith.constant 0 : index
    %get3A_17 = vector.load %arg3[%get3A_15, %get3A_16] : memref<1x128xf32, #tpu.memory_space<vmem>>, vector<1x128xf32>
    %get3A_18 = vector.shape_cast %get3A_17 : vector<1x128xf32> to vector<128xf32>
    %mul3A_19 = arith.mulf %rsqrt3A, %get3A_18 : vector<128xf32>
    %broadcast_in_dim3A = vector.shape_cast %mul3A_19 : vector<128xf32> to vector<1x128xf32>
    %get3A_20 = arith.constant 0 : index
    %get3A_21 = arith.constant 0 : index
    %get3A_22 = vector.load %arg4[%get3A_20, %get3A_21] : memref<1x128xf32, #tpu.memory_space<vmem>>, vector<1x128xf32>
    %get3A_23 = vector.shape_cast %get3A_22 : vector<1x128xf32> to vector<128xf32>
    %mul3A_24 = arith.mulf %div3A_9, %rsqrt3A : vector<128xf32>
    %get3A_25 = arith.constant 0 : index
    %get3A_26 = arith.constant 0 : index
    %get3A_27 = vector.load %arg3[%get3A_25, %get3A_26] : memref<1x128xf32, #tpu.memory_space<vmem>>, vector<1x128xf32>
    %get3A_28 = vector.shape_cast %get3A_27 : vector<1x128xf32> to vector<128xf32>
    %mul3A_29 = arith.mulf %mul3A_24, %get3A_28 : vector<128xf32>
    %sub3A_30 = arith.subf %get3A_23, %mul3A_29 : vector<128xf32>
    %broadcast_in_dim3A_31 = vector.shape_cast %sub3A_30 : vector<128xf32> to vector<1x128xf32>
    %get3A_32 = arith.constant 0 : index
    %get3A_33 = arith.constant 0 : index
    %get3A_34 = vector.load %arg1[%get3A_32, %get3A_33] : memref<3000x128xf32, #tpu.memory_space<vmem>>, vector<3000x128xf32>
    %mul3A_35 = vector.broadcast %broadcast_in_dim3A : vector<1x128xf32> to vector<3000x128xf32>
    %mul3A_36 = arith.mulf %get3A_34, %mul3A_35 : vector<3000x128xf32>
    %add3A_37 = vector.broadcast %broadcast_in_dim3A_31 : vector<1x128xf32> to vector<3000x128xf32>
    %add3A_38 = arith.addf %mul3A_36, %add3A_37 : vector<3000x128xf32>
    %max3A = arith.constant 0.000000e+00 : f32
    %max3A_39 = vector.broadcast %max3A : f32 to vector<3000x128xf32>
    %max3A_40 = arith.maximumf %add3A_38, %max3A_39 : vector<3000x128xf32>
    %swap3A = arith.constant 0 : index
    %swap3A_41 = arith.constant 0 : index
    %swap3A_42 = vector.load %arg5[%swap3A, %swap3A_41] : memref<3000x128xf32, #tpu.memory_space<vmem>>, vector<3000x128xf32>
    tpu.vector_store %arg5[%swap3A, %swap3A_41], %max3A_40 {strides = array<i32>} : memref<3000x128xf32, #tpu.memory_space<vmem>>, vector<3000x128xf32>,
    return
  }
  func.func @transform_0(%arg0: i32) -> (i32, i32) {
    %c0_i32 = arith.constant 0 : i32
    %c0_i32_0 = arith.constant 0 : i32
    return %arg0, %c0_i32 : i32, i32
  }
  func.func @transform_1(%arg0: i32) -> (i32, i32, i32) {
    %c0_i32 = arith.constant 0 : i32
    %c0_i32_0 = arith.constant 0 : i32
    %c0_i32_1 = arith.constant 0 : i32
    %c0_i32_2 = arith.constant 0 : i32
    return %c0_i32, %c0_i32_0, %c0_i32_1 : i32, i32, i32
  }
  func.func @transform_2(%arg0: i32) -> (i32, i32) {
    %c0_i32 = arith.constant 0 : i32
    %c0_i32_0 = arith.constant 0 : i32
    %c0_i32_1 = arith.constant 0 : i32
    return %c0_i32, %c0_i32_0 : i32, i32
  }
  func.func @transform_3(%arg0: i32) -> (i32, i32) {
    %c0_i32 = arith.constant 0 : i32
    %c0_i32_0 = arith.constant 0 : i32
    %c0_i32_1 = arith.constant 0 : i32
    return %c0_i32, %c0_i32_0 : i32, i32
  }
  func.func @transform_4(%arg0: i32) -> (i32, i32) {
    %c0_i32 = arith.constant 0 : i32
    %c0_i32_0 = arith.constant 0 : i32
    return %arg0, %c0_i32 : i32, i32
  }
}

module attributes {stable_mosaic.version = 14 : i64} {
  func.func @_atom_norm_body(%arg0: i32, %arg1: memref<1000x128xf32, #tpu.memory_space<vmem>>, %arg2: memref<1000x128xf32, #tpu.memory_space<vmem>>, %arg3: memref<32x2x128xf32, #tpu.memory_space<vmem>>, %arg4: memref<1x128xf32, #tpu.memory_space<vmem>>, %arg5: memref<1x128xf32, #tpu.memory_space<vmem>>, %arg6: memref<1000x128xf32, #tpu.memory_space<vmem>>) attributes {dimension_semantics = [#tpu.dimension_semantics<arbitrary>], iteration_bounds = array<i64: 50>, scalar_prefetch = 0 : i64, scratch_operands = 0 : i64, tpu.core_type = #tpu.core_type<tc>, window_params = [{transform_indices = @transform_0, window_bounds = array<i64: 1000, 128>}, {transform_indices = @transform_1, window_bounds = array<i64: 1000, 128>}, {pipeline_mode = #tpu.pipeline_mode<synchronous>, transform_indices = @transform_2, window_bounds = array<i64: 32, 2, 128>}, {pipeline_mode = #tpu.pipeline_mode<synchronous>, transform_indices = @transform_3, window_bounds = array<i64: 1, 128>}, {pipeline_mode = #tpu.pipeline_mode<synchronous>, transform_indices = @transform_4, window_bounds = array<i64: 1, 128>}, {transform_indices = @transform_5, window_bounds = array<i64: 1000, 128>}]} {
    %get3A = arith.constant 0 : index
    %get3A_0 = arith.constant 0 : index
    %get3A_1 = arith.constant 0 : index
    %get3A_2 = vector.load %arg3[%get3A, %get3A_0, %get3A_1] : memref<32x2x128xf32, #tpu.memory_space<vmem>>, vector<32x2x128xf32>
    %slice3A = vector.extract_strided_slice %get3A_2 {offsets = [0, 0, 0], sizes = [32, 1, 128], strides = [1, 1, 1]} : vector<32x2x128xf32> to vector<32x1x128xf32>
    %squeeze3A = vector.shape_cast %slice3A : vector<32x1x128xf32> to vector<32x128xf32>
    %reduce_sum3A = arith.constant dense<0.000000e+00> : vector<128xf32>
    %reduce_sum3A_3 = vector.multi_reduction <add>, %squeeze3A, %reduce_sum3A [0] : vector<32x128xf32> to vector<128xf32>
    %slice3A_4 = vector.extract_strided_slice %get3A_2 {offsets = [0, 1, 0], sizes = [32, 1, 128], strides = [1, 1, 1]} : vector<32x2x128xf32> to vector<32x1x128xf32>
    %squeeze3A_5 = vector.shape_cast %slice3A_4 : vector<32x1x128xf32> to vector<32x128xf32>
    %reduce_sum3A_6 = arith.constant dense<0.000000e+00> : vector<128xf32>
    %reduce_sum3A_7 = vector.multi_reduction <add>, %squeeze3A_5, %reduce_sum3A_6 [0] : vector<32x128xf32> to vector<128xf32>
    %div3A = arith.constant 5.000000e+04 : f32
    %div3A_8 = vector.broadcast %div3A : f32 to vector<128xf32>
    %div3A_9 = arith.divf %reduce_sum3A_3, %div3A_8 : vector<128xf32>
    %div3A_10 = arith.constant 5.000000e+04 : f32
    %div3A_11 = vector.broadcast %div3A_10 : f32 to vector<128xf32>
    %div3A_12 = arith.divf %reduce_sum3A_7, %div3A_11 : vector<128xf32>
    %mul3A = arith.mulf %div3A_9, %div3A_9 : vector<128xf32>
    %sub3A = arith.subf %div3A_12, %mul3A : vector<128xf32>
    %add3A = arith.constant 9.99999974E-6 : f32
    %add3A_13 = vector.broadcast %add3A : f32 to vector<128xf32>
    %add3A_14 = arith.addf %sub3A, %add3A_13 : vector<128xf32>
    %rsqrt3A = math.rsqrt %add3A_14 : vector<128xf32>
    %get3A_15 = arith.constant 0 : index
    %get3A_16 = arith.constant 0 : index
    %get3A_17 = vector.load %arg4[%get3A_15, %get3A_16] : memref<1x128xf32, #tpu.memory_space<vmem>>, vector<1x128xf32>
    %get3A_18 = vector.shape_cast %get3A_17 : vector<1x128xf32> to vector<128xf32>
    %mul3A_19 = arith.mulf %rsqrt3A, %get3A_18 : vector<128xf32>
    %broadcast_in_dim3A = vector.shape_cast %mul3A_19 : vector<128xf32> to vector<1x128xf32>
    %get3A_20 = arith.constant 0 : index
    %get3A_21 = arith.constant 0 : index
    %get3A_22 = vector.load %arg5[%get3A_20, %get3A_21] : memref<1x128xf32, #tpu.memory_space<vmem>>, vector<1x128xf32>
    %get3A_23 = vector.shape_cast %get3A_22 : vector<1x128xf32> to vector<128xf32>
    %mul3A_24 = arith.mulf %div3A_9, %rsqrt3A : vector<128xf32>
    %get3A_25 = arith.constant 0 : index
    %get3A_26 = arith.constant 0 : index
    %get3A_27 = vector.load %arg4[%get3A_25, %get3A_26] : memref<1x128xf32, #tpu.memory_space<vmem>>, vector<1x128xf32>
    %get3A_28 = vector.shape_cast %get3A_27 : vector<1x128xf32> to vector<128xf32>
    %mul3A_29 = arith.mulf %mul3A_24, %get3A_28 : vector<128xf32>
    %sub3A_30 = arith.subf %get3A_23, %mul3A_29 : vector<128xf32>
    %broadcast_in_dim3A_31 = vector.shape_cast %sub3A_30 : vector<128xf32> to vector<1x128xf32>
    %get3A_32 = arith.constant 0 : index
    %get3A_33 = arith.constant 0 : index
    %get3A_34 = vector.load %arg1[%get3A_32, %get3A_33] : memref<1000x128xf32, #tpu.memory_space<vmem>>, vector<1000x128xf32>
    %mul3A_35 = vector.broadcast %broadcast_in_dim3A : vector<1x128xf32> to vector<1000x128xf32>
    %mul3A_36 = arith.mulf %get3A_34, %mul3A_35 : vector<1000x128xf32>
    %add3A_37 = vector.broadcast %broadcast_in_dim3A_31 : vector<1x128xf32> to vector<1000x128xf32>
    %add3A_38 = arith.addf %mul3A_36, %add3A_37 : vector<1000x128xf32>
    %max3A = arith.constant 0.000000e+00 : f32
    %max3A_39 = vector.broadcast %max3A : f32 to vector<1000x128xf32>
    %max3A_40 = arith.maximumf %add3A_38, %max3A_39 : vector<1000x128xf32>
    %get3A_41 = arith.constant 0 : index
    %get3A_42 = arith.constant 0 : index
    %get3A_43 = vector.load %arg2[%get3A_41, %get3A_42] : memref<1000x128xf32, #tpu.memory_space<vmem>>, vector<1000x128xf32>
    %add3A_44 = arith.addf %max3A_40, %get3A_43 : vector<1000x128xf32>
    %swap3A = arith.constant 0 : index
    %swap3A_45 = arith.constant 0 : index
    %swap3A_46 = vector.load %arg6[%swap3A, %swap3A_45] : memref<1000x128xf32, #tpu.memory_space<vmem>>, vector<1000x128xf32>
    tpu.vector_store %arg6[%swap3A, %swap3A_45], %add3A_44 {strides = array<i32>} : memref<1000x128xf32, #tpu.memory_space<vmem>>, vector<1000x128xf32>,
    return
  }
  func.func @transform_0(%arg0: i32) -> (i32, i32) {
    %c0_i32 = arith.constant 0 : i32
    %c0_i32_0 = arith.constant 0 : i32
    return %arg0, %c0_i32 : i32, i32
  }
  func.func @transform_1(%arg0: i32) -> (i32, i32) {
    %c0_i32 = arith.constant 0 : i32
    %c0_i32_0 = arith.constant 0 : i32
    return %arg0, %c0_i32 : i32, i32
  }
  func.func @transform_2(%arg0: i32) -> (i32, i32, i32) {
    %c0_i32 = arith.constant 0 : i32
    %c0_i32_0 = arith.constant 0 : i32
    %c0_i32_1 = arith.constant 0 : i32
    %c0_i32_2 = arith.constant 0 : i32
    return %c0_i32, %c0_i32_0, %c0_i32_1 : i32, i32, i32
  }
  func.func @transform_3(%arg0: i32) -> (i32, i32) {
    %c0_i32 = arith.constant 0 : i32
    %c0_i32_0 = arith.constant 0 : i32
    %c0_i32_1 = arith.constant 0 : i32
    return %c0_i32, %c0_i32_0 : i32, i32
  }
  func.func @transform_4(%arg0: i32) -> (i32, i32) {
    %c0_i32 = arith.constant 0 : i32
    %c0_i32_0 = arith.constant 0 : i32
    %c0_i32_1 = arith.constant 0 : i32
    return %c0_i32, %c0_i32_0 : i32, i32
  }
  func.func @transform_5(%arg0: i32) -> (i32, i32) {
    %c0_i32 = arith.constant 0 : i32
    %c0_i32_0 = arith.constant 0 : i32
    return %arg0, %c0_i32 : i32, i32
  }
}

</mosaic_0001>

<sc_bundles>
// kernel: kernel.11.cloned.1.call-start
scs
__scs_entry_jumppad:
0x0: {  	(pc) =	sbr.rel $0x88, $3  }
0x1: {  	(tag) =	ssettag $0x0;
	lr =	simm.s32 $0x1  }
0x2: {  	[smem:$0x3F8E] =	sst lr;
	_ =	strace $0xD0000000  }
0x3: {  	_ = 	snop  }
0x4: {  	_ = 	snop  }
0x5: {  	_ = 	snop  }
0x6: {  	_ = 	snop  }
0x7: {  	_ = 	snop  }
__scs_overlays_trampoline_lowered:
0x8: {  	[smem:$0x3F9D] =	sst s0  }
0x9: {  	[smem:$0x3F9E] =	sst s1  }
0xa: {  	[smem:$0x3F9F] =	sst s2  }
0xb: {  	[smem:$0x3FA0] =	sst s3  }
0xc: {  	[smem:$0x3FA1] =	sst s4  }
0xd: {  	[smem:$0x3FA2] =	sst s5  }
0xe: {  	[smem:$0x3FA3] =	sst s6  }
0xf: {  	[smem:$0x3FA4] =	sst s7  }
0x10: {  	[smem:$0x3FA5] =	sst s8  }
0x11: {  	[smem:$0x3FA6] =	sst s9;
	s0 =	simm.s32 @!p0 $0x0  }
0x12: {  	s1 =	sld [smem:$0x3F8C];
	s0 =	simm.s32 @p0 $0x1  }
0x13: {  	[smem:$0x3FA7] =	sst s0;
	s0 =	simm.s32 @!p1 $0x0  }
0x14: {  	s2 =	sld [smem:$0x3F8B];
	s0 =	simm.s32 @p1 $0x1  }
0x15: {  	[smem:$0x3FA8] =	sst s0;
	s0 =	simm.s32 @!p2 $0x0  }
0x16: {  	s3 =	sld [smem:$0x3FDB];
	s0 =	simm.s32 @p2 $0x1  }
0x17: {  	s4 =	simm.s32 $0x1BF5;
	[smem:$0x3FAA] =	sst s0  }
0x18: {  	s0 =	sld [smem:$0x3F8D];
	_ =	swait.ge [sflag:s4], $0x0  }
0x19: {  	s7 =	sld [smem:$0x3F8E]  }
0x1a: {  	s8 =	sadd.s32 $0xFFFFE003, lr  }
0x1b: {  	s9 =	sadd.s32 $0xFFFFFEF7, lr;
	s5 =	simm.s32 $0xFFFFFFFF;
	p2 =	slt.u32 s8, $0xFFFFF086  }
0x1c: {  	p1 =	slt.u32 s9, $0xF7A;
	s5 =	simm.s32 @!p2 $0x0  }
0x1d: {  	s5 =	simm.s32 @p1 $0x1;
	p0 =	seq.s32 s7, s2  }
0x1e: {  	s7 =	smul.u32 @!p0 $0xF7A, s2;
	p2 =	seq.s32 @!p0 s5, $0x0  }
0x1f: {  	s9 =	smul.u32 $0xF7A, s1;
	s8 =	simm.s32 @!p0 $0x1BF5;
	p2 =	por !p2, p0  }
0x20: {  	[sflag:s8] =	ssyncset.s32 @!p0 $0xFFFFF086;
	s6 =	sadd.s32 @!p0 s3, s7;
	s7 =	simm.s32 @!p0 $0x108  }
0x21: {  	s3 =	sadd.s32 s3, s9;
	s6 =	sadd.s32 @!p0 $0x88, s6;
	s7 =	simm.s32 @p2 $0x1082  }
0x22: {  	[simem:s7], [sflag:s8] =	dma.local @!p0 [hbm:s6], $0xF7A  }
0x23: {  	s9 =	sor.u32 $0xD0000000, s2;
	s6 =	simm.s32 $0x108;
	_ =	swait.ge @!p0 [sflag:s8], $0x0  }
0x24: {  	s3 =	sadd.s32 $0x88, s3;
	s6 =	simm.s32 @!p1 $0x1082;
	[sflag:s4] =	ssyncset.s32 $0xFFFFF086  }
0x25: {  	[simem:s6], [sflag:s4] =	dma.local [hbm:s3], $0xF7A  }
0x26: {  	[smem:$0x3F8E] =	sst s1;
	(tag) =	ssettag s2;
	_ =	strace s9  }
0x27: {  	s1 =	sld [smem:$0x3F9E]  }
0x28: {  	s2 =	sld [smem:$0x3F9F]  }
0x29: {  	s4 =	sld [smem:$0x3FA1]  }
0x2a: {  	p0 =	seq.s32 s5, $0x0;
	s5 =	sld [smem:$0x3FA2]  }
0x2b: {  	s6 =	sld [smem:$0x3FA3]  }
0x2c: {  	s7 =	sld [smem:$0x3FA4]  }
0x2d: {  	s3 =	simm.s32 $0x108;
	s8 =	sld [smem:$0x3FA5]  }
0x2e: {  	s3 =	simm.s32 @!p0 $0x1082;
	s9 =	sld [smem:$0x3FA6]  }
0x2f: {  	lr =	sadd.s32 s0, s3;
	s0 =	sld [smem:$0x3F9D]  }
0x30: {  	s3 =	sld [smem:$0x3FA0]  }
0x31: {  	[smem:$0x3FA9] =	sst s10  }
0x32: {  	s10 =	sld [smem:$0x3FA7];
	_ =	sdelay $0x3  }
0x33: {  	p0 =	seq.s32 s10, $0x1;
	s10 =	sld [smem:$0x3FA9];
	_ =	sdelay $0x3  }
0x34: {  	[smem:$0x3FA9] =	sst s10  }
0x35: {  	s10 =	sld [smem:$0x3FA8];
	_ =	sdelay $0x3  }
0x36: {  	p1 =	seq.s32 s10, $0x1;
	s10 =	sld [smem:$0x3FA9];
	_ =	sdelay $0x3  }
0x37: {  	[smem:$0x3FA9] =	sst s10  }
0x38: {  	s10 =	sld [smem:$0x3FAA]  }
0x39: {  	_ = 	snop;
	(pc) =	sbr.ind lr, $3  }
0x3a: {  	_ = 	snop  }
0x3b: {  	_ = 	snop  }
0x3c: {  	p2 =	seq.s32 s10, $0x1;
	s10 =	sld [smem:$0x3FA9]  }
0x3d: {  	_ =	shalt  }
0x3e: {  	_ =	shalt  }
0x3f: {  	_ =	shalt  }
0x40: {  	_ =	shalt  }
0x41: {  	_ =	shalt  }
0x42: {  	_ =	shalt  }
0x43: {  	_ =	shalt  }
0x44: {  	_ =	shalt  }
0x45: {  	_ =	shalt  }
0x46: {  	_ =	shalt  }
0x47: {  	_ =	shalt  }
0x48: {  	_ =	shalt  }
0x49: {  	_ =	shalt  }
0x4a: {  	_ =	shalt  }
0x4b: {  	_ =	shalt  }
0x4c: {  	_ =	shalt  }
0x4d: {  	_ =	shalt  }
0x4e: {  	_ =	shalt  }
0x4f: {  	_ =	shalt  }
0x50: {  	_ =	shalt  }
0x51: {  	_ =	shalt  }
0x52: {  	_ =	shalt  }
0x53: {  	_ =	shalt  }
0x54: {  	_ =	shalt  }
0x55: {  	_ =	shalt  }
0x56: {  	_ =	shalt  }
0x57: {  	_ =	shalt  }
0x58: {  	_ =	shalt  }
0x59: {  	_ =	shalt  }
0x5a: {  	_ =	shalt  }
0x5b: {  	_ =	shalt  }
0x5c: {  	_ =	shalt  }
0x5d: {  	_ =	shalt  }
0x5e: {  	_ =	shalt  }
0x5f: {  	_ =	shalt  }
0x60: {  	_ =	shalt  }
0x61: {  	_ =	shalt  }
0x62: {  	_ =	shalt  }
0x63: {  	_ =	shalt  }
0x64: {  	_ =	shalt  }
0x65: {  	_ =	shalt  }
0x66: {  	_ =	shalt  }
0x67: {  	_ =	shalt  }
0x68: {  	_ =	shalt  }
0x69: {  	_ =	shalt  }
0x6a: {  	_ =	shalt  }
0x6b: {  	_ =	shalt  }
0x6c: {  	_ =	shalt  }
0x6d: {  	_ =	shalt  }
0x6e: {  	_ =	shalt  }
0x6f: {  	_ =	shalt  }
0x70: {  	_ =	shalt  }
0x71: {  	_ =	shalt  }
0x72: {  	_ =	shalt  }
0x73: {  	_ =	shalt  }
0x74: {  	_ =	shalt  }
0x75: {  	_ =	shalt  }
0x76: {  	_ =	shalt  }
0x77: {  	_ =	shalt  }
0x78: {  	_ =	shalt  }
0x79: {  	_ =	shalt  }
0x7a: {  	_ =	shalt  }
0x7b: {  	_ =	shalt  }
0x7c: {  	_ =	shalt  }
0x7d: {  	_ =	shalt  }
0x7e: {  	_ =	shalt  }
0x7f: {  	_ =	shalt  }
0x80: {  	_ =	shalt  }
0x81: {  	_ =	shalt  }
0x82: {  	_ =	shalt  }
0x83: {  	_ =	shalt  }
0x84: {  	_ =	shalt  }
0x85: {  	_ =	shalt  }
0x86: {  	_ =	shalt  }
0x87: {  	_ =	shalt  }
.Lfunc_end0:
.L_simem_size_0:
called_computation.1_lowered:
.L_overlay_start_0:
0x88: {  	s2 =	sld [smem:$0x3FD9]  }
0x89: {  	s3 =	sld [smem:$0x3FFE];
	_ =	sdelay $0x1  }
0x8a: {  	s1 =	srdreg.scid  }
0x8b: {  	s0 =	sand.u32 $0x1, s1  }
0x8c: {  	s14 =	sshll.u32 s0, $0xA;
	s2 =	sadd.s32 s3, s2  }
0x8d: {  	s2 =	sadd.s32 s2, s14  }
0x8e: {  	[smem:$0x3FB5] =	sst s2  }
0x8f: {  	_ = 	snop  }
0x90: {  	s2 =	sld [smem:$0x3FD0];
	_ =	sdelay $0x2  }
0x91: {  	s15 =	simm.s32 $0xA;
	s4 =	simm.s32 $0x10  }
0x92: {  	[smem:s4], [sflag:s15] =	dma.local [hbm:s2], $0x1  }
0x93: {  	_ =	swait.eq [sflag:s15], $0x1  }
0x94: {  	[sflag:s15] =	ssyncset.done $0x0  }
0x95: {  	[sflag:s15] =	ssyncadd.s32 $0xFFFFFFFF  }
0x96: {  	s16 =	sld [smem:$0x10];
	(tm) =	ssettm $0x1  }
0x97: {  	s17 =	sld [smem:$0x3FFB];
	_ =	sdelay $0x3  }
0x98: {  	_ =	strace s17  }
0x99: {  	s3 =	sld [smem:$0x3FFC];
	_ =	sdelay $0x3  }
0x9a: {  	_ =	strace s3  }
0x9b: {  	s3 =	sld [smem:$0x3FFD];
	_ =	sdelay $0x3  }
0x9c: {  	_ =	strace s3  }
0x9d: {  	_ =	strace $0x8FFFFFFF  }
0x9e: {  	s18 =	sld [smem:$0x3FDB];
	_ =	sdelay $0x1  }
0x9f: {  	s19 =	simm.s32 $_scs_section_size  }
0xa0: {  	s5 =	simm.s32 $_size__tile_overlayer_lowered;
	s6 =	simm.s32 $_tile_overlayer_lowered  }
0xa1: {  	s22 =	simm.s32 $0x1BFF;
	s21 =	sshll.u32 s6, $0x1;
	s3 =	sadd.s32 s19, s18  }
0xa2: {  	s7 =	simm.s32 $0x0;
	s20 =	sshll.u32 s5, $0x1;
	s5 =	sadd.s32 s21, s3  }
0xa3: {  	[timem:s7], [sflag:s22] =	dma.local [hbm:s5], s20  }
0xa4: {  	_ =	swait.ge [sflag:s22], s20  }
0xa5: {  	s4 =	ssub.s32 $0x0, s20;
	[sflag:s22] =	ssyncset.done $0x0  }
0xa6: {  	[sflag:s22] =	ssyncadd.s32 s4;
	_ =	sdelay $0x1  }
0xa7: {  	s23 =	simm.s32 $0x1B8B  }
0xa8: {  	_ =	swait.ge [sflag:s23], $0x1  }
0xa9: {  	[sflag:s23] =	ssyncset.done $0x0  }
0xaa: {  	s25 =	simm.s32 $0x1B8E;
	s24 =	sld [smem:$0x3FFE];
	[sflag:s23] =	ssyncadd.s32 $0xFFFFFFFF  }
0xab: {  	s26 =	simm.s32 $execute0_lowered;
	[smem:$0x3FD2] =	sst s25  }
0xac: {  	s5 =	sshll.u32 s26, $0x1;
	_ =	strace $0x80000049;
	[dreg:$0x1] =	wrdreg $0xFFFFFFFF  }
0xad: {  	s28 =	simm.s32 $_size_execute0_lowered;
	s3 =	sadd.s32 s3, s5;
	[dreg:$0x0] =	wrdreg $0x0  }
0xae: {  	s5 =	sshll.u32 s28, $0x1;
	[dreg:$0x2] =	wrdreg s3  }
0xaf: {  	[dreg:$0x3] =	wrdreg s5  }
0xb0: {  	[dreg:$0x4] =	wrdreg $0xC0  }
0xb1: {  	_ =	task [dreg:s7], $0x5FFFF  }
0xb2: {  	[dreg:$0x1] =	wrdreg $0xFFFFFFFF  }
0xb3: {  	[dreg:$0x0] =	wrdreg $0x60  }
0xb4: {  	[dreg:$0x2] =	wrdreg s16  }
0xb5: {  	[dreg:$0x3] =	wrdreg s24  }
0xb6: {  	[dreg:$0x4] =	wrdreg $0x9  }
0xb7: {  	_ =	task.clear_ibuf [dreg:s7], $0x5FFFF;
	_ =	strace $0x90000049  }
0xb8: {  	s29 =	simm.s32 $0x9;
	_ =	strace $0x8000004B  }
0xb9: {  	_ =	swait.ge [sflag:s29], $0x1  }
0xba: {  	[sflag:s29] =	ssyncadd.s32 $0xFFFFFFFF  }
0xbb: {  	_ =	strace $0x9000004B  }
0xbc: {  	_ =	sfence  }
0xbd: {  	s30 =	sld [smem:$0x0];
	_ =	sdelay $0x2  }
0xbe: {  	s31 =	sshll.u32 s1, $0xD;
	s1 =	sshrl.u32 s1, $0x2  }
0xbf: {  	s3 =	sand.u32 $0x4000, s31;
	s1 =	sadd.s32 s1, s30  }
0xc0: {  	s0 =	sor.u32 s3, s0;
	s1 =	sshll.u32 s1, $0x11  }
0xc1: {  	s0 =	sor.u32 s1, s0  }
0xc2: {  	s0 =	sadd.s32 $0x8F2B, s0  }
0xc3: {  	[sflag:s0] =	ssyncadd.remote.s32 $0x1  }
0xc4: {  	_ =	sfence.sel $0xFFFF  }
0xc5: {  	[dreg:$0x0] =	wrdreg $0xFFFFFFFF;
	(pc) =	sbr.abs _section_cstart, $3  }
0xc6: {  	[dreg:$0x1] =	wrdreg $0xFFFFFFFF  }
0xc7: {  	_ =	task.clear_ibuf [dreg:s7], $0x2FFFF;
	_ =	strace $0x9FFFFFFF  }
0xc8: {  	(tm) =	ssettm $0x7FFFFFFF  }
0xc9: {  	_ =	shalt  }
tec
execute0_lowered:
.L_overlay_start_1:
0x0: {  	(tag) =	ssettag $0x1  }
0x1: {  	s0 =	rddreg [dreg:$0x1];
	s1 =	simm.s32 $0x0  }
0x2: {  	s26 =	srdreg.scid;
	s2 =	stileid.u32;
	s13 =	simm.s32 $0x2  }
0x3: {  	s14 =	simm.s32 $0x400;
	s15 =	simm.s32 $0x80;
	s16 =	simm.s32 $0x480  }
0x4: {  	s17 =	simm.s32 $0x100;
	s18 =	simm.s32 $0x500;
	s19 =	simm.s32 $0x180  }
0x5: {  	s20 =	simm.s32 $0x580;
	s21 =	simm.s32 $0x200;
	s22 =	simm.s32 $0x600  }
0x6: {  	s23 =	simm.s32 $0x280;
	s24 =	simm.s32 $0x680;
	s25 =	simm.s32 $0x28  }
0x7: {  	s28 =	simm.s32 $0xF800;
	s29 =	simm.s32 $0x1;
	[smem:$0x7FF] =	sst s1  }
0x8: {  	s4 =	sadd.s32 $0x19BE00, s0;
	s5 =	sadd.s32 $0x6F3600, s0;
	s1 =	sand.u32 $0x1, s26  }
0x9: {  	s2 =	sshll.u32 s2, $0x1;
	s6 =	sadd.s32 $0xB87400, s0;
	s7 =	sadd.s32 $0xB90800, s0  }
0xa: {  	s9 =	sadd.s32 $0x2E00, s0;
	s26 =	simm.s32 $0xE400;
	s8 =	sor.u32 s1, s2  }
0xb: {  	_ =	strace $0x8000004A;
	s1 =	ssub.s32 $0x2, s1;
	s2 =	sshll.u32 s8, $0x5  }
0xc: {  	s30 =	sshrl.u32 s1, $0x1;
	s3 =	ssub.s32 $0x4E1, s8;
	s0 =	sadd.s32 s2, s0  }
0xd: {  	s1 =	ssub.s32 s1, s30;
	s11 =	sshrl.u32 s3, $0x5;
	s0 =	sadd.s32 $0x2A00, s0  }
0xe: {  	s2 =	simm.s32 $0x6C00;
	s31 =	smax.u32 s1, $0x1;
	[dreg:$0x3] =	wrdreg s0  }
0xf: {  	s3 =	simm.s32 $0x0;
	s1 =	simm.s32 $0xD000;
	[dreg:$0x4] =	wrdreg s31  }
.LBB2_1:
0x10: {  	v25 =	vimm.f32 $0.0e+00  }
0x11: {  	v3 =	vimm.f32 $0.0e+00;
	v4 =	vimm.f32 $0.0e+00;
	v5 =	vimm.f32 $0.0e+00  }
0x12: {  	v6 =	vimm.f32 $0.0e+00;
	v8 =	vimm.f32 $0.0e+00;
	v7 =	vimm.f32 $0.0e+00  }
0x13: {  	v9 =	vimm.f32 $0.0e+00;
	v0 =	vimm.f32 $0.0e+00;
	v1 =	vimm.f32 $0.0e+00  }
0x14: {  	v2 =	vimm.f32 $0.0e+00;
	v10 =	vimm.f32 $0.0e+00;
	v12 =	vimm.f32 $0.0e+00  }
0x15: {  	[dreg:$0x5] =	wrdreg s3;
	v11 =	vimm.f32 $0.0e+00;
	v14 =	vimm.f32 $0.0e+00;
	v13 =	vimm.f32 $0.0e+00;
	s30 =	simm.s32 $0x0  }
.LBB2_2:
0x16: {  	[tilespmem:$0x1FDE0] =	vst v5  }
0x17: {  	[tilespmem:$0x1FDF0] =	vst v4  }
0x18: {  	[tilespmem:$0x1FE00] =	vst v3  }
0x19: {  	[tilespmem:$0x1FE10] =	vst v6  }
0x1a: {  	[tilespmem:$0x1FE20] =	vst v8  }
0x1b: {  	[tilespmem:$0x1FE30] =	vst v14  }
0x1c: {  	[tilespmem:$0x1FE40] =	vst v12  }
0x1d: {  	[tilespmem:$0x1FE50] =	vst v10;
	s0 =	sshll.u32 s30, $0x5  }
0x1e: {  	[tilespmem:$0x1FE60] =	vst v13;
	s3 =	sor.u32 s8, s0  }
0x1f: {  	[tilespmem:$0x1FE70] =	vst v11;
	s31 =	smul.u32 $0x28, s3  }
0x20: {  	[tilespmem:$0x1FE80] =	vst v9  }
0x21: {  	[tilespmem:$0x1FE90] =	vst v7;
	s10 =	sshrl.u32 s31, $0x3  }
0x22: {  	[tilespmem:$0x1FEA0] =	vst v0;
	s0 =	simm.s32 $0x0;
	s12 =	sadd.s32 s6, s10  }
0x23: {  	[tilespmem:s0], [sflag:$0x2] =	stream.linear.gather [hbm4b:s12+s0], $0x28, $0x38;
	[tilespmem:$0x10D00] =	vst v63  }
0x24: {  	_ =	swait.ge [sflag:s13], $0x28  }
0x25: {  	[sflag:s13] =	ssyncset.done $0x0  }
0x26: {  	s10 =	sadd.s32 s7, s10;
	[sflag:s13] =	ssyncadd.s32 $0xFFFFFFD8  }
0x27: {  	[tilespmem:s14], [sflag:$0x2] =	stream.linear.gather [hbm4b:s10+s0], $0x28, $0x38;
	[tilespmem:$0x10D00] =	vst v63  }
0x28: {  	s12 =	sadd.s32 $0xC350, s31;
	_ =	swait.ge [sflag:s13], $0x28  }
0x29: {  	s10 =	sshrl.u32 s12, $0x3;
	[sflag:s13] =	ssyncset.done $0x0  }
0x2a: {  	s12 =	sadd.s32 s6, s10;
	[sflag:s13] =	ssyncadd.s32 $0xFFFFFFD8  }
0x2b: {  	[tilespmem:s15], [sflag:$0x2] =	stream.linear.gather [hbm4b:s12+s0], $0x28, $0x38;
	[tilespmem:$0x10D00] =	vst v63  }
0x2c: {  	_ =	swait.ge [sflag:s13], $0x28  }
0x2d: {  	[sflag:s13] =	ssyncset.done $0x0  }
0x2e: {  	s10 =	sadd.s32 s7, s10;
	[sflag:s13] =	ssyncadd.s32 $0xFFFFFFD8  }
0x2f: {  	[tilespmem:s16], [sflag:$0x2] =	stream.linear.gather [hbm4b:s10+s0], $0x28, $0x38;
	[tilespmem:$0x10D00] =	vst v63  }
0x30: {  	s12 =	sadd.s32 $0x186A0, s31;
	_ =	swait.ge [sflag:s13], $0x28  }
0x31: {  	s10 =	sshrl.u32 s12, $0x3;
	[sflag:s13] =	ssyncset.done $0x0  }
0x32: {  	s12 =	sadd.s32 s6, s10;
	[sflag:s13] =	ssyncadd.s32 $0xFFFFFFD8  }
0x33: {  	[tilespmem:s17], [sflag:$0x2] =	stream.linear.gather [hbm4b:s12+s0], $0x28, $0x38;
	[tilespmem:$0x10D00] =	vst v63  }
0x34: {  	_ =	swait.ge [sflag:s13], $0x28  }
0x35: {  	[sflag:s13] =	ssyncset.done $0x0  }
0x36: {  	s10 =	sadd.s32 s7, s10;
	[sflag:s13] =	ssyncadd.s32 $0xFFFFFFD8  }
0x37: {  	[tilespmem:s18], [sflag:$0x2] =	stream.linear.gather [hbm4b:s10+s0], $0x28, $0x38;
	[tilespmem:$0x10D00] =	vst v63  }
0x38: {  	s12 =	sadd.s32 $0x249F0, s31;
	_ =	swait.ge [sflag:s13], $0x28  }
0x39: {  	s10 =	sshrl.u32 s12, $0x3;
	[sflag:s13] =	ssyncset.done $0x0  }
0x3a: {  	s12 =	sadd.s32 s6, s10;
	[sflag:s13] =	ssyncadd.s32 $0xFFFFFFD8  }
0x3b: {  	[tilespmem:s19], [sflag:$0x2] =	stream.linear.gather [hbm4b:s12+s0], $0x28, $0x38;
	[tilespmem:$0x10D00] =	vst v63  }
0x3c: {  	_ =	swait.ge [sflag:s13], $0x28  }
0x3d: {  	[sflag:s13] =	ssyncset.done $0x0  }
0x3e: {  	s10 =	sadd.s32 s7, s10;
	[sflag:s13] =	ssyncadd.s32 $0xFFFFFFD8  }
0x3f: {  	[tilespmem:s20], [sflag:$0x2] =	stream.linear.gather [hbm4b:s10+s0], $0x28, $0x38;
	[tilespmem:$0x10D00] =	vst v63  }
0x40: {  	s12 =	sadd.s32 $0x30D40, s31;
	_ =	swait.ge [sflag:s13], $0x28  }
0x41: {  	s10 =	sshrl.u32 s12, $0x3;
	[sflag:s13] =	ssyncset.done $0x0  }
0x42: {  	s12 =	sadd.s32 s6, s10;
	[sflag:s13] =	ssyncadd.s32 $0xFFFFFFD8  }
0x43: {  	[tilespmem:s21], [sflag:$0x2] =	stream.linear.gather [hbm4b:s12+s0], $0x28, $0x38;
	[tilespmem:$0x10D00] =	vst v63  }
0x44: {  	_ =	swait.ge [sflag:s13], $0x28  }
0x45: {  	[sflag:s13] =	ssyncset.done $0x0  }
0x46: {  	s10 =	sadd.s32 s7, s10;
	[sflag:s13] =	ssyncadd.s32 $0xFFFFFFD8  }
0x47: {  	[tilespmem:s22], [sflag:$0x2] =	stream.linear.gather [hbm4b:s10+s0], $0x28, $0x38;
	[tilespmem:$0x10D00] =	vst v63  }
0x48: {  	s12 =	sadd.s32 $0x3D090, s31;
	_ =	swait.ge [sflag:s13], $0x28  }
0x49: {  	s10 =	sshrl.u32 s12, $0x3;
	[sflag:s13] =	ssyncset.done $0x0  }
0x4a: {  	s12 =	sadd.s32 s6, s10;
	[sflag:s13] =	ssyncadd.s32 $0xFFFFFFD8  }
0x4b: {  	[tilespmem:s23], [sflag:$0x2] =	stream.linear.gather [hbm4b:s12+s0], $0x28, $0x38;
	[tilespmem:$0x10D00] =	vst v63  }
0x4c: {  	_ =	swait.ge [sflag:s13], $0x28  }
0x4d: {  	[sflag:s13] =	ssyncset.done $0x0  }
0x4e: {  	s10 =	sadd.s32 s7, s10;
	[sflag:s13] =	ssyncadd.s32 $0xFFFFFFD8  }
0x4f: {  	[tilespmem:s24], [sflag:$0x2] =	stream.linear.gather [hbm4b:s10+s0], $0x28, $0x38;
	[tilespmem:$0x10D00] =	vst v63  }
0x50: {  	_ =	swait.ge [sflag:s13], $0x28  }
0x51: {  	[sflag:s13] =	ssyncset.done $0x0  }
0x52: {  	s12 =	simm.s32 $0x800;
	[sflag:s13] =	ssyncadd.s32 $0xFFFFFFD8  }
0x53: {  	[tilespmem:s12], [sflag:$0x1] =	stream.indirect.gather [hbm4b:s4+s25], $0x80, s0, s25, $0xb8;
	[tilespmem:$0x10D00] =	vst v63  }
0x54: {  	s12 =	simm.s32 $0x8000  }
0x55: {  	[tilespmem:s12], [sflag:$0x1] =	stream.indirect.gather [hbm4b:s5+s25], $0x80, s14, s25, $0xb8;
	[tilespmem:$0x10D00] =	vst v63  }
0x56: {  	s12 =	simm.s32 $0x1C00  }
0x57: {  	[tilespmem:s12], [sflag:$0x1] =	stream.indirect.gather [hbm4b:s4+s25], $0x80, s15, s25, $0xb8;
	[tilespmem:$0x10D00] =	vst v63  }
0x58: {  	s12 =	simm.s32 $0x9400  }
0x59: {  	[tilespmem:s12], [sflag:$0x1] =	stream.indirect.gather [hbm4b:s5+s25], $0x80, s16, s25, $0xb8;
	[tilespmem:$0x10D00] =	vst v63  }
0x5a: {  	s12 =	simm.s32 $0x3000  }
0x5b: {  	[tilespmem:s12], [sflag:$0x1] =	stream.indirect.gather [hbm4b:s4+s25], $0x80, s17, s25, $0xb8;
	[tilespmem:$0x10D00] =	vst v63  }
0x5c: {  	s12 =	simm.s32 $0xA800  }
0x5d: {  	[tilespmem:s12], [sflag:$0x1] =	stream.indirect.gather [hbm4b:s5+s25], $0x80, s18, s25, $0xb8;
	[tilespmem:$0x10D00] =	vst v63  }
0x5e: {  	s12 =	simm.s32 $0x4400  }
0x5f: {  	[tilespmem:s12], [sflag:$0x1] =	stream.indirect.gather [hbm4b:s4+s25], $0x80, s19, s25, $0xb8;
	[tilespmem:$0x10D00] =	vst v63  }
0x60: {  	s12 =	simm.s32 $0xBC00  }
0x61: {  	[tilespmem:s12], [sflag:$0x1] =	stream.indirect.gather [hbm4b:s5+s25], $0x80, s20, s25, $0xb8;
	[tilespmem:$0x10D00] =	vst v63  }
0x62: {  	s12 =	simm.s32 $0x5800  }
0x63: {  	[tilespmem:s12], [sflag:$0x1] =	stream.indirect.gather [hbm4b:s4+s25], $0x80, s21, s25, $0xb8;
	[tilespmem:$0x10D00] =	vst v63  }
0x64: {  	_ = 	snop  }
0x65: {  	[tilespmem:s1], [sflag:$0x1] =	stream.indirect.gather [hbm4b:s5+s25], $0x80, s22, s25, $0xb8;
	[tilespmem:$0x10D00] =	vst v63  }
0x66: {  	s3 =	smul.u32 $0x1400, s3  }
0x67: {  	[tilespmem:s2], [sflag:$0x1] =	stream.indirect.gather [hbm4b:s4+s25], $0x80, s23, s25, $0xb8;
	[tilespmem:$0x10D00] =	vst v63  }
0x68: {  	s31 =	sshrl.u32 s3, $0x3;
	s12 =	rddreg [dreg:$0x0]  }
0x69: {  	[tilespmem:s26], [sflag:$0x1] =	stream.indirect.gather [hbm4b:s5+s25], $0x80, s24, s25, $0xb8;
	[tilespmem:$0x10D00] =	vst v63  }
0x6a: {  	s3 =	sadd.s32 s12, s31  }
0x6b: {  	[tilespmem:s28], [sflag:$0x2] =	stream.linear.gather [hbm4b:s3+s0], $0x1400, $0x38;
	[tilespmem:$0x10D00] =	vst v63  }
0x6c: {  	_ =	swait.ge [sflag:s13], $0x1400  }
0x6d: {  	[sflag:s13] =	ssyncset.done $0x0  }
0x6e: {  	[sflag:s13] =	ssyncadd.s32 $0xFFFFEC00  }
0x6f: {  	_ =	swait.ge [sflag:s29], $0x1400  }
0x70: {  	[sflag:s29] =	ssyncset.done $0x0  }
0x71: {  	[sflag:s29] =	ssyncadd.s32 $0xFFFFEC00  }
0x72: {  	_ =	swait.ge [sflag:s29], $0x1400  }
0x73: {  	[sflag:s29] =	ssyncset.done $0x0  }
0x74: {  	[sflag:s29] =	ssyncadd.s32 $0xFFFFEC00  }
0x75: {  	_ =	swait.ge [sflag:s29], $0x1400  }
0x76: {  	[sflag:s29] =	ssyncset.done $0x0  }
0x77: {  	[sflag:s29] =	ssyncadd.s32 $0xFFFFEC00  }
0x78: {  	_ =	swait.ge [sflag:s29], $0x1400  }
0x79: {  	[sflag:s29] =	ssyncset.done $0x0  }
0x7a: {  	[sflag:s29] =	ssyncadd.s32 $0xFFFFEC00  }
0x7b: {  	_ =	swait.ge [sflag:s29], $0x1400  }
0x7c: {  	[sflag:s29] =	ssyncset.done $0x0  }
0x7d: {  	[sflag:s29] =	ssyncadd.s32 $0xFFFFEC00  }
0x7e: {  	_ =	swait.ge [sflag:s29], $0x1400  }
0x7f: {  	[sflag:s29] =	ssyncset.done $0x0  }
0x80: {  	[sflag:s29] =	ssyncadd.s32 $0xFFFFEC00  }
0x81: {  	_ =	swait.ge [sflag:s29], $0x1400  }
0x82: {  	[sflag:s29] =	ssyncset.done $0x0  }
0x83: {  	[sflag:s29] =	ssyncadd.s32 $0xFFFFEC00  }
0x84: {  	_ =	swait.ge [sflag:s29], $0x1400  }
0x85: {  	[sflag:s29] =	ssyncset.done $0x0  }
0x86: {  	[sflag:s29] =	ssyncadd.s32 $0xFFFFEC00  }
0x87: {  	_ =	swait.ge [sflag:s29], $0x1400  }
0x88: {  	[sflag:s29] =	ssyncset.done $0x0  }
0x89: {  	[sflag:s29] =	ssyncadd.s32 $0xFFFFEC00  }
0x8a: {  	_ =	swait.ge [sflag:s29], $0x1400  }
0x8b: {  	[sflag:s29] =	ssyncset.done $0x0  }
0x8c: {  	[sflag:s29] =	ssyncadd.s32 $0xFFFFEC00  }
0x8d: {  	_ =	swait.ge [sflag:s29], $0x1400  }
0x8e: {  	[sflag:s29] =	ssyncset.done $0x0  }
0x8f: {  	[sflag:s29] =	ssyncadd.s32 $0xFFFFEC00  }
0x90: {  	_ =	swait.ge [sflag:s29], $0x1400  }
0x91: {  	[sflag:s29] =	ssyncset.done $0x0  }
0x92: {  	s0 =	simm.s32 $0x0;
	[sflag:s29] =	ssyncadd.s32 $0xFFFFEC00  }
0x93: {  	v45 =	vld [tilespmem:s0+$0x6C00]  }
0x94: {  	v44 =	vld [tilespmem:s0+$0xE400]  }
0x95: {  	v8 =	vld [tilespmem:s0+$0x6C10]  }
0x96: {  	v43 =	vld [tilespmem:s0+$0xE410]  }
0x97: {  	v9 =	vld [tilespmem:s0+$0x6C20]  }
0x98: {  	v10 =	vld [tilespmem:s0+$0xE420]  }
0x99: {  	v11 =	vld [tilespmem:s0+$0x6C30]  }
0x9a: {  	v36 =	vld [tilespmem:s0+$0xE430]  }
0x9b: {  	v12 =	vld [tilespmem:s0+$0x6C40]  }
0x9c: {  	v0 =	vld [tilespmem:s0+$0xE440]  }
0x9d: {  	v13 =	vld [tilespmem:s0+$0x6C50]  }
0x9e: {  	v24 =	vld [tilespmem:s0+$0xE450]  }
0x9f: {  	v16 =	vld [tilespmem:s0+$0x6C60]  }
0xa0: {  	v7 =	vld [tilespmem:s0+$0xE460]  }
0xa1: {  	v14 =	vld [tilespmem:s0+$0x5800]  }
0xa2: {  	v49 =	vld [tilespmem:s0+$0xD000]  }
0xa3: {  	v15 =	vld [tilespmem:s0+$0x5810]  }
0xa4: {  	v48 =	vld [tilespmem:s0+$0xD010]  }
0xa5: {  	v17 =	vld [tilespmem:s0+$0x5820]  }
0xa6: {  	v47 =	vld [tilespmem:s0+$0xD020]  }
0xa7: {  	v18 =	vld [tilespmem:s0+$0x5830]  }
0xa8: {  	v46 =	vld [tilespmem:s0+$0xD030]  }
0xa9: {  	v19 =	vld [tilespmem:s0+$0x5840]  }
0xaa: {  	v30 =	vld [tilespmem:s0+$0xD040]  }
0xab: {  	v27 =	vld [tilespmem:s0+$0x5850]  }
0xac: {  	v26 =	vld [tilespmem:s0+$0xD050]  }
0xad: {  	v3 =	vld [tilespmem:s0+$0x5860]  }
0xae: {  	v57 =	vld [tilespmem:s0+$0x4400]  }
0xaf: {  	v54 =	vld [tilespmem:s0+$0xBC00]  }
0xb0: {  	v58 =	vld [tilespmem:s0+$0x4410]  }
0xb1: {  	v53 =	vld [tilespmem:s0+$0xBC10]  }
0xb2: {  	v63 =	vld [tilespmem:s0+$0x4420]  }
0xb3: {  	v51 =	vld [tilespmem:s0+$0xBC20]  }
0xb4: {  	v50 =	vld [tilespmem:s0+$0xBC30]  }
0xb5: {  	v41 =	vld [tilespmem:s0+$0xBC40]  }
0xb6: {  	v37 =	vld [tilespmem:s0+$0xBC50]  }
0xb7: {  	[tilespmem:$0x1FEC0] =	vst v3;
	v3 =	vld [tilespmem:s0+$0xD060]  }
0xb8: {  	v20 =	vld [tilespmem:s0+$0x4460]  }
0xb9: {  	v21 =	vld [tilespmem:s0+$0xBC60]  }
0xba: {  	v5 =	vld [tilespmem:s0+$0x3020]  }
0xbb: {  	v6 =	vld [tilespmem:s0+$0xA820]  }
0xbc: {  	[tilespmem:$0x1FED0] =	vst v3;
	v3 =	vld [tilespmem:s0+$0x4430]  }
0xbd: {  	v4 =	vld [tilespmem:s0+$0xA830]  }
0xbe: {  	v34 =	vld [tilespmem:s0+$0x3040]  }
0xbf: {  	v35 =	vld [tilespmem:s0+$0xA840]  }
0xc0: {  	v32 =	vld [tilespmem:s0+$0x3050]  }
0xc1: {  	[tilespmem:$0x1FF10] =	vst v3;
	v3 =	vld [tilespmem:s0+$0x4440]  }
0xc2: {  	v33 =	vld [tilespmem:s0+$0xA850]  }
0xc3: {  	v22 =	vld [tilespmem:s0+$0x3060]  }
0xc4: {  	v23 =	vld [tilespmem:s0+$0xA860]  }
0xc5: {  	v39 =	vld [tilespmem:s0+$0x1C40]  }
0xc6: {  	[tilespmem:$0x1FF20] =	vst v3;
	v3 =	vld [tilespmem:s0+$0x4450]  }
0xc7: {  	v42 =	vld [tilespmem:s0+$0x9440]  }
0xc8: {  	[tilespmem:$0x1FEB0] =	vst v7;
	v7 =	vld [tilespmem:s0+$0x1C00]  }
0xc9: {  	v45 =	vmul.f32 v44, v45;
	v44 =	vmul.f32 v43, v8;
	v8 =	vld [tilespmem:$0x1FF10]  }
0xca: {  	v38 =	vld [tilespmem:s0+$0x1C50]  }
0xcb: {  	[tilespmem:$0x1FF30] =	vst v3;
	v3 =	vld [tilespmem:s0+$0x3000]  }
0xcc: {  	v40 =	vld [tilespmem:s0+$0x9450]  }
0xcd: {  	[tilespmem:$0x1FF80] =	vst v7;
	v7 =	vld [tilespmem:s0+$0x9400]  }
0xce: {  	v50 =	vmul.f32 v50, v8;
	v8 =	vld [tilespmem:$0x1FF20]  }
0xcf: {  	v28 =	vld [tilespmem:s0+$0x1C60]  }
0xd0: {  	[tilespmem:$0x1FF40] =	vst v3;
	v3 =	vld [tilespmem:s0+$0xA800]  }
0xd1: {  	v31 =	vld [tilespmem:s0+$0x9460]  }
0xd2: {  	[tilespmem:$0x1FF90] =	vst v7;
	v7 =	vld [tilespmem:s0+$0x1C10]  }
0xd3: {  	v41 =	vmul.f32 v41, v8;
	v8 =	vld [tilespmem:$0x1FF30]  }
0xd4: {  	v61 =	vld [tilespmem:s0+$0x800]  }
0xd5: {  	[tilespmem:$0x1FF50] =	vst v3;
	v3 =	vld [tilespmem:s0+$0x3010]  }
0xd6: {  	v60 =	vld [tilespmem:s0+$0x8000]  }
0xd7: {  	v0 =	vmul.f32 v0, v12;
	[tilespmem:$0x1FFA0] =	vst v7;
	v7 =	vld [tilespmem:s0+$0x9410]  }
0xd8: {  	v37 =	vmul.f32 v37, v8;
	v8 =	vld [tilespmem:$0x1FF40]  }
0xd9: {  	v51 =	vmul.f32 v51, v63;
	[tilespmem:$0x1FEE0] =	vst v0;
	v0 =	vmul.f32 v24, v13;
	v63 =	vld [tilespmem:$0x1FF50]  }
0xda: {  	[tilespmem:$0x1FF60] =	vst v3;
	v3 =	vld [tilespmem:s0+$0xA810]  }
0xdb: {  	v29 =	vld [tilespmem:s0+$0x9470];
	[tilespmem:$0x1FEF0] =	vst v0;
	v0 =	vmul.f32 v26, v27  }
0xdc: {  	v62 =	vld [tilespmem:s0+$0x810]  }
0xdd: {  	[tilespmem:$0x1FF00] =	vst v0;
	v0 =	vld [tilespmem:s0+$0xF800]  }
0xde: {  	[tilespmem:$0x1FFB0] =	vst v7;
	v7 =	vld [tilespmem:s0+$0x1C20]  }
0xdf: {  	v60 =	vmul.f32 v60, v61;
	v61 =	vmul.f32 v63, v8;
	v8 =	vld [tilespmem:$0x1FF60];
	[tilespmem:$0x1FF70] =	vst v3  }
0xe0: {  	v12 =	vld [tilespmem:$0x1FF70]  }
0xe1: {  	v52 =	vld [tilespmem:s0+$0x8010]  }
0xe2: {  	v59 =	vld [tilespmem:s0+$0x820]  }
0xe3: {  	v26 =	vmov v2;
	v2 =	vadd.f32 v60, v0;
	v0 =	vld [tilespmem:$0x1FF80]  }
0xe4: {  	[tilespmem:$0x1FFC0] =	vst v7;
	v7 =	vld [tilespmem:s0+$0x9420]  }
0xe5: {  	v36 =	vmul.f32 v36, v11;
	v11 =	vmul.f32 v12, v8;
	v8 =	vld [tilespmem:$0x1FF90]  }
0xe6: {  	v55 =	vld [tilespmem:s0+$0x8020]  }
0xe7: {  	v56 =	vld [tilespmem:s0+$0x8030]  }
0xe8: {  	v43 =	vmul.f32 v10, v9;
	v10 =	vld [tilespmem:s0+$0x830]  }
0xe9: {  	[tilespmem:$0x1FFD0] =	vst v7;
	v7 =	vld [tilespmem:s0+$0x1C30]  }
0xea: {  	v13 =	vmul.f32 v8, v0;
	v0 =	vld [tilespmem:$0x1FFA0]  }
0xeb: {  	v8 =	vld [tilespmem:$0x1FFB0]  }
0xec: {  	v53 =	vmul.f32 v53, v58;
	v58 =	vld [tilespmem:s0+$0xF830]  }
0xed: {  	v24 =	vmov v1;
	v1 =	vld [tilespmem:s0+$0xF810]  }
0xee: {  	[tilespmem:$0x1FFE0] =	vst v7;
	v7 =	vld [tilespmem:s0+$0x9430]  }
0xef: {  	v49 =	vmul.f32 v49, v14;
	v12 =	vld [tilespmem:$0x1FFD0]  }
0xf0: {  	v62 =	vmul.f32 v52, v62;
	v14 =	vmul.f32 v8, v0;
	v8 =	vld [tilespmem:$0x1FFC0]  }
0xf1: {  	v54 =	vmul.f32 v54, v57;
	v57 =	vld [tilespmem:s0+$0xF820]  }
0xf2: {  	v52 =	vld [tilespmem:s0+$0x840];
	v1 =	vadd.f32 v62, v1  }
0xf3: {  	v59 =	vmul.f32 v55, v59;
	v55 =	vld [tilespmem:s0+$0x8040];
	[tilespmem:$0x1FFF0] =	vst v7;
	v0 =	vmul.f32 v56, v10  }
0xf4: {  	v14 =	vadd.f32 v14, v1;
	v1 =	vld [tilespmem:$0x1FFF0]  }
0xf5: {  	v2 =	vadd.f32 v13, v2;
	v13 =	vmul.f32 v12, v8;
	v8 =	vadd.f32 v0, v58;
	v0 =	vld [tilespmem:$0x1FFE0]  }
0xf6: {  	v3 =	vld [tilespmem:s0+$0x3030]  }
0xf7: {  	v59 =	vadd.f32 v59, v57;
	v57 =	vld [tilespmem:s0+$0x8050]  }
0xf8: {  	v48 =	vmul.f32 v48, v15;
	v60 =	vld [tilespmem:s0+$0x870]  }
0xf9: {  	v47 =	vmul.f32 v47, v17;
	v46 =	vmul.f32 v46, v18;
	v7 =	vld [tilespmem:s0+$0x1C70]  }
0xfa: {  	v30 =	vmul.f32 v30, v19;
	v56 =	vld [tilespmem:s0+$0x850];
	v0 =	vmul.f32 v1, v0  }
0xfb: {  	v61 =	vadd.f32 v61, v2;
	v2 =	vmul.f32 v4, v3;
	v63 =	vadd.f32 v11, v14;
	v58 =	vld [tilespmem:s0+$0x860]  }
0xfc: {  	s3 =	simm.s32 $0x200;
	v62 =	vadd.f32 v13, v59;
	v59 =	vld [tilespmem:s0+$0x8060];
	v1 =	vmul.f32 v6, v5;
	v0 =	vadd.f32 v0, v8  }
.LBB2_3:
0xfd: {  	_ = 	snop  }
0xfe: {  	v54 =	vadd.f32 v54, v61  }
0xff: {  	v3 =	vld [tilespmem:$0x1FEC0]  }
0x100: {  	v4 =	vld [tilespmem:$0x1FED0];
	v13 =	vadd.f32 v49, v54  }
0x101: {  	v14 =	vld [tilespmem:s0+$0xF850]  }
0x102: {  	s10 =	sshra.s32 s3, $0x2;
	v0 =	vadd.f32 v2, v0;
	v54 =	vld [tilespmem:s0+$0xF860];
	v32 =	vmul.f32 v33, v32;
	v33 =	vadd.f32 v45, v13  }
0x103: {  	v49 =	vld [tilespmem:s10+$0x6C00]  }
0x104: {  	v0 =	vadd.f32 v50, v0;
	v45 =	vld [tilespmem:s10+$0xE400];
	[tilespmem:s0+$0xF800] =	vst v33  }
0x105: {  	v53 =	vadd.f32 v53, v63;
	v63 =	vmul.f32 v57, v56;
	v18 =	vmul.f32 v4, v3;
	v3 =	vld [tilespmem:s10+$0x6C10]  }
0x106: {  	v0 =	vadd.f32 v46, v0  }
0x107: {  	v38 =	vmul.f32 v40, v38;
	v10 =	vmul.f32 v59, v58;
	v12 =	vadd.f32 v63, v14  }
0x108: {  	v0 =	vadd.f32 v36, v0  }
0x109: {  	v2 =	vld [tilespmem:s0+$0xF840];
	v28 =	vmul.f32 v31, v28;
	v14 =	vadd.f32 v10, v54;
	v36 =	vadd.f32 v38, v12  }
0x10a: {  	v48 =	vadd.f32 v48, v53;
	[tilespmem:$0x1FD00] =	vst v3;
	v3 =	vld [tilespmem:$0x1FF00]  }
0x10b: {  	v22 =	vmul.f32 v23, v22;
	v28 =	vadd.f32 v28, v14;
	v32 =	vadd.f32 v32, v36  }
0x10c: {  	v44 =	vadd.f32 v44, v48  }
0x10d: {  	v61 =	vmul.f32 v55, v52;
	v22 =	vadd.f32 v22, v28;
	v28 =	vadd.f32 v37, v32  }
0x10e: {  	[tilespmem:s0+$0xF810] =	vst v44  }
0x10f: {  	v39 =	vmul.f32 v42, v39;
	v2 =	vadd.f32 v61, v2;
	v19 =	vadd.f32 v3, v28;
	v3 =	vld [tilespmem:s10+$0xE410];
	_ =	sdelay $0x1  }
0x110: {  	v34 =	vmul.f32 v35, v34;
	v2 =	vadd.f32 v39, v2;
	_ =	sdelay $0x1  }
0x111: {  	v2 =	vadd.f32 v34, v2  }
0x112: {  	[tilespmem:$0x1FD10] =	vst v3;
	v3 =	vld [tilespmem:$0x1FEE0]  }
0x113: {  	v1 =	vadd.f32 v1, v62;
	v2 =	vadd.f32 v41, v2;
	_ =	sdelay $0x1  }
0x114: {  	v1 =	vadd.f32 v51, v1;
	v2 =	vadd.f32 v30, v2;
	_ =	sdelay $0x1  }
0x115: {  	v1 =	vadd.f32 v47, v1;
	v2 =	vadd.f32 v3, v2;
	v3 =	vld [tilespmem:$0x1FEB0];
	_ =	sdelay $0x1  }
0x116: {  	v1 =	vadd.f32 v43, v1;
	_ =	sdelay $0x1  }
0x117: {  	[tilespmem:s0+$0xF820] =	vst v1  }
0x118: {  	v16 =	vmul.f32 v3, v16;
	v3 =	vld [tilespmem:s10+$0x6C20];
	_ =	sdelay $0x1  }
0x119: {  	v62 =	vld [tilespmem:s0+$0xF870]  }
0x11a: {  	v9 =	vld [tilespmem:s0+$0x3070]  }
0x11b: {  	v11 =	vld [tilespmem:s0+$0xA870]  }
0x11c: {  	[tilespmem:$0x1FD20] =	vst v3;
	v3 =	vld [tilespmem:$0x1FEF0]  }
0x11d: {  	v23 =	vld [tilespmem:s0+$0xD070]  }
0x11e: {  	v20 =	vmul.f32 v21, v20;
	v21 =	vld [tilespmem:s0+$0xE470]  }
0x11f: {  	v43 =	vld [tilespmem:s0+$0x6C70]  }
0x120: {  	v35 =	vld [tilespmem:s0+$0x8070]  }
0x121: {  	v20 =	vadd.f32 v20, v22;
	v19 =	vadd.f32 v3, v19;
	v3 =	vld [tilespmem:$0x1FE80]  }
0x122: {  	v31 =	vld [tilespmem:s0+$0xBC70]  }
0x123: {  	v27 =	vmul.f32 v29, v7;
	v29 =	vld [tilespmem:s0+$0x5870];
	v18 =	vadd.f32 v18, v20  }
0x124: {  	v13 =	vld [tilespmem:s0+$0x4470];
	v20 =	vmul.f32 v21, v43;
	v21 =	vmul.f32 v33, v33;
	[tilespmem:s0+$0xF830] =	vst v0  }
0x125: {  	v35 =	vmul.f32 v35, v60;
	v43 =	vld [tilespmem:s10+$0xE420];
	[tilespmem:s0+$0xF840] =	vst v2;
	v18 =	vadd.f32 v16, v18  }
0x126: {  	v36 =	vld [tilespmem:s10+$0x6C30];
	[tilespmem:s0+$0xF850] =	vst v19;
	v3 =	vadd.f32 v21, v3  }
0x127: {  	v35 =	vadd.f32 v35, v62;
	v14 =	vld [tilespmem:s10+$0xE430];
	[tilespmem:s0+$0xF860] =	vst v18  }
0x128: {  	[tilespmem:$0x1FE80] =	vst v3;
	v3 =	vld [tilespmem:s10+$0x6C40]  }
0x129: {  	v40 =	vmul.f32 v11, v9;
	v27 =	vadd.f32 v27, v35;
	_ =	sdelay $0x1  }
0x12a: {  	v31 =	vmul.f32 v31, v13;
	v27 =	vadd.f32 v40, v27;
	_ =	sdelay $0x1  }
0x12b: {  	v23 =	vmul.f32 v23, v29;
	v22 =	vadd.f32 v31, v27;
	[tilespmem:$0x1FD30] =	vst v3;
	v3 =	vld [tilespmem:$0x1FE90];
	_ =	sdelay $0x1  }
0x12c: {  	v17 =	vadd.f32 v23, v22  }
0x12d: {  	v22 =	vmul.f32 v44, v44  }
0x12e: {  	v20 =	vadd.f32 v20, v17  }
0x12f: {  	v3 =	vadd.f32 v22, v3  }
0x130: {  	[tilespmem:s0+$0xF870] =	vst v20;
	s0 =	smov.u32 s10  }
0x131: {  	[tilespmem:$0x1FE90] =	vst v3;
	v3 =	vld [tilespmem:s0+$0xE440];
	_ =	sdelay $0x4  }
0x132: {  	[tilespmem:$0x1FD40] =	vst v3;
	v3 =	vld [tilespmem:$0x1FE20];
	_ =	sdelay $0x2  }
0x133: {  	v16 =	vmul.f32 v1, v1;
	_ =	sdelay $0x1  }
0x134: {  	v3 =	vadd.f32 v16, v3;
	_ =	sdelay $0x1  }
0x135: {  	[tilespmem:$0x1FE20] =	vst v3;
	v3 =	vld [tilespmem:$0x1FE10];
	_ =	sdelay $0x2  }
0x136: {  	v23 =	vmul.f32 v0, v0;
	_ =	sdelay $0x1  }
0x137: {  	v3 =	vadd.f32 v23, v3;
	_ =	sdelay $0x1  }
0x138: {  	[tilespmem:$0x1FE10] =	vst v3;
	v3 =	vld [tilespmem:s0+$0x6C50];
	_ =	sdelay $0x4  }
0x139: {  	[tilespmem:$0x1FD50] =	vst v3;
	v3 =	vld [tilespmem:$0x1FDE0];
	_ =	sdelay $0x2  }
0x13a: {  	v17 =	vmul.f32 v2, v2;
	_ =	sdelay $0x1  }
0x13b: {  	v3 =	vadd.f32 v17, v3;
	_ =	sdelay $0x1  }
0x13c: {  	[tilespmem:$0x1FDE0] =	vst v3;
	v3 =	vld [tilespmem:$0x1FDF0];
	_ =	sdelay $0x2  }
0x13d: {  	v21 =	vmul.f32 v19, v19;
	_ =	sdelay $0x1  }
0x13e: {  	v3 =	vadd.f32 v21, v3;
	_ =	sdelay $0x1  }
0x13f: {  	[tilespmem:$0x1FDF0] =	vst v3;
	v3 =	vld [tilespmem:s0+$0xE450];
	_ =	sdelay $0x2  }
0x140: {  	v45 =	vmul.f32 v45, v49;
	v49 =	vld [tilespmem:$0x1FD10]  }
0x141: {  	v47 =	vld [tilespmem:s0+$0xD000]  }
0x142: {  	[tilespmem:$0x1FD60] =	vst v3;
	v3 =	vld [tilespmem:$0x1FE00]  }
0x143: {  	v26 =	vadd.f32 v19, v26;
	v46 =	vld [tilespmem:s0+$0x5810]  }
0x144: {  	v5 =	vld [tilespmem:s0+$0x5820]  }
0x145: {  	[tilespmem:$0x1FD80] =	vst v26;
	v26 =	vld [tilespmem:s0+$0xD020];
	v22 =	vmul.f32 v18, v18  }
0x146: {  	v54 =	vld [tilespmem:s0+$0x5830]  }
0x147: {  	v55 =	vld [tilespmem:s0+$0xD030];
	v3 =	vadd.f32 v22, v3  }
0x148: {  	v56 =	vld [tilespmem:s0+$0x5840]  }
0x149: {  	[tilespmem:$0x1FE00] =	vst v3;
	v3 =	vld [tilespmem:s0+$0x6C60]  }
0x14a: {  	v30 =	vld [tilespmem:s0+$0xD040]  }
0x14b: {  	v53 =	vld [tilespmem:s0+$0x5850]  }
0x14c: {  	v59 =	vld [tilespmem:s0+$0xD050]  }
0x14d: {  	v60 =	vld [tilespmem:s0+$0x4400]  }
0x14e: {  	[tilespmem:$0x1FD90] =	vst v3;
	v3 =	vld [tilespmem:$0x1FE60]  }
0x14f: {  	v61 =	vld [tilespmem:s0+$0xBC00]  }
0x150: {  	v62 =	vld [tilespmem:s0+$0x4410]  }
0x151: {  	v63 =	vld [tilespmem:s0+$0xBC10]  }
0x152: {  	v51 =	vld [tilespmem:s0+$0x4420]  }
0x153: {  	v50 =	vld [tilespmem:s0+$0xBC20];
	v3 =	vadd.f32 v33, v3  }
0x154: {  	v52 =	vld [tilespmem:s0+$0x4430]  }
0x155: {  	[tilespmem:$0x1FE60] =	vst v3;
	v3 =	vld [tilespmem:$0x1FE30]  }
0x156: {  	v6 =	vld [tilespmem:s0+$0xBC30]  }
0x157: {  	v41 =	vld [tilespmem:s0+$0x4440]  }
0x158: {  	v37 =	vld [tilespmem:s0+$0xBC40]  }
0x159: {  	v8 =	vld [tilespmem:s0+$0x4450]  }
0x15a: {  	v9 =	vld [tilespmem:s0+$0xBC50];
	v3 =	vadd.f32 v44, v3  }
0x15b: {  	v57 =	vld [tilespmem:s0+$0x4460]  }
0x15c: {  	[tilespmem:$0x1FE30] =	vst v3;
	v3 =	vld [tilespmem:s0+$0xE460]  }
0x15d: {  	v58 =	vld [tilespmem:s0+$0xBC60]  }
0x15e: {  	v10 =	vld [tilespmem:s0+$0x3000]  }
0x15f: {  	v11 =	vld [tilespmem:s0+$0xA800]  }
0x160: {  	v12 =	vld [tilespmem:s0+$0x3010]  }
0x161: {  	[tilespmem:$0x1FEB0] =	vst v3;
	v3 =	vld [tilespmem:$0x1FE70]  }
0x162: {  	v34 =	vld [tilespmem:s0+$0x3040]  }
0x163: {  	v35 =	vld [tilespmem:s0+$0xA840]  }
0x164: {  	v32 =	vld [tilespmem:s0+$0x3050]  }
0x165: {  	v27 =	vmul.f32 v20, v20;
	v19 =	vld [tilespmem:s0+$0x1C00]  }
0x166: {  	v3 =	vadd.f32 v1, v3;
	v1 =	vld [tilespmem:$0x1FE40]  }
0x167: {  	v4 =	vadd.f32 v27, v25;
	v27 =	vld [tilespmem:s0+$0x9430]  }
0x168: {  	v39 =	vld [tilespmem:s0+$0x1C40]  }
0x169: {  	v42 =	vld [tilespmem:s0+$0x9440]  }
0x16a: {  	v38 =	vld [tilespmem:s0+$0x1C50]  }
0x16b: {  	v1 =	vadd.f32 v0, v1;
	v0 =	vld [tilespmem:s0+$0x5800]  }
0x16c: {  	v40 =	vld [tilespmem:s0+$0x9450]  }
0x16d: {  	v28 =	vld [tilespmem:s0+$0x1C60]  }
0x16e: {  	v31 =	vld [tilespmem:s0+$0x9460]  }
0x16f: {  	v7 =	vld [tilespmem:s0+$0x1C70]  }
0x170: {  	[tilespmem:$0x1FD70] =	vst v0;
	v0 =	vld [tilespmem:$0x1FE50]  }
0x171: {  	v29 =	vld [tilespmem:s0+$0x9470]  }
0x172: {  	v15 =	vld [tilespmem:s0+$0x800]  }
0x173: {  	v13 =	vld [tilespmem:s0+$0x8000]  }
0x174: {  	v25 =	vld [tilespmem:s0+$0x810]  }
0x175: {  	v36 =	vmul.f32 v14, v36;
	v14 =	vld [tilespmem:s0+$0x820];
	v0 =	vadd.f32 v2, v0  }
0x176: {  	v24 =	vadd.f32 v18, v24;
	v18 =	vld [tilespmem:$0x1FD00]  }
0x177: {  	[tilespmem:$0x1FE50] =	vst v0;
	v0 =	vld [tilespmem:$0x1FEA0]  }
0x178: {  	v51 =	vmul.f32 v50, v51;
	v50 =	vmul.f32 v6, v52;
	v6 =	vld [tilespmem:s0+$0xF820]  }
0x179: {  	v52 =	vld [tilespmem:s0+$0x840]  }
0x17a: {  	v30 =	vmul.f32 v30, v56;
	v56 =	vld [tilespmem:s0+$0x850]  }
0x17b: {  	v53 =	vmul.f32 v59, v53;
	v44 =	vmul.f32 v49, v18;
	v49 =	vld [tilespmem:$0x1FD20]  }
0x17c: {  	v59 =	vld [tilespmem:s0+$0x8060];
	v0 =	vadd.f32 v20, v0  }
0x17d: {  	[tilespmem:$0x1FF00] =	vst v53;
	v53 =	vmul.f32 v63, v62;
	v63 =	vld [tilespmem:s0+$0xF810]  }
0x17e: {  	[tilespmem:$0x1FEA0] =	vst v0;
	v0 =	vld [tilespmem:s0+$0x5860]  }
0x17f: {  	v48 =	vld [tilespmem:$0x1FD40]  }
0x180: {  	v43 =	vmul.f32 v43, v49;
	v49 =	vld [tilespmem:$0x1FD30]  }
0x181: {  	v16 =	vld [tilespmem:s0+$0x9420]  }
0x182: {  	v23 =	vld [tilespmem:s0+$0x1C20]  }
0x183: {  	[tilespmem:$0x1FEC0] =	vst v0;
	v0 =	vld [tilespmem:s0+$0xD060]  }
0x184: {  	v17 =	vld [tilespmem:s0+$0xA810]  }
0x185: {  	v21 =	vld [tilespmem:s0+$0x1C10];
	v49 =	vmul.f32 v48, v49  }
0x186: {  	v48 =	vld [tilespmem:$0x1FD50]  }
0x187: {  	[tilespmem:$0x1FEE0] =	vst v49;
	v49 =	vld [tilespmem:$0x1FD60]  }
0x188: {  	[tilespmem:$0x1FED0] =	vst v0;
	v0 =	vld [tilespmem:s0+$0x3020]  }
0x189: {  	v22 =	vld [tilespmem:s0+$0x9410]  }
0x18a: {  	v33 =	vld [tilespmem:s0+$0xA850]  }
0x18b: {  	[tilespmem:$0x1FE70] =	vst v3;
	v3 =	vld [tilespmem:s0+$0xD010]  }
0x18c: {  	v49 =	vmul.f32 v49, v48;
	v48 =	vld [tilespmem:$0x1FD70]  }
0x18d: {  	[tilespmem:$0x1FDA0] =	vst v0;
	v0 =	vld [tilespmem:s0+$0xA820]  }
0x18e: {  	v18 =	vld [tilespmem:s0+$0x8010]  }
0x18f: {  	[tilespmem:$0x1FE40] =	vst v1;
	v1 =	vld [tilespmem:s0+$0x3060]  }
0x190: {  	v2 =	vld [tilespmem:s0+$0xA860]  }
0x191: {  	[tilespmem:$0x1FEF0] =	vst v49;
	v49 =	vmul.f32 v47, v48;
	v48 =	vmul.f32 v3, v46;
	v3 =	vld [tilespmem:s0+$0x8020]  }
0x192: {  	v41 =	vmul.f32 v37, v41;
	[tilespmem:$0x1FDB0] =	vst v0;
	v0 =	vld [tilespmem:s0+$0x3030]  }
0x193: {  	v47 =	vmul.f32 v26, v5;
	v26 =	vld [tilespmem:s0+$0x830];
	v46 =	vmul.f32 v55, v54  }
0x194: {  	v55 =	vld [tilespmem:s0+$0xF800];
	v54 =	vmul.f32 v61, v60;
	v61 =	vmul.f32 v18, v25  }
0x195: {  	v37 =	vmul.f32 v9, v8;
	v9 =	vmul.f32 v11, v10;
	v20 =	vld [tilespmem:s0+$0x9400]  }
0x196: {  	v11 =	vadd.f32 v61, v63;
	v63 =	vmul.f32 v22, v21;
	v22 =	vmovc v1;
	v3 =	vmul.f32 v3, v14;
	v1 =	vld [tilespmem:$0x1FDA0]  }
0x197: {  	[tilespmem:$0x1FDC0] =	vst v0;
	v0 =	vld [tilespmem:s0+$0xA830]  }
0x198: {  	v3 =	vadd.f32 v3, v6;
	v6 =	vmul.f32 v16, v23;
	v23 =	vmov v2;
	v2 =	vld [tilespmem:$0x1FDB0]  }
0x199: {  	v5 =	vld [tilespmem:s0+$0x8030]  }
0x19a: {  	v8 =	vmul.f32 v13, v15;
	v60 =	vld [tilespmem:s0+$0xF830]  }
0x19b: {  	v21 =	vmov v58;
	v58 =	vld [tilespmem:s0+$0x860]  }
0x19c: {  	v8 =	vadd.f32 v8, v55;
	v62 =	vmul.f32 v20, v19;
	[tilespmem:$0x1FDD0] =	vst v0;
	v0 =	vld [tilespmem:s0+$0x1C30]  }
0x19d: {  	v1 =	vmul.f32 v2, v1;
	v2 =	vld [tilespmem:$0x1FDC0]  }
0x19e: {  	p0 =	sne.s32 s3, $0x4E00;
	v8 =	vadd.f32 v62, v8;
	v62 =	vadd.f32 v6, v3;
	v3 =	vld [tilespmem:$0x1FDD0]  }
.Ltmp0:
0x19f: {  	v55 =	vld [tilespmem:s0+$0x8040];
	v5 =	vmul.f32 v5, v26;
	(pc) =	sbr.rel @p0 .LBB2_3-.Ltmp0, $4  }
0x1a0: {  	v12 =	vmul.f32 v17, v12;
	v11 =	vadd.f32 v63, v11;
	v26 =	vld [tilespmem:$0x1FD80]  }
0x1a1: {  	v16 =	vld [tilespmem:$0x1FD90];
	v5 =	vadd.f32 v5, v60;
	v0 =	vmul.f32 v27, v0  }
0x1a2: {  	v25 =	vmov v4;
	v63 =	vadd.f32 v12, v11;
	v60 =	vld [tilespmem:s0+$0x870]  }
0x1a3: {  	s3 =	sadd.s32 $0x200, s3;
	v20 =	vmovc v57;
	v57 =	vld [tilespmem:s0+$0x8050];
	v61 =	vadd.f32 v9, v8;
	v2 =	vmul.f32 v3, v2;
	v0 =	vadd.f32 v0, v5  }
0x1a4: {  	v9 =	vld [tilespmem:s0+$0xF840];
	_ =	sdelay $0x1  }
0x1a5: {  	v13 =	vld [tilespmem:s0+$0xF860]  }
0x1a6: {  	v14 =	vmul.f32 v55, v52;
	_ =	sdelay $0x1  }
0x1a7: {  	v10 =	vmul.f32 v42, v39;
	v9 =	vadd.f32 v14, v9;
	v14 =	vmul.f32 v59, v58  }
0x1a8: {  	v5 =	vmul.f32 v35, v34  }
0x1a9: {  	v11 =	vld [tilespmem:s0+$0xF850];
	v9 =	vadd.f32 v10, v9;
	v10 =	vadd.f32 v14, v13;
	v13 =	vmul.f32 v31, v28;
	_ =	sdelay $0x1  }
0x1aa: {  	v5 =	vadd.f32 v5, v9;
	v9 =	vadd.f32 v13, v10;
	v10 =	vmul.f32 v23, v22  }
0x1ab: {  	v4 =	vmul.f32 v57, v56  }
0x1ac: {  	v9 =	vadd.f32 v10, v9;
	v10 =	vmul.f32 v21, v20  }
0x1ad: {  	v11 =	vadd.f32 v4, v11;
	v4 =	vmul.f32 v29, v7;
	v7 =	vld [tilespmem:$0x1FEC0]  }
0x1ae: {  	v9 =	vadd.f32 v10, v9;
	v10 =	vld [tilespmem:$0x1FED0];
	_ =	sdelay $0x1  }
0x1af: {  	v6 =	vld [tilespmem:s0+$0x8070];
	v12 =	vmul.f32 v40, v38  }
0x1b0: {  	v15 =	vld [tilespmem:s0+$0xF870]  }
0x1b1: {  	v17 =	vld [tilespmem:s0+$0x3070];
	v0 =	vadd.f32 v2, v0;
	v2 =	vmul.f32 v33, v32;
	v11 =	vadd.f32 v12, v11  }
0x1b2: {  	v10 =	vmul.f32 v10, v7;
	v7 =	vld [tilespmem:$0x1FF00]  }
0x1b3: {  	v18 =	vld [tilespmem:s0+$0xA870];
	v2 =	vadd.f32 v2, v11  }
0x1b4: {  	v19 =	vld [tilespmem:s0+$0x4470]  }
0x1b5: {  	v6 =	vmul.f32 v6, v60;
	v14 =	vld [tilespmem:s0+$0xBC70];
	v2 =	vadd.f32 v37, v2  }
0x1b6: {  	v1 =	vadd.f32 v1, v62;
	v8 =	vadd.f32 v53, v63;
	v12 =	vld [tilespmem:s0+$0x5870]  }
0x1b7: {  	v6 =	vadd.f32 v6, v15;
	v2 =	vadd.f32 v7, v2;
	v7 =	vld [tilespmem:$0x1FEE0]  }
0x1b8: {  	v3 =	vadd.f32 v54, v61;
	v13 =	vld [tilespmem:s0+$0xD070];
	v5 =	vadd.f32 v41, v5  }
0x1b9: {  	v1 =	vadd.f32 v51, v1;
	v4 =	vadd.f32 v4, v6;
	v6 =	vmul.f32 v18, v17  }
0x1ba: {  	v8 =	vadd.f32 v48, v8;
	v15 =	vld [tilespmem:s0+$0xE470];
	v5 =	vadd.f32 v30, v5  }
0x1bb: {  	v3 =	vadd.f32 v49, v3;
	v11 =	vld [tilespmem:s0+$0x6C70];
	v4 =	vadd.f32 v6, v4;
	v6 =	vmul.f32 v14, v19  }
0x1bc: {  	v5 =	vadd.f32 v7, v5;
	v7 =	vadd.f32 v10, v9;
	v10 =	vld [tilespmem:$0x1FEF0]  }
0x1bd: {  	v0 =	vadd.f32 v50, v0;
	v4 =	vadd.f32 v6, v4;
	v6 =	vmul.f32 v13, v12;
	v13 =	vld [tilespmem:$0x1FE80]  }
0x1be: {  	v1 =	vadd.f32 v47, v1;
	v8 =	vadd.f32 v44, v8;
	v9 =	vld [tilespmem:$0x1FEB0]  }
0x1bf: {  	v3 =	vadd.f32 v45, v3;
	v0 =	vadd.f32 v46, v0  }
0x1c0: {  	v61 =	vld [tilespmem:$0x1FDE0];
	v1 =	vadd.f32 v43, v1;
	[tilespmem:s0+$0xF810] =	vst v8;
	v4 =	vadd.f32 v6, v4;
	v6 =	vmul.f32 v15, v11  }
0x1c1: {  	v62 =	vld [tilespmem:$0x1FDF0];
	v0 =	vadd.f32 v36, v0;
	[tilespmem:s0+$0xF800] =	vst v3;
	v2 =	vadd.f32 v10, v2;
	v10 =	vmul.f32 v3, v3  }
0x1c2: {  	[tilespmem:s0+$0xF820] =	vst v1;
	v12 =	vld [tilespmem:$0x1FE90];
	v4 =	vadd.f32 v6, v4  }
0x1c3: {  	v59 =	vld [tilespmem:$0x1FE20];
	[tilespmem:s0+$0xF830] =	vst v0;
	v9 =	vmul.f32 v9, v16;
	v13 =	vadd.f32 v10, v13;
	v10 =	vmul.f32 v5, v5  }
0x1c4: {  	v63 =	vld [tilespmem:$0x1FE30];
	[tilespmem:s0+$0xF870] =	vst v4  }
0x1c5: {  	v11 =	vmul.f32 v8, v8;
	[tilespmem:s0+$0xF840] =	vst v5;
	v7 =	vadd.f32 v9, v7;
	v20 =	vadd.f32 v10, v61;
	v10 =	vld [tilespmem:$0x1FE00]  }
0x1c6: {  	v60 =	vld [tilespmem:$0x1FE10];
	v9 =	vmul.f32 v1, v1;
	[tilespmem:s0+$0xF850] =	vst v2  }
0x1c7: {  	s12 =	sadd.s32 s9, s31;
	s3 =	simm.s32 $0x0;
	v14 =	vld [tilespmem:$0x1FE40];
	v12 =	vadd.f32 v11, v12;
	v11 =	vmul.f32 v2, v2;
	[tilespmem:s0+$0xF860] =	vst v7  }
0x1c8: {  	v15 =	vld [tilespmem:$0x1FE60];
	v17 =	vadd.f32 v9, v59;
	v9 =	vmul.f32 v7, v7;
	[hbm4b:s12+s3] =	stream.linear.scatter [tilespmem:s28], [sflag:$0x2], $0x1400, $0x38  }
0x1c9: {  	v19 =	vadd.f32 v11, v62;
	v11 =	vld [tilespmem:$0x1FE70];
	_ =	swait.ge [sflag:s13], $0x1400  }
0x1ca: {  	v10 =	vadd.f32 v9, v10;
	v9 =	vld [tilespmem:$0x1FE50]  }
0x1cb: {  	v6 =	vmul.f32 v0, v0;
	_ =	sdelay $0x1  }
0x1cc: {  	v14 =	vadd.f32 v0, v14;
	v18 =	vadd.f32 v6, v60;
	v6 =	vmul.f32 v4, v4;
	v0 =	vld [tilespmem:$0x1FEA0]  }
0x1cd: {  	p0 =	sne.s32 s30, s11;
	v15 =	vadd.f32 v3, v15  }
.Ltmp1:
0x1ce: {  	v25 =	vadd.f32 v6, v25;
	v9 =	vadd.f32 v5, v9;
	(pc) =	sbr.rel @p0 .LBB2_2-.Ltmp1, $4  }
0x1cf: {  	v16 =	vadd.f32 v8, v63;
	v2 =	vadd.f32 v2, v26  }
0x1d0: {  	v6 =	vmovc v18;
	v8 =	vmov v17;
	v11 =	vadd.f32 v1, v11;
	v1 =	vadd.f32 v7, v24  }
0x1d1: {  	s31 =	sadd.s32 $0x1, s30;
	[sflag:s13] =	ssyncset.done $0x0;
	v7 =	vmovc v12;
	v12 =	vmovc v14;
	v14 =	vmov v16;
	v3 =	vmov v10;
	v0 =	vadd.f32 v4, v0  }
0x1d2: {  	s30 =	smov.u32 s31;
	[sflag:s13] =	ssyncadd.s32 $0xFFFFEC00;
	v4 =	vmovc v19;
	v5 =	vmovc v20;
	v10 =	vmov v9;
	v9 =	vmov v13;
	v13 =	vmov v15  }
0x1d3: {  	[tilespmem:$0x10C00] =	vst v13  }
0x1d4: {  	[tilespmem:$0x10C80] =	vst v9  }
0x1d5: {  	[tilespmem:$0x10C10] =	vst v14  }
0x1d6: {  	[tilespmem:$0x10C90] =	vst v7  }
0x1d7: {  	[tilespmem:$0x10C20] =	vst v11  }
0x1d8: {  	[tilespmem:$0x10CA0] =	vst v8  }
0x1d9: {  	[tilespmem:$0x10C30] =	vst v12  }
0x1da: {  	[tilespmem:$0x10CB0] =	vst v6  }
0x1db: {  	[tilespmem:$0x10C40] =	vst v10  }
0x1dc: {  	[tilespmem:$0x10CC0] =	vst v5  }
0x1dd: {  	[tilespmem:$0x10C50] =	vst v2  }
0x1de: {  	[tilespmem:$0x10CD0] =	vst v4  }
0x1df: {  	[tilespmem:$0x10C60] =	vst v1  }
0x1e0: {  	[tilespmem:$0x10CE0] =	vst v3  }
0x1e1: {  	[tilespmem:$0x10C70] =	vst v0  }
0x1e2: {  	[tilespmem:$0x10CF0] =	vst v25;
	s0 =	simm.s32 $0x0;
	s3 =	rddreg [dreg:$0x3];
	s10 =	simm.s32 $0x10C00  }
0x1e3: {  	[hbm4b:s3+s0] =	stream.linear.scatter [tilespmem:s10], [sflag:$0x2], $0x100, $0x38;
	[tilespmem:$0x10D00] =	vst v63  }
0x1e4: {  	_ =	swait.ge [sflag:s13], $0x100  }
0x1e5: {  	s30 =	rddreg [dreg:$0x5]  }
0x1e6: {  	s31 =	rddreg [dreg:$0x4];
	s3 =	sadd.s32 $0x1, s30  }
0x1e7: {  	p0 =	sne.s32 s3, s31  }
.Ltmp2:
0x1e8: {  	_ = 	snop;
	(pc) =	sbr.rel @p0 .LBB2_1-.Ltmp2, $3  }
0x1e9: {  	_ =	sdelay $0x1  }
0x1ea: {  	[sflag:s13] =	ssyncset.done $0x0  }
0x1eb: {  	[sflag:s13] =	ssyncadd.s32 $0xFFFFFF00  }
0x1ec: {  	_ =	sfence.sel $0x180000  }
0x1ed: {  	[bflag:$0x0] =	sbarrier.arrive $0xFFFF  }
0x1ee: {  	_ =	strace $0x9000004A  }
0x1ef: {  	s0 =	stileid.u32;
	[bflag:$0x2] =	sbarrier.arrive $0xFFFF  }
0x1f0: {  	p0 =	sne.s32 s0, $0x0;
	s0 =	rddreg [dreg:$0x2]  }
0x1f1: {  	s0 =	sadd.s32 @!p0 $0x100000, s0  }
0x1f2: {  	[sflag:s0] =	ssyncadd.tile.s32 @!p0 $0x1;
	_ =	shalt  }
.Lfunc_end2:
_tile_overlayer_lowered:
.L_overlay_start_2:
0x1f3: {  	(tag) =	ssettag $0x2  }
0x1f4: {  	s0 =	rddreg [dreg:$0x0];
	s2 =	stileid.u32  }
0x1f5: {  	s1 =	rddreg [dreg:$0x1];
	p0 =	sne.s32 s2, $0x0  }
0x1f6: {  	s3 =	rddreg [dreg:$0x2];
	[bflag:$0x3] =	sbarrier.arrive $0xFFFF;
	s2 =	simm.s32 @!p0 $0x1C02  }
0x1f7: {  	[timem:s3], [sflag:s2] =	dma.local @!p0 [hbm:s0], s1  }
0x1f8: {  	s0 =	simm.s32 @!p0 $0x2  }
0x1f9: {  	_ =	swait.ge @!p0 [sflag:s0], s1  }
0x1fa: {  	s1 =	ssub.s32 @!p0 $0x0, s1;
	[sflag:s0] =	ssyncset.done @!p0 $0x0  }
0x1fb: {  	[sflag:s0] =	ssyncadd.s32 @!p0 s1  }
0x1fc: {  	[bflag:$0x3] =	sbarrier.arrive $0xFFFF  }
0x1fd: {  	_ =	shalt  }

// kernel: kernel.8.cloned.1.call-start
scs
__scs_entry_jumppad:
0x0: {  	(pc) =	sbr.rel $0x88, $3  }
0x1: {  	(tag) =	ssettag $0x0;
	lr =	simm.s32 $0x1  }
0x2: {  	[smem:$0x3F8E] =	sst lr;
	_ =	strace $0xD0000000  }
0x3: {  	_ = 	snop  }
0x4: {  	_ = 	snop  }
0x5: {  	_ = 	snop  }
0x6: {  	_ = 	snop  }
0x7: {  	_ = 	snop  }
__scs_overlays_trampoline_lowered:
0x8: {  	[smem:$0x3F9D] =	sst s0  }
0x9: {  	[smem:$0x3F9E] =	sst s1  }
0xa: {  	[smem:$0x3F9F] =	sst s2  }
0xb: {  	[smem:$0x3FA0] =	sst s3  }
0xc: {  	[smem:$0x3FA1] =	sst s4  }
0xd: {  	[smem:$0x3FA2] =	sst s5  }
0xe: {  	[smem:$0x3FA3] =	sst s6  }
0xf: {  	[smem:$0x3FA4] =	sst s7  }
0x10: {  	[smem:$0x3FA5] =	sst s8  }
0x11: {  	[smem:$0x3FA6] =	sst s9;
	s0 =	simm.s32 @!p0 $0x0  }
0x12: {  	s1 =	sld [smem:$0x3F8C];
	s0 =	simm.s32 @p0 $0x1  }
0x13: {  	[smem:$0x3FA7] =	sst s0;
	s0 =	simm.s32 @!p1 $0x0  }
0x14: {  	s2 =	sld [smem:$0x3F8B];
	s0 =	simm.s32 @p1 $0x1  }
0x15: {  	[smem:$0x3FA8] =	sst s0;
	s0 =	simm.s32 @!p2 $0x0  }
0x16: {  	s3 =	sld [smem:$0x3FDB];
	s0 =	simm.s32 @p2 $0x1  }
0x17: {  	s4 =	simm.s32 $0x1BF5;
	[smem:$0x3FAA] =	sst s0  }
0x18: {  	s0 =	sld [smem:$0x3F8D];
	_ =	swait.ge [sflag:s4], $0x0  }
0x19: {  	s7 =	sld [smem:$0x3F8E]  }
0x1a: {  	s8 =	sadd.s32 $0xFFFFE003, lr  }
0x1b: {  	s9 =	sadd.s32 $0xFFFFFEF7, lr;
	s5 =	simm.s32 $0xFFFFFFFF;
	p2 =	slt.u32 s8, $0xFFFFF086  }
0x1c: {  	p1 =	slt.u32 s9, $0xF7A;
	s5 =	simm.s32 @!p2 $0x0  }
0x1d: {  	s5 =	simm.s32 @p1 $0x1;
	p0 =	seq.s32 s7, s2  }
0x1e: {  	s7 =	smul.u32 @!p0 $0xF7A, s2;
	p2 =	seq.s32 @!p0 s5, $0x0  }
0x1f: {  	s9 =	smul.u32 $0xF7A, s1;
	s8 =	simm.s32 @!p0 $0x1BF5;
	p2 =	por !p2, p0  }
0x20: {  	[sflag:s8] =	ssyncset.s32 @!p0 $0xFFFFF086;
	s6 =	sadd.s32 @!p0 s3, s7;
	s7 =	simm.s32 @!p0 $0x108  }
0x21: {  	s3 =	sadd.s32 s3, s9;
	s6 =	sadd.s32 @!p0 $0x88, s6;
	s7 =	simm.s32 @p2 $0x1082  }
0x22: {  	[simem:s7], [sflag:s8] =	dma.local @!p0 [hbm:s6], $0xF7A  }
0x23: {  	s9 =	sor.u32 $0xD0000000, s2;
	s6 =	simm.s32 $0x108;
	_ =	swait.ge @!p0 [sflag:s8], $0x0  }
0x24: {  	s3 =	sadd.s32 $0x88, s3;
	s6 =	simm.s32 @!p1 $0x1082;
	[sflag:s4] =	ssyncset.s32 $0xFFFFF086  }
0x25: {  	[simem:s6], [sflag:s4] =	dma.local [hbm:s3], $0xF7A  }
0x26: {  	[smem:$0x3F8E] =	sst s1;
	(tag) =	ssettag s2;
	_ =	strace s9  }
0x27: {  	s1 =	sld [smem:$0x3F9E]  }
0x28: {  	s2 =	sld [smem:$0x3F9F]  }
0x29: {  	s4 =	sld [smem:$0x3FA1]  }
0x2a: {  	p0 =	seq.s32 s5, $0x0;
	s5 =	sld [smem:$0x3FA2]  }
0x2b: {  	s6 =	sld [smem:$0x3FA3]  }
0x2c: {  	s7 =	sld [smem:$0x3FA4]  }
0x2d: {  	s3 =	simm.s32 $0x108;
	s8 =	sld [smem:$0x3FA5]  }
0x2e: {  	s3 =	simm.s32 @!p0 $0x1082;
	s9 =	sld [smem:$0x3FA6]  }
0x2f: {  	lr =	sadd.s32 s0, s3;
	s0 =	sld [smem:$0x3F9D]  }
0x30: {  	s3 =	sld [smem:$0x3FA0]  }
0x31: {  	[smem:$0x3FA9] =	sst s10  }
0x32: {  	s10 =	sld [smem:$0x3FA7];
	_ =	sdelay $0x3  }
0x33: {  	p0 =	seq.s32 s10, $0x1;
	s10 =	sld [smem:$0x3FA9];
	_ =	sdelay $0x3  }
0x34: {  	[smem:$0x3FA9] =	sst s10  }
0x35: {  	s10 =	sld [smem:$0x3FA8];
	_ =	sdelay $0x3  }
0x36: {  	p1 =	seq.s32 s10, $0x1;
	s10 =	sld [smem:$0x3FA9];
	_ =	sdelay $0x3  }
0x37: {  	[smem:$0x3FA9] =	sst s10  }
0x38: {  	s10 =	sld [smem:$0x3FAA]  }
0x39: {  	_ = 	snop;
	(pc) =	sbr.ind lr, $3  }
0x3a: {  	_ = 	snop  }
0x3b: {  	_ = 	snop  }
0x3c: {  	p2 =	seq.s32 s10, $0x1;
	s10 =	sld [smem:$0x3FA9]  }
0x3d: {  	_ =	shalt  }
0x3e: {  	_ =	shalt  }
0x3f: {  	_ =	shalt  }
0x40: {  	_ =	shalt  }
0x41: {  	_ =	shalt  }
0x42: {  	_ =	shalt  }
0x43: {  	_ =	shalt  }
0x44: {  	_ =	shalt  }
0x45: {  	_ =	shalt  }
0x46: {  	_ =	shalt  }
0x47: {  	_ =	shalt  }
0x48: {  	_ =	shalt  }
0x49: {  	_ =	shalt  }
0x4a: {  	_ =	shalt  }
0x4b: {  	_ =	shalt  }
0x4c: {  	_ =	shalt  }
0x4d: {  	_ =	shalt  }
0x4e: {  	_ =	shalt  }
0x4f: {  	_ =	shalt  }
0x50: {  	_ =	shalt  }
0x51: {  	_ =	shalt  }
0x52: {  	_ =	shalt  }
0x53: {  	_ =	shalt  }
0x54: {  	_ =	shalt  }
0x55: {  	_ =	shalt  }
0x56: {  	_ =	shalt  }
0x57: {  	_ =	shalt  }
0x58: {  	_ =	shalt  }
0x59: {  	_ =	shalt  }
0x5a: {  	_ =	shalt  }
0x5b: {  	_ =	shalt  }
0x5c: {  	_ =	shalt  }
0x5d: {  	_ =	shalt  }
0x5e: {  	_ =	shalt  }
0x5f: {  	_ =	shalt  }
0x60: {  	_ =	shalt  }
0x61: {  	_ =	shalt  }
0x62: {  	_ =	shalt  }
0x63: {  	_ =	shalt  }
0x64: {  	_ =	shalt  }
0x65: {  	_ =	shalt  }
0x66: {  	_ =	shalt  }
0x67: {  	_ =	shalt  }
0x68: {  	_ =	shalt  }
0x69: {  	_ =	shalt  }
0x6a: {  	_ =	shalt  }
0x6b: {  	_ =	shalt  }
0x6c: {  	_ =	shalt  }
0x6d: {  	_ =	shalt  }
0x6e: {  	_ =	shalt  }
0x6f: {  	_ =	shalt  }
0x70: {  	_ =	shalt  }
0x71: {  	_ =	shalt  }
0x72: {  	_ =	shalt  }
0x73: {  	_ =	shalt  }
0x74: {  	_ =	shalt  }
0x75: {  	_ =	shalt  }
0x76: {  	_ =	shalt  }
0x77: {  	_ =	shalt  }
0x78: {  	_ =	shalt  }
0x79: {  	_ =	shalt  }
0x7a: {  	_ =	shalt  }
0x7b: {  	_ =	shalt  }
0x7c: {  	_ =	shalt  }
0x7d: {  	_ =	shalt  }
0x7e: {  	_ =	shalt  }
0x7f: {  	_ =	shalt  }
0x80: {  	_ =	shalt  }
0x81: {  	_ =	shalt  }
0x82: {  	_ =	shalt  }
0x83: {  	_ =	shalt  }
0x84: {  	_ =	shalt  }
0x85: {  	_ =	shalt  }
0x86: {  	_ =	shalt  }
0x87: {  	_ =	shalt  }
.Lfunc_end0:
.L_simem_size_0:
called_computation_lowered:
.L_overlay_start_0:
0x88: {  	s2 =	sld [smem:$0x3FD9]  }
0x89: {  	s3 =	sld [smem:$0x3FFE];
	_ =	sdelay $0x1  }
0x8a: {  	s1 =	srdreg.scid  }
0x8b: {  	s0 =	sand.u32 $0x1, s1  }
0x8c: {  	s14 =	sshll.u32 s0, $0xA;
	s2 =	sadd.s32 s3, s2  }
0x8d: {  	s2 =	sadd.s32 s2, s14  }
0x8e: {  	[smem:$0x3FB5] =	sst s2  }
0x8f: {  	_ = 	snop  }
0x90: {  	s2 =	sld [smem:$0x3FD0];
	_ =	sdelay $0x2  }
0x91: {  	s15 =	simm.s32 $0xA;
	s4 =	simm.s32 $0x10  }
0x92: {  	[smem:s4], [sflag:s15] =	dma.local [hbm:s2], $0x1  }
0x93: {  	_ =	swait.eq [sflag:s15], $0x1  }
0x94: {  	[sflag:s15] =	ssyncset.done $0x0  }
0x95: {  	[sflag:s15] =	ssyncadd.s32 $0xFFFFFFFF  }
0x96: {  	s16 =	sld [smem:$0x11];
	(tm) =	ssettm $0x1  }
0x97: {  	s17 =	sld [smem:$0x3FFB];
	_ =	sdelay $0x3  }
0x98: {  	_ =	strace s17  }
0x99: {  	s3 =	sld [smem:$0x3FFC];
	_ =	sdelay $0x3  }
0x9a: {  	_ =	strace s3  }
0x9b: {  	s3 =	sld [smem:$0x3FFD];
	_ =	sdelay $0x3  }
0x9c: {  	_ =	strace s3  }
0x9d: {  	_ =	strace $0x8FFFFFFF  }
0x9e: {  	s18 =	sld [smem:$0x3FDB];
	_ =	sdelay $0x1  }
0x9f: {  	s19 =	simm.s32 $_scs_section_size  }
0xa0: {  	s5 =	simm.s32 $_size__tile_overlayer_lowered;
	s6 =	simm.s32 $_tile_overlayer_lowered  }
0xa1: {  	s22 =	simm.s32 $0x1BFF;
	s21 =	sshll.u32 s6, $0x1;
	s3 =	sadd.s32 s19, s18  }
0xa2: {  	s7 =	simm.s32 $0x0;
	s20 =	sshll.u32 s5, $0x1;
	s5 =	sadd.s32 s21, s3  }
0xa3: {  	[timem:s7], [sflag:s22] =	dma.local [hbm:s5], s20  }
0xa4: {  	_ =	swait.ge [sflag:s22], s20  }
0xa5: {  	s4 =	ssub.s32 $0x0, s20;
	[sflag:s22] =	ssyncset.done $0x0  }
0xa6: {  	[sflag:s22] =	ssyncadd.s32 s4;
	_ =	sdelay $0x1  }
0xa7: {  	s23 =	simm.s32 $0x1B8B  }
0xa8: {  	_ =	swait.ge [sflag:s23], $0x1  }
0xa9: {  	[sflag:s23] =	ssyncset.done $0x0  }
0xaa: {  	s25 =	simm.s32 $0x1B8E;
	s24 =	sld [smem:$0x3FFE];
	[sflag:s23] =	ssyncadd.s32 $0xFFFFFFFF  }
0xab: {  	s26 =	simm.s32 $execute0_lowered;
	[smem:$0x3FD2] =	sst s25  }
0xac: {  	s5 =	sshll.u32 s26, $0x1;
	_ =	strace $0x80000046;
	[dreg:$0x1] =	wrdreg $0xFFFFFFFF  }
0xad: {  	s28 =	simm.s32 $_size_execute0_lowered;
	s3 =	sadd.s32 s3, s5;
	[dreg:$0x0] =	wrdreg $0x0  }
0xae: {  	s5 =	sshll.u32 s28, $0x1;
	[dreg:$0x2] =	wrdreg s3  }
0xaf: {  	[dreg:$0x3] =	wrdreg s5  }
0xb0: {  	[dreg:$0x4] =	wrdreg $0xC0  }
0xb1: {  	_ =	task [dreg:s7], $0x5FFFF  }
0xb2: {  	[dreg:$0x1] =	wrdreg $0xFFFFFFFF  }
0xb3: {  	[dreg:$0x0] =	wrdreg $0x60  }
0xb4: {  	[dreg:$0x2] =	wrdreg s24  }
0xb5: {  	[dreg:$0x3] =	wrdreg s16  }
0xb6: {  	[dreg:$0x4] =	wrdreg $0x9  }
0xb7: {  	_ =	task.clear_ibuf [dreg:s7], $0x5FFFF;
	_ =	strace $0x90000046  }
0xb8: {  	s29 =	simm.s32 $0x9;
	_ =	strace $0x80000048  }
0xb9: {  	_ =	swait.ge [sflag:s29], $0x1  }
0xba: {  	[sflag:s29] =	ssyncadd.s32 $0xFFFFFFFF  }
0xbb: {  	_ =	strace $0x90000048  }
0xbc: {  	_ =	sfence  }
0xbd: {  	s30 =	sld [smem:$0x0];
	_ =	sdelay $0x2  }
0xbe: {  	s31 =	sshll.u32 s1, $0xD;
	s1 =	sshrl.u32 s1, $0x2  }
0xbf: {  	s3 =	sand.u32 $0x4000, s31;
	s1 =	sadd.s32 s1, s30  }
0xc0: {  	s0 =	sor.u32 s3, s0;
	s1 =	sshll.u32 s1, $0x11  }
0xc1: {  	s0 =	sor.u32 s1, s0  }
0xc2: {  	s0 =	sadd.s32 $0x8F2B, s0  }
0xc3: {  	[sflag:s0] =	ssyncadd.remote.s32 $0x1  }
0xc4: {  	_ =	sfence.sel $0xFFFF  }
0xc5: {  	[dreg:$0x0] =	wrdreg $0xFFFFFFFF;
	(pc) =	sbr.abs _section_cstart, $3  }
0xc6: {  	[dreg:$0x1] =	wrdreg $0xFFFFFFFF  }
0xc7: {  	_ =	task.clear_ibuf [dreg:s7], $0x2FFFF;
	_ =	strace $0x9FFFFFFF  }
0xc8: {  	(tm) =	ssettm $0x7FFFFFFF  }
0xc9: {  	_ =	shalt  }
tec
execute0_lowered:
.L_overlay_start_1:
0x0: {  	(tag) =	ssettag $0x1  }
0x1: {  	s11 =	rddreg [dreg:$0x0]  }
0x2: {  	s1 =	rddreg [dreg:$0x1]  }
0x3: {  	s0 =	rddreg [dreg:$0x2];
	s2 =	simm.s32 $0x0  }
0x4: {  	s7 =	srdreg.scid;
	s3 =	stileid.u32;
	s15 =	simm.s32 $0x80  }
0x5: {  	s16 =	simm.s32 $0x60;
	s17 =	simm.s32 $0x100;
	s18 =	simm.s32 $0x3100  }
0x6: {  	s19 =	simm.s32 $0x6100;
	s20 =	simm.s32 $0x1;
	s21 =	simm.s32 $0x9100  }
0x7: {  	s22 =	simm.s32 $0xC100;
	s23 =	simm.s32 $0xF100;
	s24 =	simm.s32 $0x0  }
0x8: {  	[smem:$0x7FF] =	sst s2;
	s4 =	sadd.s32 $0x15200, s11;
	s5 =	sadd.s32 $0xD8800, s11  }
0x9: {  	s6 =	sadd.s32 $0xBE00, s11;
	s12 =	sand.u32 $0x1, s7;
	s7 =	sadd.s32 $0x2A00, s11  }
0xa: {  	s9 =	sshll.u32 s3, $0x1;
	s8 =	sadd.s32 $0x25F800, s11;
	s10 =	sadd.s32 $0x6F3600, s11  }
0xb: {  	_ =	strace $0x80000047;
	s9 =	sor.u32 s12, s9;
	s12 =	ssub.s32 $0x2, s12  }
0xc: {  	s13 =	sshll.u32 s9, $0x5;
	s31 =	sshrl.u32 s12, $0x1;
	s14 =	ssub.s32 $0xC34, s9  }
0xd: {  	s11 =	sadd.s32 s13, s11;
	s13 =	ssub.s32 s12, s31;
	s12 =	sshrl.u32 s14, $0x5  }
0xe: {  	s14 =	simm.s32 $0x2;
	s11 =	sadd.s32 $0x25F400, s11;
	s13 =	smax.u32 s13, $0x1  }
.LBB2_1:
0xf: {  	v5 =	vimm.f32 $0.0e+00  }
0x10: {  	v10 =	vimm.f32 $0.0e+00;
	v12 =	vimm.f32 $0.0e+00;
	v15 =	vimm.f32 $0.0e+00  }
0x11: {  	v8 =	vimm.f32 $0.0e+00;
	v11 =	vimm.f32 $0.0e+00;
	v6 =	vimm.f32 $0.0e+00  }
0x12: {  	v0 =	vimm.f32 $0.0e+00;
	v7 =	vimm.f32 $0.0e+00;
	v13 =	vimm.f32 $0.0e+00  }
0x13: {  	v9 =	vimm.f32 $0.0e+00;
	v14 =	vimm.f32 $0.0e+00;
	v1 =	vimm.f32 $0.0e+00  }
0x14: {  	v16 =	vimm.f32 $0.0e+00;
	v4 =	vimm.f32 $0.0e+00;
	v3 =	vimm.f32 $0.0e+00;
	s25 =	simm.s32 $0x0  }
.LBB2_2:
0x15: {  	s26 =	sshll.u32 s25, $0x5  }
0x16: {  	s26 =	sor.u32 s9, s26  }
0x17: {  	s28 =	smul.u32 $0x60, s26;
	_ =	sdelay $0x1  }
0x18: {  	s28 =	sshrl.u32 s28, $0x3  }
0x19: {  	s30 =	simm.s32 $0x0;
	s29 =	sadd.s32 s6, s28  }
0x1a: {  	[tilespmem:s30], [sflag:$0x2] =	stream.linear.gather [hbm4b:s29+s30], $0x60, $0x38;
	[tilespmem:$0xF200] =	vst v63  }
0x1b: {  	_ =	swait.ge [sflag:s14], $0x60  }
0x1c: {  	[sflag:s14] =	ssyncset.done $0x0  }
0x1d: {  	s28 =	sadd.s32 s7, s28;
	[sflag:s14] =	ssyncadd.s32 $0xFFFFFFA0  }
0x1e: {  	[tilespmem:s15], [sflag:$0x2] =	stream.linear.gather [hbm4b:s28+s30], $0x60, $0x38;
	[tilespmem:$0xF200] =	vst v63  }
0x1f: {  	_ =	swait.ge [sflag:s14], $0x60  }
0x20: {  	[sflag:s14] =	ssyncset.done $0x0  }
0x21: {  	s26 =	smul.u32 $0x3000, s26;
	[sflag:s14] =	ssyncadd.s32 $0xFFFFFFA0  }
0x22: {  	[tilespmem:s17], [sflag:$0x1] =	stream.indirect.gather [hbm4b:s4+s16], $0x80, s30, s16, $0xb8;
	[tilespmem:$0xF200] =	vst v63  }
0x23: {  	s26 =	sshrl.u32 s26, $0x3  }
0x24: {  	[tilespmem:s18], [sflag:$0x1] =	stream.indirect.gather [hbm4b:s5+s16], $0x80, s15, s16, $0xb8;
	[tilespmem:$0xF200] =	vst v63  }
0x25: {  	s28 =	sadd.s32 s1, s26  }
0x26: {  	[tilespmem:s19], [sflag:$0x2] =	stream.linear.gather [hbm4b:s28+s30], $0x3000, $0x38;
	[tilespmem:$0xF200] =	vst v63  }
0x27: {  	_ =	swait.ge [sflag:s14], $0x3000  }
0x28: {  	[sflag:s14] =	ssyncset.done $0x0  }
0x29: {  	[sflag:s14] =	ssyncadd.s32 $0xFFFFD000  }
0x2a: {  	_ =	swait.ge [sflag:s20], $0x3000  }
0x2b: {  	[sflag:s20] =	ssyncset.done $0x0  }
0x2c: {  	[sflag:s20] =	ssyncadd.s32 $0xFFFFD000  }
0x2d: {  	_ =	swait.ge [sflag:s20], $0x3000  }
0x2e: {  	[sflag:s20] =	ssyncset.done $0x0  }
0x2f: {  	s28 =	simm.s32 $0x0;
	[sflag:s20] =	ssyncadd.s32 $0xFFFFD000  }
0x30: {  	v2 =	vld [tilespmem:s28+$0x6100]  }
0x31: {  	v17 =	vld [tilespmem:s28+$0x6130]  }
0x32: {  	v18 =	vld [tilespmem:s28+$0x3100]  }
0x33: {  	v19 =	vld [tilespmem:s28+$0x6170]  }
0x34: {  	v20 =	vld [tilespmem:s28+$0x3160]  }
0x35: {  	v21 =	vld [tilespmem:s28+$0x3110]  }
0x36: {  	v22 =	vld [tilespmem:s28+$0x3130]  }
0x37: {  	v23 =	vld [tilespmem:s28+$0x3170]  }
0x38: {  	v24 =	vld [tilespmem:s28+$0x3140]  }
0x39: {  	v25 =	vld [tilespmem:s28+$0x130]  }
0x3a: {  	v26 =	vld [tilespmem:s28+$0x170]  }
0x3b: {  	v27 =	vld [tilespmem:s28+$0x110]  }
0x3c: {  	v28 =	vld [tilespmem:s28+$0x3150]  }
0x3d: {  	v29 =	vld [tilespmem:s28+$0x3120]  }
0x3e: {  	v30 =	vld [tilespmem:s28+$0x160]  }
0x3f: {  	v31 =	vld [tilespmem:s28+$0x140];
	v22 =	vadd.f32 v22, v25  }
0x40: {  	v25 =	vld [tilespmem:s28+$0x100]  }
0x41: {  	v17 =	vadd.f32 v17, v22;
	v22 =	vld [tilespmem:s28+$0x120]  }
0x42: {  	v32 =	vld [tilespmem:s28+$0x6140];
	v23 =	vadd.f32 v23, v26  }
0x43: {  	v33 =	vld [tilespmem:s28+$0x6160]  }
0x44: {  	v26 =	vld [tilespmem:s28+$0x150];
	v24 =	vadd.f32 v24, v31;
	v19 =	vadd.f32 v19, v23  }
0x45: {  	v20 =	vadd.f32 v20, v30;
	v23 =	vld [tilespmem:s28+$0x6120];
	v18 =	vadd.f32 v18, v25  }
0x46: {  	v25 =	vld [tilespmem:s28+$0x6110];
	v22 =	vadd.f32 v29, v22;
	v29 =	vsub.f32 $0.0e+00, v19  }
0x47: {  	v24 =	vadd.f32 v32, v24;
	[tilespmem:s28+$0x9130] =	vst v17;
	v18 =	vadd.f32 v2, v18;
	v2 =	vld [tilespmem:s28+$0x6150]  }
0x48: {  	[tilespmem:s28+$0x9170] =	vst v19;
	v29 =	vmul.f32 $1.442695020e+00, v29  }
0x49: {  	v21 =	vadd.f32 v21, v27;
	v20 =	vadd.f32 v33, v20;
	[tilespmem:s28+$0x9140] =	vst v24  }
0x4a: {  	s29 =	simm.s32 $0x80;
	v26 =	vadd.f32 v28, v26;
	[tilespmem:s28+$0x9100] =	vst v18;
	v22 =	vadd.f32 v23, v22;
	(erf) = vpow2.f32 v29  }
0x4b: {  	v1 =	vadd.f32 v17, v1;
	v27 =	vld [tilespmem:s29+$0x6100];
	[tilespmem:s28+$0x9160] =	vst v20;
	v21 =	vadd.f32 v25, v21  }
0x4c: {  	v35 =	vsub.f32 $0.0e+00, v20;
	v23 =	vld [tilespmem:s29+$0x6130];
	[tilespmem:s28+$0x9120] =	vst v22;
	v26 =	vadd.f32 v2, v26  }
0x4d: {  	v39 =	vsub.f32 $0.0e+00, v24;
	v14 =	vadd.f32 v24, v14;
	v31 =	vld [tilespmem:s29+$0x3100];
	[tilespmem:s28+$0x9110] =	vst v21  }
0x4e: {  	v37 =	vmul.f32 v20, v20;
	v7 =	vadd.f32 v19, v7;
	v13 =	vadd.f32 v20, v13;
	v28 =	vld [tilespmem:s29+$0x6170];
	[tilespmem:s28+$0x9150] =	vst v26  }
0x4f: {  	v35 =	vmul.f32 $1.442695020e+00, v35;
	v52 =	vmul.f32 $1.442695020e+00, v39;
	v51 =	vsub.f32 $0.0e+00, v21;
	v36 =	vld [tilespmem:s29+$0x3160]  }
0x50: {  	v10 =	vadd.f32 v37, v10;
	v50 =	vsub.f32 $0.0e+00, v18;
	v25 =	vmul.f32 v19, v19;
	v30 =	vld [tilespmem:s29+$0x3110]  }
0x51: {  	v3 =	vadd.f32 v18, v3;
	v29 =	vmul.f32 v17, v17;
	v33 =	vmul.f32 $1.442695020e+00, v51;
	v34 =	vld [tilespmem:s29+$0x3130]  }
0x52: {  	v17 =	vsub.f32 $0.0e+00, v17;
	v40 =	vmul.f32 v22, v22;
	v2 =	vmul.f32 v18, v18;
	v42 =	vld [tilespmem:s29+$0x130]  }
0x53: {  	v4 =	vadd.f32 v21, v4;
	v21 =	vmul.f32 v21, v21;
	v38 =	vld [tilespmem:s29+$0x3170];
	(erf) = vpow2.f32 v33;
	v18 =	vpop (erf)  }
0x54: {  	v43 =	vsub.f32 $0.0e+00, v22;
	v41 =	vld [tilespmem:s29+$0x3140];
	(erf) = vpow2.f32 v35;
	v18 =	vadd.f32 $1.000000000e+00, v18  }
0x55: {  	v8 =	vadd.f32 v29, v8;
	v6 =	vadd.f32 v21, v6;
	v53 =	vld [tilespmem:s29+$0x170];
	(erf) = vpow2.f32 v52  }
0x56: {  	v21 =	vsub.f32 $0.0e+00, v26;
	v29 =	vmul.f32 v26, v26;
	v54 =	vld [tilespmem:s29+$0x110];
	(erf) = vrcp.f32 v18  }
0x57: {  	v9 =	vadd.f32 v26, v9;
	v44 =	vld [tilespmem:s29+$0x3120];
	v26 =	vadd.f32 v34, v42;
	v18 =	vmul.f32 $1.442695020e+00, v43  }
0x58: {  	v16 =	vadd.f32 v22, v16;
	v5 =	vadd.f32 v25, v5;
	v17 =	vmul.f32 $1.442695020e+00, v17;
	v55 =	vld [tilespmem:s29+$0x100]  }
0x59: {  	v11 =	vadd.f32 v40, v11;
	v57 =	vadd.f32 v23, v26;
	v26 =	vld [tilespmem:s29+$0x120];
	(erf) = vpow2.f32 v18  }
0x5a: {  	v25 =	vld [tilespmem:s29+$0x3150];
	v12 =	vadd.f32 v29, v12;
	v18 =	vmul.f32 v24, v24;
	(erf) = vpow2.f32 v17  }
0x5b: {  	v56 =	vld [tilespmem:s29+$0x140];
	v21 =	vmul.f32 $1.442695020e+00, v21;
	v29 =	vadd.f32 v30, v54;
	v23 =	vadd.f32 v38, v53  }
0x5c: {  	v19 =	vld [tilespmem:s29+$0x160];
	v1 =	vadd.f32 v57, v1;
	v24 =	vpop (erf);
	v15 =	vadd.f32 v18, v15  }
0x5d: {  	v58 =	vmul.f32 $1.442695020e+00, v50;
	v20 =	vld [tilespmem:s29+$0x6140];
	v18 =	vadd.f32 v28, v23;
	v23 =	vadd.f32 v31, v55;
	v22 =	vpop (erf)  }
0x5e: {  	v60 =	vld [tilespmem:s29+$0x6160];
	v24 =	vadd.f32 $1.000000000e+00, v24;
	v26 =	vadd.f32 v44, v26;
	v59 =	vpop (erf);
	(erf) = vpow2.f32 v21  }
0x5f: {  	v33 =	vld [tilespmem:s29+$0x6120];
	[tilespmem:s29+$0x9130] =	vst v57;
	v61 =	vsub.f32 $0.0e+00, v18;
	v23 =	vadd.f32 v27, v23;
	(erf) = vpow2.f32 v58;
	v21 =	vpop (erf)  }
0x60: {  	v30 =	vld [tilespmem:s29+$0x150];
	v17 =	vmul.f32 v57, v57;
	v27 =	vsub.f32 $0.0e+00, v57;
	[tilespmem:s28+$0xC170] =	vst v21;
	v21 =	vadd.f32 v41, v56  }
0x61: {  	v28 =	vadd.f32 $1.000000000e+00, v22;
	v62 =	vmul.f32 $1.442695020e+00, v61;
	(erf) = vrcp.f32 v24;
	v35 =	vld [tilespmem:s29+$0x6110]  }
0x62: {  	v22 =	vmul.f32 v18, v18;
	[tilespmem:s29+$0x9170] =	vst v18;
	v31 =	vpop (erf);
	v34 =	vld [tilespmem:s29+$0x6150];
	v20 =	vadd.f32 v20, v21;
	v21 =	vadd.f32 v36, v19  }
0x63: {  	v32 =	vadd.f32 $1.000000000e+00, v59;
	v24 =	vsub.f32 $0.0e+00, v23;
	(erf) = vpow2.f32 v62;
	[tilespmem:s29+$0x9100] =	vst v23;
	v63 =	vpop (erf)  }
0x64: {  	s30 =	simm.s32 $0x400;
	v19 =	vmul.f32 v23, v23;
	v36 =	vadd.f32 $1.000000000e+00, v63;
	[tilespmem:s29+$0x9140] =	vst v20;
	v21 =	vadd.f32 v60, v21  }
.LBB2_3:
0x65: {  	s31 =	sshra.s32 s30, $0x2;
	p0 =	sne.s32 s30, $0xBE00;
	s30 =	sadd.s32 $0x200, s30;
	v33 =	vadd.f32 v33, v26;
	v37 =	vadd.f32 v25, v30;
	(erf) = vrcp.f32 v32  }
0x66: {  	v26 =	vld [tilespmem:s31+$0x6100];
	v29 =	vadd.f32 v35, v29;
	v30 =	vsub.f32 $0.0e+00, v21;
	[tilespmem:s29+$0x9160] =	vst v21;
	(erf) = vrcp.f32 v36  }
0x67: {  	v35 =	vsub.f32 $0.0e+00, v20;
	v36 =	vmul.f32 v21, v21;
	v32 =	vld [tilespmem:s31+$0x6130];
	[tilespmem:s29+$0x9120] =	vst v33;
	v34 =	vadd.f32 v34, v37;
	v25 =	vpop (erf)  }
0x68: {  	v39 =	vmul.f32 v33, v33;
	v37 =	vld [tilespmem:s31+$0x3100];
	v38 =	vsub.f32 $0.0e+00, v29;
	[tilespmem:s29+$0x9110] =	vst v29;
	v25 =	vadd.f32 $1.000000000e+00, v25;
	v40 =	vpop (erf)  }
0x69: {  	v42 =	vsub.f32 $0.0e+00, v33;
	v30 =	vmul.f32 $1.442695020e+00, v30;
	v41 =	vld [tilespmem:s31+$0x6170];
	[tilespmem:s29+$0x9150] =	vst v34;
	v40 =	vadd.f32 $1.000000000e+00, v40  }
0x6a: {  	v31 =	vadd.f32 $1.000000000e+00, v31;
	v44 =	vsub.f32 $0.0e+00, v34;
	v43 =	vld [tilespmem:s31+$0x3160];
	v45 =	vpop (erf);
	(erf) = vrcp.f32 v25  }
0x6b: {  	v14 =	vadd.f32 v20, v14;
	v47 =	vmul.f32 $1.442695020e+00, v38;
	v46 =	vld [tilespmem:s31+$0x3110];
	[tilespmem:s28+$0xC110] =	vst v45;
	(erf) = vrcp.f32 v28  }
0x6c: {  	v4 =	vadd.f32 v29, v4;
	v38 =	vmul.f32 $1.442695020e+00, v44;
	v28 =	vld [tilespmem:s31+$0x3130];
	(erf) = vrcp.f32 v31  }
0x6d: {  	v3 =	vadd.f32 v23, v3;
	v23 =	vmul.f32 v29, v29;
	v31 =	vld [tilespmem:s31+$0x3170];
	(erf) = vpow2.f32 v47;
	v25 =	vpop (erf)  }
0x6e: {  	v5 =	vadd.f32 v22, v5;
	v29 =	vmul.f32 $1.442695020e+00, v35;
	v44 =	vld [tilespmem:s31+$0x3140];
	(erf) = vrcp.f32 v40;
	v22 =	vpop (erf)  }
0x6f: {  	v6 =	vadd.f32 v23, v6;
	v23 =	vadd.f32 $1.000000000e+00, v25;
	v35 =	vld [tilespmem:s31+$0x130];
	(erf) = vpow2.f32 v30;
	[tilespmem:s28+$0xC140] =	vst v22;
	v22 =	vpop (erf)  }
0x70: {  	v8 =	vadd.f32 v17, v8;
	v40 =	vmul.f32 $1.442695020e+00, v42;
	v30 =	vld [tilespmem:s31+$0x170];
	(erf) = vpow2.f32 v29  }
0x71: {  	v7 =	vadd.f32 v18, v7;
	v29 =	vmul.f32 v34, v34;
	v17 =	vld [tilespmem:s31+$0x110];
	(erf) = vrcp.f32 v23;
	[tilespmem:s28+$0xC130] =	vst v22  }
0x72: {  	v10 =	vadd.f32 v36, v10;
	v9 =	vadd.f32 v34, v9;
	v25 =	vld [tilespmem:s31+$0x3150];
	(erf) = vpow2.f32 v40  }
0x73: {  	v36 =	vmul.f32 $1.442695020e+00, v27;
	v11 =	vadd.f32 v39, v11;
	v12 =	vadd.f32 v29, v12;
	v34 =	vld [tilespmem:s31+$0x3120];
	v22 =	vpop (erf)  }
0x74: {  	v13 =	vadd.f32 v21, v13;
	v23 =	vadd.f32 v28, v35;
	v27 =	vld [tilespmem:s31+$0x160];
	v35 =	vmul.f32 v20, v20;
	[tilespmem:s28+$0xC150] =	vst v22;
	v21 =	vpop (erf)  }
0x75: {  	v0 =	vadd.f32 v2, v0;
	v22 =	vld [tilespmem:s31+$0x100];
	v28 =	vadd.f32 v31, v30;
	(erf) = vpow2.f32 v36;
	[tilespmem:s28+$0xC160] =	vst v21;
	v2 =	vpop (erf)  }
0x76: {  	v29 =	vadd.f32 v46, v17;
	v21 =	vadd.f32 v32, v23;
	v23 =	vld [tilespmem:s31+$0x140];
	v18 =	vpop (erf);
	[tilespmem:s28+$0xC120] =	vst v2;
	v2 =	vmov v19  }
0x77: {  	v24 =	vmul.f32 $1.442695020e+00, v24;
	v16 =	vadd.f32 v33, v16;
	v15 =	vadd.f32 v35, v15;
	v19 =	vld [tilespmem:s31+$0x120];
	v20 =	vpop (erf)  }
0x78: {  	v39 =	vadd.f32 $1.000000000e+00, v18;
	v1 =	vadd.f32 v21, v1;
	v17 =	vmul.f32 v21, v21;
	v36 =	vld [tilespmem:s31+$0x6140];
	v31 =	vpop (erf);
	[tilespmem:s28+$0xC100] =	vst v20;
	s28 =	smov.u32 s29;
	s29 =	smov.u32 s31  }
0x79: {  	v18 =	vadd.f32 v41, v28;
	[tilespmem:s29+$0x9130] =	vst v21;
	v30 =	vld [tilespmem:s29+$0x150];
	v28 =	vadd.f32 $1.000000000e+00, v31;
	v20 =	vpop (erf);
	(erf) = vpow2.f32 v38  }
0x7a: {  	v35 =	vadd.f32 v37, v22;
	v37 =	vld [tilespmem:s29+$0x6160];
	v32 =	vadd.f32 $1.000000000e+00, v20;
	(erf) = vpow2.f32 v24;
	v20 =	vpop (erf)  }
.Ltmp0:
0x7b: {  	v38 =	vsub.f32 $0.0e+00, v18;
	v22 =	vmul.f32 v18, v18;
	v33 =	vld [tilespmem:s29+$0x6120];
	v24 =	vadd.f32 v44, v23;
	[tilespmem:s28+$0xC170] =	vst v20;
	v31 =	vpop (erf);
	(pc) =	sbr.rel @p0 .LBB2_3-.Ltmp0, $4  }
0x7c: {  	v23 =	vadd.f32 v26, v35;
	v35 =	vld [tilespmem:s29+$0x6110];
	v26 =	vadd.f32 v34, v19;
	[tilespmem:s29+$0x9170] =	vst v18;
	(erf) = vrcp.f32 v39  }
0x7d: {  	v38 =	vmul.f32 $1.442695020e+00, v38;
	v20 =	vadd.f32 v36, v24;
	v34 =	vld [tilespmem:s29+$0x6150];
	v36 =	vadd.f32 v43, v27  }
0x7e: {  	v27 =	vsub.f32 $0.0e+00, v21;
	v24 =	vsub.f32 $0.0e+00, v23;
	[tilespmem:s29+$0x9100] =	vst v23;
	v19 =	vmul.f32 v23, v23;
	v39 =	vpop (erf)  }
0x7f: {  	[tilespmem:s29+$0x9140] =	vst v20;
	v21 =	vadd.f32 v37, v36;
	(erf) = vpow2.f32 v38;
	v36 =	vadd.f32 $1.000000000e+00, v39  }
0x80: {  	_ =	sdelay $0x1  }
0x81: {  	v29 =	vadd.f32 v35, v29;
	v49 =	vpop (erf)  }
0x82: {  	(erf) = vrcp.f32 v32;
	v50 =	vadd.f32 $1.000000000e+00, v49  }
0x83: {  	v26 =	vadd.f32 v33, v26;
	(erf) = vrcp.f32 v36;
	v51 =	vsub.f32 $0.0e+00, v29  }
0x84: {  	v25 =	vadd.f32 v25, v30;
	v52 =	vadd.f32 $1.000000000e+00, v31;
	(erf) = vrcp.f32 v50  }
0x85: {  	v53 =	vsub.f32 $0.0e+00, v21;
	v54 =	vpop (erf);
	v33 =	vmul.f32 $1.442695020e+00, v51;
	(erf) = vrcp.f32 v28  }
0x86: {  	v55 =	vsub.f32 $0.0e+00, v20;
	v32 =	vadd.f32 $1.000000000e+00, v54;
	(erf) = vrcp.f32 v52  }
0x87: {  	v25 =	vadd.f32 v34, v25;
	v56 =	vmul.f32 $1.442695020e+00, v53;
	v57 =	vpop (erf);
	(erf) = vpow2.f32 v33  }
0x88: {  	v58 =	vsub.f32 $0.0e+00, v26;
	v28 =	vmul.f32 $1.442695020e+00, v55;
	v59 =	vpop (erf);
	(erf) = vrcp.f32 v32  }
0x89: {  	v60 =	vadd.f32 $1.000000000e+00, v59;
	(erf) = vpow2.f32 v56  }
0x8a: {  	v61 =	vsub.f32 $0.0e+00, v25;
	v33 =	vmul.f32 $1.442695020e+00, v58;
	(erf) = vpow2.f32 v28  }
0x8b: {  	v27 =	vmul.f32 $1.442695020e+00, v27;
	v62 =	vpop (erf);
	(erf) = vrcp.f32 v60  }
0x8c: {  	v30 =	vmul.f32 $1.442695020e+00, v61;
	v63 =	vpop (erf);
	(erf) = vpow2.f32 v33  }
0x8d: {  	v42 =	vpop (erf);
	(erf) = vpow2.f32 v27  }
0x8e: {  	v43 =	vpop (erf);
	(erf) = vpow2.f32 v30  }
0x8f: {  	v24 =	vmul.f32 $1.442695020e+00, v24;
	v44 =	vpop (erf)  }
0x90: {  	v45 =	vpop (erf)  }
0x91: {  	(erf) = vpow2.f32 v24;
	v46 =	vpop (erf)  }
0x92: {  	v47 =	vpop (erf)  }
0x93: {  	v48 =	vpop (erf)  }
0x94: {  	v37 =	vpop (erf)  }
0x95: {  	[tilespmem:s29+$0x9160] =	vst v21;
	v34 =	vadd.f32 $1.000000000e+00, v45;
	v38 =	vpop (erf)  }
0x96: {  	[tilespmem:s29+$0x9120] =	vst v26;
	v36 =	vadd.f32 $1.000000000e+00, v48;
	v39 =	vpop (erf)  }
0x97: {  	[tilespmem:s29+$0x9110] =	vst v29;
	(erf) = vrcp.f32 v34;
	v49 =	vadd.f32 $1.000000000e+00, v39;
	v50 =	vpop (erf)  }
0x98: {  	[tilespmem:s29+$0x9150] =	vst v25;
	(erf) = vrcp.f32 v36;
	v51 =	vadd.f32 $1.000000000e+00, v50  }
0x99: {  	[tilespmem:s28+$0xC110] =	vst v57;
	v24 =	vadd.f32 $1.000000000e+00, v47;
	(erf) = vrcp.f32 v49  }
0x9a: {  	[tilespmem:s28+$0xC140] =	vst v62;
	v53 =	vadd.f32 $1.000000000e+00, v38;
	v52 =	vpop (erf);
	(erf) = vrcp.f32 v51  }
0x9b: {  	[tilespmem:s28+$0xC130] =	vst v63;
	v28 =	vadd.f32 $1.000000000e+00, v52;
	(erf) = vrcp.f32 v24  }
0x9c: {  	[tilespmem:s28+$0xC150] =	vst v42;
	(erf) = vrcp.f32 v53  }
0x9d: {  	[tilespmem:s28+$0xC160] =	vst v43;
	(erf) = vrcp.f32 v28  }
0x9e: {  	[tilespmem:s28+$0xC120] =	vst v44  }
0x9f: {  	[tilespmem:s28+$0xC100] =	vst v46  }
0xa0: {  	[tilespmem:s29+$0xC170] =	vst v37;
	v54 =	vpop (erf)  }
0xa1: {  	[tilespmem:s29+$0xC110] =	vst v54;
	v55 =	vpop (erf)  }
0xa2: {  	[tilespmem:s29+$0xC140] =	vst v55;
	v56 =	vpop (erf)  }
0xa3: {  	[tilespmem:s29+$0xC130] =	vst v56;
	v57 =	vpop (erf)  }
0xa4: {  	[tilespmem:s29+$0xC150] =	vst v57;
	v58 =	vpop (erf)  }
0xa5: {  	[tilespmem:s29+$0xC160] =	vst v58;
	v59 =	vpop (erf)  }
0xa6: {  	[tilespmem:s29+$0xC120] =	vst v59;
	v60 =	vpop (erf)  }
0xa7: {  	v14 =	vadd.f32 v20, v14;
	v3 =	vadd.f32 v23, v3;
	[tilespmem:s29+$0xC100] =	vst v60;
	s29 =	sadd.s32 s8, s26  }
0xa8: {  	v5 =	vadd.f32 v22, v5;
	v8 =	vadd.f32 v17, v8;
	[hbm4b:s29+s2] =	stream.linear.scatter [tilespmem:s21], [sflag:$0x2], $0x3000, $0x38;
	[tilespmem:$0xF200] =	vst v63  }
0xa9: {  	v7 =	vadd.f32 v18, v7;
	v0 =	vadd.f32 v2, v0;
	_ =	swait.ge [sflag:s14], $0x3000  }
0xaa: {  	p0 =	sne.s32 s25, s12;
	v13 =	vadd.f32 v21, v13;
	v16 =	vadd.f32 v26, v16;
	v17 =	vmul.f32 v25, v25;
	[sflag:s14] =	ssyncset.done $0x0  }
.Ltmp1:
0xab: {  	s30 =	sadd.s32 s10, s26;
	v0 =	vadd.f32 v19, v0;
	v4 =	vadd.f32 v29, v4;
	[sflag:s14] =	ssyncadd.s32 $0xFFFFD000;
	(pc) =	sbr.rel @p0 .LBB2_2-.Ltmp1, $4  }
0xac: {  	v61 =	vmul.f32 v29, v29;
	v12 =	vadd.f32 v17, v12;
	v17 =	vmul.f32 v20, v20;
	[hbm4b:s30+s2] =	stream.linear.scatter [tilespmem:s22], [sflag:$0x2], $0x3000, $0x38;
	[tilespmem:$0xF200] =	vst v63  }
0xad: {  	v9 =	vadd.f32 v25, v9;
	v62 =	vmul.f32 v21, v21;
	v63 =	vmul.f32 v26, v26;
	_ =	swait.ge [sflag:s14], $0x3000  }
0xae: {  	s31 =	sadd.s32 $0x1, s25;
	v6 =	vadd.f32 v61, v6;
	v15 =	vadd.f32 v17, v15;
	[sflag:s14] =	ssyncset.done $0x0  }
0xaf: {  	s25 =	smov.u32 s31;
	v10 =	vadd.f32 v62, v10;
	v11 =	vadd.f32 v63, v11;
	[sflag:s14] =	ssyncadd.s32 $0xFFFFD000  }
0xb0: {  	[tilespmem:$0xF100] =	vst v3  }
0xb1: {  	[tilespmem:$0xF180] =	vst v0  }
0xb2: {  	[tilespmem:$0xF110] =	vst v4  }
0xb3: {  	[tilespmem:$0xF190] =	vst v6  }
0xb4: {  	[tilespmem:$0xF120] =	vst v16  }
0xb5: {  	[tilespmem:$0xF130] =	vst v1  }
0xb6: {  	[tilespmem:$0xF1B0] =	vst v8  }
0xb7: {  	[tilespmem:$0xF140] =	vst v14  }
0xb8: {  	[tilespmem:$0xF1C0] =	vst v15  }
0xb9: {  	[tilespmem:$0xF150] =	vst v9  }
0xba: {  	[tilespmem:$0xF1D0] =	vst v12  }
0xbb: {  	[tilespmem:$0xF160] =	vst v13  }
0xbc: {  	[tilespmem:$0xF170] =	vst v7  }
0xbd: {  	[tilespmem:$0xF1F0] =	vst v5;
	s24 =	sadd.s32 $0x1, s24  }
0xbe: {  	[tilespmem:$0xF1A0] =	vst v11;
	p0 =	sne.s32 s24, s13  }
.Ltmp2:
0xbf: {  	[tilespmem:$0xF1E0] =	vst v10;
	(pc) =	sbr.rel @p0 .LBB2_1-.Ltmp2, $4  }
0xc0: {  	[hbm4b:s11+s2] =	stream.linear.scatter [tilespmem:s23], [sflag:$0x2], $0x100, $0x38;
	[tilespmem:$0xF200] =	vst v63  }
0xc1: {  	_ =	swait.ge [sflag:s14], $0x100  }
0xc2: {  	[sflag:s14] =	ssyncset.done $0x0  }
0xc3: {  	[sflag:s14] =	ssyncadd.s32 $0xFFFFFF00  }
0xc4: {  	_ =	sfence.sel $0x180000  }
0xc5: {  	[bflag:$0x0] =	sbarrier.arrive $0xFFFF  }
0xc6: {  	p0 =	sne.s32 s3, $0x0;
	_ =	strace $0x90000047  }
0xc7: {  	s0 =	sadd.s32 @!p0 $0x100000, s0;
	[bflag:$0x2] =	sbarrier.arrive $0xFFFF  }
0xc8: {  	[sflag:s0] =	ssyncadd.tile.s32 @!p0 $0x1;
	_ =	shalt  }
.Lfunc_end2:
_tile_overlayer_lowered:
.L_overlay_start_2:
0xc9: {  	(tag) =	ssettag $0x2  }
0xca: {  	s0 =	rddreg [dreg:$0x0];
	s2 =	stileid.u32  }
0xcb: {  	s1 =	rddreg [dreg:$0x1];
	p0 =	sne.s32 s2, $0x0  }
0xcc: {  	s3 =	rddreg [dreg:$0x2];
	[bflag:$0x3] =	sbarrier.arrive $0xFFFF;
	s2 =	simm.s32 @!p0 $0x1C02  }
0xcd: {  	[timem:s3], [sflag:s2] =	dma.local @!p0 [hbm:s0], s1  }
0xce: {  	s0 =	simm.s32 @!p0 $0x2  }
0xcf: {  	_ =	swait.ge @!p0 [sflag:s0], s1  }
0xd0: {  	s1 =	ssub.s32 @!p0 $0x0, s1;
	[sflag:s0] =	ssyncset.done @!p0 $0x0  }
0xd1: {  	[sflag:s0] =	ssyncadd.s32 @!p0 s1  }
0xd2: {  	[bflag:$0x3] =	sbarrier.arrive $0xFFFF  }
0xd3: {  	_ =	shalt  }

</sc_bundles>
